<compile_context>
chip_gen: v7x
topology: tpu7x:2x2x1
jax: 0.10.2.dev20260603
libtpu: 0.0.44.dev20260713+nightly
codegen_flags: <defaults>
</compile_context>

<pallas_src>
import jax
import jax.numpy as jnp
import numpy as np
from jax import lax
from jax.experimental import pallas as pl
from jax.experimental.pallas import tpu as pltpu
from jax.experimental.pallas import tpu_sc as plsc

_RES = 256
_TUPLE = 16
_OBS_DIM = 8
_INPUT_DIM = _OBS_DIM * _RES
_N_NODES = _INPUT_DIM // _TUPLE
_NUM_OUT = 8
_ENC_MIN, _ENC_MAX = -1.0, 1.0


def _keys_body(obs_ref, onehot_ref, thr_ref, pow_ref, keys_ref):
    vals = jnp.dot(obs_ref[...], onehot_ref[...],
                   precision=lax.Precision.HIGHEST,
                   preferred_element_type=jnp.float32)
    sel = jnp.where(vals > thr_ref[...], pow_ref[...], 0.0)
    acc = sel[:, 0:_N_NODES]
    for t in range(1, _TUPLE):
        acc = acc + sel[:, t * _N_NODES:(t + 1) * _N_NODES]
    offs = lax.broadcasted_iota(jnp.int32, acc.shape, 1) * (2 ** _TUPLE)
    keys_ref[...] = acc.astype(jnp.int32) + offs


def _compute_keys(obs, mapping, row0, rows):
    B = obs.shape[0]
    j2 = np.arange(_INPUT_DIM)
    mapping_t = mapping.reshape(_N_NODES, _TUPLE).T.reshape(-1)
    perm_d = mapping_t // _RES
    perm_t = mapping_t % _RES
    thr_perm = (_ENC_MIN + (_ENC_MAX - _ENC_MIN) *
                (perm_t.astype(jnp.float32) + 1.0) / (_RES + 1.0)
                ).reshape(1, _INPUT_DIM)
    onehot = (perm_d[None, :] == jnp.arange(_OBS_DIM, dtype=jnp.int32)[:, None]
              ).astype(jnp.float32)
    pow_row = jnp.asarray((2.0 ** (j2 // _N_NODES))[None, :],
                          dtype=jnp.float32)

    bt = 512
    base = row0 // bt
    return pl.pallas_call(
        _keys_body,
        grid=(rows // bt,),
        in_specs=[
            pl.BlockSpec((bt, _OBS_DIM), lambda i: (i + base, 0)),
            pl.BlockSpec((_OBS_DIM, _INPUT_DIM), lambda i: (0, 0)),
            pl.BlockSpec((1, _INPUT_DIM), lambda i: (0, 0)),
            pl.BlockSpec((1, _INPUT_DIM), lambda i: (0, 0)),
        ],
        out_specs=pl.BlockSpec((bt, _N_NODES), lambda i: (i, 0)),
        out_shape=jax.ShapeDtypeStruct((rows, _N_NODES), jnp.int32),
    )(obs, onehot, thr_perm, pow_row)


_CH = 16
_NW = 32


_KPC = _CH * _N_NODES


def _bag_body(keys_hbm, pol_hbm, vf_hbm, pol_out, vf_out, *scr):
    nbuf = 1 + _NUM_OUT + 2
    bufs = [scr[b * nbuf:(b + 1) * nbuf] for b in range(2)]
    polbuf, vfbuf = scr[2 * nbuf:2 * nbuf + 2]
    sems = scr[2 * nbuf + 2:]
    nc = 2
    wid = lax.axis_index("s") * nc + lax.axis_index("c")
    spw = keys_hbm.shape[0] // (_NW * _N_NODES)
    nchunk = spw // _CH
    lane = lax.iota(jnp.int32, 16)
    zero = jnp.zeros((16,), jnp.float32)

    npol = pol_hbm.shape[0]

    def prep_fire(ck, buf, sem):
        pidx = buf[0]
        gath = buf[1:1 + _NUM_OUT]
        keys_v, vfg = buf[1 + _NUM_OUT:]
        g0 = (wid * nchunk + ck) * _KPC
        pltpu.sync_copy(keys_hbm.at[pl.ds(g0, _KPC)], keys_v)
        pltpu.async_copy(vf_hbm.at[keys_v], vfg, sem)

        def idx_body(j, c2):
            kk = keys_v[pl.ds(j * 16, 16)]
            pidx[pl.ds(j * 16, 16)] = ((kk >> 7) << 10) | (kk & 127)
            return c2
        lax.fori_loop(0, _KPC // 16, idx_body, 0)

        for comp in range(_NUM_OUT):
            pltpu.async_copy(
                pol_hbm.at[pl.ds(comp * 128, npol - comp * 128)].at[pidx],
                gath[comp], sem)

    def finish(ck, buf, sem):
        pidx = buf[0]
        gath = buf[1:1 + _NUM_OUT]
        keys_v, vfg = buf[1 + _NUM_OUT:]
        for comp in range(_NUM_OUT):
            pltpu.make_async_copy(
                pol_hbm.at[pl.ds(comp * 128, npol - comp * 128)].at[pidx],
                gath[comp], sem).wait()
        pltpu.make_async_copy(vf_hbm.at[keys_v], vfg, sem).wait()

        def acc_body(j, accs):
            pol_accs = tuple(
                accs[comp] + gath[comp][pl.ds(j * 16, 16)]
                for comp in range(_NUM_OUT))
            return pol_accs + (accs[_NUM_OUT] + vfg[pl.ds(j * 16, 16)],)
        accs = lax.fori_loop(0, _N_NODES, acc_body, (zero,) * (_NUM_OUT + 1))
        for comp in range(_NUM_OUT):
            plsc.store_scatter(polbuf, [lane * _NUM_OUT + comp], accs[comp])
        vfbuf[...] = accs[_NUM_OUT]

        s0 = wid * spw + ck * _CH
        pltpu.sync_copy(polbuf, pol_out.at[pl.ds(s0 * _NUM_OUT,
                                                 _CH * _NUM_OUT)])
        pltpu.sync_copy(vfbuf, vf_out.at[pl.ds(s0, _CH)])

    prep_fire(0, bufs[0], sems[0])

    def pair_body(ck2, carry):
        ck = ck2 * 2
        prep_fire(ck + 1, bufs[1], sems[1])
        finish(ck, bufs[0], sems[0])

        @pl.when(ck2 * 2 + 2 < nchunk)
        def _():
            prep_fire(ck + 2, bufs[0], sems[0])
        finish(ck + 1, bufs[1], sems[1])
        return carry
    lax.fori_loop(0, nchunk // 2, pair_body, 0)


def _bag(keys, pol_flat, vf_flat):
    B = keys.shape[0]
    mesh = plsc.VectorSubcoreMesh(core_axis_name="c", subcore_axis_name="s")
    f = pl.kernel(
        _bag_body,
        out_type=(jax.ShapeDtypeStruct((B * _NUM_OUT,), jnp.float32),
                  jax.ShapeDtypeStruct((B,), jnp.float32)),
        mesh=mesh,
        compiler_params=pltpu.CompilerParams(needs_layout_passes=False),
        scratch_types=(
            ([pltpu.VMEM((_KPC,), jnp.int32)] +
             [pltpu.VMEM((_KPC,), jnp.float32)] * _NUM_OUT +
             [pltpu.VMEM((_KPC,), jnp.int32),
              pltpu.VMEM((_KPC,), jnp.float32)]
             ) * 2 +
            [
                pltpu.VMEM((_CH * _NUM_OUT,), jnp.float32),
                pltpu.VMEM((_CH,), jnp.float32),
                pltpu.SemaphoreType.DMA,
                pltpu.SemaphoreType.DMA,
            ]),
    )
    keys_t = (keys.reshape(B // _CH, _CH, _N_NODES)
              .transpose(0, 2, 1).reshape(-1))
    return f(keys_t, pol_flat, vf_flat)


def kernel(obs, policy_weight, vf_weight, mapping):
    B = obs.shape[0]
    n_emb = policy_weight.shape[0]
    pol_flat = (policy_weight.reshape(n_emb // 128, 128, _NUM_OUT)
                .transpose(0, 2, 1).reshape(-1))
    vf_flat = vf_weight.reshape(-1)
    h = B // 4
    pol_parts, vf_parts = [], []
    for part in range(4):
        keys = _compute_keys(obs, mapping, part * h, h)
        pol_p, vf_p = _bag(keys, pol_flat, vf_flat)
        pol_parts.append(pol_p)
        vf_parts.append(vf_p)
    pol_out = jnp.concatenate(pol_parts).reshape(B, _NUM_OUT)
    vf_out = jnp.concatenate(vf_parts)
    return pol_out, vf_out

# --- scband reference (transcript-rebuilt; emitter-appended) ---
"""Pipeline reference for scband-ntnmodel-44392781971849 (READ-ONLY COPY).

The authoritative reference and input builder live on the scoring server;
editing this copy changes nothing except your own understanding.
"""

import jax, jax.numpy as jnp
import numpy as np

RES = 256
TUPLE_SIZE = 16
OBS_DIM = 8
INPUT_DIM = OBS_DIM * RES            # 2048 thermometer bits per sample
N_NODES = INPUT_DIM // TUPLE_SIZE    # 128 RAM nodes
NUM_EMBEDDINGS = N_NODES * (2 ** TUPLE_SIZE)  # 8,388,608 rows
NUM_OUTPUTS = 8
BATCH = 4096
ENC_MIN, ENC_MAX = -1.0, 1.0


def _thermometer(x):
    # Thermometer encoding: bit i is 1 iff x exceeds the i-th threshold in (min, max)
    thr = ENC_MIN + (ENC_MAX - ENC_MIN) * (jnp.arange(RES, dtype=jnp.float32) + 1.0) / (RES + 1.0)
    return (x[..., None] > thr).astype(jnp.float32)


def setup_inputs(seed: int = 0) -> dict:
    key = jax.random.key(seed)
    obs = jax.random.uniform(key, (BATCH, OBS_DIM), dtype=jnp.float32, minval=-1.0, maxval=1.0)
    # fixed random bit permutation (the model's self.mapping buffer, seeded)
    mapping = jnp.asarray(np.random.default_rng(1234).permutation(INPUT_DIM).astype(np.int32))
    # both EmbeddingBag tables are zero-initialized in the original model
    policy_weight = jnp.zeros((NUM_EMBEDDINGS, NUM_OUTPUTS), dtype=jnp.float32)
    vf_weight = jnp.zeros((NUM_EMBEDDINGS, 1), dtype=jnp.float32)
    return {"obs": obs, "policy_weight": policy_weight, "vf_weight": vf_weight, "mapping": mapping}


def reference(obs, policy_weight, vf_weight, mapping):
    B = obs.shape[0]
    # encoder.encode(obs).flatten(start_dim=1)
    enc = _thermometer(obs.reshape(B, -1)).reshape(B, -1)  # [B, INPUT_DIM]
    # x[:, self.mapping]
    bits = jnp.take(enc, mapping, axis=1)
    # conv1d with key_weights = 2^arange(tuple_size), stride=tuple_size
    w2 = (2 ** jnp.arange(TUPLE_SIZE, dtype=jnp.int32)).reshape(1, 1, -1)
    keys = (bits.reshape(B, N_NODES, TUPLE_SIZE).astype(jnp.int32) * w2).sum(-1)  # [B, N_NODES]
    # keys += mem_offsets
    keys = keys + (2 ** TUPLE_SIZE) * jnp.arange(N_NODES, dtype=jnp.int32).reshape(1, -1)
    # EmbeddingBag(mode='sum'): gather then sum over the bag (one key per node)
    policy_out = jnp.take(policy_weight, keys, axis=0).sum(axis=1)              # [B, NUM_OUTPUTS]
    vf_out = jnp.squeeze(jnp.take(vf_weight, keys, axis=0).sum(axis=1), axis=-1)  # [B]
    return (policy_out, vf_out)

if __name__ == "__main__":
    import jax
    _d = setup_inputs()
    print(jax.jit(kernel)(*tuple(_d.values())))

</pallas_src>

<mosaic_0001>
#map = affine_map<(d0, d1) -> (0)>
module attributes {stable_mosaic.version = 14 : i64} {
  func.func @_bag_body(%arg0: i32, %arg1: i32, %arg2: memref<131072xi32, #tpu.memory_space<hbm>>, %arg3: memref<67108864xf32, #tpu.memory_space<hbm>>, %arg4: memref<8388608xf32, #tpu.memory_space<hbm>>, %arg5: memref<8192xf32, #tpu.memory_space<hbm>>, %arg6: memref<1024xf32, #tpu.memory_space<hbm>>, %arg7: memref<2048xi32, #tpu.memory_space<vmem>>, %arg8: memref<2048xf32, #tpu.memory_space<vmem>>, %arg9: memref<2048xf32, #tpu.memory_space<vmem>>, %arg10: memref<2048xf32, #tpu.memory_space<vmem>>, %arg11: memref<2048xf32, #tpu.memory_space<vmem>>, %arg12: memref<2048xf32, #tpu.memory_space<vmem>>, %arg13: memref<2048xf32, #tpu.memory_space<vmem>>, %arg14: memref<2048xf32, #tpu.memory_space<vmem>>, %arg15: memref<2048xf32, #tpu.memory_space<vmem>>, %arg16: memref<2048xi32, #tpu.memory_space<vmem>>, %arg17: memref<2048xf32, #tpu.memory_space<vmem>>, %arg18: memref<2048xi32, #tpu.memory_space<vmem>>, %arg19: memref<2048xf32, #tpu.memory_space<vmem>>, %arg20: memref<2048xf32, #tpu.memory_space<vmem>>, %arg21: memref<2048xf32, #tpu.memory_space<vmem>>, %arg22: memref<2048xf32, #tpu.memory_space<vmem>>, %arg23: memref<2048xf32, #tpu.memory_space<vmem>>, %arg24: memref<2048xf32, #tpu.memory_space<vmem>>, %arg25: memref<2048xf32, #tpu.memory_space<vmem>>, %arg26: memref<2048xf32, #tpu.memory_space<vmem>>, %arg27: memref<2048xi32, #tpu.memory_space<vmem>>, %arg28: memref<2048xf32, #tpu.memory_space<vmem>>, %arg29: memref<128xf32, #tpu.memory_space<vmem>>, %arg30: memref<16xf32, #tpu.memory_space<vmem>>, %arg31: memref<!tpu.dma_semaphore, #tpu.memory_space<semaphore_mem>>, %arg32: memref<!tpu.dma_semaphore, #tpu.memory_space<semaphore_mem>>) attributes {dimension_semantics = [#tpu.dimension_semantics<core_parallel>, #tpu.dimension_semantics<subcore_parallel>], iteration_bounds = array<i64: 2, 16>, scalar_prefetch = 0 : i64, scratch_operands = 26 : i64, tpu.core_type = #tpu.core_type<sc_vector_subcore>, window_params = [{transform_indices = #map}, {transform_indices = #map}, {transform_indices = #map}, {transform_indices = #map}, {transform_indices = #map}]} {
    %mul3A = arith.constant 2 : i32
    %mul3A_0 = arith.muli %arg1, %mul3A : i32
    %add3A = arith.addi %mul3A_0, %arg0 : i32
    %iota3A = tpu.iota {dimensions = array<i32: 0>} : vector<16xi32>
    %broadcast_in_dim3A = arith.constant 0.000000e+00 : f32
    %broadcast_in_dim3A_1 = vector.broadcast %broadcast_in_dim3A : f32 to vector<16xf32>
    %mul3A_2 = arith.constant 2 : i32
    %mul3A_3 = arith.muli %add3A, %mul3A_2 : i32
    %add3A_4 = arith.constant 0 : i32
    %add3A_5 = arith.addi %mul3A_3, %add3A_4 : i32
    %mul3A_6 = arith.constant 2048 : i32
    %mul3A_7 = arith.muli %add3A_5, %mul3A_6 : i32
    "tpu.region"() ({
      %run_scoped3A = tpu.sem_alloc : memref<!tpu.dma_semaphore, #tpu.memory_space<semaphore_mem>>
      %dma_start3A_298 = tpu.memref_slice %arg2[%mul3A_7] : memref<131072xi32, #tpu.memory_space<hbm>> -> memref<2048xi32, #tpu.memory_space<hbm>>
      %dma_start3A_299 = tpu.memref_slice %arg2[%mul3A_7] : memref<131072xi32, #tpu.memory_space<hbm>> -> memref<2048xi32, #tpu.memory_space<hbm>>
      tpu.enqueue_dma source(%dma_start3A_299 : memref<2048xi32, #tpu.memory_space<hbm>>) target(%arg16 : memref<2048xi32, #tpu.memory_space<vmem>>) target_semaphore(%run_scoped3A : memref<!tpu.dma_semaphore, #tpu.memory_space<semaphore_mem>>)
      %dma_wait3A_300 = tpu.memref_slice %arg2[%mul3A_7] : memref<131072xi32, #tpu.memory_space<hbm>> -> memref<2048xi32, #tpu.memory_space<hbm>>
      %dma_wait3A_301 = tpu.memref_slice %arg2[%mul3A_7] : memref<131072xi32, #tpu.memory_space<hbm>> -> memref<2048xi32, #tpu.memory_space<hbm>>
      tpu.wait_dma2 semaphore(%run_scoped3A : memref<!tpu.dma_semaphore, #tpu.memory_space<semaphore_mem>>) src(%dma_wait3A_301 : memref<2048xi32, #tpu.memory_space<hbm>>) dst(%arg16 : memref<2048xi32, #tpu.memory_space<vmem>>)
      tpu.yield
    }) : () -> ()
    %dma_start3A = arith.constant 0 : i32
    %dma_start3A_8 = tpu.memref_slice %arg4[%dma_start3A] : memref<8388608xf32, #tpu.memory_space<hbm>> -> memref<8388608xf32, #tpu.memory_space<hbm>>
    tpu.enqueue_indirect_dma source(%dma_start3A_8 : memref<8388608xf32, #tpu.memory_space<hbm>>) target(%arg17 : memref<2048xf32, #tpu.memory_space<vmem>>) offsets(%arg16 : memref<2048xi32, #tpu.memory_space<vmem>>) semaphore(%arg31 : memref<!tpu.dma_semaphore, #tpu.memory_space<semaphore_mem>>)
    %scan3A = arith.constant 0 : i32
    %scan3A_9 = arith.constant 0 : i32
    %scan3A_10 = arith.constant 128 : i32
    %scan3A_11 = arith.addi %scan3A_9, %scan3A_10 : i32
    %scan3A_12 = arith.constant 1 : i32
    scf.for %scan3A_298 = %scan3A_9 to %scan3A_11 step %scan3A_12  : i32 {
      %mul3A_299 = arith.constant 16 : i32
      %mul3A_300 = arith.muli %scan3A_298, %mul3A_299 : i32
      %get3A = arith.index_cast %mul3A_300 : i32 to index
      %get3A_301 = tpu.vector_load %arg16[%get3A] {strides = array<i32>} : memref<2048xi32, #tpu.memory_space<vmem>>, vector<16xi32>,
      %shift_right_arithmetic3A = arith.constant 7 : i32
      %shift_right_arithmetic3A_302 = vector.broadcast %shift_right_arithmetic3A : i32 to vector<16xi32>
      %shift_right_arithmetic3A_303 = arith.shrsi %get3A_301, %shift_right_arithmetic3A_302 : vector<16xi32>
      %shift_left3A = arith.constant 10 : i32
      %shift_left3A_304 = vector.broadcast %shift_left3A : i32 to vector<16xi32>
      %shift_left3A_305 = arith.shli %shift_right_arithmetic3A_303, %shift_left3A_304 : vector<16xi32>
      %and3A = arith.constant 127 : i32
      %and3A_306 = vector.broadcast %and3A : i32 to vector<16xi32>
      %and3A_307 = arith.andi %get3A_301, %and3A_306 : vector<16xi32>
      %or3A = arith.ori %shift_left3A_305, %and3A_307 : vector<16xi32>
      %mul3A_308 = arith.constant 16 : i32
      %mul3A_309 = arith.muli %scan3A_298, %mul3A_308 : i32
      %swap3A_310 = arith.index_cast %mul3A_309 : i32 to index
      %swap3A_311 = tpu.vector_load %arg7[%swap3A_310] {strides = array<i32>} : memref<2048xi32, #tpu.memory_space<vmem>>, vector<16xi32>,
      tpu.vector_store %arg7[%swap3A_310], %or3A {strides = array<i32>} : memref<2048xi32, #tpu.memory_space<vmem>>, vector<16xi32>,
    }
    %scan3A_13 = arith.constant 128 : i32
    %dma_start3A_14 = arith.constant 0 : i32
    %dma_start3A_15 = tpu.memref_slice %arg3[%dma_start3A_14] : memref<67108864xf32, #tpu.memory_space<hbm>> -> memref<67108864xf32, #tpu.memory_space<hbm>>
    %dma_start3A_16 = arith.constant 0 : i32
    %dma_start3A_17 = tpu.memref_slice %dma_start3A_15[%dma_start3A_16] : memref<67108864xf32, #tpu.memory_space<hbm>> -> memref<67108864xf32, #tpu.memory_space<hbm>>
    tpu.enqueue_indirect_dma source(%dma_start3A_17 : memref<67108864xf32, #tpu.memory_space<hbm>>) target(%arg8 : memref<2048xf32, #tpu.memory_space<vmem>>) offsets(%arg7 : memref<2048xi32, #tpu.memory_space<vmem>>) semaphore(%arg31 : memref<!tpu.dma_semaphore, #tpu.memory_space<semaphore_mem>>)
    %dma_start3A_18 = arith.constant 128 : i32
    %dma_start3A_19 = tpu.memref_slice %arg3[%dma_start3A_18] : memref<67108864xf32, #tpu.memory_space<hbm>> -> memref<67108736xf32, #tpu.memory_space<hbm>>
    %dma_start3A_20 = arith.constant 0 : i32
    %dma_start3A_21 = tpu.memref_slice %dma_start3A_19[%dma_start3A_20] : memref<67108736xf32, #tpu.memory_space<hbm>> -> memref<67108736xf32, #tpu.memory_space<hbm>>
    tpu.enqueue_indirect_dma source(%dma_start3A_21 : memref<67108736xf32, #tpu.memory_space<hbm>>) target(%arg9 : memref<2048xf32, #tpu.memory_space<vmem>>) offsets(%arg7 : memref<2048xi32, #tpu.memory_space<vmem>>) semaphore(%arg31 : memref<!tpu.dma_semaphore, #tpu.memory_space<semaphore_mem>>)
    %dma_start3A_22 = arith.constant 256 : i32
    %dma_start3A_23 = tpu.memref_slice %arg3[%dma_start3A_22] : memref<67108864xf32, #tpu.memory_space<hbm>> -> memref<67108608xf32, #tpu.memory_space<hbm>>
    %dma_start3A_24 = arith.constant 0 : i32
    %dma_start3A_25 = tpu.memref_slice %dma_start3A_23[%dma_start3A_24] : memref<67108608xf32, #tpu.memory_space<hbm>> -> memref<67108608xf32, #tpu.memory_space<hbm>>
    tpu.enqueue_indirect_dma source(%dma_start3A_25 : memref<67108608xf32, #tpu.memory_space<hbm>>) target(%arg10 : memref<2048xf32, #tpu.memory_space<vmem>>) offsets(%arg7 : memref<2048xi32, #tpu.memory_space<vmem>>) semaphore(%arg31 : memref<!tpu.dma_semaphore, #tpu.memory_space<semaphore_mem>>)
    %dma_start3A_26 = arith.constant 384 : i32
    %dma_start3A_27 = tpu.memref_slice %arg3[%dma_start3A_26] : memref<67108864xf32, #tpu.memory_space<hbm>> -> memref<67108480xf32, #tpu.memory_space<hbm>>
    %dma_start3A_28 = arith.constant 0 : i32
    %dma_start3A_29 = tpu.memref_slice %dma_start3A_27[%dma_start3A_28] : memref<67108480xf32, #tpu.memory_space<hbm>> -> memref<67108480xf32, #tpu.memory_space<hbm>>
    tpu.enqueue_indirect_dma source(%dma_start3A_29 : memref<67108480xf32, #tpu.memory_space<hbm>>) target(%arg11 : memref<2048xf32, #tpu.memory_space<vmem>>) offsets(%arg7 : memref<2048xi32, #tpu.memory_space<vmem>>) semaphore(%arg31 : memref<!tpu.dma_semaphore, #tpu.memory_space<semaphore_mem>>)
    %dma_start3A_30 = arith.constant 512 : i32
    %dma_start3A_31 = tpu.memref_slice %arg3[%dma_start3A_30] : memref<67108864xf32, #tpu.memory_space<hbm>> -> memref<67108352xf32, #tpu.memory_space<hbm>>
    %dma_start3A_32 = arith.constant 0 : i32
    %dma_start3A_33 = tpu.memref_slice %dma_start3A_31[%dma_start3A_32] : memref<67108352xf32, #tpu.memory_space<hbm>> -> memref<67108352xf32, #tpu.memory_space<hbm>>
    tpu.enqueue_indirect_dma source(%dma_start3A_33 : memref<67108352xf32, #tpu.memory_space<hbm>>) target(%arg12 : memref<2048xf32, #tpu.memory_space<vmem>>) offsets(%arg7 : memref<2048xi32, #tpu.memory_space<vmem>>) semaphore(%arg31 : memref<!tpu.dma_semaphore, #tpu.memory_space<semaphore_mem>>)
    %dma_start3A_34 = arith.constant 640 : i32
    %dma_start3A_35 = tpu.memref_slice %arg3[%dma_start3A_34] : memref<67108864xf32, #tpu.memory_space<hbm>> -> memref<67108224xf32, #tpu.memory_space<hbm>>
    %dma_start3A_36 = arith.constant 0 : i32
    %dma_start3A_37 = tpu.memref_slice %dma_start3A_35[%dma_start3A_36] : memref<67108224xf32, #tpu.memory_space<hbm>> -> memref<67108224xf32, #tpu.memory_space<hbm>>
    tpu.enqueue_indirect_dma source(%dma_start3A_37 : memref<67108224xf32, #tpu.memory_space<hbm>>) target(%arg13 : memref<2048xf32, #tpu.memory_space<vmem>>) offsets(%arg7 : memref<2048xi32, #tpu.memory_space<vmem>>) semaphore(%arg31 : memref<!tpu.dma_semaphore, #tpu.memory_space<semaphore_mem>>)
    %dma_start3A_38 = arith.constant 768 : i32
    %dma_start3A_39 = tpu.memref_slice %arg3[%dma_start3A_38] : memref<67108864xf32, #tpu.memory_space<hbm>> -> memref<67108096xf32, #tpu.memory_space<hbm>>
    %dma_start3A_40 = arith.constant 0 : i32
    %dma_start3A_41 = tpu.memref_slice %dma_start3A_39[%dma_start3A_40] : memref<67108096xf32, #tpu.memory_space<hbm>> -> memref<67108096xf32, #tpu.memory_space<hbm>>
    tpu.enqueue_indirect_dma source(%dma_start3A_41 : memref<67108096xf32, #tpu.memory_space<hbm>>) target(%arg14 : memref<2048xf32, #tpu.memory_space<vmem>>) offsets(%arg7 : memref<2048xi32, #tpu.memory_space<vmem>>) semaphore(%arg31 : memref<!tpu.dma_semaphore, #tpu.memory_space<semaphore_mem>>)
    %dma_start3A_42 = arith.constant 896 : i32
    %dma_start3A_43 = tpu.memref_slice %arg3[%dma_start3A_42] : memref<67108864xf32, #tpu.memory_space<hbm>> -> memref<67107968xf32, #tpu.memory_space<hbm>>
    %dma_start3A_44 = arith.constant 0 : i32
    %dma_start3A_45 = tpu.memref_slice %dma_start3A_43[%dma_start3A_44] : memref<67107968xf32, #tpu.memory_space<hbm>> -> memref<67107968xf32, #tpu.memory_space<hbm>>
    tpu.enqueue_indirect_dma source(%dma_start3A_45 : memref<67107968xf32, #tpu.memory_space<hbm>>) target(%arg15 : memref<2048xf32, #tpu.memory_space<vmem>>) offsets(%arg7 : memref<2048xi32, #tpu.memory_space<vmem>>) semaphore(%arg31 : memref<!tpu.dma_semaphore, #tpu.memory_space<semaphore_mem>>)
    %scan3A_46 = arith.constant 0 : i32
    %scan3A_47 = arith.constant 0 : i32
    %mul3A_48 = arith.constant 2 : i32
    %mul3A_49 = arith.muli %scan3A_47, %mul3A_48 : i32
    %add3A_50 = arith.constant 1 : i32
    %add3A_51 = arith.addi %mul3A_49, %add3A_50 : i32
    %mul3A_52 = arith.constant 2 : i32
    %mul3A_53 = arith.muli %add3A, %mul3A_52 : i32
    %add3A_54 = arith.addi %mul3A_53, %add3A_51 : i32
    %mul3A_55 = arith.constant 2048 : i32
    %mul3A_56 = arith.muli %add3A_54, %mul3A_55 : i32
    "tpu.region"() ({
      %run_scoped3A = tpu.sem_alloc : memref<!tpu.dma_semaphore, #tpu.memory_space<semaphore_mem>>
      %dma_start3A_298 = tpu.memref_slice %arg2[%mul3A_56] : memref<131072xi32, #tpu.memory_space<hbm>> -> memref<2048xi32, #tpu.memory_space<hbm>>
      %dma_start3A_299 = tpu.memref_slice %arg2[%mul3A_56] : memref<131072xi32, #tpu.memory_space<hbm>> -> memref<2048xi32, #tpu.memory_space<hbm>>
      tpu.enqueue_dma source(%dma_start3A_299 : memref<2048xi32, #tpu.memory_space<hbm>>) target(%arg27 : memref<2048xi32, #tpu.memory_space<vmem>>) target_semaphore(%run_scoped3A : memref<!tpu.dma_semaphore, #tpu.memory_space<semaphore_mem>>)
      %dma_wait3A_300 = tpu.memref_slice %arg2[%mul3A_56] : memref<131072xi32, #tpu.memory_space<hbm>> -> memref<2048xi32, #tpu.memory_space<hbm>>
      %dma_wait3A_301 = tpu.memref_slice %arg2[%mul3A_56] : memref<131072xi32, #tpu.memory_space<hbm>> -> memref<2048xi32, #tpu.memory_space<hbm>>
      tpu.wait_dma2 semaphore(%run_scoped3A : memref<!tpu.dma_semaphore, #tpu.memory_space<semaphore_mem>>) src(%dma_wait3A_301 : memref<2048xi32, #tpu.memory_space<hbm>>) dst(%arg27 : memref<2048xi32, #tpu.memory_space<vmem>>)
      tpu.yield
    }) : () -> ()
    %dma_start3A_57 = arith.constant 0 : i32
    %dma_start3A_58 = tpu.memref_slice %arg4[%dma_start3A_57] : memref<8388608xf32, #tpu.memory_space<hbm>> -> memref<8388608xf32, #tpu.memory_space<hbm>>
    tpu.enqueue_indirect_dma source(%dma_start3A_58 : memref<8388608xf32, #tpu.memory_space<hbm>>) target(%arg28 : memref<2048xf32, #tpu.memory_space<vmem>>) offsets(%arg27 : memref<2048xi32, #tpu.memory_space<vmem>>) semaphore(%arg32 : memref<!tpu.dma_semaphore, #tpu.memory_space<semaphore_mem>>)
    %scan3A_59 = arith.constant 0 : i32
    %scan3A_60 = arith.constant 0 : i32
    %scan3A_61 = arith.constant 128 : i32
    %scan3A_62 = arith.addi %scan3A_60, %scan3A_61 : i32
    %scan3A_63 = arith.constant 1 : i32
    scf.for %scan3A_298 = %scan3A_60 to %scan3A_62 step %scan3A_63  : i32 {
      %mul3A_299 = arith.constant 16 : i32
      %mul3A_300 = arith.muli %scan3A_298, %mul3A_299 : i32
      %get3A = arith.index_cast %mul3A_300 : i32 to index
      %get3A_301 = tpu.vector_load %arg27[%get3A] {strides = array<i32>} : memref<2048xi32, #tpu.memory_space<vmem>>, vector<16xi32>,
      %shift_right_arithmetic3A = arith.constant 7 : i32
      %shift_right_arithmetic3A_302 = vector.broadcast %shift_right_arithmetic3A : i32 to vector<16xi32>
      %shift_right_arithmetic3A_303 = arith.shrsi %get3A_301, %shift_right_arithmetic3A_302 : vector<16xi32>
      %shift_left3A = arith.constant 10 : i32
      %shift_left3A_304 = vector.broadcast %shift_left3A : i32 to vector<16xi32>
      %shift_left3A_305 = arith.shli %shift_right_arithmetic3A_303, %shift_left3A_304 : vector<16xi32>
      %and3A = arith.constant 127 : i32
      %and3A_306 = vector.broadcast %and3A : i32 to vector<16xi32>
      %and3A_307 = arith.andi %get3A_301, %and3A_306 : vector<16xi32>
      %or3A = arith.ori %shift_left3A_305, %and3A_307 : vector<16xi32>
      %mul3A_308 = arith.constant 16 : i32
      %mul3A_309 = arith.muli %scan3A_298, %mul3A_308 : i32
      %swap3A_310 = arith.index_cast %mul3A_309 : i32 to index
      %swap3A_311 = tpu.vector_load %arg18[%swap3A_310] {strides = array<i32>} : memref<2048xi32, #tpu.memory_space<vmem>>, vector<16xi32>,
      tpu.vector_store %arg18[%swap3A_310], %or3A {strides = array<i32>} : memref<2048xi32, #tpu.memory_space<vmem>>, vector<16xi32>,
    }
    %scan3A_64 = arith.constant 128 : i32
    %dma_start3A_65 = arith.constant 0 : i32
    %dma_start3A_66 = tpu.memref_slice %arg3[%dma_start3A_65] : memref<67108864xf32, #tpu.memory_space<hbm>> -> memref<67108864xf32, #tpu.memory_space<hbm>>
    %dma_start3A_67 = arith.constant 0 : i32
    %dma_start3A_68 = tpu.memref_slice %dma_start3A_66[%dma_start3A_67] : memref<67108864xf32, #tpu.memory_space<hbm>> -> memref<67108864xf32, #tpu.memory_space<hbm>>
    tpu.enqueue_indirect_dma source(%dma_start3A_68 : memref<67108864xf32, #tpu.memory_space<hbm>>) target(%arg19 : memref<2048xf32, #tpu.memory_space<vmem>>) offsets(%arg18 : memref<2048xi32, #tpu.memory_space<vmem>>) semaphore(%arg32 : memref<!tpu.dma_semaphore, #tpu.memory_space<semaphore_mem>>)
    %dma_start3A_69 = arith.constant 128 : i32
    %dma_start3A_70 = tpu.memref_slice %arg3[%dma_start3A_69] : memref<67108864xf32, #tpu.memory_space<hbm>> -> memref<67108736xf32, #tpu.memory_space<hbm>>
    %dma_start3A_71 = arith.constant 0 : i32
    %dma_start3A_72 = tpu.memref_slice %dma_start3A_70[%dma_start3A_71] : memref<67108736xf32, #tpu.memory_space<hbm>> -> memref<67108736xf32, #tpu.memory_space<hbm>>
    tpu.enqueue_indirect_dma source(%dma_start3A_72 : memref<67108736xf32, #tpu.memory_space<hbm>>) target(%arg20 : memref<2048xf32, #tpu.memory_space<vmem>>) offsets(%arg18 : memref<2048xi32, #tpu.memory_space<vmem>>) semaphore(%arg32 : memref<!tpu.dma_semaphore, #tpu.memory_space<semaphore_mem>>)
    %dma_start3A_73 = arith.constant 256 : i32
    %dma_start3A_74 = tpu.memref_slice %arg3[%dma_start3A_73] : memref<67108864xf32, #tpu.memory_space<hbm>> -> memref<67108608xf32, #tpu.memory_space<hbm>>
    %dma_start3A_75 = arith.constant 0 : i32
    %dma_start3A_76 = tpu.memref_slice %dma_start3A_74[%dma_start3A_75] : memref<67108608xf32, #tpu.memory_space<hbm>> -> memref<67108608xf32, #tpu.memory_space<hbm>>
    tpu.enqueue_indirect_dma source(%dma_start3A_76 : memref<67108608xf32, #tpu.memory_space<hbm>>) target(%arg21 : memref<2048xf32, #tpu.memory_space<vmem>>) offsets(%arg18 : memref<2048xi32, #tpu.memory_space<vmem>>) semaphore(%arg32 : memref<!tpu.dma_semaphore, #tpu.memory_space<semaphore_mem>>)
    %dma_start3A_77 = arith.constant 384 : i32
    %dma_start3A_78 = tpu.memref_slice %arg3[%dma_start3A_77] : memref<67108864xf32, #tpu.memory_space<hbm>> -> memref<67108480xf32, #tpu.memory_space<hbm>>
    %dma_start3A_79 = arith.constant 0 : i32
    %dma_start3A_80 = tpu.memref_slice %dma_start3A_78[%dma_start3A_79] : memref<67108480xf32, #tpu.memory_space<hbm>> -> memref<67108480xf32, #tpu.memory_space<hbm>>
    tpu.enqueue_indirect_dma source(%dma_start3A_80 : memref<67108480xf32, #tpu.memory_space<hbm>>) target(%arg22 : memref<2048xf32, #tpu.memory_space<vmem>>) offsets(%arg18 : memref<2048xi32, #tpu.memory_space<vmem>>) semaphore(%arg32 : memref<!tpu.dma_semaphore, #tpu.memory_space<semaphore_mem>>)
    %dma_start3A_81 = arith.constant 512 : i32
    %dma_start3A_82 = tpu.memref_slice %arg3[%dma_start3A_81] : memref<67108864xf32, #tpu.memory_space<hbm>> -> memref<67108352xf32, #tpu.memory_space<hbm>>
    %dma_start3A_83 = arith.constant 0 : i32
    %dma_start3A_84 = tpu.memref_slice %dma_start3A_82[%dma_start3A_83] : memref<67108352xf32, #tpu.memory_space<hbm>> -> memref<67108352xf32, #tpu.memory_space<hbm>>
    tpu.enqueue_indirect_dma source(%dma_start3A_84 : memref<67108352xf32, #tpu.memory_space<hbm>>) target(%arg23 : memref<2048xf32, #tpu.memory_space<vmem>>) offsets(%arg18 : memref<2048xi32, #tpu.memory_space<vmem>>) semaphore(%arg32 : memref<!tpu.dma_semaphore, #tpu.memory_space<semaphore_mem>>)
    %dma_start3A_85 = arith.constant 640 : i32
    %dma_start3A_86 = tpu.memref_slice %arg3[%dma_start3A_85] : memref<67108864xf32, #tpu.memory_space<hbm>> -> memref<67108224xf32, #tpu.memory_space<hbm>>
    %dma_start3A_87 = arith.constant 0 : i32
    %dma_start3A_88 = tpu.memref_slice %dma_start3A_86[%dma_start3A_87] : memref<67108224xf32, #tpu.memory_space<hbm>> -> memref<67108224xf32, #tpu.memory_space<hbm>>
    tpu.enqueue_indirect_dma source(%dma_start3A_88 : memref<67108224xf32, #tpu.memory_space<hbm>>) target(%arg24 : memref<2048xf32, #tpu.memory_space<vmem>>) offsets(%arg18 : memref<2048xi32, #tpu.memory_space<vmem>>) semaphore(%arg32 : memref<!tpu.dma_semaphore, #tpu.memory_space<semaphore_mem>>)
    %dma_start3A_89 = arith.constant 768 : i32
    %dma_start3A_90 = tpu.memref_slice %arg3[%dma_start3A_89] : memref<67108864xf32, #tpu.memory_space<hbm>> -> memref<67108096xf32, #tpu.memory_space<hbm>>
    %dma_start3A_91 = arith.constant 0 : i32
    %dma_start3A_92 = tpu.memref_slice %dma_start3A_90[%dma_start3A_91] : memref<67108096xf32, #tpu.memory_space<hbm>> -> memref<67108096xf32, #tpu.memory_space<hbm>>
    tpu.enqueue_indirect_dma source(%dma_start3A_92 : memref<67108096xf32, #tpu.memory_space<hbm>>) target(%arg25 : memref<2048xf32, #tpu.memory_space<vmem>>) offsets(%arg18 : memref<2048xi32, #tpu.memory_space<vmem>>) semaphore(%arg32 : memref<!tpu.dma_semaphore, #tpu.memory_space<semaphore_mem>>)
    %dma_start3A_93 = arith.constant 896 : i32
    %dma_start3A_94 = tpu.memref_slice %arg3[%dma_start3A_93] : memref<67108864xf32, #tpu.memory_space<hbm>> -> memref<67107968xf32, #tpu.memory_space<hbm>>
    %dma_start3A_95 = arith.constant 0 : i32
    %dma_start3A_96 = tpu.memref_slice %dma_start3A_94[%dma_start3A_95] : memref<67107968xf32, #tpu.memory_space<hbm>> -> memref<67107968xf32, #tpu.memory_space<hbm>>
    tpu.enqueue_indirect_dma source(%dma_start3A_96 : memref<67107968xf32, #tpu.memory_space<hbm>>) target(%arg26 : memref<2048xf32, #tpu.memory_space<vmem>>) offsets(%arg18 : memref<2048xi32, #tpu.memory_space<vmem>>) semaphore(%arg32 : memref<!tpu.dma_semaphore, #tpu.memory_space<semaphore_mem>>)
    %dma_wait3A = arith.constant 0 : i32
    %dma_wait3A_97 = tpu.memref_slice %arg3[%dma_wait3A] : memref<67108864xf32, #tpu.memory_space<hbm>> -> memref<67108864xf32, #tpu.memory_space<hbm>>
    %dma_wait3A_98 = arith.constant 0 : i32
    %dma_wait3A_99 = tpu.memref_slice %dma_wait3A_97[%dma_wait3A_98] : memref<67108864xf32, #tpu.memory_space<hbm>> -> memref<67108864xf32, #tpu.memory_space<hbm>>
    tpu.wait_indirect_dma semaphore(%arg31 : memref<!tpu.dma_semaphore, #tpu.memory_space<semaphore_mem>>) src(%dma_wait3A_99 : memref<67108864xf32, #tpu.memory_space<hbm>>) dst(%arg8 : memref<2048xf32, #tpu.memory_space<vmem>>)
    %dma_wait3A_100 = arith.constant 128 : i32
    %dma_wait3A_101 = tpu.memref_slice %arg3[%dma_wait3A_100] : memref<67108864xf32, #tpu.memory_space<hbm>> -> memref<67108736xf32, #tpu.memory_space<hbm>>
    %dma_wait3A_102 = arith.constant 0 : i32
    %dma_wait3A_103 = tpu.memref_slice %dma_wait3A_101[%dma_wait3A_102] : memref<67108736xf32, #tpu.memory_space<hbm>> -> memref<67108736xf32, #tpu.memory_space<hbm>>
    tpu.wait_indirect_dma semaphore(%arg31 : memref<!tpu.dma_semaphore, #tpu.memory_space<semaphore_mem>>) src(%dma_wait3A_103 : memref<67108736xf32, #tpu.memory_space<hbm>>) dst(%arg9 : memref<2048xf32, #tpu.memory_space<vmem>>)
    %dma_wait3A_104 = arith.constant 256 : i32
    %dma_wait3A_105 = tpu.memref_slice %arg3[%dma_wait3A_104] : memref<67108864xf32, #tpu.memory_space<hbm>> -> memref<67108608xf32, #tpu.memory_space<hbm>>
    %dma_wait3A_106 = arith.constant 0 : i32
    %dma_wait3A_107 = tpu.memref_slice %dma_wait3A_105[%dma_wait3A_106] : memref<67108608xf32, #tpu.memory_space<hbm>> -> memref<67108608xf32, #tpu.memory_space<hbm>>
    tpu.wait_indirect_dma semaphore(%arg31 : memref<!tpu.dma_semaphore, #tpu.memory_space<semaphore_mem>>) src(%dma_wait3A_107 : memref<67108608xf32, #tpu.memory_space<hbm>>) dst(%arg10 : memref<2048xf32, #tpu.memory_space<vmem>>)
    %dma_wait3A_108 = arith.constant 384 : i32
    %dma_wait3A_109 = tpu.memref_slice %arg3[%dma_wait3A_108] : memref<67108864xf32, #tpu.memory_space<hbm>> -> memref<67108480xf32, #tpu.memory_space<hbm>>
    %dma_wait3A_110 = arith.constant 0 : i32
    %dma_wait3A_111 = tpu.memref_slice %dma_wait3A_109[%dma_wait3A_110] : memref<67108480xf32, #tpu.memory_space<hbm>> -> memref<67108480xf32, #tpu.memory_space<hbm>>
    tpu.wait_indirect_dma semaphore(%arg31 : memref<!tpu.dma_semaphore, #tpu.memory_space<semaphore_mem>>) src(%dma_wait3A_111 : memref<67108480xf32, #tpu.memory_space<hbm>>) dst(%arg11 : memref<2048xf32, #tpu.memory_space<vmem>>)
    %dma_wait3A_112 = arith.constant 512 : i32
    %dma_wait3A_113 = tpu.memref_slice %arg3[%dma_wait3A_112] : memref<67108864xf32, #tpu.memory_space<hbm>> -> memref<67108352xf32, #tpu.memory_space<hbm>>
    %dma_wait3A_114 = arith.constant 0 : i32
    %dma_wait3A_115 = tpu.memref_slice %dma_wait3A_113[%dma_wait3A_114] : memref<67108352xf32, #tpu.memory_space<hbm>> -> memref<67108352xf32, #tpu.memory_space<hbm>>
    tpu.wait_indirect_dma semaphore(%arg31 : memref<!tpu.dma_semaphore, #tpu.memory_space<semaphore_mem>>) src(%dma_wait3A_115 : memref<67108352xf32, #tpu.memory_space<hbm>>) dst(%arg12 : memref<2048xf32, #tpu.memory_space<vmem>>)
    %dma_wait3A_116 = arith.constant 640 : i32
    %dma_wait3A_117 = tpu.memref_slice %arg3[%dma_wait3A_116] : memref<67108864xf32, #tpu.memory_space<hbm>> -> memref<67108224xf32, #tpu.memory_space<hbm>>
    %dma_wait3A_118 = arith.constant 0 : i32
    %dma_wait3A_119 = tpu.memref_slice %dma_wait3A_117[%dma_wait3A_118] : memref<67108224xf32, #tpu.memory_space<hbm>> -> memref<67108224xf32, #tpu.memory_space<hbm>>
    tpu.wait_indirect_dma semaphore(%arg31 : memref<!tpu.dma_semaphore, #tpu.memory_space<semaphore_mem>>) src(%dma_wait3A_119 : memref<67108224xf32, #tpu.memory_space<hbm>>) dst(%arg13 : memref<2048xf32, #tpu.memory_space<vmem>>)
    %dma_wait3A_120 = arith.constant 768 : i32
    %dma_wait3A_121 = tpu.memref_slice %arg3[%dma_wait3A_120] : memref<67108864xf32, #tpu.memory_space<hbm>> -> memref<67108096xf32, #tpu.memory_space<hbm>>
    %dma_wait3A_122 = arith.constant 0 : i32
    %dma_wait3A_123 = tpu.memref_slice %dma_wait3A_121[%dma_wait3A_122] : memref<67108096xf32, #tpu.memory_space<hbm>> -> memref<67108096xf32, #tpu.memory_space<hbm>>
    tpu.wait_indirect_dma semaphore(%arg31 : memref<!tpu.dma_semaphore, #tpu.memory_space<semaphore_mem>>) src(%dma_wait3A_123 : memref<67108096xf32, #tpu.memory_space<hbm>>) dst(%arg14 : memref<2048xf32, #tpu.memory_space<vmem>>)
    %dma_wait3A_124 = arith.constant 896 : i32
    %dma_wait3A_125 = tpu.memref_slice %arg3[%dma_wait3A_124] : memref<67108864xf32, #tpu.memory_space<hbm>> -> memref<67107968xf32, #tpu.memory_space<hbm>>
    %dma_wait3A_126 = arith.constant 0 : i32
    %dma_wait3A_127 = tpu.memref_slice %dma_wait3A_125[%dma_wait3A_126] : memref<67107968xf32, #tpu.memory_space<hbm>> -> memref<67107968xf32, #tpu.memory_space<hbm>>
    tpu.wait_indirect_dma semaphore(%arg31 : memref<!tpu.dma_semaphore, #tpu.memory_space<semaphore_mem>>) src(%dma_wait3A_127 : memref<67107968xf32, #tpu.memory_space<hbm>>) dst(%arg15 : memref<2048xf32, #tpu.memory_space<vmem>>)
    %dma_wait3A_128 = arith.constant 0 : i32
    %dma_wait3A_129 = tpu.memref_slice %arg4[%dma_wait3A_128] : memref<8388608xf32, #tpu.memory_space<hbm>> -> memref<8388608xf32, #tpu.memory_space<hbm>>
    tpu.wait_indirect_dma semaphore(%arg31 : memref<!tpu.dma_semaphore, #tpu.memory_space<semaphore_mem>>) src(%dma_wait3A_129 : memref<8388608xf32, #tpu.memory_space<hbm>>) dst(%arg17 : memref<2048xf32, #tpu.memory_space<vmem>>)
    %scan3A_130 = arith.constant 0 : i32
    %scan3A_131 = arith.constant 128 : i32
    %scan3A_132 = arith.addi %scan3A_130, %scan3A_131 : i32
    %scan3A_133 = arith.constant 1 : i32
    %scan3A_134:9 = scf.for %scan3A_298 = %scan3A_130 to %scan3A_132 step %scan3A_133 iter_args(%scan3A_299 = %broadcast_in_dim3A_1, %scan3A_300 = %broadcast_in_dim3A_1, %scan3A_301 = %broadcast_in_dim3A_1, %scan3A_302 = %broadcast_in_dim3A_1, %scan3A_303 = %broadcast_in_dim3A_1, %scan3A_304 = %broadcast_in_dim3A_1, %scan3A_305 = %broadcast_in_dim3A_1, %scan3A_306 = %broadcast_in_dim3A_1, %scan3A_307 = %broadcast_in_dim3A_1) -> (vector<16xf32>, vector<16xf32>, vector<16xf32>, vector<16xf32>, vector<16xf32>, vector<16xf32>, vector<16xf32>, vector<16xf32>, vector<16xf32>)  : i32 {
      %mul3A_308 = arith.constant 16 : i32
      %mul3A_309 = arith.muli %scan3A_298, %mul3A_308 : i32
      %get3A = arith.index_cast %mul3A_309 : i32 to index
      %get3A_310 = tpu.vector_load %arg8[%get3A] {strides = array<i32>} : memref<2048xf32, #tpu.memory_space<vmem>>, vector<16xf32>,
      %add3A_311 = arith.addf %scan3A_299, %get3A_310 : vector<16xf32>
      %mul3A_312 = arith.constant 16 : i32
      %mul3A_313 = arith.muli %scan3A_298, %mul3A_312 : i32
      %get3A_314 = arith.index_cast %mul3A_313 : i32 to index
      %get3A_315 = tpu.vector_load %arg9[%get3A_314] {strides = array<i32>} : memref<2048xf32, #tpu.memory_space<vmem>>, vector<16xf32>,
      %add3A_316 = arith.addf %scan3A_300, %get3A_315 : vector<16xf32>
      %mul3A_317 = arith.constant 16 : i32
      %mul3A_318 = arith.muli %scan3A_298, %mul3A_317 : i32
      %get3A_319 = arith.index_cast %mul3A_318 : i32 to index
      %get3A_320 = tpu.vector_load %arg10[%get3A_319] {strides = array<i32>} : memref<2048xf32, #tpu.memory_space<vmem>>, vector<16xf32>,
      %add3A_321 = arith.addf %scan3A_301, %get3A_320 : vector<16xf32>
      %mul3A_322 = arith.constant 16 : i32
      %mul3A_323 = arith.muli %scan3A_298, %mul3A_322 : i32
      %get3A_324 = arith.index_cast %mul3A_323 : i32 to index
      %get3A_325 = tpu.vector_load %arg11[%get3A_324] {strides = array<i32>} : memref<2048xf32, #tpu.memory_space<vmem>>, vector<16xf32>,
      %add3A_326 = arith.addf %scan3A_302, %get3A_325 : vector<16xf32>
      %mul3A_327 = arith.constant 16 : i32
      %mul3A_328 = arith.muli %scan3A_298, %mul3A_327 : i32
      %get3A_329 = arith.index_cast %mul3A_328 : i32 to index
      %get3A_330 = tpu.vector_load %arg12[%get3A_329] {strides = array<i32>} : memref<2048xf32, #tpu.memory_space<vmem>>, vector<16xf32>,
      %add3A_331 = arith.addf %scan3A_303, %get3A_330 : vector<16xf32>
      %mul3A_332 = arith.constant 16 : i32
      %mul3A_333 = arith.muli %scan3A_298, %mul3A_332 : i32
      %get3A_334 = arith.index_cast %mul3A_333 : i32 to index
      %get3A_335 = tpu.vector_load %arg13[%get3A_334] {strides = array<i32>} : memref<2048xf32, #tpu.memory_space<vmem>>, vector<16xf32>,
      %add3A_336 = arith.addf %scan3A_304, %get3A_335 : vector<16xf32>
      %mul3A_337 = arith.constant 16 : i32
      %mul3A_338 = arith.muli %scan3A_298, %mul3A_337 : i32
      %get3A_339 = arith.index_cast %mul3A_338 : i32 to index
      %get3A_340 = tpu.vector_load %arg14[%get3A_339] {strides = array<i32>} : memref<2048xf32, #tpu.memory_space<vmem>>, vector<16xf32>,
      %add3A_341 = arith.addf %scan3A_305, %get3A_340 : vector<16xf32>
      %mul3A_342 = arith.constant 16 : i32
      %mul3A_343 = arith.muli %scan3A_298, %mul3A_342 : i32
      %get3A_344 = arith.index_cast %mul3A_343 : i32 to index
      %get3A_345 = tpu.vector_load %arg15[%get3A_344] {strides = array<i32>} : memref<2048xf32, #tpu.memory_space<vmem>>, vector<16xf32>,
      %add3A_346 = arith.addf %scan3A_306, %get3A_345 : vector<16xf32>
      %mul3A_347 = arith.constant 16 : i32
      %mul3A_348 = arith.muli %scan3A_298, %mul3A_347 : i32
      %get3A_349 = arith.index_cast %mul3A_348 : i32 to index
      %get3A_350 = tpu.vector_load %arg17[%get3A_349] {strides = array<i32>} : memref<2048xf32, #tpu.memory_space<vmem>>, vector<16xf32>,
      %add3A_351 = arith.addf %scan3A_307, %get3A_350 : vector<16xf32>
      scf.yield %add3A_311, %add3A_316, %add3A_321, %add3A_326, %add3A_331, %add3A_336, %add3A_341, %add3A_346, %add3A_351 : vector<16xf32>, vector<16xf32>, vector<16xf32>, vector<16xf32>, vector<16xf32>, vector<16xf32>, vector<16xf32>, vector<16xf32>, vector<16xf32>
    }
    %scan3A_135 = arith.constant 128 : i32
    %mul3A_136 = arith.constant 8 : i32
    %mul3A_137 = vector.broadcast %mul3A_136 : i32 to vector<16xi32>
    %mul3A_138 = arith.muli %iota3A, %mul3A_137 : vector<16xi32>
    %add3A_139 = arith.constant 0 : i32
    %add3A_140 = vector.broadcast %add3A_139 : i32 to vector<16xi32>
    %add3A_141 = arith.addi %mul3A_138, %add3A_140 : vector<16xi32>
    tpu.vector_store_idx %arg29[%add3A_141], %scan3A_134#0 : memref<128xf32, #tpu.memory_space<vmem>>[vector<16xi32>], vector<16xf32>,
    %mul3A_142 = arith.constant 8 : i32
    %mul3A_143 = vector.broadcast %mul3A_142 : i32 to vector<16xi32>
    %mul3A_144 = arith.muli %iota3A, %mul3A_143 : vector<16xi32>
    %add3A_145 = arith.constant 1 : i32
    %add3A_146 = vector.broadcast %add3A_145 : i32 to vector<16xi32>
    %add3A_147 = arith.addi %mul3A_144, %add3A_146 : vector<16xi32>
    tpu.vector_store_idx %arg29[%add3A_147], %scan3A_134#1 : memref<128xf32, #tpu.memory_space<vmem>>[vector<16xi32>], vector<16xf32>,
    %mul3A_148 = arith.constant 8 : i32
    %mul3A_149 = vector.broadcast %mul3A_148 : i32 to vector<16xi32>
    %mul3A_150 = arith.muli %iota3A, %mul3A_149 : vector<16xi32>
    %add3A_151 = arith.constant 2 : i32
    %add3A_152 = vector.broadcast %add3A_151 : i32 to vector<16xi32>
    %add3A_153 = arith.addi %mul3A_150, %add3A_152 : vector<16xi32>
    tpu.vector_store_idx %arg29[%add3A_153], %scan3A_134#2 : memref<128xf32, #tpu.memory_space<vmem>>[vector<16xi32>], vector<16xf32>,
    %mul3A_154 = arith.constant 8 : i32
    %mul3A_155 = vector.broadcast %mul3A_154 : i32 to vector<16xi32>
    %mul3A_156 = arith.muli %iota3A, %mul3A_155 : vector<16xi32>
    %add3A_157 = arith.constant 3 : i32
    %add3A_158 = vector.broadcast %add3A_157 : i32 to vector<16xi32>
    %add3A_159 = arith.addi %mul3A_156, %add3A_158 : vector<16xi32>
    tpu.vector_store_idx %arg29[%add3A_159], %scan3A_134#3 : memref<128xf32, #tpu.memory_space<vmem>>[vector<16xi32>], vector<16xf32>,
    %mul3A_160 = arith.constant 8 : i32
    %mul3A_161 = vector.broadcast %mul3A_160 : i32 to vector<16xi32>
    %mul3A_162 = arith.muli %iota3A, %mul3A_161 : vector<16xi32>
    %add3A_163 = arith.constant 4 : i32
    %add3A_164 = vector.broadcast %add3A_163 : i32 to vector<16xi32>
    %add3A_165 = arith.addi %mul3A_162, %add3A_164 : vector<16xi32>
    tpu.vector_store_idx %arg29[%add3A_165], %scan3A_134#4 : memref<128xf32, #tpu.memory_space<vmem>>[vector<16xi32>], vector<16xf32>,
    %mul3A_166 = arith.constant 8 : i32
    %mul3A_167 = vector.broadcast %mul3A_166 : i32 to vector<16xi32>
    %mul3A_168 = arith.muli %iota3A, %mul3A_167 : vector<16xi32>
    %add3A_169 = arith.constant 5 : i32
    %add3A_170 = vector.broadcast %add3A_169 : i32 to vector<16xi32>
    %add3A_171 = arith.addi %mul3A_168, %add3A_170 : vector<16xi32>
    tpu.vector_store_idx %arg29[%add3A_171], %scan3A_134#5 : memref<128xf32, #tpu.memory_space<vmem>>[vector<16xi32>], vector<16xf32>,
    %mul3A_172 = arith.constant 8 : i32
    %mul3A_173 = vector.broadcast %mul3A_172 : i32 to vector<16xi32>
    %mul3A_174 = arith.muli %iota3A, %mul3A_173 : vector<16xi32>
    %add3A_175 = arith.constant 6 : i32
    %add3A_176 = vector.broadcast %add3A_175 : i32 to vector<16xi32>
    %add3A_177 = arith.addi %mul3A_174, %add3A_176 : vector<16xi32>
    tpu.vector_store_idx %arg29[%add3A_177], %scan3A_134#6 : memref<128xf32, #tpu.memory_space<vmem>>[vector<16xi32>], vector<16xf32>,
    %mul3A_178 = arith.constant 8 : i32
    %mul3A_179 = vector.broadcast %mul3A_178 : i32 to vector<16xi32>
    %mul3A_180 = arith.muli %iota3A, %mul3A_179 : vector<16xi32>
    %add3A_181 = arith.constant 7 : i32
    %add3A_182 = vector.broadcast %add3A_181 : i32 to vector<16xi32>
    %add3A_183 = arith.addi %mul3A_180, %add3A_182 : vector<16xi32>
    tpu.vector_store_idx %arg29[%add3A_183], %scan3A_134#7 : memref<128xf32, #tpu.memory_space<vmem>>[vector<16xi32>], vector<16xf32>,
    %swap3A = arith.constant 0 : index
    %swap3A_184 = tpu.vector_load %arg30[%swap3A] {strides = array<i32>} : memref<16xf32, #tpu.memory_space<vmem>>, vector<16xf32>,
    tpu.vector_store %arg30[%swap3A], %scan3A_134#8 {strides = array<i32>} : memref<16xf32, #tpu.memory_space<vmem>>, vector<16xf32>,
    %mul3A_185 = arith.constant 32 : i32
    %mul3A_186 = arith.muli %add3A, %mul3A_185 : i32
    %mul3A_187 = arith.constant 16 : i32
    %mul3A_188 = arith.muli %mul3A_49, %mul3A_187 : i32
    %add3A_189 = arith.addi %mul3A_186, %mul3A_188 : i32
    %mul3A_190 = arith.constant 8 : i32
    %mul3A_191 = arith.muli %add3A_189, %mul3A_190 : i32
    "tpu.region"() ({
      %run_scoped3A = tpu.sem_alloc : memref<!tpu.dma_semaphore, #tpu.memory_space<semaphore_mem>>
      %dma_start3A_298 = tpu.memref_slice %arg5[%mul3A_191] : memref<8192xf32, #tpu.memory_space<hbm>> -> memref<128xf32, #tpu.memory_space<hbm>>
      %dma_start3A_299 = tpu.memref_slice %arg5[%mul3A_191] : memref<8192xf32, #tpu.memory_space<hbm>> -> memref<128xf32, #tpu.memory_space<hbm>>
      tpu.enqueue_dma source(%arg29 : memref<128xf32, #tpu.memory_space<vmem>>) target(%dma_start3A_299 : memref<128xf32, #tpu.memory_space<hbm>>) target_semaphore(%run_scoped3A : memref<!tpu.dma_semaphore, #tpu.memory_space<semaphore_mem>>)
      %dma_wait3A_300 = tpu.memref_slice %arg5[%mul3A_191] : memref<8192xf32, #tpu.memory_space<hbm>> -> memref<128xf32, #tpu.memory_space<hbm>>
      %dma_wait3A_301 = tpu.memref_slice %arg5[%mul3A_191] : memref<8192xf32, #tpu.memory_space<hbm>> -> memref<128xf32, #tpu.memory_space<hbm>>
      tpu.wait_dma2 semaphore(%run_scoped3A : memref<!tpu.dma_semaphore, #tpu.memory_space<semaphore_mem>>) src(%arg29 : memref<128xf32, #tpu.memory_space<vmem>>) dst(%dma_wait3A_301 : memref<128xf32, #tpu.memory_space<hbm>>)
      tpu.yield
    }) : () -> ()
    "tpu.region"() ({
      %run_scoped3A = tpu.sem_alloc : memref<!tpu.dma_semaphore, #tpu.memory_space<semaphore_mem>>
      %dma_start3A_298 = tpu.memref_slice %arg6[%add3A_189] : memref<1024xf32, #tpu.memory_space<hbm>> -> memref<16xf32, #tpu.memory_space<hbm>>
      %dma_start3A_299 = tpu.memref_slice %arg6[%add3A_189] : memref<1024xf32, #tpu.memory_space<hbm>> -> memref<16xf32, #tpu.memory_space<hbm>>
      tpu.enqueue_dma source(%arg30 : memref<16xf32, #tpu.memory_space<vmem>>) target(%dma_start3A_299 : memref<16xf32, #tpu.memory_space<hbm>>) target_semaphore(%run_scoped3A : memref<!tpu.dma_semaphore, #tpu.memory_space<semaphore_mem>>)
      %dma_wait3A_300 = tpu.memref_slice %arg6[%add3A_189] : memref<1024xf32, #tpu.memory_space<hbm>> -> memref<16xf32, #tpu.memory_space<hbm>>
      %dma_wait3A_301 = tpu.memref_slice %arg6[%add3A_189] : memref<1024xf32, #tpu.memory_space<hbm>> -> memref<16xf32, #tpu.memory_space<hbm>>
      tpu.wait_dma2 semaphore(%run_scoped3A : memref<!tpu.dma_semaphore, #tpu.memory_space<semaphore_mem>>) src(%arg30 : memref<16xf32, #tpu.memory_space<vmem>>) dst(%dma_wait3A_301 : memref<16xf32, #tpu.memory_space<hbm>>)
      tpu.yield
    }) : () -> ()
    %mul3A_192 = arith.constant 2 : i32
    %mul3A_193 = arith.muli %scan3A_47, %mul3A_192 : i32
    %add3A_194 = arith.constant 2 : i32
    %add3A_195 = arith.addi %mul3A_193, %add3A_194 : i32
    %lt3A = arith.constant 2 : i32
    %lt3A_196 = arith.cmpi slt, %add3A_195, %lt3A : i32
    %convert_element_type3A = arith.extui %lt3A_196 : i1 to i32
    %cond3A = arith.constant 0 : i32
    %cond3A_197 = arith.cmpi ne, %convert_element_type3A, %cond3A : i32
    scf.if %cond3A_197 {
      %add3A_298 = arith.constant 2 : i32
      %add3A_299 = arith.addi %mul3A_49, %add3A_298 : i32
      %mul3A_300 = arith.constant 2 : i32
      %mul3A_301 = arith.muli %add3A, %mul3A_300 : i32
      %add3A_302 = arith.addi %mul3A_301, %add3A_299 : i32
      %mul3A_303 = arith.constant 2048 : i32
      %mul3A_304 = arith.muli %add3A_302, %mul3A_303 : i32
      "tpu.region"() ({
        %run_scoped3A = tpu.sem_alloc : memref<!tpu.dma_semaphore, #tpu.memory_space<semaphore_mem>>
        %dma_start3A_345 = tpu.memref_slice %arg2[%mul3A_304] : memref<131072xi32, #tpu.memory_space<hbm>> -> memref<2048xi32, #tpu.memory_space<hbm>>
        %dma_start3A_346 = tpu.memref_slice %arg2[%mul3A_304] : memref<131072xi32, #tpu.memory_space<hbm>> -> memref<2048xi32, #tpu.memory_space<hbm>>
        tpu.enqueue_dma source(%dma_start3A_346 : memref<2048xi32, #tpu.memory_space<hbm>>) target(%arg16 : memref<2048xi32, #tpu.memory_space<vmem>>) target_semaphore(%run_scoped3A : memref<!tpu.dma_semaphore, #tpu.memory_space<semaphore_mem>>)
        %dma_wait3A_347 = tpu.memref_slice %arg2[%mul3A_304] : memref<131072xi32, #tpu.memory_space<hbm>> -> memref<2048xi32, #tpu.memory_space<hbm>>
        %dma_wait3A_348 = tpu.memref_slice %arg2[%mul3A_304] : memref<131072xi32, #tpu.memory_space<hbm>> -> memref<2048xi32, #tpu.memory_space<hbm>>
        tpu.wait_dma2 semaphore(%run_scoped3A : memref<!tpu.dma_semaphore, #tpu.memory_space<semaphore_mem>>) src(%dma_wait3A_348 : memref<2048xi32, #tpu.memory_space<hbm>>) dst(%arg16 : memref<2048xi32, #tpu.memory_space<vmem>>)
        tpu.yield
      }) : () -> ()
      %dma_start3A_305 = arith.constant 0 : i32
      %dma_start3A_306 = tpu.memref_slice %arg4[%dma_start3A_305] : memref<8388608xf32, #tpu.memory_space<hbm>> -> memref<8388608xf32, #tpu.memory_space<hbm>>
      tpu.enqueue_indirect_dma source(%dma_start3A_306 : memref<8388608xf32, #tpu.memory_space<hbm>>) target(%arg17 : memref<2048xf32, #tpu.memory_space<vmem>>) offsets(%arg16 : memref<2048xi32, #tpu.memory_space<vmem>>) semaphore(%arg31 : memref<!tpu.dma_semaphore, #tpu.memory_space<semaphore_mem>>)
      %scan3A_307 = arith.constant 0 : i32
      %scan3A_308 = arith.constant 0 : i32
      %scan3A_309 = arith.constant 128 : i32
      %scan3A_310 = arith.addi %scan3A_308, %scan3A_309 : i32
      %scan3A_311 = arith.constant 1 : i32
      scf.for %scan3A_345 = %scan3A_308 to %scan3A_310 step %scan3A_311  : i32 {
        %mul3A_346 = arith.constant 16 : i32
        %mul3A_347 = arith.muli %scan3A_345, %mul3A_346 : i32
        %get3A = arith.index_cast %mul3A_347 : i32 to index
        %get3A_348 = tpu.vector_load %arg16[%get3A] {strides = array<i32>} : memref<2048xi32, #tpu.memory_space<vmem>>, vector<16xi32>,
        %shift_right_arithmetic3A = arith.constant 7 : i32
        %shift_right_arithmetic3A_349 = vector.broadcast %shift_right_arithmetic3A : i32 to vector<16xi32>
        %shift_right_arithmetic3A_350 = arith.shrsi %get3A_348, %shift_right_arithmetic3A_349 : vector<16xi32>
        %shift_left3A = arith.constant 10 : i32
        %shift_left3A_351 = vector.broadcast %shift_left3A : i32 to vector<16xi32>
        %shift_left3A_352 = arith.shli %shift_right_arithmetic3A_350, %shift_left3A_351 : vector<16xi32>
        %and3A = arith.constant 127 : i32
        %and3A_353 = vector.broadcast %and3A : i32 to vector<16xi32>
        %and3A_354 = arith.andi %get3A_348, %and3A_353 : vector<16xi32>
        %or3A = arith.ori %shift_left3A_352, %and3A_354 : vector<16xi32>
        %mul3A_355 = arith.constant 16 : i32
        %mul3A_356 = arith.muli %scan3A_345, %mul3A_355 : i32
        %swap3A_357 = arith.index_cast %mul3A_356 : i32 to index
        %swap3A_358 = tpu.vector_load %arg7[%swap3A_357] {strides = array<i32>} : memref<2048xi32, #tpu.memory_space<vmem>>, vector<16xi32>,
        tpu.vector_store %arg7[%swap3A_357], %or3A {strides = array<i32>} : memref<2048xi32, #tpu.memory_space<vmem>>, vector<16xi32>,
      }
      %scan3A_312 = arith.constant 128 : i32
      %dma_start3A_313 = arith.constant 0 : i32
      %dma_start3A_314 = tpu.memref_slice %arg3[%dma_start3A_313] : memref<67108864xf32, #tpu.memory_space<hbm>> -> memref<67108864xf32, #tpu.memory_space<hbm>>
      %dma_start3A_315 = arith.constant 0 : i32
      %dma_start3A_316 = tpu.memref_slice %dma_start3A_314[%dma_start3A_315] : memref<67108864xf32, #tpu.memory_space<hbm>> -> memref<67108864xf32, #tpu.memory_space<hbm>>
      tpu.enqueue_indirect_dma source(%dma_start3A_316 : memref<67108864xf32, #tpu.memory_space<hbm>>) target(%arg8 : memref<2048xf32, #tpu.memory_space<vmem>>) offsets(%arg7 : memref<2048xi32, #tpu.memory_space<vmem>>) semaphore(%arg31 : memref<!tpu.dma_semaphore, #tpu.memory_space<semaphore_mem>>)
      %dma_start3A_317 = arith.constant 128 : i32
      %dma_start3A_318 = tpu.memref_slice %arg3[%dma_start3A_317] : memref<67108864xf32, #tpu.memory_space<hbm>> -> memref<67108736xf32, #tpu.memory_space<hbm>>
      %dma_start3A_319 = arith.constant 0 : i32
      %dma_start3A_320 = tpu.memref_slice %dma_start3A_318[%dma_start3A_319] : memref<67108736xf32, #tpu.memory_space<hbm>> -> memref<67108736xf32, #tpu.memory_space<hbm>>
      tpu.enqueue_indirect_dma source(%dma_start3A_320 : memref<67108736xf32, #tpu.memory_space<hbm>>) target(%arg9 : memref<2048xf32, #tpu.memory_space<vmem>>) offsets(%arg7 : memref<2048xi32, #tpu.memory_space<vmem>>) semaphore(%arg31 : memref<!tpu.dma_semaphore, #tpu.memory_space<semaphore_mem>>)
      %dma_start3A_321 = arith.constant 256 : i32
      %dma_start3A_322 = tpu.memref_slice %arg3[%dma_start3A_321] : memref<67108864xf32, #tpu.memory_space<hbm>> -> memref<67108608xf32, #tpu.memory_space<hbm>>
      %dma_start3A_323 = arith.constant 0 : i32
      %dma_start3A_324 = tpu.memref_slice %dma_start3A_322[%dma_start3A_323] : memref<67108608xf32, #tpu.memory_space<hbm>> -> memref<67108608xf32, #tpu.memory_space<hbm>>
      tpu.enqueue_indirect_dma source(%dma_start3A_324 : memref<67108608xf32, #tpu.memory_space<hbm>>) target(%arg10 : memref<2048xf32, #tpu.memory_space<vmem>>) offsets(%arg7 : memref<2048xi32, #tpu.memory_space<vmem>>) semaphore(%arg31 : memref<!tpu.dma_semaphore, #tpu.memory_space<semaphore_mem>>)
      %dma_start3A_325 = arith.constant 384 : i32
      %dma_start3A_326 = tpu.memref_slice %arg3[%dma_start3A_325] : memref<67108864xf32, #tpu.memory_space<hbm>> -> memref<67108480xf32, #tpu.memory_space<hbm>>
      %dma_start3A_327 = arith.constant 0 : i32
      %dma_start3A_328 = tpu.memref_slice %dma_start3A_326[%dma_start3A_327] : memref<67108480xf32, #tpu.memory_space<hbm>> -> memref<67108480xf32, #tpu.memory_space<hbm>>
      tpu.enqueue_indirect_dma source(%dma_start3A_328 : memref<67108480xf32, #tpu.memory_space<hbm>>) target(%arg11 : memref<2048xf32, #tpu.memory_space<vmem>>) offsets(%arg7 : memref<2048xi32, #tpu.memory_space<vmem>>) semaphore(%arg31 : memref<!tpu.dma_semaphore, #tpu.memory_space<semaphore_mem>>)
      %dma_start3A_329 = arith.constant 512 : i32
      %dma_start3A_330 = tpu.memref_slice %arg3[%dma_start3A_329] : memref<67108864xf32, #tpu.memory_space<hbm>> -> memref<67108352xf32, #tpu.memory_space<hbm>>
      %dma_start3A_331 = arith.constant 0 : i32
      %dma_start3A_332 = tpu.memref_slice %dma_start3A_330[%dma_start3A_331] : memref<67108352xf32, #tpu.memory_space<hbm>> -> memref<67108352xf32, #tpu.memory_space<hbm>>
      tpu.enqueue_indirect_dma source(%dma_start3A_332 : memref<67108352xf32, #tpu.memory_space<hbm>>) target(%arg12 : memref<2048xf32, #tpu.memory_space<vmem>>) offsets(%arg7 : memref<2048xi32, #tpu.memory_space<vmem>>) semaphore(%arg31 : memref<!tpu.dma_semaphore, #tpu.memory_space<semaphore_mem>>)
      %dma_start3A_333 = arith.constant 640 : i32
      %dma_start3A_334 = tpu.memref_slice %arg3[%dma_start3A_333] : memref<67108864xf32, #tpu.memory_space<hbm>> -> memref<67108224xf32, #tpu.memory_space<hbm>>
      %dma_start3A_335 = arith.constant 0 : i32
      %dma_start3A_336 = tpu.memref_slice %dma_start3A_334[%dma_start3A_335] : memref<67108224xf32, #tpu.memory_space<hbm>> -> memref<67108224xf32, #tpu.memory_space<hbm>>
      tpu.enqueue_indirect_dma source(%dma_start3A_336 : memref<67108224xf32, #tpu.memory_space<hbm>>) target(%arg13 : memref<2048xf32, #tpu.memory_space<vmem>>) offsets(%arg7 : memref<2048xi32, #tpu.memory_space<vmem>>) semaphore(%arg31 : memref<!tpu.dma_semaphore, #tpu.memory_space<semaphore_mem>>)
      %dma_start3A_337 = arith.constant 768 : i32
      %dma_start3A_338 = tpu.memref_slice %arg3[%dma_start3A_337] : memref<67108864xf32, #tpu.memory_space<hbm>> -> memref<67108096xf32, #tpu.memory_space<hbm>>
      %dma_start3A_339 = arith.constant 0 : i32
      %dma_start3A_340 = tpu.memref_slice %dma_start3A_338[%dma_start3A_339] : memref<67108096xf32, #tpu.memory_space<hbm>> -> memref<67108096xf32, #tpu.memory_space<hbm>>
      tpu.enqueue_indirect_dma source(%dma_start3A_340 : memref<67108096xf32, #tpu.memory_space<hbm>>) target(%arg14 : memref<2048xf32, #tpu.memory_space<vmem>>) offsets(%arg7 : memref<2048xi32, #tpu.memory_space<vmem>>) semaphore(%arg31 : memref<!tpu.dma_semaphore, #tpu.memory_space<semaphore_mem>>)
      %dma_start3A_341 = arith.constant 896 : i32
      %dma_start3A_342 = tpu.memref_slice %arg3[%dma_start3A_341] : memref<67108864xf32, #tpu.memory_space<hbm>> -> memref<67107968xf32, #tpu.memory_space<hbm>>
      %dma_start3A_343 = arith.constant 0 : i32
      %dma_start3A_344 = tpu.memref_slice %dma_start3A_342[%dma_start3A_343] : memref<67107968xf32, #tpu.memory_space<hbm>> -> memref<67107968xf32, #tpu.memory_space<hbm>>
      tpu.enqueue_indirect_dma source(%dma_start3A_344 : memref<67107968xf32, #tpu.memory_space<hbm>>) target(%arg15 : memref<2048xf32, #tpu.memory_space<vmem>>) offsets(%arg7 : memref<2048xi32, #tpu.memory_space<vmem>>) semaphore(%arg31 : memref<!tpu.dma_semaphore, #tpu.memory_space<semaphore_mem>>)
    } else {
    }
    %add3A_198 = arith.constant 1 : i32
    %add3A_199 = arith.addi %mul3A_49, %add3A_198 : i32
    %dma_wait3A_200 = arith.constant 0 : i32
    %dma_wait3A_201 = tpu.memref_slice %arg3[%dma_wait3A_200] : memref<67108864xf32, #tpu.memory_space<hbm>> -> memref<67108864xf32, #tpu.memory_space<hbm>>
    %dma_wait3A_202 = arith.constant 0 : i32
    %dma_wait3A_203 = tpu.memref_slice %dma_wait3A_201[%dma_wait3A_202] : memref<67108864xf32, #tpu.memory_space<hbm>> -> memref<67108864xf32, #tpu.memory_space<hbm>>
    tpu.wait_indirect_dma semaphore(%arg32 : memref<!tpu.dma_semaphore, #tpu.memory_space<semaphore_mem>>) src(%dma_wait3A_203 : memref<67108864xf32, #tpu.memory_space<hbm>>) dst(%arg19 : memref<2048xf32, #tpu.memory_space<vmem>>)
    %dma_wait3A_204 = arith.constant 128 : i32
    %dma_wait3A_205 = tpu.memref_slice %arg3[%dma_wait3A_204] : memref<67108864xf32, #tpu.memory_space<hbm>> -> memref<67108736xf32, #tpu.memory_space<hbm>>
    %dma_wait3A_206 = arith.constant 0 : i32
    %dma_wait3A_207 = tpu.memref_slice %dma_wait3A_205[%dma_wait3A_206] : memref<67108736xf32, #tpu.memory_space<hbm>> -> memref<67108736xf32, #tpu.memory_space<hbm>>
    tpu.wait_indirect_dma semaphore(%arg32 : memref<!tpu.dma_semaphore, #tpu.memory_space<semaphore_mem>>) src(%dma_wait3A_207 : memref<67108736xf32, #tpu.memory_space<hbm>>) dst(%arg20 : memref<2048xf32, #tpu.memory_space<vmem>>)
    %dma_wait3A_208 = arith.constant 256 : i32
    %dma_wait3A_209 = tpu.memref_slice %arg3[%dma_wait3A_208] : memref<67108864xf32, #tpu.memory_space<hbm>> -> memref<67108608xf32, #tpu.memory_space<hbm>>
    %dma_wait3A_210 = arith.constant 0 : i32
    %dma_wait3A_211 = tpu.memref_slice %dma_wait3A_209[%dma_wait3A_210] : memref<67108608xf32, #tpu.memory_space<hbm>> -> memref<67108608xf32, #tpu.memory_space<hbm>>
    tpu.wait_indirect_dma semaphore(%arg32 : memref<!tpu.dma_semaphore, #tpu.memory_space<semaphore_mem>>) src(%dma_wait3A_211 : memref<67108608xf32, #tpu.memory_space<hbm>>) dst(%arg21 : memref<2048xf32, #tpu.memory_space<vmem>>)
    %dma_wait3A_212 = arith.constant 384 : i32
    %dma_wait3A_213 = tpu.memref_slice %arg3[%dma_wait3A_212] : memref<67108864xf32, #tpu.memory_space<hbm>> -> memref<67108480xf32, #tpu.memory_space<hbm>>
    %dma_wait3A_214 = arith.constant 0 : i32
    %dma_wait3A_215 = tpu.memref_slice %dma_wait3A_213[%dma_wait3A_214] : memref<67108480xf32, #tpu.memory_space<hbm>> -> memref<67108480xf32, #tpu.memory_space<hbm>>
    tpu.wait_indirect_dma semaphore(%arg32 : memref<!tpu.dma_semaphore, #tpu.memory_space<semaphore_mem>>) src(%dma_wait3A_215 : memref<67108480xf32, #tpu.memory_space<hbm>>) dst(%arg22 : memref<2048xf32, #tpu.memory_space<vmem>>)
    %dma_wait3A_216 = arith.constant 512 : i32
    %dma_wait3A_217 = tpu.memref_slice %arg3[%dma_wait3A_216] : memref<67108864xf32, #tpu.memory_space<hbm>> -> memref<67108352xf32, #tpu.memory_space<hbm>>
    %dma_wait3A_218 = arith.constant 0 : i32
    %dma_wait3A_219 = tpu.memref_slice %dma_wait3A_217[%dma_wait3A_218] : memref<67108352xf32, #tpu.memory_space<hbm>> -> memref<67108352xf32, #tpu.memory_space<hbm>>
    tpu.wait_indirect_dma semaphore(%arg32 : memref<!tpu.dma_semaphore, #tpu.memory_space<semaphore_mem>>) src(%dma_wait3A_219 : memref<67108352xf32, #tpu.memory_space<hbm>>) dst(%arg23 : memref<2048xf32, #tpu.memory_space<vmem>>)
    %dma_wait3A_220 = arith.constant 640 : i32
    %dma_wait3A_221 = tpu.memref_slice %arg3[%dma_wait3A_220] : memref<67108864xf32, #tpu.memory_space<hbm>> -> memref<67108224xf32, #tpu.memory_space<hbm>>
    %dma_wait3A_222 = arith.constant 0 : i32
    %dma_wait3A_223 = tpu.memref_slice %dma_wait3A_221[%dma_wait3A_222] : memref<67108224xf32, #tpu.memory_space<hbm>> -> memref<67108224xf32, #tpu.memory_space<hbm>>
    tpu.wait_indirect_dma semaphore(%arg32 : memref<!tpu.dma_semaphore, #tpu.memory_space<semaphore_mem>>) src(%dma_wait3A_223 : memref<67108224xf32, #tpu.memory_space<hbm>>) dst(%arg24 : memref<2048xf32, #tpu.memory_space<vmem>>)
    %dma_wait3A_224 = arith.constant 768 : i32
    %dma_wait3A_225 = tpu.memref_slice %arg3[%dma_wait3A_224] : memref<67108864xf32, #tpu.memory_space<hbm>> -> memref<67108096xf32, #tpu.memory_space<hbm>>
    %dma_wait3A_226 = arith.constant 0 : i32
    %dma_wait3A_227 = tpu.memref_slice %dma_wait3A_225[%dma_wait3A_226] : memref<67108096xf32, #tpu.memory_space<hbm>> -> memref<67108096xf32, #tpu.memory_space<hbm>>
    tpu.wait_indirect_dma semaphore(%arg32 : memref<!tpu.dma_semaphore, #tpu.memory_space<semaphore_mem>>) src(%dma_wait3A_227 : memref<67108096xf32, #tpu.memory_space<hbm>>) dst(%arg25 : memref<2048xf32, #tpu.memory_space<vmem>>)
    %dma_wait3A_228 = arith.constant 896 : i32
    %dma_wait3A_229 = tpu.memref_slice %arg3[%dma_wait3A_228] : memref<67108864xf32, #tpu.memory_space<hbm>> -> memref<67107968xf32, #tpu.memory_space<hbm>>
    %dma_wait3A_230 = arith.constant 0 : i32
    %dma_wait3A_231 = tpu.memref_slice %dma_wait3A_229[%dma_wait3A_230] : memref<67107968xf32, #tpu.memory_space<hbm>> -> memref<67107968xf32, #tpu.memory_space<hbm>>
    tpu.wait_indirect_dma semaphore(%arg32 : memref<!tpu.dma_semaphore, #tpu.memory_space<semaphore_mem>>) src(%dma_wait3A_231 : memref<67107968xf32, #tpu.memory_space<hbm>>) dst(%arg26 : memref<2048xf32, #tpu.memory_space<vmem>>)
    %dma_wait3A_232 = arith.constant 0 : i32
    %dma_wait3A_233 = tpu.memref_slice %arg4[%dma_wait3A_232] : memref<8388608xf32, #tpu.memory_space<hbm>> -> memref<8388608xf32, #tpu.memory_space<hbm>>
    tpu.wait_indirect_dma semaphore(%arg32 : memref<!tpu.dma_semaphore, #tpu.memory_space<semaphore_mem>>) src(%dma_wait3A_233 : memref<8388608xf32, #tpu.memory_space<hbm>>) dst(%arg28 : memref<2048xf32, #tpu.memory_space<vmem>>)
    %scan3A_234 = arith.constant 0 : i32
    %scan3A_235 = arith.constant 128 : i32
    %scan3A_236 = arith.addi %scan3A_234, %scan3A_235 : i32
    %scan3A_237 = arith.constant 1 : i32
    %scan3A_238:9 = scf.for %scan3A_298 = %scan3A_234 to %scan3A_236 step %scan3A_237 iter_args(%scan3A_299 = %broadcast_in_dim3A_1, %scan3A_300 = %broadcast_in_dim3A_1, %scan3A_301 = %broadcast_in_dim3A_1, %scan3A_302 = %broadcast_in_dim3A_1, %scan3A_303 = %broadcast_in_dim3A_1, %scan3A_304 = %broadcast_in_dim3A_1, %scan3A_305 = %broadcast_in_dim3A_1, %scan3A_306 = %broadcast_in_dim3A_1, %scan3A_307 = %broadcast_in_dim3A_1) -> (vector<16xf32>, vector<16xf32>, vector<16xf32>, vector<16xf32>, vector<16xf32>, vector<16xf32>, vector<16xf32>, vector<16xf32>, vector<16xf32>)  : i32 {
      %mul3A_308 = arith.constant 16 : i32
      %mul3A_309 = arith.muli %scan3A_298, %mul3A_308 : i32
      %get3A = arith.index_cast %mul3A_309 : i32 to index
      %get3A_310 = tpu.vector_load %arg19[%get3A] {strides = array<i32>} : memref<2048xf32, #tpu.memory_space<vmem>>, vector<16xf32>,
      %add3A_311 = arith.addf %scan3A_299, %get3A_310 : vector<16xf32>
      %mul3A_312 = arith.constant 16 : i32
      %mul3A_313 = arith.muli %scan3A_298, %mul3A_312 : i32
      %get3A_314 = arith.index_cast %mul3A_313 : i32 to index
      %get3A_315 = tpu.vector_load %arg20[%get3A_314] {strides = array<i32>} : memref<2048xf32, #tpu.memory_space<vmem>>, vector<16xf32>,
      %add3A_316 = arith.addf %scan3A_300, %get3A_315 : vector<16xf32>
      %mul3A_317 = arith.constant 16 : i32
      %mul3A_318 = arith.muli %scan3A_298, %mul3A_317 : i32
      %get3A_319 = arith.index_cast %mul3A_318 : i32 to index
      %get3A_320 = tpu.vector_load %arg21[%get3A_319] {strides = array<i32>} : memref<2048xf32, #tpu.memory_space<vmem>>, vector<16xf32>,
      %add3A_321 = arith.addf %scan3A_301, %get3A_320 : vector<16xf32>
      %mul3A_322 = arith.constant 16 : i32
      %mul3A_323 = arith.muli %scan3A_298, %mul3A_322 : i32
      %get3A_324 = arith.index_cast %mul3A_323 : i32 to index
      %get3A_325 = tpu.vector_load %arg22[%get3A_324] {strides = array<i32>} : memref<2048xf32, #tpu.memory_space<vmem>>, vector<16xf32>,
      %add3A_326 = arith.addf %scan3A_302, %get3A_325 : vector<16xf32>
      %mul3A_327 = arith.constant 16 : i32
      %mul3A_328 = arith.muli %scan3A_298, %mul3A_327 : i32
      %get3A_329 = arith.index_cast %mul3A_328 : i32 to index
      %get3A_330 = tpu.vector_load %arg23[%get3A_329] {strides = array<i32>} : memref<2048xf32, #tpu.memory_space<vmem>>, vector<16xf32>,
      %add3A_331 = arith.addf %scan3A_303, %get3A_330 : vector<16xf32>
      %mul3A_332 = arith.constant 16 : i32
      %mul3A_333 = arith.muli %scan3A_298, %mul3A_332 : i32
      %get3A_334 = arith.index_cast %mul3A_333 : i32 to index
      %get3A_335 = tpu.vector_load %arg24[%get3A_334] {strides = array<i32>} : memref<2048xf32, #tpu.memory_space<vmem>>, vector<16xf32>,
      %add3A_336 = arith.addf %scan3A_304, %get3A_335 : vector<16xf32>
      %mul3A_337 = arith.constant 16 : i32
      %mul3A_338 = arith.muli %scan3A_298, %mul3A_337 : i32
      %get3A_339 = arith.index_cast %mul3A_338 : i32 to index
      %get3A_340 = tpu.vector_load %arg25[%get3A_339] {strides = array<i32>} : memref<2048xf32, #tpu.memory_space<vmem>>, vector<16xf32>,
      %add3A_341 = arith.addf %scan3A_305, %get3A_340 : vector<16xf32>
      %mul3A_342 = arith.constant 16 : i32
      %mul3A_343 = arith.muli %scan3A_298, %mul3A_342 : i32
      %get3A_344 = arith.index_cast %mul3A_343 : i32 to index
      %get3A_345 = tpu.vector_load %arg26[%get3A_344] {strides = array<i32>} : memref<2048xf32, #tpu.memory_space<vmem>>, vector<16xf32>,
      %add3A_346 = arith.addf %scan3A_306, %get3A_345 : vector<16xf32>
      %mul3A_347 = arith.constant 16 : i32
      %mul3A_348 = arith.muli %scan3A_298, %mul3A_347 : i32
      %get3A_349 = arith.index_cast %mul3A_348 : i32 to index
      %get3A_350 = tpu.vector_load %arg28[%get3A_349] {strides = array<i32>} : memref<2048xf32, #tpu.memory_space<vmem>>, vector<16xf32>,
      %add3A_351 = arith.addf %scan3A_307, %get3A_350 : vector<16xf32>
      scf.yield %add3A_311, %add3A_316, %add3A_321, %add3A_326, %add3A_331, %add3A_336, %add3A_341, %add3A_346, %add3A_351 : vector<16xf32>, vector<16xf32>, vector<16xf32>, vector<16xf32>, vector<16xf32>, vector<16xf32>, vector<16xf32>, vector<16xf32>, vector<16xf32>
    }
    %scan3A_239 = arith.constant 128 : i32
    %mul3A_240 = arith.constant 8 : i32
    %mul3A_241 = vector.broadcast %mul3A_240 : i32 to vector<16xi32>
    %mul3A_242 = arith.muli %iota3A, %mul3A_241 : vector<16xi32>
    %add3A_243 = arith.constant 0 : i32
    %add3A_244 = vector.broadcast %add3A_243 : i32 to vector<16xi32>
    %add3A_245 = arith.addi %mul3A_242, %add3A_244 : vector<16xi32>
    tpu.vector_store_idx %arg29[%add3A_245], %scan3A_238#0 : memref<128xf32, #tpu.memory_space<vmem>>[vector<16xi32>], vector<16xf32>,
    %mul3A_246 = arith.constant 8 : i32
    %mul3A_247 = vector.broadcast %mul3A_246 : i32 to vector<16xi32>
    %mul3A_248 = arith.muli %iota3A, %mul3A_247 : vector<16xi32>
    %add3A_249 = arith.constant 1 : i32
    %add3A_250 = vector.broadcast %add3A_249 : i32 to vector<16xi32>
    %add3A_251 = arith.addi %mul3A_248, %add3A_250 : vector<16xi32>
    tpu.vector_store_idx %arg29[%add3A_251], %scan3A_238#1 : memref<128xf32, #tpu.memory_space<vmem>>[vector<16xi32>], vector<16xf32>,
    %mul3A_252 = arith.constant 8 : i32
    %mul3A_253 = vector.broadcast %mul3A_252 : i32 to vector<16xi32>
    %mul3A_254 = arith.muli %iota3A, %mul3A_253 : vector<16xi32>
    %add3A_255 = arith.constant 2 : i32
    %add3A_256 = vector.broadcast %add3A_255 : i32 to vector<16xi32>
    %add3A_257 = arith.addi %mul3A_254, %add3A_256 : vector<16xi32>
    tpu.vector_store_idx %arg29[%add3A_257], %scan3A_238#2 : memref<128xf32, #tpu.memory_space<vmem>>[vector<16xi32>], vector<16xf32>,
    %mul3A_258 = arith.constant 8 : i32
    %mul3A_259 = vector.broadcast %mul3A_258 : i32 to vector<16xi32>
    %mul3A_260 = arith.muli %iota3A, %mul3A_259 : vector<16xi32>
    %add3A_261 = arith.constant 3 : i32
    %add3A_262 = vector.broadcast %add3A_261 : i32 to vector<16xi32>
    %add3A_263 = arith.addi %mul3A_260, %add3A_262 : vector<16xi32>
    tpu.vector_store_idx %arg29[%add3A_263], %scan3A_238#3 : memref<128xf32, #tpu.memory_space<vmem>>[vector<16xi32>], vector<16xf32>,
    %mul3A_264 = arith.constant 8 : i32
    %mul3A_265 = vector.broadcast %mul3A_264 : i32 to vector<16xi32>
    %mul3A_266 = arith.muli %iota3A, %mul3A_265 : vector<16xi32>
    %add3A_267 = arith.constant 4 : i32
    %add3A_268 = vector.broadcast %add3A_267 : i32 to vector<16xi32>
    %add3A_269 = arith.addi %mul3A_266, %add3A_268 : vector<16xi32>
    tpu.vector_store_idx %arg29[%add3A_269], %scan3A_238#4 : memref<128xf32, #tpu.memory_space<vmem>>[vector<16xi32>], vector<16xf32>,
    %mul3A_270 = arith.constant 8 : i32
    %mul3A_271 = vector.broadcast %mul3A_270 : i32 to vector<16xi32>
    %mul3A_272 = arith.muli %iota3A, %mul3A_271 : vector<16xi32>
    %add3A_273 = arith.constant 5 : i32
    %add3A_274 = vector.broadcast %add3A_273 : i32 to vector<16xi32>
    %add3A_275 = arith.addi %mul3A_272, %add3A_274 : vector<16xi32>
    tpu.vector_store_idx %arg29[%add3A_275], %scan3A_238#5 : memref<128xf32, #tpu.memory_space<vmem>>[vector<16xi32>], vector<16xf32>,
    %mul3A_276 = arith.constant 8 : i32
    %mul3A_277 = vector.broadcast %mul3A_276 : i32 to vector<16xi32>
    %mul3A_278 = arith.muli %iota3A, %mul3A_277 : vector<16xi32>
    %add3A_279 = arith.constant 6 : i32
    %add3A_280 = vector.broadcast %add3A_279 : i32 to vector<16xi32>
    %add3A_281 = arith.addi %mul3A_278, %add3A_280 : vector<16xi32>
    tpu.vector_store_idx %arg29[%add3A_281], %scan3A_238#6 : memref<128xf32, #tpu.memory_space<vmem>>[vector<16xi32>], vector<16xf32>,
    %mul3A_282 = arith.constant 8 : i32
    %mul3A_283 = vector.broadcast %mul3A_282 : i32 to vector<16xi32>
    %mul3A_284 = arith.muli %iota3A, %mul3A_283 : vector<16xi32>
    %add3A_285 = arith.constant 7 : i32
    %add3A_286 = vector.broadcast %add3A_285 : i32 to vector<16xi32>
    %add3A_287 = arith.addi %mul3A_284, %add3A_286 : vector<16xi32>
    tpu.vector_store_idx %arg29[%add3A_287], %scan3A_238#7 : memref<128xf32, #tpu.memory_space<vmem>>[vector<16xi32>], vector<16xf32>,
    %swap3A_288 = arith.constant 0 : index
    %swap3A_289 = tpu.vector_load %arg30[%swap3A_288] {strides = array<i32>} : memref<16xf32, #tpu.memory_space<vmem>>, vector<16xf32>,
    tpu.vector_store %arg30[%swap3A_288], %scan3A_238#8 {strides = array<i32>} : memref<16xf32, #tpu.memory_space<vmem>>, vector<16xf32>,
    %mul3A_290 = arith.constant 32 : i32
    %mul3A_291 = arith.muli %add3A, %mul3A_290 : i32
    %mul3A_292 = arith.constant 16 : i32
    %mul3A_293 = arith.muli %add3A_199, %mul3A_292 : i32
    %add3A_294 = arith.addi %mul3A_291, %mul3A_293 : i32
    %mul3A_295 = arith.constant 8 : i32
    %mul3A_296 = arith.muli %add3A_294, %mul3A_295 : i32
    "tpu.region"() ({
      %run_scoped3A = tpu.sem_alloc : memref<!tpu.dma_semaphore, #tpu.memory_space<semaphore_mem>>
      %dma_start3A_298 = tpu.memref_slice %arg5[%mul3A_296] : memref<8192xf32, #tpu.memory_space<hbm>> -> memref<128xf32, #tpu.memory_space<hbm>>
      %dma_start3A_299 = tpu.memref_slice %arg5[%mul3A_296] : memref<8192xf32, #tpu.memory_space<hbm>> -> memref<128xf32, #tpu.memory_space<hbm>>
      tpu.enqueue_dma source(%arg29 : memref<128xf32, #tpu.memory_space<vmem>>) target(%dma_start3A_299 : memref<128xf32, #tpu.memory_space<hbm>>) target_semaphore(%run_scoped3A : memref<!tpu.dma_semaphore, #tpu.memory_space<semaphore_mem>>)
      %dma_wait3A_300 = tpu.memref_slice %arg5[%mul3A_296] : memref<8192xf32, #tpu.memory_space<hbm>> -> memref<128xf32, #tpu.memory_space<hbm>>
      %dma_wait3A_301 = tpu.memref_slice %arg5[%mul3A_296] : memref<8192xf32, #tpu.memory_space<hbm>> -> memref<128xf32, #tpu.memory_space<hbm>>
      tpu.wait_dma2 semaphore(%run_scoped3A : memref<!tpu.dma_semaphore, #tpu.memory_space<semaphore_mem>>) src(%arg29 : memref<128xf32, #tpu.memory_space<vmem>>) dst(%dma_wait3A_301 : memref<128xf32, #tpu.memory_space<hbm>>)
      tpu.yield
    }) : () -> ()
    "tpu.region"() ({
      %run_scoped3A = tpu.sem_alloc : memref<!tpu.dma_semaphore, #tpu.memory_space<semaphore_mem>>
      %dma_start3A_298 = tpu.memref_slice %arg6[%add3A_294] : memref<1024xf32, #tpu.memory_space<hbm>> -> memref<16xf32, #tpu.memory_space<hbm>>
      %dma_start3A_299 = tpu.memref_slice %arg6[%add3A_294] : memref<1024xf32, #tpu.memory_space<hbm>> -> memref<16xf32, #tpu.memory_space<hbm>>
      tpu.enqueue_dma source(%arg30 : memref<16xf32, #tpu.memory_space<vmem>>) target(%dma_start3A_299 : memref<16xf32, #tpu.memory_space<hbm>>) target_semaphore(%run_scoped3A : memref<!tpu.dma_semaphore, #tpu.memory_space<semaphore_mem>>)
      %dma_wait3A_300 = tpu.memref_slice %arg6[%add3A_294] : memref<1024xf32, #tpu.memory_space<hbm>> -> memref<16xf32, #tpu.memory_space<hbm>>
      %dma_wait3A_301 = tpu.memref_slice %arg6[%add3A_294] : memref<1024xf32, #tpu.memory_space<hbm>> -> memref<16xf32, #tpu.memory_space<hbm>>
      tpu.wait_dma2 semaphore(%run_scoped3A : memref<!tpu.dma_semaphore, #tpu.memory_space<semaphore_mem>>) src(%arg30 : memref<16xf32, #tpu.memory_space<vmem>>) dst(%dma_wait3A_301 : memref<16xf32, #tpu.memory_space<hbm>>)
      tpu.yield
    }) : () -> ()
    %scan3A_297 = arith.constant 1 : i32
    return
  }
}

#map = affine_map<(d0, d1) -> (0)>
module attributes {stable_mosaic.version = 14 : i64} {
  func.func @_bag_body(%arg0: i32, %arg1: i32, %arg2: memref<131072xi32, #tpu.memory_space<hbm>>, %arg3: memref<67108864xf32, #tpu.memory_space<hbm>>, %arg4: memref<8388608xf32, #tpu.memory_space<hbm>>, %arg5: memref<8192xf32, #tpu.memory_space<hbm>>, %arg6: memref<1024xf32, #tpu.memory_space<hbm>>, %arg7: memref<2048xi32, #tpu.memory_space<vmem>>, %arg8: memref<2048xf32, #tpu.memory_space<vmem>>, %arg9: memref<2048xf32, #tpu.memory_space<vmem>>, %arg10: memref<2048xf32, #tpu.memory_space<vmem>>, %arg11: memref<2048xf32, #tpu.memory_space<vmem>>, %arg12: memref<2048xf32, #tpu.memory_space<vmem>>, %arg13: memref<2048xf32, #tpu.memory_space<vmem>>, %arg14: memref<2048xf32, #tpu.memory_space<vmem>>, %arg15: memref<2048xf32, #tpu.memory_space<vmem>>, %arg16: memref<2048xi32, #tpu.memory_space<vmem>>, %arg17: memref<2048xf32, #tpu.memory_space<vmem>>, %arg18: memref<2048xi32, #tpu.memory_space<vmem>>, %arg19: memref<2048xf32, #tpu.memory_space<vmem>>, %arg20: memref<2048xf32, #tpu.memory_space<vmem>>, %arg21: memref<2048xf32, #tpu.memory_space<vmem>>, %arg22: memref<2048xf32, #tpu.memory_space<vmem>>, %arg23: memref<2048xf32, #tpu.memory_space<vmem>>, %arg24: memref<2048xf32, #tpu.memory_space<vmem>>, %arg25: memref<2048xf32, #tpu.memory_space<vmem>>, %arg26: memref<2048xf32, #tpu.memory_space<vmem>>, %arg27: memref<2048xi32, #tpu.memory_space<vmem>>, %arg28: memref<2048xf32, #tpu.memory_space<vmem>>, %arg29: memref<128xf32, #tpu.memory_space<vmem>>, %arg30: memref<16xf32, #tpu.memory_space<vmem>>, %arg31: memref<!tpu.dma_semaphore, #tpu.memory_space<semaphore_mem>>, %arg32: memref<!tpu.dma_semaphore, #tpu.memory_space<semaphore_mem>>) attributes {dimension_semantics = [#tpu.dimension_semantics<core_parallel>, #tpu.dimension_semantics<subcore_parallel>], iteration_bounds = array<i64: 2, 16>, scalar_prefetch = 0 : i64, scratch_operands = 26 : i64, tpu.core_type = #tpu.core_type<sc_vector_subcore>, window_params = [{transform_indices = #map}, {transform_indices = #map}, {transform_indices = #map}, {transform_indices = #map}, {transform_indices = #map}]} {
    %mul3A = arith.constant 2 : i32
    %mul3A_0 = arith.muli %arg1, %mul3A : i32
    %add3A = arith.addi %mul3A_0, %arg0 : i32
    %iota3A = tpu.iota {dimensions = array<i32: 0>} : vector<16xi32>
    %broadcast_in_dim3A = arith.constant 0.000000e+00 : f32
    %broadcast_in_dim3A_1 = vector.broadcast %broadcast_in_dim3A : f32 to vector<16xf32>
    %mul3A_2 = arith.constant 2 : i32
    %mul3A_3 = arith.muli %add3A, %mul3A_2 : i32
    %add3A_4 = arith.constant 0 : i32
    %add3A_5 = arith.addi %mul3A_3, %add3A_4 : i32
    %mul3A_6 = arith.constant 2048 : i32
    %mul3A_7 = arith.muli %add3A_5, %mul3A_6 : i32
    "tpu.region"() ({
      %run_scoped3A = tpu.sem_alloc : memref<!tpu.dma_semaphore, #tpu.memory_space<semaphore_mem>>
      %dma_start3A_298 = tpu.memref_slice %arg2[%mul3A_7] : memref<131072xi32, #tpu.memory_space<hbm>> -> memref<2048xi32, #tpu.memory_space<hbm>>
      %dma_start3A_299 = tpu.memref_slice %arg2[%mul3A_7] : memref<131072xi32, #tpu.memory_space<hbm>> -> memref<2048xi32, #tpu.memory_space<hbm>>
      tpu.enqueue_dma source(%dma_start3A_299 : memref<2048xi32, #tpu.memory_space<hbm>>) target(%arg16 : memref<2048xi32, #tpu.memory_space<vmem>>) target_semaphore(%run_scoped3A : memref<!tpu.dma_semaphore, #tpu.memory_space<semaphore_mem>>)
      %dma_wait3A_300 = tpu.memref_slice %arg2[%mul3A_7] : memref<131072xi32, #tpu.memory_space<hbm>> -> memref<2048xi32, #tpu.memory_space<hbm>>
      %dma_wait3A_301 = tpu.memref_slice %arg2[%mul3A_7] : memref<131072xi32, #tpu.memory_space<hbm>> -> memref<2048xi32, #tpu.memory_space<hbm>>
      tpu.wait_dma2 semaphore(%run_scoped3A : memref<!tpu.dma_semaphore, #tpu.memory_space<semaphore_mem>>) src(%dma_wait3A_301 : memref<2048xi32, #tpu.memory_space<hbm>>) dst(%arg16 : memref<2048xi32, #tpu.memory_space<vmem>>)
      tpu.yield
    }) : () -> ()
    %dma_start3A = arith.constant 0 : i32
    %dma_start3A_8 = tpu.memref_slice %arg4[%dma_start3A] : memref<8388608xf32, #tpu.memory_space<hbm>> -> memref<8388608xf32, #tpu.memory_space<hbm>>
    tpu.enqueue_indirect_dma source(%dma_start3A_8 : memref<8388608xf32, #tpu.memory_space<hbm>>) target(%arg17 : memref<2048xf32, #tpu.memory_space<vmem>>) offsets(%arg16 : memref<2048xi32, #tpu.memory_space<vmem>>) semaphore(%arg31 : memref<!tpu.dma_semaphore, #tpu.memory_space<semaphore_mem>>)
    %scan3A = arith.constant 0 : i32
    %scan3A_9 = arith.constant 0 : i32
    %scan3A_10 = arith.constant 128 : i32
    %scan3A_11 = arith.addi %scan3A_9, %scan3A_10 : i32
    %scan3A_12 = arith.constant 1 : i32
    scf.for %scan3A_298 = %scan3A_9 to %scan3A_11 step %scan3A_12  : i32 {
      %mul3A_299 = arith.constant 16 : i32
      %mul3A_300 = arith.muli %scan3A_298, %mul3A_299 : i32
      %get3A = arith.index_cast %mul3A_300 : i32 to index
      %get3A_301 = tpu.vector_load %arg16[%get3A] {strides = array<i32>} : memref<2048xi32, #tpu.memory_space<vmem>>, vector<16xi32>,
      %shift_right_arithmetic3A = arith.constant 7 : i32
      %shift_right_arithmetic3A_302 = vector.broadcast %shift_right_arithmetic3A : i32 to vector<16xi32>
      %shift_right_arithmetic3A_303 = arith.shrsi %get3A_301, %shift_right_arithmetic3A_302 : vector<16xi32>
      %shift_left3A = arith.constant 10 : i32
      %shift_left3A_304 = vector.broadcast %shift_left3A : i32 to vector<16xi32>
      %shift_left3A_305 = arith.shli %shift_right_arithmetic3A_303, %shift_left3A_304 : vector<16xi32>
      %and3A = arith.constant 127 : i32
      %and3A_306 = vector.broadcast %and3A : i32 to vector<16xi32>
      %and3A_307 = arith.andi %get3A_301, %and3A_306 : vector<16xi32>
      %or3A = arith.ori %shift_left3A_305, %and3A_307 : vector<16xi32>
      %mul3A_308 = arith.constant 16 : i32
      %mul3A_309 = arith.muli %scan3A_298, %mul3A_308 : i32
      %swap3A_310 = arith.index_cast %mul3A_309 : i32 to index
      %swap3A_311 = tpu.vector_load %arg7[%swap3A_310] {strides = array<i32>} : memref<2048xi32, #tpu.memory_space<vmem>>, vector<16xi32>,
      tpu.vector_store %arg7[%swap3A_310], %or3A {strides = array<i32>} : memref<2048xi32, #tpu.memory_space<vmem>>, vector<16xi32>,
    }
    %scan3A_13 = arith.constant 128 : i32
    %dma_start3A_14 = arith.constant 0 : i32
    %dma_start3A_15 = tpu.memref_slice %arg3[%dma_start3A_14] : memref<67108864xf32, #tpu.memory_space<hbm>> -> memref<67108864xf32, #tpu.memory_space<hbm>>
    %dma_start3A_16 = arith.constant 0 : i32
    %dma_start3A_17 = tpu.memref_slice %dma_start3A_15[%dma_start3A_16] : memref<67108864xf32, #tpu.memory_space<hbm>> -> memref<67108864xf32, #tpu.memory_space<hbm>>
    tpu.enqueue_indirect_dma source(%dma_start3A_17 : memref<67108864xf32, #tpu.memory_space<hbm>>) target(%arg8 : memref<2048xf32, #tpu.memory_space<vmem>>) offsets(%arg7 : memref<2048xi32, #tpu.memory_space<vmem>>) semaphore(%arg31 : memref<!tpu.dma_semaphore, #tpu.memory_space<semaphore_mem>>)
    %dma_start3A_18 = arith.constant 128 : i32
    %dma_start3A_19 = tpu.memref_slice %arg3[%dma_start3A_18] : memref<67108864xf32, #tpu.memory_space<hbm>> -> memref<67108736xf32, #tpu.memory_space<hbm>>
    %dma_start3A_20 = arith.constant 0 : i32
    %dma_start3A_21 = tpu.memref_slice %dma_start3A_19[%dma_start3A_20] : memref<67108736xf32, #tpu.memory_space<hbm>> -> memref<67108736xf32, #tpu.memory_space<hbm>>
    tpu.enqueue_indirect_dma source(%dma_start3A_21 : memref<67108736xf32, #tpu.memory_space<hbm>>) target(%arg9 : memref<2048xf32, #tpu.memory_space<vmem>>) offsets(%arg7 : memref<2048xi32, #tpu.memory_space<vmem>>) semaphore(%arg31 : memref<!tpu.dma_semaphore, #tpu.memory_space<semaphore_mem>>)
    %dma_start3A_22 = arith.constant 256 : i32
    %dma_start3A_23 = tpu.memref_slice %arg3[%dma_start3A_22] : memref<67108864xf32, #tpu.memory_space<hbm>> -> memref<67108608xf32, #tpu.memory_space<hbm>>
    %dma_start3A_24 = arith.constant 0 : i32
    %dma_start3A_25 = tpu.memref_slice %dma_start3A_23[%dma_start3A_24] : memref<67108608xf32, #tpu.memory_space<hbm>> -> memref<67108608xf32, #tpu.memory_space<hbm>>
    tpu.enqueue_indirect_dma source(%dma_start3A_25 : memref<67108608xf32, #tpu.memory_space<hbm>>) target(%arg10 : memref<2048xf32, #tpu.memory_space<vmem>>) offsets(%arg7 : memref<2048xi32, #tpu.memory_space<vmem>>) semaphore(%arg31 : memref<!tpu.dma_semaphore, #tpu.memory_space<semaphore_mem>>)
    %dma_start3A_26 = arith.constant 384 : i32
    %dma_start3A_27 = tpu.memref_slice %arg3[%dma_start3A_26] : memref<67108864xf32, #tpu.memory_space<hbm>> -> memref<67108480xf32, #tpu.memory_space<hbm>>
    %dma_start3A_28 = arith.constant 0 : i32
    %dma_start3A_29 = tpu.memref_slice %dma_start3A_27[%dma_start3A_28] : memref<67108480xf32, #tpu.memory_space<hbm>> -> memref<67108480xf32, #tpu.memory_space<hbm>>
    tpu.enqueue_indirect_dma source(%dma_start3A_29 : memref<67108480xf32, #tpu.memory_space<hbm>>) target(%arg11 : memref<2048xf32, #tpu.memory_space<vmem>>) offsets(%arg7 : memref<2048xi32, #tpu.memory_space<vmem>>) semaphore(%arg31 : memref<!tpu.dma_semaphore, #tpu.memory_space<semaphore_mem>>)
    %dma_start3A_30 = arith.constant 512 : i32
    %dma_start3A_31 = tpu.memref_slice %arg3[%dma_start3A_30] : memref<67108864xf32, #tpu.memory_space<hbm>> -> memref<67108352xf32, #tpu.memory_space<hbm>>
    %dma_start3A_32 = arith.constant 0 : i32
    %dma_start3A_33 = tpu.memref_slice %dma_start3A_31[%dma_start3A_32] : memref<67108352xf32, #tpu.memory_space<hbm>> -> memref<67108352xf32, #tpu.memory_space<hbm>>
    tpu.enqueue_indirect_dma source(%dma_start3A_33 : memref<67108352xf32, #tpu.memory_space<hbm>>) target(%arg12 : memref<2048xf32, #tpu.memory_space<vmem>>) offsets(%arg7 : memref<2048xi32, #tpu.memory_space<vmem>>) semaphore(%arg31 : memref<!tpu.dma_semaphore, #tpu.memory_space<semaphore_mem>>)
    %dma_start3A_34 = arith.constant 640 : i32
    %dma_start3A_35 = tpu.memref_slice %arg3[%dma_start3A_34] : memref<67108864xf32, #tpu.memory_space<hbm>> -> memref<67108224xf32, #tpu.memory_space<hbm>>
    %dma_start3A_36 = arith.constant 0 : i32
    %dma_start3A_37 = tpu.memref_slice %dma_start3A_35[%dma_start3A_36] : memref<67108224xf32, #tpu.memory_space<hbm>> -> memref<67108224xf32, #tpu.memory_space<hbm>>
    tpu.enqueue_indirect_dma source(%dma_start3A_37 : memref<67108224xf32, #tpu.memory_space<hbm>>) target(%arg13 : memref<2048xf32, #tpu.memory_space<vmem>>) offsets(%arg7 : memref<2048xi32, #tpu.memory_space<vmem>>) semaphore(%arg31 : memref<!tpu.dma_semaphore, #tpu.memory_space<semaphore_mem>>)
    %dma_start3A_38 = arith.constant 768 : i32
    %dma_start3A_39 = tpu.memref_slice %arg3[%dma_start3A_38] : memref<67108864xf32, #tpu.memory_space<hbm>> -> memref<67108096xf32, #tpu.memory_space<hbm>>
    %dma_start3A_40 = arith.constant 0 : i32
    %dma_start3A_41 = tpu.memref_slice %dma_start3A_39[%dma_start3A_40] : memref<67108096xf32, #tpu.memory_space<hbm>> -> memref<67108096xf32, #tpu.memory_space<hbm>>
    tpu.enqueue_indirect_dma source(%dma_start3A_41 : memref<67108096xf32, #tpu.memory_space<hbm>>) target(%arg14 : memref<2048xf32, #tpu.memory_space<vmem>>) offsets(%arg7 : memref<2048xi32, #tpu.memory_space<vmem>>) semaphore(%arg31 : memref<!tpu.dma_semaphore, #tpu.memory_space<semaphore_mem>>)
    %dma_start3A_42 = arith.constant 896 : i32
    %dma_start3A_43 = tpu.memref_slice %arg3[%dma_start3A_42] : memref<67108864xf32, #tpu.memory_space<hbm>> -> memref<67107968xf32, #tpu.memory_space<hbm>>
    %dma_start3A_44 = arith.constant 0 : i32
    %dma_start3A_45 = tpu.memref_slice %dma_start3A_43[%dma_start3A_44] : memref<67107968xf32, #tpu.memory_space<hbm>> -> memref<67107968xf32, #tpu.memory_space<hbm>>
    tpu.enqueue_indirect_dma source(%dma_start3A_45 : memref<67107968xf32, #tpu.memory_space<hbm>>) target(%arg15 : memref<2048xf32, #tpu.memory_space<vmem>>) offsets(%arg7 : memref<2048xi32, #tpu.memory_space<vmem>>) semaphore(%arg31 : memref<!tpu.dma_semaphore, #tpu.memory_space<semaphore_mem>>)
    %scan3A_46 = arith.constant 0 : i32
    %scan3A_47 = arith.constant 0 : i32
    %mul3A_48 = arith.constant 2 : i32
    %mul3A_49 = arith.muli %scan3A_47, %mul3A_48 : i32
    %add3A_50 = arith.constant 1 : i32
    %add3A_51 = arith.addi %mul3A_49, %add3A_50 : i32
    %mul3A_52 = arith.constant 2 : i32
    %mul3A_53 = arith.muli %add3A, %mul3A_52 : i32
    %add3A_54 = arith.addi %mul3A_53, %add3A_51 : i32
    %mul3A_55 = arith.constant 2048 : i32
    %mul3A_56 = arith.muli %add3A_54, %mul3A_55 : i32
    "tpu.region"() ({
      %run_scoped3A = tpu.sem_alloc : memref<!tpu.dma_semaphore, #tpu.memory_space<semaphore_mem>>
      %dma_start3A_298 = tpu.memref_slice %arg2[%mul3A_56] : memref<131072xi32, #tpu.memory_space<hbm>> -> memref<2048xi32, #tpu.memory_space<hbm>>
      %dma_start3A_299 = tpu.memref_slice %arg2[%mul3A_56] : memref<131072xi32, #tpu.memory_space<hbm>> -> memref<2048xi32, #tpu.memory_space<hbm>>
      tpu.enqueue_dma source(%dma_start3A_299 : memref<2048xi32, #tpu.memory_space<hbm>>) target(%arg27 : memref<2048xi32, #tpu.memory_space<vmem>>) target_semaphore(%run_scoped3A : memref<!tpu.dma_semaphore, #tpu.memory_space<semaphore_mem>>)
      %dma_wait3A_300 = tpu.memref_slice %arg2[%mul3A_56] : memref<131072xi32, #tpu.memory_space<hbm>> -> memref<2048xi32, #tpu.memory_space<hbm>>
      %dma_wait3A_301 = tpu.memref_slice %arg2[%mul3A_56] : memref<131072xi32, #tpu.memory_space<hbm>> -> memref<2048xi32, #tpu.memory_space<hbm>>
      tpu.wait_dma2 semaphore(%run_scoped3A : memref<!tpu.dma_semaphore, #tpu.memory_space<semaphore_mem>>) src(%dma_wait3A_301 : memref<2048xi32, #tpu.memory_space<hbm>>) dst(%arg27 : memref<2048xi32, #tpu.memory_space<vmem>>)
      tpu.yield
    }) : () -> ()
    %dma_start3A_57 = arith.constant 0 : i32
    %dma_start3A_58 = tpu.memref_slice %arg4[%dma_start3A_57] : memref<8388608xf32, #tpu.memory_space<hbm>> -> memref<8388608xf32, #tpu.memory_space<hbm>>
    tpu.enqueue_indirect_dma source(%dma_start3A_58 : memref<8388608xf32, #tpu.memory_space<hbm>>) target(%arg28 : memref<2048xf32, #tpu.memory_space<vmem>>) offsets(%arg27 : memref<2048xi32, #tpu.memory_space<vmem>>) semaphore(%arg32 : memref<!tpu.dma_semaphore, #tpu.memory_space<semaphore_mem>>)
    %scan3A_59 = arith.constant 0 : i32
    %scan3A_60 = arith.constant 0 : i32
    %scan3A_61 = arith.constant 128 : i32
    %scan3A_62 = arith.addi %scan3A_60, %scan3A_61 : i32
    %scan3A_63 = arith.constant 1 : i32
    scf.for %scan3A_298 = %scan3A_60 to %scan3A_62 step %scan3A_63  : i32 {
      %mul3A_299 = arith.constant 16 : i32
      %mul3A_300 = arith.muli %scan3A_298, %mul3A_299 : i32
      %get3A = arith.index_cast %mul3A_300 : i32 to index
      %get3A_301 = tpu.vector_load %arg27[%get3A] {strides = array<i32>} : memref<2048xi32, #tpu.memory_space<vmem>>, vector<16xi32>,
      %shift_right_arithmetic3A = arith.constant 7 : i32
      %shift_right_arithmetic3A_302 = vector.broadcast %shift_right_arithmetic3A : i32 to vector<16xi32>
      %shift_right_arithmetic3A_303 = arith.shrsi %get3A_301, %shift_right_arithmetic3A_302 : vector<16xi32>
      %shift_left3A = arith.constant 10 : i32
      %shift_left3A_304 = vector.broadcast %shift_left3A : i32 to vector<16xi32>
      %shift_left3A_305 = arith.shli %shift_right_arithmetic3A_303, %shift_left3A_304 : vector<16xi32>
      %and3A = arith.constant 127 : i32
      %and3A_306 = vector.broadcast %and3A : i32 to vector<16xi32>
      %and3A_307 = arith.andi %get3A_301, %and3A_306 : vector<16xi32>
      %or3A = arith.ori %shift_left3A_305, %and3A_307 : vector<16xi32>
      %mul3A_308 = arith.constant 16 : i32
      %mul3A_309 = arith.muli %scan3A_298, %mul3A_308 : i32
      %swap3A_310 = arith.index_cast %mul3A_309 : i32 to index
      %swap3A_311 = tpu.vector_load %arg18[%swap3A_310] {strides = array<i32>} : memref<2048xi32, #tpu.memory_space<vmem>>, vector<16xi32>,
      tpu.vector_store %arg18[%swap3A_310], %or3A {strides = array<i32>} : memref<2048xi32, #tpu.memory_space<vmem>>, vector<16xi32>,
    }
    %scan3A_64 = arith.constant 128 : i32
    %dma_start3A_65 = arith.constant 0 : i32
    %dma_start3A_66 = tpu.memref_slice %arg3[%dma_start3A_65] : memref<67108864xf32, #tpu.memory_space<hbm>> -> memref<67108864xf32, #tpu.memory_space<hbm>>
    %dma_start3A_67 = arith.constant 0 : i32
    %dma_start3A_68 = tpu.memref_slice %dma_start3A_66[%dma_start3A_67] : memref<67108864xf32, #tpu.memory_space<hbm>> -> memref<67108864xf32, #tpu.memory_space<hbm>>
    tpu.enqueue_indirect_dma source(%dma_start3A_68 : memref<67108864xf32, #tpu.memory_space<hbm>>) target(%arg19 : memref<2048xf32, #tpu.memory_space<vmem>>) offsets(%arg18 : memref<2048xi32, #tpu.memory_space<vmem>>) semaphore(%arg32 : memref<!tpu.dma_semaphore, #tpu.memory_space<semaphore_mem>>)
    %dma_start3A_69 = arith.constant 128 : i32
    %dma_start3A_70 = tpu.memref_slice %arg3[%dma_start3A_69] : memref<67108864xf32, #tpu.memory_space<hbm>> -> memref<67108736xf32, #tpu.memory_space<hbm>>
    %dma_start3A_71 = arith.constant 0 : i32
    %dma_start3A_72 = tpu.memref_slice %dma_start3A_70[%dma_start3A_71] : memref<67108736xf32, #tpu.memory_space<hbm>> -> memref<67108736xf32, #tpu.memory_space<hbm>>
    tpu.enqueue_indirect_dma source(%dma_start3A_72 : memref<67108736xf32, #tpu.memory_space<hbm>>) target(%arg20 : memref<2048xf32, #tpu.memory_space<vmem>>) offsets(%arg18 : memref<2048xi32, #tpu.memory_space<vmem>>) semaphore(%arg32 : memref<!tpu.dma_semaphore, #tpu.memory_space<semaphore_mem>>)
    %dma_start3A_73 = arith.constant 256 : i32
    %dma_start3A_74 = tpu.memref_slice %arg3[%dma_start3A_73] : memref<67108864xf32, #tpu.memory_space<hbm>> -> memref<67108608xf32, #tpu.memory_space<hbm>>
    %dma_start3A_75 = arith.constant 0 : i32
    %dma_start3A_76 = tpu.memref_slice %dma_start3A_74[%dma_start3A_75] : memref<67108608xf32, #tpu.memory_space<hbm>> -> memref<67108608xf32, #tpu.memory_space<hbm>>
    tpu.enqueue_indirect_dma source(%dma_start3A_76 : memref<67108608xf32, #tpu.memory_space<hbm>>) target(%arg21 : memref<2048xf32, #tpu.memory_space<vmem>>) offsets(%arg18 : memref<2048xi32, #tpu.memory_space<vmem>>) semaphore(%arg32 : memref<!tpu.dma_semaphore, #tpu.memory_space<semaphore_mem>>)
    %dma_start3A_77 = arith.constant 384 : i32
    %dma_start3A_78 = tpu.memref_slice %arg3[%dma_start3A_77] : memref<67108864xf32, #tpu.memory_space<hbm>> -> memref<67108480xf32, #tpu.memory_space<hbm>>
    %dma_start3A_79 = arith.constant 0 : i32
    %dma_start3A_80 = tpu.memref_slice %dma_start3A_78[%dma_start3A_79] : memref<67108480xf32, #tpu.memory_space<hbm>> -> memref<67108480xf32, #tpu.memory_space<hbm>>
    tpu.enqueue_indirect_dma source(%dma_start3A_80 : memref<67108480xf32, #tpu.memory_space<hbm>>) target(%arg22 : memref<2048xf32, #tpu.memory_space<vmem>>) offsets(%arg18 : memref<2048xi32, #tpu.memory_space<vmem>>) semaphore(%arg32 : memref<!tpu.dma_semaphore, #tpu.memory_space<semaphore_mem>>)
    %dma_start3A_81 = arith.constant 512 : i32
    %dma_start3A_82 = tpu.memref_slice %arg3[%dma_start3A_81] : memref<67108864xf32, #tpu.memory_space<hbm>> -> memref<67108352xf32, #tpu.memory_space<hbm>>
    %dma_start3A_83 = arith.constant 0 : i32
    %dma_start3A_84 = tpu.memref_slice %dma_start3A_82[%dma_start3A_83] : memref<67108352xf32, #tpu.memory_space<hbm>> -> memref<67108352xf32, #tpu.memory_space<hbm>>
    tpu.enqueue_indirect_dma source(%dma_start3A_84 : memref<67108352xf32, #tpu.memory_space<hbm>>) target(%arg23 : memref<2048xf32, #tpu.memory_space<vmem>>) offsets(%arg18 : memref<2048xi32, #tpu.memory_space<vmem>>) semaphore(%arg32 : memref<!tpu.dma_semaphore, #tpu.memory_space<semaphore_mem>>)
    %dma_start3A_85 = arith.constant 640 : i32
    %dma_start3A_86 = tpu.memref_slice %arg3[%dma_start3A_85] : memref<67108864xf32, #tpu.memory_space<hbm>> -> memref<67108224xf32, #tpu.memory_space<hbm>>
    %dma_start3A_87 = arith.constant 0 : i32
    %dma_start3A_88 = tpu.memref_slice %dma_start3A_86[%dma_start3A_87] : memref<67108224xf32, #tpu.memory_space<hbm>> -> memref<67108224xf32, #tpu.memory_space<hbm>>
    tpu.enqueue_indirect_dma source(%dma_start3A_88 : memref<67108224xf32, #tpu.memory_space<hbm>>) target(%arg24 : memref<2048xf32, #tpu.memory_space<vmem>>) offsets(%arg18 : memref<2048xi32, #tpu.memory_space<vmem>>) semaphore(%arg32 : memref<!tpu.dma_semaphore, #tpu.memory_space<semaphore_mem>>)
    %dma_start3A_89 = arith.constant 768 : i32
    %dma_start3A_90 = tpu.memref_slice %arg3[%dma_start3A_89] : memref<67108864xf32, #tpu.memory_space<hbm>> -> memref<67108096xf32, #tpu.memory_space<hbm>>
    %dma_start3A_91 = arith.constant 0 : i32
    %dma_start3A_92 = tpu.memref_slice %dma_start3A_90[%dma_start3A_91] : memref<67108096xf32, #tpu.memory_space<hbm>> -> memref<67108096xf32, #tpu.memory_space<hbm>>
    tpu.enqueue_indirect_dma source(%dma_start3A_92 : memref<67108096xf32, #tpu.memory_space<hbm>>) target(%arg25 : memref<2048xf32, #tpu.memory_space<vmem>>) offsets(%arg18 : memref<2048xi32, #tpu.memory_space<vmem>>) semaphore(%arg32 : memref<!tpu.dma_semaphore, #tpu.memory_space<semaphore_mem>>)
    %dma_start3A_93 = arith.constant 896 : i32
    %dma_start3A_94 = tpu.memref_slice %arg3[%dma_start3A_93] : memref<67108864xf32, #tpu.memory_space<hbm>> -> memref<67107968xf32, #tpu.memory_space<hbm>>
    %dma_start3A_95 = arith.constant 0 : i32
    %dma_start3A_96 = tpu.memref_slice %dma_start3A_94[%dma_start3A_95] : memref<67107968xf32, #tpu.memory_space<hbm>> -> memref<67107968xf32, #tpu.memory_space<hbm>>
    tpu.enqueue_indirect_dma source(%dma_start3A_96 : memref<67107968xf32, #tpu.memory_space<hbm>>) target(%arg26 : memref<2048xf32, #tpu.memory_space<vmem>>) offsets(%arg18 : memref<2048xi32, #tpu.memory_space<vmem>>) semaphore(%arg32 : memref<!tpu.dma_semaphore, #tpu.memory_space<semaphore_mem>>)
    %dma_wait3A = arith.constant 0 : i32
    %dma_wait3A_97 = tpu.memref_slice %arg3[%dma_wait3A] : memref<67108864xf32, #tpu.memory_space<hbm>> -> memref<67108864xf32, #tpu.memory_space<hbm>>
    %dma_wait3A_98 = arith.constant 0 : i32
    %dma_wait3A_99 = tpu.memref_slice %dma_wait3A_97[%dma_wait3A_98] : memref<67108864xf32, #tpu.memory_space<hbm>> -> memref<67108864xf32, #tpu.memory_space<hbm>>
    tpu.wait_indirect_dma semaphore(%arg31 : memref<!tpu.dma_semaphore, #tpu.memory_space<semaphore_mem>>) src(%dma_wait3A_99 : memref<67108864xf32, #tpu.memory_space<hbm>>) dst(%arg8 : memref<2048xf32, #tpu.memory_space<vmem>>)
    %dma_wait3A_100 = arith.constant 128 : i32
    %dma_wait3A_101 = tpu.memref_slice %arg3[%dma_wait3A_100] : memref<67108864xf32, #tpu.memory_space<hbm>> -> memref<67108736xf32, #tpu.memory_space<hbm>>
    %dma_wait3A_102 = arith.constant 0 : i32
    %dma_wait3A_103 = tpu.memref_slice %dma_wait3A_101[%dma_wait3A_102] : memref<67108736xf32, #tpu.memory_space<hbm>> -> memref<67108736xf32, #tpu.memory_space<hbm>>
    tpu.wait_indirect_dma semaphore(%arg31 : memref<!tpu.dma_semaphore, #tpu.memory_space<semaphore_mem>>) src(%dma_wait3A_103 : memref<67108736xf32, #tpu.memory_space<hbm>>) dst(%arg9 : memref<2048xf32, #tpu.memory_space<vmem>>)
    %dma_wait3A_104 = arith.constant 256 : i32
    %dma_wait3A_105 = tpu.memref_slice %arg3[%dma_wait3A_104] : memref<67108864xf32, #tpu.memory_space<hbm>> -> memref<67108608xf32, #tpu.memory_space<hbm>>
    %dma_wait3A_106 = arith.constant 0 : i32
    %dma_wait3A_107 = tpu.memref_slice %dma_wait3A_105[%dma_wait3A_106] : memref<67108608xf32, #tpu.memory_space<hbm>> -> memref<67108608xf32, #tpu.memory_space<hbm>>
    tpu.wait_indirect_dma semaphore(%arg31 : memref<!tpu.dma_semaphore, #tpu.memory_space<semaphore_mem>>) src(%dma_wait3A_107 : memref<67108608xf32, #tpu.memory_space<hbm>>) dst(%arg10 : memref<2048xf32, #tpu.memory_space<vmem>>)
    %dma_wait3A_108 = arith.constant 384 : i32
    %dma_wait3A_109 = tpu.memref_slice %arg3[%dma_wait3A_108] : memref<67108864xf32, #tpu.memory_space<hbm>> -> memref<67108480xf32, #tpu.memory_space<hbm>>
    %dma_wait3A_110 = arith.constant 0 : i32
    %dma_wait3A_111 = tpu.memref_slice %dma_wait3A_109[%dma_wait3A_110] : memref<67108480xf32, #tpu.memory_space<hbm>> -> memref<67108480xf32, #tpu.memory_space<hbm>>
    tpu.wait_indirect_dma semaphore(%arg31 : memref<!tpu.dma_semaphore, #tpu.memory_space<semaphore_mem>>) src(%dma_wait3A_111 : memref<67108480xf32, #tpu.memory_space<hbm>>) dst(%arg11 : memref<2048xf32, #tpu.memory_space<vmem>>)
    %dma_wait3A_112 = arith.constant 512 : i32
    %dma_wait3A_113 = tpu.memref_slice %arg3[%dma_wait3A_112] : memref<67108864xf32, #tpu.memory_space<hbm>> -> memref<67108352xf32, #tpu.memory_space<hbm>>
    %dma_wait3A_114 = arith.constant 0 : i32
    %dma_wait3A_115 = tpu.memref_slice %dma_wait3A_113[%dma_wait3A_114] : memref<67108352xf32, #tpu.memory_space<hbm>> -> memref<67108352xf32, #tpu.memory_space<hbm>>
    tpu.wait_indirect_dma semaphore(%arg31 : memref<!tpu.dma_semaphore, #tpu.memory_space<semaphore_mem>>) src(%dma_wait3A_115 : memref<67108352xf32, #tpu.memory_space<hbm>>) dst(%arg12 : memref<2048xf32, #tpu.memory_space<vmem>>)
    %dma_wait3A_116 = arith.constant 640 : i32
    %dma_wait3A_117 = tpu.memref_slice %arg3[%dma_wait3A_116] : memref<67108864xf32, #tpu.memory_space<hbm>> -> memref<67108224xf32, #tpu.memory_space<hbm>>
    %dma_wait3A_118 = arith.constant 0 : i32
    %dma_wait3A_119 = tpu.memref_slice %dma_wait3A_117[%dma_wait3A_118] : memref<67108224xf32, #tpu.memory_space<hbm>> -> memref<67108224xf32, #tpu.memory_space<hbm>>
    tpu.wait_indirect_dma semaphore(%arg31 : memref<!tpu.dma_semaphore, #tpu.memory_space<semaphore_mem>>) src(%dma_wait3A_119 : memref<67108224xf32, #tpu.memory_space<hbm>>) dst(%arg13 : memref<2048xf32, #tpu.memory_space<vmem>>)
    %dma_wait3A_120 = arith.constant 768 : i32
    %dma_wait3A_121 = tpu.memref_slice %arg3[%dma_wait3A_120] : memref<67108864xf32, #tpu.memory_space<hbm>> -> memref<67108096xf32, #tpu.memory_space<hbm>>
    %dma_wait3A_122 = arith.constant 0 : i32
    %dma_wait3A_123 = tpu.memref_slice %dma_wait3A_121[%dma_wait3A_122] : memref<67108096xf32, #tpu.memory_space<hbm>> -> memref<67108096xf32, #tpu.memory_space<hbm>>
    tpu.wait_indirect_dma semaphore(%arg31 : memref<!tpu.dma_semaphore, #tpu.memory_space<semaphore_mem>>) src(%dma_wait3A_123 : memref<67108096xf32, #tpu.memory_space<hbm>>) dst(%arg14 : memref<2048xf32, #tpu.memory_space<vmem>>)
    %dma_wait3A_124 = arith.constant 896 : i32
    %dma_wait3A_125 = tpu.memref_slice %arg3[%dma_wait3A_124] : memref<67108864xf32, #tpu.memory_space<hbm>> -> memref<67107968xf32, #tpu.memory_space<hbm>>
    %dma_wait3A_126 = arith.constant 0 : i32
    %dma_wait3A_127 = tpu.memref_slice %dma_wait3A_125[%dma_wait3A_126] : memref<67107968xf32, #tpu.memory_space<hbm>> -> memref<67107968xf32, #tpu.memory_space<hbm>>
    tpu.wait_indirect_dma semaphore(%arg31 : memref<!tpu.dma_semaphore, #tpu.memory_space<semaphore_mem>>) src(%dma_wait3A_127 : memref<67107968xf32, #tpu.memory_space<hbm>>) dst(%arg15 : memref<2048xf32, #tpu.memory_space<vmem>>)
    %dma_wait3A_128 = arith.constant 0 : i32
    %dma_wait3A_129 = tpu.memref_slice %arg4[%dma_wait3A_128] : memref<8388608xf32, #tpu.memory_space<hbm>> -> memref<8388608xf32, #tpu.memory_space<hbm>>
    tpu.wait_indirect_dma semaphore(%arg31 : memref<!tpu.dma_semaphore, #tpu.memory_space<semaphore_mem>>) src(%dma_wait3A_129 : memref<8388608xf32, #tpu.memory_space<hbm>>) dst(%arg17 : memref<2048xf32, #tpu.memory_space<vmem>>)
    %scan3A_130 = arith.constant 0 : i32
    %scan3A_131 = arith.constant 128 : i32
    %scan3A_132 = arith.addi %scan3A_130, %scan3A_131 : i32
    %scan3A_133 = arith.constant 1 : i32
    %scan3A_134:9 = scf.for %scan3A_298 = %scan3A_130 to %scan3A_132 step %scan3A_133 iter_args(%scan3A_299 = %broadcast_in_dim3A_1, %scan3A_300 = %broadcast_in_dim3A_1, %scan3A_301 = %broadcast_in_dim3A_1, %scan3A_302 = %broadcast_in_dim3A_1, %scan3A_303 = %broadcast_in_dim3A_1, %scan3A_304 = %broadcast_in_dim3A_1, %scan3A_305 = %broadcast_in_dim3A_1, %scan3A_306 = %broadcast_in_dim3A_1, %scan3A_307 = %broadcast_in_dim3A_1) -> (vector<16xf32>, vector<16xf32>, vector<16xf32>, vector<16xf32>, vector<16xf32>, vector<16xf32>, vector<16xf32>, vector<16xf32>, vector<16xf32>)  : i32 {
      %mul3A_308 = arith.constant 16 : i32
      %mul3A_309 = arith.muli %scan3A_298, %mul3A_308 : i32
      %get3A = arith.index_cast %mul3A_309 : i32 to index
      %get3A_310 = tpu.vector_load %arg8[%get3A] {strides = array<i32>} : memref<2048xf32, #tpu.memory_space<vmem>>, vector<16xf32>,
      %add3A_311 = arith.addf %scan3A_299, %get3A_310 : vector<16xf32>
      %mul3A_312 = arith.constant 16 : i32
      %mul3A_313 = arith.muli %scan3A_298, %mul3A_312 : i32
      %get3A_314 = arith.index_cast %mul3A_313 : i32 to index
      %get3A_315 = tpu.vector_load %arg9[%get3A_314] {strides = array<i32>} : memref<2048xf32, #tpu.memory_space<vmem>>, vector<16xf32>,
      %add3A_316 = arith.addf %scan3A_300, %get3A_315 : vector<16xf32>
      %mul3A_317 = arith.constant 16 : i32
      %mul3A_318 = arith.muli %scan3A_298, %mul3A_317 : i32
      %get3A_319 = arith.index_cast %mul3A_318 : i32 to index
      %get3A_320 = tpu.vector_load %arg10[%get3A_319] {strides = array<i32>} : memref<2048xf32, #tpu.memory_space<vmem>>, vector<16xf32>,
      %add3A_321 = arith.addf %scan3A_301, %get3A_320 : vector<16xf32>
      %mul3A_322 = arith.constant 16 : i32
      %mul3A_323 = arith.muli %scan3A_298, %mul3A_322 : i32
      %get3A_324 = arith.index_cast %mul3A_323 : i32 to index
      %get3A_325 = tpu.vector_load %arg11[%get3A_324] {strides = array<i32>} : memref<2048xf32, #tpu.memory_space<vmem>>, vector<16xf32>,
      %add3A_326 = arith.addf %scan3A_302, %get3A_325 : vector<16xf32>
      %mul3A_327 = arith.constant 16 : i32
      %mul3A_328 = arith.muli %scan3A_298, %mul3A_327 : i32
      %get3A_329 = arith.index_cast %mul3A_328 : i32 to index
      %get3A_330 = tpu.vector_load %arg12[%get3A_329] {strides = array<i32>} : memref<2048xf32, #tpu.memory_space<vmem>>, vector<16xf32>,
      %add3A_331 = arith.addf %scan3A_303, %get3A_330 : vector<16xf32>
      %mul3A_332 = arith.constant 16 : i32
      %mul3A_333 = arith.muli %scan3A_298, %mul3A_332 : i32
      %get3A_334 = arith.index_cast %mul3A_333 : i32 to index
      %get3A_335 = tpu.vector_load %arg13[%get3A_334] {strides = array<i32>} : memref<2048xf32, #tpu.memory_space<vmem>>, vector<16xf32>,
      %add3A_336 = arith.addf %scan3A_304, %get3A_335 : vector<16xf32>
      %mul3A_337 = arith.constant 16 : i32
      %mul3A_338 = arith.muli %scan3A_298, %mul3A_337 : i32
      %get3A_339 = arith.index_cast %mul3A_338 : i32 to index
      %get3A_340 = tpu.vector_load %arg14[%get3A_339] {strides = array<i32>} : memref<2048xf32, #tpu.memory_space<vmem>>, vector<16xf32>,
      %add3A_341 = arith.addf %scan3A_305, %get3A_340 : vector<16xf32>
      %mul3A_342 = arith.constant 16 : i32
      %mul3A_343 = arith.muli %scan3A_298, %mul3A_342 : i32
      %get3A_344 = arith.index_cast %mul3A_343 : i32 to index
      %get3A_345 = tpu.vector_load %arg15[%get3A_344] {strides = array<i32>} : memref<2048xf32, #tpu.memory_space<vmem>>, vector<16xf32>,
      %add3A_346 = arith.addf %scan3A_306, %get3A_345 : vector<16xf32>
      %mul3A_347 = arith.constant 16 : i32
      %mul3A_348 = arith.muli %scan3A_298, %mul3A_347 : i32
      %get3A_349 = arith.index_cast %mul3A_348 : i32 to index
      %get3A_350 = tpu.vector_load %arg17[%get3A_349] {strides = array<i32>} : memref<2048xf32, #tpu.memory_space<vmem>>, vector<16xf32>,
      %add3A_351 = arith.addf %scan3A_307, %get3A_350 : vector<16xf32>
      scf.yield %add3A_311, %add3A_316, %add3A_321, %add3A_326, %add3A_331, %add3A_336, %add3A_341, %add3A_346, %add3A_351 : vector<16xf32>, vector<16xf32>, vector<16xf32>, vector<16xf32>, vector<16xf32>, vector<16xf32>, vector<16xf32>, vector<16xf32>, vector<16xf32>
    }
    %scan3A_135 = arith.constant 128 : i32
    %mul3A_136 = arith.constant 8 : i32
    %mul3A_137 = vector.broadcast %mul3A_136 : i32 to vector<16xi32>
    %mul3A_138 = arith.muli %iota3A, %mul3A_137 : vector<16xi32>
    %add3A_139 = arith.constant 0 : i32
    %add3A_140 = vector.broadcast %add3A_139 : i32 to vector<16xi32>
    %add3A_141 = arith.addi %mul3A_138, %add3A_140 : vector<16xi32>
    tpu.vector_store_idx %arg29[%add3A_141], %scan3A_134#0 : memref<128xf32, #tpu.memory_space<vmem>>[vector<16xi32>], vector<16xf32>,
    %mul3A_142 = arith.constant 8 : i32
    %mul3A_143 = vector.broadcast %mul3A_142 : i32 to vector<16xi32>
    %mul3A_144 = arith.muli %iota3A, %mul3A_143 : vector<16xi32>
    %add3A_145 = arith.constant 1 : i32
    %add3A_146 = vector.broadcast %add3A_145 : i32 to vector<16xi32>
    %add3A_147 = arith.addi %mul3A_144, %add3A_146 : vector<16xi32>
    tpu.vector_store_idx %arg29[%add3A_147], %scan3A_134#1 : memref<128xf32, #tpu.memory_space<vmem>>[vector<16xi32>], vector<16xf32>,
    %mul3A_148 = arith.constant 8 : i32
    %mul3A_149 = vector.broadcast %mul3A_148 : i32 to vector<16xi32>
    %mul3A_150 = arith.muli %iota3A, %mul3A_149 : vector<16xi32>
    %add3A_151 = arith.constant 2 : i32
    %add3A_152 = vector.broadcast %add3A_151 : i32 to vector<16xi32>
    %add3A_153 = arith.addi %mul3A_150, %add3A_152 : vector<16xi32>
    tpu.vector_store_idx %arg29[%add3A_153], %scan3A_134#2 : memref<128xf32, #tpu.memory_space<vmem>>[vector<16xi32>], vector<16xf32>,
    %mul3A_154 = arith.constant 8 : i32
    %mul3A_155 = vector.broadcast %mul3A_154 : i32 to vector<16xi32>
    %mul3A_156 = arith.muli %iota3A, %mul3A_155 : vector<16xi32>
    %add3A_157 = arith.constant 3 : i32
    %add3A_158 = vector.broadcast %add3A_157 : i32 to vector<16xi32>
    %add3A_159 = arith.addi %mul3A_156, %add3A_158 : vector<16xi32>
    tpu.vector_store_idx %arg29[%add3A_159], %scan3A_134#3 : memref<128xf32, #tpu.memory_space<vmem>>[vector<16xi32>], vector<16xf32>,
    %mul3A_160 = arith.constant 8 : i32
    %mul3A_161 = vector.broadcast %mul3A_160 : i32 to vector<16xi32>
    %mul3A_162 = arith.muli %iota3A, %mul3A_161 : vector<16xi32>
    %add3A_163 = arith.constant 4 : i32
    %add3A_164 = vector.broadcast %add3A_163 : i32 to vector<16xi32>
    %add3A_165 = arith.addi %mul3A_162, %add3A_164 : vector<16xi32>
    tpu.vector_store_idx %arg29[%add3A_165], %scan3A_134#4 : memref<128xf32, #tpu.memory_space<vmem>>[vector<16xi32>], vector<16xf32>,
    %mul3A_166 = arith.constant 8 : i32
    %mul3A_167 = vector.broadcast %mul3A_166 : i32 to vector<16xi32>
    %mul3A_168 = arith.muli %iota3A, %mul3A_167 : vector<16xi32>
    %add3A_169 = arith.constant 5 : i32
    %add3A_170 = vector.broadcast %add3A_169 : i32 to vector<16xi32>
    %add3A_171 = arith.addi %mul3A_168, %add3A_170 : vector<16xi32>
    tpu.vector_store_idx %arg29[%add3A_171], %scan3A_134#5 : memref<128xf32, #tpu.memory_space<vmem>>[vector<16xi32>], vector<16xf32>,
    %mul3A_172 = arith.constant 8 : i32
    %mul3A_173 = vector.broadcast %mul3A_172 : i32 to vector<16xi32>
    %mul3A_174 = arith.muli %iota3A, %mul3A_173 : vector<16xi32>
    %add3A_175 = arith.constant 6 : i32
    %add3A_176 = vector.broadcast %add3A_175 : i32 to vector<16xi32>
    %add3A_177 = arith.addi %mul3A_174, %add3A_176 : vector<16xi32>
    tpu.vector_store_idx %arg29[%add3A_177], %scan3A_134#6 : memref<128xf32, #tpu.memory_space<vmem>>[vector<16xi32>], vector<16xf32>,
    %mul3A_178 = arith.constant 8 : i32
    %mul3A_179 = vector.broadcast %mul3A_178 : i32 to vector<16xi32>
    %mul3A_180 = arith.muli %iota3A, %mul3A_179 : vector<16xi32>
    %add3A_181 = arith.constant 7 : i32
    %add3A_182 = vector.broadcast %add3A_181 : i32 to vector<16xi32>
    %add3A_183 = arith.addi %mul3A_180, %add3A_182 : vector<16xi32>
    tpu.vector_store_idx %arg29[%add3A_183], %scan3A_134#7 : memref<128xf32, #tpu.memory_space<vmem>>[vector<16xi32>], vector<16xf32>,
    %swap3A = arith.constant 0 : index
    %swap3A_184 = tpu.vector_load %arg30[%swap3A] {strides = array<i32>} : memref<16xf32, #tpu.memory_space<vmem>>, vector<16xf32>,
    tpu.vector_store %arg30[%swap3A], %scan3A_134#8 {strides = array<i32>} : memref<16xf32, #tpu.memory_space<vmem>>, vector<16xf32>,
    %mul3A_185 = arith.constant 32 : i32
    %mul3A_186 = arith.muli %add3A, %mul3A_185 : i32
    %mul3A_187 = arith.constant 16 : i32
    %mul3A_188 = arith.muli %mul3A_49, %mul3A_187 : i32
    %add3A_189 = arith.addi %mul3A_186, %mul3A_188 : i32
    %mul3A_190 = arith.constant 8 : i32
    %mul3A_191 = arith.muli %add3A_189, %mul3A_190 : i32
    "tpu.region"() ({
      %run_scoped3A = tpu.sem_alloc : memref<!tpu.dma_semaphore, #tpu.memory_space<semaphore_mem>>
      %dma_start3A_298 = tpu.memref_slice %arg5[%mul3A_191] : memref<8192xf32, #tpu.memory_space<hbm>> -> memref<128xf32, #tpu.memory_space<hbm>>
      %dma_start3A_299 = tpu.memref_slice %arg5[%mul3A_191] : memref<8192xf32, #tpu.memory_space<hbm>> -> memref<128xf32, #tpu.memory_space<hbm>>
      tpu.enqueue_dma source(%arg29 : memref<128xf32, #tpu.memory_space<vmem>>) target(%dma_start3A_299 : memref<128xf32, #tpu.memory_space<hbm>>) target_semaphore(%run_scoped3A : memref<!tpu.dma_semaphore, #tpu.memory_space<semaphore_mem>>)
      %dma_wait3A_300 = tpu.memref_slice %arg5[%mul3A_191] : memref<8192xf32, #tpu.memory_space<hbm>> -> memref<128xf32, #tpu.memory_space<hbm>>
      %dma_wait3A_301 = tpu.memref_slice %arg5[%mul3A_191] : memref<8192xf32, #tpu.memory_space<hbm>> -> memref<128xf32, #tpu.memory_space<hbm>>
      tpu.wait_dma2 semaphore(%run_scoped3A : memref<!tpu.dma_semaphore, #tpu.memory_space<semaphore_mem>>) src(%arg29 : memref<128xf32, #tpu.memory_space<vmem>>) dst(%dma_wait3A_301 : memref<128xf32, #tpu.memory_space<hbm>>)
      tpu.yield
    }) : () -> ()
    "tpu.region"() ({
      %run_scoped3A = tpu.sem_alloc : memref<!tpu.dma_semaphore, #tpu.memory_space<semaphore_mem>>
      %dma_start3A_298 = tpu.memref_slice %arg6[%add3A_189] : memref<1024xf32, #tpu.memory_space<hbm>> -> memref<16xf32, #tpu.memory_space<hbm>>
      %dma_start3A_299 = tpu.memref_slice %arg6[%add3A_189] : memref<1024xf32, #tpu.memory_space<hbm>> -> memref<16xf32, #tpu.memory_space<hbm>>
      tpu.enqueue_dma source(%arg30 : memref<16xf32, #tpu.memory_space<vmem>>) target(%dma_start3A_299 : memref<16xf32, #tpu.memory_space<hbm>>) target_semaphore(%run_scoped3A : memref<!tpu.dma_semaphore, #tpu.memory_space<semaphore_mem>>)
      %dma_wait3A_300 = tpu.memref_slice %arg6[%add3A_189] : memref<1024xf32, #tpu.memory_space<hbm>> -> memref<16xf32, #tpu.memory_space<hbm>>
      %dma_wait3A_301 = tpu.memref_slice %arg6[%add3A_189] : memref<1024xf32, #tpu.memory_space<hbm>> -> memref<16xf32, #tpu.memory_space<hbm>>
      tpu.wait_dma2 semaphore(%run_scoped3A : memref<!tpu.dma_semaphore, #tpu.memory_space<semaphore_mem>>) src(%arg30 : memref<16xf32, #tpu.memory_space<vmem>>) dst(%dma_wait3A_301 : memref<16xf32, #tpu.memory_space<hbm>>)
      tpu.yield
    }) : () -> ()
    %mul3A_192 = arith.constant 2 : i32
    %mul3A_193 = arith.muli %scan3A_47, %mul3A_192 : i32
    %add3A_194 = arith.constant 2 : i32
    %add3A_195 = arith.addi %mul3A_193, %add3A_194 : i32
    %lt3A = arith.constant 2 : i32
    %lt3A_196 = arith.cmpi slt, %add3A_195, %lt3A : i32
    %convert_element_type3A = arith.extui %lt3A_196 : i1 to i32
    %cond3A = arith.constant 0 : i32
    %cond3A_197 = arith.cmpi ne, %convert_element_type3A, %cond3A : i32
    scf.if %cond3A_197 {
      %add3A_298 = arith.constant 2 : i32
      %add3A_299 = arith.addi %mul3A_49, %add3A_298 : i32
      %mul3A_300 = arith.constant 2 : i32
      %mul3A_301 = arith.muli %add3A, %mul3A_300 : i32
      %add3A_302 = arith.addi %mul3A_301, %add3A_299 : i32
      %mul3A_303 = arith.constant 2048 : i32
      %mul3A_304 = arith.muli %add3A_302, %mul3A_303 : i32
      "tpu.region"() ({
        %run_scoped3A = tpu.sem_alloc : memref<!tpu.dma_semaphore, #tpu.memory_space<semaphore_mem>>
        %dma_start3A_345 = tpu.memref_slice %arg2[%mul3A_304] : memref<131072xi32, #tpu.memory_space<hbm>> -> memref<2048xi32, #tpu.memory_space<hbm>>
        %dma_start3A_346 = tpu.memref_slice %arg2[%mul3A_304] : memref<131072xi32, #tpu.memory_space<hbm>> -> memref<2048xi32, #tpu.memory_space<hbm>>
        tpu.enqueue_dma source(%dma_start3A_346 : memref<2048xi32, #tpu.memory_space<hbm>>) target(%arg16 : memref<2048xi32, #tpu.memory_space<vmem>>) target_semaphore(%run_scoped3A : memref<!tpu.dma_semaphore, #tpu.memory_space<semaphore_mem>>)
        %dma_wait3A_347 = tpu.memref_slice %arg2[%mul3A_304] : memref<131072xi32, #tpu.memory_space<hbm>> -> memref<2048xi32, #tpu.memory_space<hbm>>
        %dma_wait3A_348 = tpu.memref_slice %arg2[%mul3A_304] : memref<131072xi32, #tpu.memory_space<hbm>> -> memref<2048xi32, #tpu.memory_space<hbm>>
        tpu.wait_dma2 semaphore(%run_scoped3A : memref<!tpu.dma_semaphore, #tpu.memory_space<semaphore_mem>>) src(%dma_wait3A_348 : memref<2048xi32, #tpu.memory_space<hbm>>) dst(%arg16 : memref<2048xi32, #tpu.memory_space<vmem>>)
        tpu.yield
      }) : () -> ()
      %dma_start3A_305 = arith.constant 0 : i32
      %dma_start3A_306 = tpu.memref_slice %arg4[%dma_start3A_305] : memref<8388608xf32, #tpu.memory_space<hbm>> -> memref<8388608xf32, #tpu.memory_space<hbm>>
      tpu.enqueue_indirect_dma source(%dma_start3A_306 : memref<8388608xf32, #tpu.memory_space<hbm>>) target(%arg17 : memref<2048xf32, #tpu.memory_space<vmem>>) offsets(%arg16 : memref<2048xi32, #tpu.memory_space<vmem>>) semaphore(%arg31 : memref<!tpu.dma_semaphore, #tpu.memory_space<semaphore_mem>>)
      %scan3A_307 = arith.constant 0 : i32
      %scan3A_308 = arith.constant 0 : i32
      %scan3A_309 = arith.constant 128 : i32
      %scan3A_310 = arith.addi %scan3A_308, %scan3A_309 : i32
      %scan3A_311 = arith.constant 1 : i32
      scf.for %scan3A_345 = %scan3A_308 to %scan3A_310 step %scan3A_311  : i32 {
        %mul3A_346 = arith.constant 16 : i32
        %mul3A_347 = arith.muli %scan3A_345, %mul3A_346 : i32
        %get3A = arith.index_cast %mul3A_347 : i32 to index
        %get3A_348 = tpu.vector_load %arg16[%get3A] {strides = array<i32>} : memref<2048xi32, #tpu.memory_space<vmem>>, vector<16xi32>,
        %shift_right_arithmetic3A = arith.constant 7 : i32
        %shift_right_arithmetic3A_349 = vector.broadcast %shift_right_arithmetic3A : i32 to vector<16xi32>
        %shift_right_arithmetic3A_350 = arith.shrsi %get3A_348, %shift_right_arithmetic3A_349 : vector<16xi32>
        %shift_left3A = arith.constant 10 : i32
        %shift_left3A_351 = vector.broadcast %shift_left3A : i32 to vector<16xi32>
        %shift_left3A_352 = arith.shli %shift_right_arithmetic3A_350, %shift_left3A_351 : vector<16xi32>
        %and3A = arith.constant 127 : i32
        %and3A_353 = vector.broadcast %and3A : i32 to vector<16xi32>
        %and3A_354 = arith.andi %get3A_348, %and3A_353 : vector<16xi32>
        %or3A = arith.ori %shift_left3A_352, %and3A_354 : vector<16xi32>
        %mul3A_355 = arith.constant 16 : i32
        %mul3A_356 = arith.muli %scan3A_345, %mul3A_355 : i32
        %swap3A_357 = arith.index_cast %mul3A_356 : i32 to index
        %swap3A_358 = tpu.vector_load %arg7[%swap3A_357] {strides = array<i32>} : memref<2048xi32, #tpu.memory_space<vmem>>, vector<16xi32>,
        tpu.vector_store %arg7[%swap3A_357], %or3A {strides = array<i32>} : memref<2048xi32, #tpu.memory_space<vmem>>, vector<16xi32>,
      }
      %scan3A_312 = arith.constant 128 : i32
      %dma_start3A_313 = arith.constant 0 : i32
      %dma_start3A_314 = tpu.memref_slice %arg3[%dma_start3A_313] : memref<67108864xf32, #tpu.memory_space<hbm>> -> memref<67108864xf32, #tpu.memory_space<hbm>>
      %dma_start3A_315 = arith.constant 0 : i32
      %dma_start3A_316 = tpu.memref_slice %dma_start3A_314[%dma_start3A_315] : memref<67108864xf32, #tpu.memory_space<hbm>> -> memref<67108864xf32, #tpu.memory_space<hbm>>
      tpu.enqueue_indirect_dma source(%dma_start3A_316 : memref<67108864xf32, #tpu.memory_space<hbm>>) target(%arg8 : memref<2048xf32, #tpu.memory_space<vmem>>) offsets(%arg7 : memref<2048xi32, #tpu.memory_space<vmem>>) semaphore(%arg31 : memref<!tpu.dma_semaphore, #tpu.memory_space<semaphore_mem>>)
      %dma_start3A_317 = arith.constant 128 : i32
      %dma_start3A_318 = tpu.memref_slice %arg3[%dma_start3A_317] : memref<67108864xf32, #tpu.memory_space<hbm>> -> memref<67108736xf32, #tpu.memory_space<hbm>>
      %dma_start3A_319 = arith.constant 0 : i32
      %dma_start3A_320 = tpu.memref_slice %dma_start3A_318[%dma_start3A_319] : memref<67108736xf32, #tpu.memory_space<hbm>> -> memref<67108736xf32, #tpu.memory_space<hbm>>
      tpu.enqueue_indirect_dma source(%dma_start3A_320 : memref<67108736xf32, #tpu.memory_space<hbm>>) target(%arg9 : memref<2048xf32, #tpu.memory_space<vmem>>) offsets(%arg7 : memref<2048xi32, #tpu.memory_space<vmem>>) semaphore(%arg31 : memref<!tpu.dma_semaphore, #tpu.memory_space<semaphore_mem>>)
      %dma_start3A_321 = arith.constant 256 : i32
      %dma_start3A_322 = tpu.memref_slice %arg3[%dma_start3A_321] : memref<67108864xf32, #tpu.memory_space<hbm>> -> memref<67108608xf32, #tpu.memory_space<hbm>>
      %dma_start3A_323 = arith.constant 0 : i32
      %dma_start3A_324 = tpu.memref_slice %dma_start3A_322[%dma_start3A_323] : memref<67108608xf32, #tpu.memory_space<hbm>> -> memref<67108608xf32, #tpu.memory_space<hbm>>
      tpu.enqueue_indirect_dma source(%dma_start3A_324 : memref<67108608xf32, #tpu.memory_space<hbm>>) target(%arg10 : memref<2048xf32, #tpu.memory_space<vmem>>) offsets(%arg7 : memref<2048xi32, #tpu.memory_space<vmem>>) semaphore(%arg31 : memref<!tpu.dma_semaphore, #tpu.memory_space<semaphore_mem>>)
      %dma_start3A_325 = arith.constant 384 : i32
      %dma_start3A_326 = tpu.memref_slice %arg3[%dma_start3A_325] : memref<67108864xf32, #tpu.memory_space<hbm>> -> memref<67108480xf32, #tpu.memory_space<hbm>>
      %dma_start3A_327 = arith.constant 0 : i32
      %dma_start3A_328 = tpu.memref_slice %dma_start3A_326[%dma_start3A_327] : memref<67108480xf32, #tpu.memory_space<hbm>> -> memref<67108480xf32, #tpu.memory_space<hbm>>
      tpu.enqueue_indirect_dma source(%dma_start3A_328 : memref<67108480xf32, #tpu.memory_space<hbm>>) target(%arg11 : memref<2048xf32, #tpu.memory_space<vmem>>) offsets(%arg7 : memref<2048xi32, #tpu.memory_space<vmem>>) semaphore(%arg31 : memref<!tpu.dma_semaphore, #tpu.memory_space<semaphore_mem>>)
      %dma_start3A_329 = arith.constant 512 : i32
      %dma_start3A_330 = tpu.memref_slice %arg3[%dma_start3A_329] : memref<67108864xf32, #tpu.memory_space<hbm>> -> memref<67108352xf32, #tpu.memory_space<hbm>>
      %dma_start3A_331 = arith.constant 0 : i32
      %dma_start3A_332 = tpu.memref_slice %dma_start3A_330[%dma_start3A_331] : memref<67108352xf32, #tpu.memory_space<hbm>> -> memref<67108352xf32, #tpu.memory_space<hbm>>
      tpu.enqueue_indirect_dma source(%dma_start3A_332 : memref<67108352xf32, #tpu.memory_space<hbm>>) target(%arg12 : memref<2048xf32, #tpu.memory_space<vmem>>) offsets(%arg7 : memref<2048xi32, #tpu.memory_space<vmem>>) semaphore(%arg31 : memref<!tpu.dma_semaphore, #tpu.memory_space<semaphore_mem>>)
      %dma_start3A_333 = arith.constant 640 : i32
      %dma_start3A_334 = tpu.memref_slice %arg3[%dma_start3A_333] : memref<67108864xf32, #tpu.memory_space<hbm>> -> memref<67108224xf32, #tpu.memory_space<hbm>>
      %dma_start3A_335 = arith.constant 0 : i32
      %dma_start3A_336 = tpu.memref_slice %dma_start3A_334[%dma_start3A_335] : memref<67108224xf32, #tpu.memory_space<hbm>> -> memref<67108224xf32, #tpu.memory_space<hbm>>
      tpu.enqueue_indirect_dma source(%dma_start3A_336 : memref<67108224xf32, #tpu.memory_space<hbm>>) target(%arg13 : memref<2048xf32, #tpu.memory_space<vmem>>) offsets(%arg7 : memref<2048xi32, #tpu.memory_space<vmem>>) semaphore(%arg31 : memref<!tpu.dma_semaphore, #tpu.memory_space<semaphore_mem>>)
      %dma_start3A_337 = arith.constant 768 : i32
      %dma_start3A_338 = tpu.memref_slice %arg3[%dma_start3A_337] : memref<67108864xf32, #tpu.memory_space<hbm>> -> memref<67108096xf32, #tpu.memory_space<hbm>>
      %dma_start3A_339 = arith.constant 0 : i32
      %dma_start3A_340 = tpu.memref_slice %dma_start3A_338[%dma_start3A_339] : memref<67108096xf32, #tpu.memory_space<hbm>> -> memref<67108096xf32, #tpu.memory_space<hbm>>
      tpu.enqueue_indirect_dma source(%dma_start3A_340 : memref<67108096xf32, #tpu.memory_space<hbm>>) target(%arg14 : memref<2048xf32, #tpu.memory_space<vmem>>) offsets(%arg7 : memref<2048xi32, #tpu.memory_space<vmem>>) semaphore(%arg31 : memref<!tpu.dma_semaphore, #tpu.memory_space<semaphore_mem>>)
      %dma_start3A_341 = arith.constant 896 : i32
      %dma_start3A_342 = tpu.memref_slice %arg3[%dma_start3A_341] : memref<67108864xf32, #tpu.memory_space<hbm>> -> memref<67107968xf32, #tpu.memory_space<hbm>>
      %dma_start3A_343 = arith.constant 0 : i32
      %dma_start3A_344 = tpu.memref_slice %dma_start3A_342[%dma_start3A_343] : memref<67107968xf32, #tpu.memory_space<hbm>> -> memref<67107968xf32, #tpu.memory_space<hbm>>
      tpu.enqueue_indirect_dma source(%dma_start3A_344 : memref<67107968xf32, #tpu.memory_space<hbm>>) target(%arg15 : memref<2048xf32, #tpu.memory_space<vmem>>) offsets(%arg7 : memref<2048xi32, #tpu.memory_space<vmem>>) semaphore(%arg31 : memref<!tpu.dma_semaphore, #tpu.memory_space<semaphore_mem>>)
    } else {
    }
    %add3A_198 = arith.constant 1 : i32
    %add3A_199 = arith.addi %mul3A_49, %add3A_198 : i32
    %dma_wait3A_200 = arith.constant 0 : i32
    %dma_wait3A_201 = tpu.memref_slice %arg3[%dma_wait3A_200] : memref<67108864xf32, #tpu.memory_space<hbm>> -> memref<67108864xf32, #tpu.memory_space<hbm>>
    %dma_wait3A_202 = arith.constant 0 : i32
    %dma_wait3A_203 = tpu.memref_slice %dma_wait3A_201[%dma_wait3A_202] : memref<67108864xf32, #tpu.memory_space<hbm>> -> memref<67108864xf32, #tpu.memory_space<hbm>>
    tpu.wait_indirect_dma semaphore(%arg32 : memref<!tpu.dma_semaphore, #tpu.memory_space<semaphore_mem>>) src(%dma_wait3A_203 : memref<67108864xf32, #tpu.memory_space<hbm>>) dst(%arg19 : memref<2048xf32, #tpu.memory_space<vmem>>)
    %dma_wait3A_204 = arith.constant 128 : i32
    %dma_wait3A_205 = tpu.memref_slice %arg3[%dma_wait3A_204] : memref<67108864xf32, #tpu.memory_space<hbm>> -> memref<67108736xf32, #tpu.memory_space<hbm>>
    %dma_wait3A_206 = arith.constant 0 : i32
    %dma_wait3A_207 = tpu.memref_slice %dma_wait3A_205[%dma_wait3A_206] : memref<67108736xf32, #tpu.memory_space<hbm>> -> memref<67108736xf32, #tpu.memory_space<hbm>>
    tpu.wait_indirect_dma semaphore(%arg32 : memref<!tpu.dma_semaphore, #tpu.memory_space<semaphore_mem>>) src(%dma_wait3A_207 : memref<67108736xf32, #tpu.memory_space<hbm>>) dst(%arg20 : memref<2048xf32, #tpu.memory_space<vmem>>)
    %dma_wait3A_208 = arith.constant 256 : i32
    %dma_wait3A_209 = tpu.memref_slice %arg3[%dma_wait3A_208] : memref<67108864xf32, #tpu.memory_space<hbm>> -> memref<67108608xf32, #tpu.memory_space<hbm>>
    %dma_wait3A_210 = arith.constant 0 : i32
    %dma_wait3A_211 = tpu.memref_slice %dma_wait3A_209[%dma_wait3A_210] : memref<67108608xf32, #tpu.memory_space<hbm>> -> memref<67108608xf32, #tpu.memory_space<hbm>>
    tpu.wait_indirect_dma semaphore(%arg32 : memref<!tpu.dma_semaphore, #tpu.memory_space<semaphore_mem>>) src(%dma_wait3A_211 : memref<67108608xf32, #tpu.memory_space<hbm>>) dst(%arg21 : memref<2048xf32, #tpu.memory_space<vmem>>)
    %dma_wait3A_212 = arith.constant 384 : i32
    %dma_wait3A_213 = tpu.memref_slice %arg3[%dma_wait3A_212] : memref<67108864xf32, #tpu.memory_space<hbm>> -> memref<67108480xf32, #tpu.memory_space<hbm>>
    %dma_wait3A_214 = arith.constant 0 : i32
    %dma_wait3A_215 = tpu.memref_slice %dma_wait3A_213[%dma_wait3A_214] : memref<67108480xf32, #tpu.memory_space<hbm>> -> memref<67108480xf32, #tpu.memory_space<hbm>>
    tpu.wait_indirect_dma semaphore(%arg32 : memref<!tpu.dma_semaphore, #tpu.memory_space<semaphore_mem>>) src(%dma_wait3A_215 : memref<67108480xf32, #tpu.memory_space<hbm>>) dst(%arg22 : memref<2048xf32, #tpu.memory_space<vmem>>)
    %dma_wait3A_216 = arith.constant 512 : i32
    %dma_wait3A_217 = tpu.memref_slice %arg3[%dma_wait3A_216] : memref<67108864xf32, #tpu.memory_space<hbm>> -> memref<67108352xf32, #tpu.memory_space<hbm>>
    %dma_wait3A_218 = arith.constant 0 : i32
    %dma_wait3A_219 = tpu.memref_slice %dma_wait3A_217[%dma_wait3A_218] : memref<67108352xf32, #tpu.memory_space<hbm>> -> memref<67108352xf32, #tpu.memory_space<hbm>>
    tpu.wait_indirect_dma semaphore(%arg32 : memref<!tpu.dma_semaphore, #tpu.memory_space<semaphore_mem>>) src(%dma_wait3A_219 : memref<67108352xf32, #tpu.memory_space<hbm>>) dst(%arg23 : memref<2048xf32, #tpu.memory_space<vmem>>)
    %dma_wait3A_220 = arith.constant 640 : i32
    %dma_wait3A_221 = tpu.memref_slice %arg3[%dma_wait3A_220] : memref<67108864xf32, #tpu.memory_space<hbm>> -> memref<67108224xf32, #tpu.memory_space<hbm>>
    %dma_wait3A_222 = arith.constant 0 : i32
    %dma_wait3A_223 = tpu.memref_slice %dma_wait3A_221[%dma_wait3A_222] : memref<67108224xf32, #tpu.memory_space<hbm>> -> memref<67108224xf32, #tpu.memory_space<hbm>>
    tpu.wait_indirect_dma semaphore(%arg32 : memref<!tpu.dma_semaphore, #tpu.memory_space<semaphore_mem>>) src(%dma_wait3A_223 : memref<67108224xf32, #tpu.memory_space<hbm>>) dst(%arg24 : memref<2048xf32, #tpu.memory_space<vmem>>)
    %dma_wait3A_224 = arith.constant 768 : i32
    %dma_wait3A_225 = tpu.memref_slice %arg3[%dma_wait3A_224] : memref<67108864xf32, #tpu.memory_space<hbm>> -> memref<67108096xf32, #tpu.memory_space<hbm>>
    %dma_wait3A_226 = arith.constant 0 : i32
    %dma_wait3A_227 = tpu.memref_slice %dma_wait3A_225[%dma_wait3A_226] : memref<67108096xf32, #tpu.memory_space<hbm>> -> memref<67108096xf32, #tpu.memory_space<hbm>>
    tpu.wait_indirect_dma semaphore(%arg32 : memref<!tpu.dma_semaphore, #tpu.memory_space<semaphore_mem>>) src(%dma_wait3A_227 : memref<67108096xf32, #tpu.memory_space<hbm>>) dst(%arg25 : memref<2048xf32, #tpu.memory_space<vmem>>)
    %dma_wait3A_228 = arith.constant 896 : i32
    %dma_wait3A_229 = tpu.memref_slice %arg3[%dma_wait3A_228] : memref<67108864xf32, #tpu.memory_space<hbm>> -> memref<67107968xf32, #tpu.memory_space<hbm>>
    %dma_wait3A_230 = arith.constant 0 : i32
    %dma_wait3A_231 = tpu.memref_slice %dma_wait3A_229[%dma_wait3A_230] : memref<67107968xf32, #tpu.memory_space<hbm>> -> memref<67107968xf32, #tpu.memory_space<hbm>>
    tpu.wait_indirect_dma semaphore(%arg32 : memref<!tpu.dma_semaphore, #tpu.memory_space<semaphore_mem>>) src(%dma_wait3A_231 : memref<67107968xf32, #tpu.memory_space<hbm>>) dst(%arg26 : memref<2048xf32, #tpu.memory_space<vmem>>)
    %dma_wait3A_232 = arith.constant 0 : i32
    %dma_wait3A_233 = tpu.memref_slice %arg4[%dma_wait3A_232] : memref<8388608xf32, #tpu.memory_space<hbm>> -> memref<8388608xf32, #tpu.memory_space<hbm>>
    tpu.wait_indirect_dma semaphore(%arg32 : memref<!tpu.dma_semaphore, #tpu.memory_space<semaphore_mem>>) src(%dma_wait3A_233 : memref<8388608xf32, #tpu.memory_space<hbm>>) dst(%arg28 : memref<2048xf32, #tpu.memory_space<vmem>>)
    %scan3A_234 = arith.constant 0 : i32
    %scan3A_235 = arith.constant 128 : i32
    %scan3A_236 = arith.addi %scan3A_234, %scan3A_235 : i32
    %scan3A_237 = arith.constant 1 : i32
    %scan3A_238:9 = scf.for %scan3A_298 = %scan3A_234 to %scan3A_236 step %scan3A_237 iter_args(%scan3A_299 = %broadcast_in_dim3A_1, %scan3A_300 = %broadcast_in_dim3A_1, %scan3A_301 = %broadcast_in_dim3A_1, %scan3A_302 = %broadcast_in_dim3A_1, %scan3A_303 = %broadcast_in_dim3A_1, %scan3A_304 = %broadcast_in_dim3A_1, %scan3A_305 = %broadcast_in_dim3A_1, %scan3A_306 = %broadcast_in_dim3A_1, %scan3A_307 = %broadcast_in_dim3A_1) -> (vector<16xf32>, vector<16xf32>, vector<16xf32>, vector<16xf32>, vector<16xf32>, vector<16xf32>, vector<16xf32>, vector<16xf32>, vector<16xf32>)  : i32 {
      %mul3A_308 = arith.constant 16 : i32
      %mul3A_309 = arith.muli %scan3A_298, %mul3A_308 : i32
      %get3A = arith.index_cast %mul3A_309 : i32 to index
      %get3A_310 = tpu.vector_load %arg19[%get3A] {strides = array<i32>} : memref<2048xf32, #tpu.memory_space<vmem>>, vector<16xf32>,
      %add3A_311 = arith.addf %scan3A_299, %get3A_310 : vector<16xf32>
      %mul3A_312 = arith.constant 16 : i32
      %mul3A_313 = arith.muli %scan3A_298, %mul3A_312 : i32
      %get3A_314 = arith.index_cast %mul3A_313 : i32 to index
      %get3A_315 = tpu.vector_load %arg20[%get3A_314] {strides = array<i32>} : memref<2048xf32, #tpu.memory_space<vmem>>, vector<16xf32>,
      %add3A_316 = arith.addf %scan3A_300, %get3A_315 : vector<16xf32>
      %mul3A_317 = arith.constant 16 : i32
      %mul3A_318 = arith.muli %scan3A_298, %mul3A_317 : i32
      %get3A_319 = arith.index_cast %mul3A_318 : i32 to index
      %get3A_320 = tpu.vector_load %arg21[%get3A_319] {strides = array<i32>} : memref<2048xf32, #tpu.memory_space<vmem>>, vector<16xf32>,
      %add3A_321 = arith.addf %scan3A_301, %get3A_320 : vector<16xf32>
      %mul3A_322 = arith.constant 16 : i32
      %mul3A_323 = arith.muli %scan3A_298, %mul3A_322 : i32
      %get3A_324 = arith.index_cast %mul3A_323 : i32 to index
      %get3A_325 = tpu.vector_load %arg22[%get3A_324] {strides = array<i32>} : memref<2048xf32, #tpu.memory_space<vmem>>, vector<16xf32>,
      %add3A_326 = arith.addf %scan3A_302, %get3A_325 : vector<16xf32>
      %mul3A_327 = arith.constant 16 : i32
      %mul3A_328 = arith.muli %scan3A_298, %mul3A_327 : i32
      %get3A_329 = arith.index_cast %mul3A_328 : i32 to index
      %get3A_330 = tpu.vector_load %arg23[%get3A_329] {strides = array<i32>} : memref<2048xf32, #tpu.memory_space<vmem>>, vector<16xf32>,
      %add3A_331 = arith.addf %scan3A_303, %get3A_330 : vector<16xf32>
      %mul3A_332 = arith.constant 16 : i32
      %mul3A_333 = arith.muli %scan3A_298, %mul3A_332 : i32
      %get3A_334 = arith.index_cast %mul3A_333 : i32 to index
      %get3A_335 = tpu.vector_load %arg24[%get3A_334] {strides = array<i32>} : memref<2048xf32, #tpu.memory_space<vmem>>, vector<16xf32>,
      %add3A_336 = arith.addf %scan3A_304, %get3A_335 : vector<16xf32>
      %mul3A_337 = arith.constant 16 : i32
      %mul3A_338 = arith.muli %scan3A_298, %mul3A_337 : i32
      %get3A_339 = arith.index_cast %mul3A_338 : i32 to index
      %get3A_340 = tpu.vector_load %arg25[%get3A_339] {strides = array<i32>} : memref<2048xf32, #tpu.memory_space<vmem>>, vector<16xf32>,
      %add3A_341 = arith.addf %scan3A_305, %get3A_340 : vector<16xf32>
      %mul3A_342 = arith.constant 16 : i32
      %mul3A_343 = arith.muli %scan3A_298, %mul3A_342 : i32
      %get3A_344 = arith.index_cast %mul3A_343 : i32 to index
      %get3A_345 = tpu.vector_load %arg26[%get3A_344] {strides = array<i32>} : memref<2048xf32, #tpu.memory_space<vmem>>, vector<16xf32>,
      %add3A_346 = arith.addf %scan3A_306, %get3A_345 : vector<16xf32>
      %mul3A_347 = arith.constant 16 : i32
      %mul3A_348 = arith.muli %scan3A_298, %mul3A_347 : i32
      %get3A_349 = arith.index_cast %mul3A_348 : i32 to index
      %get3A_350 = tpu.vector_load %arg28[%get3A_349] {strides = array<i32>} : memref<2048xf32, #tpu.memory_space<vmem>>, vector<16xf32>,
      %add3A_351 = arith.addf %scan3A_307, %get3A_350 : vector<16xf32>
      scf.yield %add3A_311, %add3A_316, %add3A_321, %add3A_326, %add3A_331, %add3A_336, %add3A_341, %add3A_346, %add3A_351 : vector<16xf32>, vector<16xf32>, vector<16xf32>, vector<16xf32>, vector<16xf32>, vector<16xf32>, vector<16xf32>, vector<16xf32>, vector<16xf32>
    }
    %scan3A_239 = arith.constant 128 : i32
    %mul3A_240 = arith.constant 8 : i32
    %mul3A_241 = vector.broadcast %mul3A_240 : i32 to vector<16xi32>
    %mul3A_242 = arith.muli %iota3A, %mul3A_241 : vector<16xi32>
    %add3A_243 = arith.constant 0 : i32
    %add3A_244 = vector.broadcast %add3A_243 : i32 to vector<16xi32>
    %add3A_245 = arith.addi %mul3A_242, %add3A_244 : vector<16xi32>
    tpu.vector_store_idx %arg29[%add3A_245], %scan3A_238#0 : memref<128xf32, #tpu.memory_space<vmem>>[vector<16xi32>], vector<16xf32>,
    %mul3A_246 = arith.constant 8 : i32
    %mul3A_247 = vector.broadcast %mul3A_246 : i32 to vector<16xi32>
    %mul3A_248 = arith.muli %iota3A, %mul3A_247 : vector<16xi32>
    %add3A_249 = arith.constant 1 : i32
    %add3A_250 = vector.broadcast %add3A_249 : i32 to vector<16xi32>
    %add3A_251 = arith.addi %mul3A_248, %add3A_250 : vector<16xi32>
    tpu.vector_store_idx %arg29[%add3A_251], %scan3A_238#1 : memref<128xf32, #tpu.memory_space<vmem>>[vector<16xi32>], vector<16xf32>,
    %mul3A_252 = arith.constant 8 : i32
    %mul3A_253 = vector.broadcast %mul3A_252 : i32 to vector<16xi32>
    %mul3A_254 = arith.muli %iota3A, %mul3A_253 : vector<16xi32>
    %add3A_255 = arith.constant 2 : i32
    %add3A_256 = vector.broadcast %add3A_255 : i32 to vector<16xi32>
    %add3A_257 = arith.addi %mul3A_254, %add3A_256 : vector<16xi32>
    tpu.vector_store_idx %arg29[%add3A_257], %scan3A_238#2 : memref<128xf32, #tpu.memory_space<vmem>>[vector<16xi32>], vector<16xf32>,
    %mul3A_258 = arith.constant 8 : i32
    %mul3A_259 = vector.broadcast %mul3A_258 : i32 to vector<16xi32>
    %mul3A_260 = arith.muli %iota3A, %mul3A_259 : vector<16xi32>
    %add3A_261 = arith.constant 3 : i32
    %add3A_262 = vector.broadcast %add3A_261 : i32 to vector<16xi32>
    %add3A_263 = arith.addi %mul3A_260, %add3A_262 : vector<16xi32>
    tpu.vector_store_idx %arg29[%add3A_263], %scan3A_238#3 : memref<128xf32, #tpu.memory_space<vmem>>[vector<16xi32>], vector<16xf32>,
    %mul3A_264 = arith.constant 8 : i32
    %mul3A_265 = vector.broadcast %mul3A_264 : i32 to vector<16xi32>
    %mul3A_266 = arith.muli %iota3A, %mul3A_265 : vector<16xi32>
    %add3A_267 = arith.constant 4 : i32
    %add3A_268 = vector.broadcast %add3A_267 : i32 to vector<16xi32>
    %add3A_269 = arith.addi %mul3A_266, %add3A_268 : vector<16xi32>
    tpu.vector_store_idx %arg29[%add3A_269], %scan3A_238#4 : memref<128xf32, #tpu.memory_space<vmem>>[vector<16xi32>], vector<16xf32>,
    %mul3A_270 = arith.constant 8 : i32
    %mul3A_271 = vector.broadcast %mul3A_270 : i32 to vector<16xi32>
    %mul3A_272 = arith.muli %iota3A, %mul3A_271 : vector<16xi32>
    %add3A_273 = arith.constant 5 : i32
    %add3A_274 = vector.broadcast %add3A_273 : i32 to vector<16xi32>
    %add3A_275 = arith.addi %mul3A_272, %add3A_274 : vector<16xi32>
    tpu.vector_store_idx %arg29[%add3A_275], %scan3A_238#5 : memref<128xf32, #tpu.memory_space<vmem>>[vector<16xi32>], vector<16xf32>,
    %mul3A_276 = arith.constant 8 : i32
    %mul3A_277 = vector.broadcast %mul3A_276 : i32 to vector<16xi32>
    %mul3A_278 = arith.muli %iota3A, %mul3A_277 : vector<16xi32>
    %add3A_279 = arith.constant 6 : i32
    %add3A_280 = vector.broadcast %add3A_279 : i32 to vector<16xi32>
    %add3A_281 = arith.addi %mul3A_278, %add3A_280 : vector<16xi32>
    tpu.vector_store_idx %arg29[%add3A_281], %scan3A_238#6 : memref<128xf32, #tpu.memory_space<vmem>>[vector<16xi32>], vector<16xf32>,
    %mul3A_282 = arith.constant 8 : i32
    %mul3A_283 = vector.broadcast %mul3A_282 : i32 to vector<16xi32>
    %mul3A_284 = arith.muli %iota3A, %mul3A_283 : vector<16xi32>
    %add3A_285 = arith.constant 7 : i32
    %add3A_286 = vector.broadcast %add3A_285 : i32 to vector<16xi32>
    %add3A_287 = arith.addi %mul3A_284, %add3A_286 : vector<16xi32>
    tpu.vector_store_idx %arg29[%add3A_287], %scan3A_238#7 : memref<128xf32, #tpu.memory_space<vmem>>[vector<16xi32>], vector<16xf32>,
    %swap3A_288 = arith.constant 0 : index
    %swap3A_289 = tpu.vector_load %arg30[%swap3A_288] {strides = array<i32>} : memref<16xf32, #tpu.memory_space<vmem>>, vector<16xf32>,
    tpu.vector_store %arg30[%swap3A_288], %scan3A_238#8 {strides = array<i32>} : memref<16xf32, #tpu.memory_space<vmem>>, vector<16xf32>,
    %mul3A_290 = arith.constant 32 : i32
    %mul3A_291 = arith.muli %add3A, %mul3A_290 : i32
    %mul3A_292 = arith.constant 16 : i32
    %mul3A_293 = arith.muli %add3A_199, %mul3A_292 : i32
    %add3A_294 = arith.addi %mul3A_291, %mul3A_293 : i32
    %mul3A_295 = arith.constant 8 : i32
    %mul3A_296 = arith.muli %add3A_294, %mul3A_295 : i32
    "tpu.region"() ({
      %run_scoped3A = tpu.sem_alloc : memref<!tpu.dma_semaphore, #tpu.memory_space<semaphore_mem>>
      %dma_start3A_298 = tpu.memref_slice %arg5[%mul3A_296] : memref<8192xf32, #tpu.memory_space<hbm>> -> memref<128xf32, #tpu.memory_space<hbm>>
      %dma_start3A_299 = tpu.memref_slice %arg5[%mul3A_296] : memref<8192xf32, #tpu.memory_space<hbm>> -> memref<128xf32, #tpu.memory_space<hbm>>
      tpu.enqueue_dma source(%arg29 : memref<128xf32, #tpu.memory_space<vmem>>) target(%dma_start3A_299 : memref<128xf32, #tpu.memory_space<hbm>>) target_semaphore(%run_scoped3A : memref<!tpu.dma_semaphore, #tpu.memory_space<semaphore_mem>>)
      %dma_wait3A_300 = tpu.memref_slice %arg5[%mul3A_296] : memref<8192xf32, #tpu.memory_space<hbm>> -> memref<128xf32, #tpu.memory_space<hbm>>
      %dma_wait3A_301 = tpu.memref_slice %arg5[%mul3A_296] : memref<8192xf32, #tpu.memory_space<hbm>> -> memref<128xf32, #tpu.memory_space<hbm>>
      tpu.wait_dma2 semaphore(%run_scoped3A : memref<!tpu.dma_semaphore, #tpu.memory_space<semaphore_mem>>) src(%arg29 : memref<128xf32, #tpu.memory_space<vmem>>) dst(%dma_wait3A_301 : memref<128xf32, #tpu.memory_space<hbm>>)
      tpu.yield
    }) : () -> ()
    "tpu.region"() ({
      %run_scoped3A = tpu.sem_alloc : memref<!tpu.dma_semaphore, #tpu.memory_space<semaphore_mem>>
      %dma_start3A_298 = tpu.memref_slice %arg6[%add3A_294] : memref<1024xf32, #tpu.memory_space<hbm>> -> memref<16xf32, #tpu.memory_space<hbm>>
      %dma_start3A_299 = tpu.memref_slice %arg6[%add3A_294] : memref<1024xf32, #tpu.memory_space<hbm>> -> memref<16xf32, #tpu.memory_space<hbm>>
      tpu.enqueue_dma source(%arg30 : memref<16xf32, #tpu.memory_space<vmem>>) target(%dma_start3A_299 : memref<16xf32, #tpu.memory_space<hbm>>) target_semaphore(%run_scoped3A : memref<!tpu.dma_semaphore, #tpu.memory_space<semaphore_mem>>)
      %dma_wait3A_300 = tpu.memref_slice %arg6[%add3A_294] : memref<1024xf32, #tpu.memory_space<hbm>> -> memref<16xf32, #tpu.memory_space<hbm>>
      %dma_wait3A_301 = tpu.memref_slice %arg6[%add3A_294] : memref<1024xf32, #tpu.memory_space<hbm>> -> memref<16xf32, #tpu.memory_space<hbm>>
      tpu.wait_dma2 semaphore(%run_scoped3A : memref<!tpu.dma_semaphore, #tpu.memory_space<semaphore_mem>>) src(%arg30 : memref<16xf32, #tpu.memory_space<vmem>>) dst(%dma_wait3A_301 : memref<16xf32, #tpu.memory_space<hbm>>)
      tpu.yield
    }) : () -> ()
    %scan3A_297 = arith.constant 1 : i32
    return
  }
}

#map = affine_map<(d0, d1) -> (0)>
module attributes {stable_mosaic.version = 14 : i64} {
  func.func @_bag_body(%arg0: i32, %arg1: i32, %arg2: memref<131072xi32, #tpu.memory_space<hbm>>, %arg3: memref<67108864xf32, #tpu.memory_space<hbm>>, %arg4: memref<8388608xf32, #tpu.memory_space<hbm>>, %arg5: memref<8192xf32, #tpu.memory_space<hbm>>, %arg6: memref<1024xf32, #tpu.memory_space<hbm>>, %arg7: memref<2048xi32, #tpu.memory_space<vmem>>, %arg8: memref<2048xf32, #tpu.memory_space<vmem>>, %arg9: memref<2048xf32, #tpu.memory_space<vmem>>, %arg10: memref<2048xf32, #tpu.memory_space<vmem>>, %arg11: memref<2048xf32, #tpu.memory_space<vmem>>, %arg12: memref<2048xf32, #tpu.memory_space<vmem>>, %arg13: memref<2048xf32, #tpu.memory_space<vmem>>, %arg14: memref<2048xf32, #tpu.memory_space<vmem>>, %arg15: memref<2048xf32, #tpu.memory_space<vmem>>, %arg16: memref<2048xi32, #tpu.memory_space<vmem>>, %arg17: memref<2048xf32, #tpu.memory_space<vmem>>, %arg18: memref<2048xi32, #tpu.memory_space<vmem>>, %arg19: memref<2048xf32, #tpu.memory_space<vmem>>, %arg20: memref<2048xf32, #tpu.memory_space<vmem>>, %arg21: memref<2048xf32, #tpu.memory_space<vmem>>, %arg22: memref<2048xf32, #tpu.memory_space<vmem>>, %arg23: memref<2048xf32, #tpu.memory_space<vmem>>, %arg24: memref<2048xf32, #tpu.memory_space<vmem>>, %arg25: memref<2048xf32, #tpu.memory_space<vmem>>, %arg26: memref<2048xf32, #tpu.memory_space<vmem>>, %arg27: memref<2048xi32, #tpu.memory_space<vmem>>, %arg28: memref<2048xf32, #tpu.memory_space<vmem>>, %arg29: memref<128xf32, #tpu.memory_space<vmem>>, %arg30: memref<16xf32, #tpu.memory_space<vmem>>, %arg31: memref<!tpu.dma_semaphore, #tpu.memory_space<semaphore_mem>>, %arg32: memref<!tpu.dma_semaphore, #tpu.memory_space<semaphore_mem>>) attributes {dimension_semantics = [#tpu.dimension_semantics<core_parallel>, #tpu.dimension_semantics<subcore_parallel>], iteration_bounds = array<i64: 2, 16>, scalar_prefetch = 0 : i64, scratch_operands = 26 : i64, tpu.core_type = #tpu.core_type<sc_vector_subcore>, window_params = [{transform_indices = #map}, {transform_indices = #map}, {transform_indices = #map}, {transform_indices = #map}, {transform_indices = #map}]} {
    %mul3A = arith.constant 2 : i32
    %mul3A_0 = arith.muli %arg1, %mul3A : i32
    %add3A = arith.addi %mul3A_0, %arg0 : i32
    %iota3A = tpu.iota {dimensions = array<i32: 0>} : vector<16xi32>
    %broadcast_in_dim3A = arith.constant 0.000000e+00 : f32
    %broadcast_in_dim3A_1 = vector.broadcast %broadcast_in_dim3A : f32 to vector<16xf32>
    %mul3A_2 = arith.constant 2 : i32
    %mul3A_3 = arith.muli %add3A, %mul3A_2 : i32
    %add3A_4 = arith.constant 0 : i32
    %add3A_5 = arith.addi %mul3A_3, %add3A_4 : i32
    %mul3A_6 = arith.constant 2048 : i32
    %mul3A_7 = arith.muli %add3A_5, %mul3A_6 : i32
    "tpu.region"() ({
      %run_scoped3A = tpu.sem_alloc : memref<!tpu.dma_semaphore, #tpu.memory_space<semaphore_mem>>
      %dma_start3A_298 = tpu.memref_slice %arg2[%mul3A_7] : memref<131072xi32, #tpu.memory_space<hbm>> -> memref<2048xi32, #tpu.memory_space<hbm>>
      %dma_start3A_299 = tpu.memref_slice %arg2[%mul3A_7] : memref<131072xi32, #tpu.memory_space<hbm>> -> memref<2048xi32, #tpu.memory_space<hbm>>
      tpu.enqueue_dma source(%dma_start3A_299 : memref<2048xi32, #tpu.memory_space<hbm>>) target(%arg16 : memref<2048xi32, #tpu.memory_space<vmem>>) target_semaphore(%run_scoped3A : memref<!tpu.dma_semaphore, #tpu.memory_space<semaphore_mem>>)
      %dma_wait3A_300 = tpu.memref_slice %arg2[%mul3A_7] : memref<131072xi32, #tpu.memory_space<hbm>> -> memref<2048xi32, #tpu.memory_space<hbm>>
      %dma_wait3A_301 = tpu.memref_slice %arg2[%mul3A_7] : memref<131072xi32, #tpu.memory_space<hbm>> -> memref<2048xi32, #tpu.memory_space<hbm>>
      tpu.wait_dma2 semaphore(%run_scoped3A : memref<!tpu.dma_semaphore, #tpu.memory_space<semaphore_mem>>) src(%dma_wait3A_301 : memref<2048xi32, #tpu.memory_space<hbm>>) dst(%arg16 : memref<2048xi32, #tpu.memory_space<vmem>>)
      tpu.yield
    }) : () -> ()
    %dma_start3A = arith.constant 0 : i32
    %dma_start3A_8 = tpu.memref_slice %arg4[%dma_start3A] : memref<8388608xf32, #tpu.memory_space<hbm>> -> memref<8388608xf32, #tpu.memory_space<hbm>>
    tpu.enqueue_indirect_dma source(%dma_start3A_8 : memref<8388608xf32, #tpu.memory_space<hbm>>) target(%arg17 : memref<2048xf32, #tpu.memory_space<vmem>>) offsets(%arg16 : memref<2048xi32, #tpu.memory_space<vmem>>) semaphore(%arg31 : memref<!tpu.dma_semaphore, #tpu.memory_space<semaphore_mem>>)
    %scan3A = arith.constant 0 : i32
    %scan3A_9 = arith.constant 0 : i32
    %scan3A_10 = arith.constant 128 : i32
    %scan3A_11 = arith.addi %scan3A_9, %scan3A_10 : i32
    %scan3A_12 = arith.constant 1 : i32
    scf.for %scan3A_298 = %scan3A_9 to %scan3A_11 step %scan3A_12  : i32 {
      %mul3A_299 = arith.constant 16 : i32
      %mul3A_300 = arith.muli %scan3A_298, %mul3A_299 : i32
      %get3A = arith.index_cast %mul3A_300 : i32 to index
      %get3A_301 = tpu.vector_load %arg16[%get3A] {strides = array<i32>} : memref<2048xi32, #tpu.memory_space<vmem>>, vector<16xi32>,
      %shift_right_arithmetic3A = arith.constant 7 : i32
      %shift_right_arithmetic3A_302 = vector.broadcast %shift_right_arithmetic3A : i32 to vector<16xi32>
      %shift_right_arithmetic3A_303 = arith.shrsi %get3A_301, %shift_right_arithmetic3A_302 : vector<16xi32>
      %shift_left3A = arith.constant 10 : i32
      %shift_left3A_304 = vector.broadcast %shift_left3A : i32 to vector<16xi32>
      %shift_left3A_305 = arith.shli %shift_right_arithmetic3A_303, %shift_left3A_304 : vector<16xi32>
      %and3A = arith.constant 127 : i32
      %and3A_306 = vector.broadcast %and3A : i32 to vector<16xi32>
      %and3A_307 = arith.andi %get3A_301, %and3A_306 : vector<16xi32>
      %or3A = arith.ori %shift_left3A_305, %and3A_307 : vector<16xi32>
      %mul3A_308 = arith.constant 16 : i32
      %mul3A_309 = arith.muli %scan3A_298, %mul3A_308 : i32
      %swap3A_310 = arith.index_cast %mul3A_309 : i32 to index
      %swap3A_311 = tpu.vector_load %arg7[%swap3A_310] {strides = array<i32>} : memref<2048xi32, #tpu.memory_space<vmem>>, vector<16xi32>,
      tpu.vector_store %arg7[%swap3A_310], %or3A {strides = array<i32>} : memref<2048xi32, #tpu.memory_space<vmem>>, vector<16xi32>,
    }
    %scan3A_13 = arith.constant 128 : i32
    %dma_start3A_14 = arith.constant 0 : i32
    %dma_start3A_15 = tpu.memref_slice %arg3[%dma_start3A_14] : memref<67108864xf32, #tpu.memory_space<hbm>> -> memref<67108864xf32, #tpu.memory_space<hbm>>
    %dma_start3A_16 = arith.constant 0 : i32
    %dma_start3A_17 = tpu.memref_slice %dma_start3A_15[%dma_start3A_16] : memref<67108864xf32, #tpu.memory_space<hbm>> -> memref<67108864xf32, #tpu.memory_space<hbm>>
    tpu.enqueue_indirect_dma source(%dma_start3A_17 : memref<67108864xf32, #tpu.memory_space<hbm>>) target(%arg8 : memref<2048xf32, #tpu.memory_space<vmem>>) offsets(%arg7 : memref<2048xi32, #tpu.memory_space<vmem>>) semaphore(%arg31 : memref<!tpu.dma_semaphore, #tpu.memory_space<semaphore_mem>>)
    %dma_start3A_18 = arith.constant 128 : i32
    %dma_start3A_19 = tpu.memref_slice %arg3[%dma_start3A_18] : memref<67108864xf32, #tpu.memory_space<hbm>> -> memref<67108736xf32, #tpu.memory_space<hbm>>
    %dma_start3A_20 = arith.constant 0 : i32
    %dma_start3A_21 = tpu.memref_slice %dma_start3A_19[%dma_start3A_20] : memref<67108736xf32, #tpu.memory_space<hbm>> -> memref<67108736xf32, #tpu.memory_space<hbm>>
    tpu.enqueue_indirect_dma source(%dma_start3A_21 : memref<67108736xf32, #tpu.memory_space<hbm>>) target(%arg9 : memref<2048xf32, #tpu.memory_space<vmem>>) offsets(%arg7 : memref<2048xi32, #tpu.memory_space<vmem>>) semaphore(%arg31 : memref<!tpu.dma_semaphore, #tpu.memory_space<semaphore_mem>>)
    %dma_start3A_22 = arith.constant 256 : i32
    %dma_start3A_23 = tpu.memref_slice %arg3[%dma_start3A_22] : memref<67108864xf32, #tpu.memory_space<hbm>> -> memref<67108608xf32, #tpu.memory_space<hbm>>
    %dma_start3A_24 = arith.constant 0 : i32
    %dma_start3A_25 = tpu.memref_slice %dma_start3A_23[%dma_start3A_24] : memref<67108608xf32, #tpu.memory_space<hbm>> -> memref<67108608xf32, #tpu.memory_space<hbm>>
    tpu.enqueue_indirect_dma source(%dma_start3A_25 : memref<67108608xf32, #tpu.memory_space<hbm>>) target(%arg10 : memref<2048xf32, #tpu.memory_space<vmem>>) offsets(%arg7 : memref<2048xi32, #tpu.memory_space<vmem>>) semaphore(%arg31 : memref<!tpu.dma_semaphore, #tpu.memory_space<semaphore_mem>>)
    %dma_start3A_26 = arith.constant 384 : i32
    %dma_start3A_27 = tpu.memref_slice %arg3[%dma_start3A_26] : memref<67108864xf32, #tpu.memory_space<hbm>> -> memref<67108480xf32, #tpu.memory_space<hbm>>
    %dma_start3A_28 = arith.constant 0 : i32
    %dma_start3A_29 = tpu.memref_slice %dma_start3A_27[%dma_start3A_28] : memref<67108480xf32, #tpu.memory_space<hbm>> -> memref<67108480xf32, #tpu.memory_space<hbm>>
    tpu.enqueue_indirect_dma source(%dma_start3A_29 : memref<67108480xf32, #tpu.memory_space<hbm>>) target(%arg11 : memref<2048xf32, #tpu.memory_space<vmem>>) offsets(%arg7 : memref<2048xi32, #tpu.memory_space<vmem>>) semaphore(%arg31 : memref<!tpu.dma_semaphore, #tpu.memory_space<semaphore_mem>>)
    %dma_start3A_30 = arith.constant 512 : i32
    %dma_start3A_31 = tpu.memref_slice %arg3[%dma_start3A_30] : memref<67108864xf32, #tpu.memory_space<hbm>> -> memref<67108352xf32, #tpu.memory_space<hbm>>
    %dma_start3A_32 = arith.constant 0 : i32
    %dma_start3A_33 = tpu.memref_slice %dma_start3A_31[%dma_start3A_32] : memref<67108352xf32, #tpu.memory_space<hbm>> -> memref<67108352xf32, #tpu.memory_space<hbm>>
    tpu.enqueue_indirect_dma source(%dma_start3A_33 : memref<67108352xf32, #tpu.memory_space<hbm>>) target(%arg12 : memref<2048xf32, #tpu.memory_space<vmem>>) offsets(%arg7 : memref<2048xi32, #tpu.memory_space<vmem>>) semaphore(%arg31 : memref<!tpu.dma_semaphore, #tpu.memory_space<semaphore_mem>>)
    %dma_start3A_34 = arith.constant 640 : i32
    %dma_start3A_35 = tpu.memref_slice %arg3[%dma_start3A_34] : memref<67108864xf32, #tpu.memory_space<hbm>> -> memref<67108224xf32, #tpu.memory_space<hbm>>
    %dma_start3A_36 = arith.constant 0 : i32
    %dma_start3A_37 = tpu.memref_slice %dma_start3A_35[%dma_start3A_36] : memref<67108224xf32, #tpu.memory_space<hbm>> -> memref<67108224xf32, #tpu.memory_space<hbm>>
    tpu.enqueue_indirect_dma source(%dma_start3A_37 : memref<67108224xf32, #tpu.memory_space<hbm>>) target(%arg13 : memref<2048xf32, #tpu.memory_space<vmem>>) offsets(%arg7 : memref<2048xi32, #tpu.memory_space<vmem>>) semaphore(%arg31 : memref<!tpu.dma_semaphore, #tpu.memory_space<semaphore_mem>>)
    %dma_start3A_38 = arith.constant 768 : i32
    %dma_start3A_39 = tpu.memref_slice %arg3[%dma_start3A_38] : memref<67108864xf32, #tpu.memory_space<hbm>> -> memref<67108096xf32, #tpu.memory_space<hbm>>
    %dma_start3A_40 = arith.constant 0 : i32
    %dma_start3A_41 = tpu.memref_slice %dma_start3A_39[%dma_start3A_40] : memref<67108096xf32, #tpu.memory_space<hbm>> -> memref<67108096xf32, #tpu.memory_space<hbm>>
    tpu.enqueue_indirect_dma source(%dma_start3A_41 : memref<67108096xf32, #tpu.memory_space<hbm>>) target(%arg14 : memref<2048xf32, #tpu.memory_space<vmem>>) offsets(%arg7 : memref<2048xi32, #tpu.memory_space<vmem>>) semaphore(%arg31 : memref<!tpu.dma_semaphore, #tpu.memory_space<semaphore_mem>>)
    %dma_start3A_42 = arith.constant 896 : i32
    %dma_start3A_43 = tpu.memref_slice %arg3[%dma_start3A_42] : memref<67108864xf32, #tpu.memory_space<hbm>> -> memref<67107968xf32, #tpu.memory_space<hbm>>
    %dma_start3A_44 = arith.constant 0 : i32
    %dma_start3A_45 = tpu.memref_slice %dma_start3A_43[%dma_start3A_44] : memref<67107968xf32, #tpu.memory_space<hbm>> -> memref<67107968xf32, #tpu.memory_space<hbm>>
    tpu.enqueue_indirect_dma source(%dma_start3A_45 : memref<67107968xf32, #tpu.memory_space<hbm>>) target(%arg15 : memref<2048xf32, #tpu.memory_space<vmem>>) offsets(%arg7 : memref<2048xi32, #tpu.memory_space<vmem>>) semaphore(%arg31 : memref<!tpu.dma_semaphore, #tpu.memory_space<semaphore_mem>>)
    %scan3A_46 = arith.constant 0 : i32
    %scan3A_47 = arith.constant 0 : i32
    %mul3A_48 = arith.constant 2 : i32
    %mul3A_49 = arith.muli %scan3A_47, %mul3A_48 : i32
    %add3A_50 = arith.constant 1 : i32
    %add3A_51 = arith.addi %mul3A_49, %add3A_50 : i32
    %mul3A_52 = arith.constant 2 : i32
    %mul3A_53 = arith.muli %add3A, %mul3A_52 : i32
    %add3A_54 = arith.addi %mul3A_53, %add3A_51 : i32
    %mul3A_55 = arith.constant 2048 : i32
    %mul3A_56 = arith.muli %add3A_54, %mul3A_55 : i32
    "tpu.region"() ({
      %run_scoped3A = tpu.sem_alloc : memref<!tpu.dma_semaphore, #tpu.memory_space<semaphore_mem>>
      %dma_start3A_298 = tpu.memref_slice %arg2[%mul3A_56] : memref<131072xi32, #tpu.memory_space<hbm>> -> memref<2048xi32, #tpu.memory_space<hbm>>
      %dma_start3A_299 = tpu.memref_slice %arg2[%mul3A_56] : memref<131072xi32, #tpu.memory_space<hbm>> -> memref<2048xi32, #tpu.memory_space<hbm>>
      tpu.enqueue_dma source(%dma_start3A_299 : memref<2048xi32, #tpu.memory_space<hbm>>) target(%arg27 : memref<2048xi32, #tpu.memory_space<vmem>>) target_semaphore(%run_scoped3A : memref<!tpu.dma_semaphore, #tpu.memory_space<semaphore_mem>>)
      %dma_wait3A_300 = tpu.memref_slice %arg2[%mul3A_56] : memref<131072xi32, #tpu.memory_space<hbm>> -> memref<2048xi32, #tpu.memory_space<hbm>>
      %dma_wait3A_301 = tpu.memref_slice %arg2[%mul3A_56] : memref<131072xi32, #tpu.memory_space<hbm>> -> memref<2048xi32, #tpu.memory_space<hbm>>
      tpu.wait_dma2 semaphore(%run_scoped3A : memref<!tpu.dma_semaphore, #tpu.memory_space<semaphore_mem>>) src(%dma_wait3A_301 : memref<2048xi32, #tpu.memory_space<hbm>>) dst(%arg27 : memref<2048xi32, #tpu.memory_space<vmem>>)
      tpu.yield
    }) : () -> ()
    %dma_start3A_57 = arith.constant 0 : i32
    %dma_start3A_58 = tpu.memref_slice %arg4[%dma_start3A_57] : memref<8388608xf32, #tpu.memory_space<hbm>> -> memref<8388608xf32, #tpu.memory_space<hbm>>
    tpu.enqueue_indirect_dma source(%dma_start3A_58 : memref<8388608xf32, #tpu.memory_space<hbm>>) target(%arg28 : memref<2048xf32, #tpu.memory_space<vmem>>) offsets(%arg27 : memref<2048xi32, #tpu.memory_space<vmem>>) semaphore(%arg32 : memref<!tpu.dma_semaphore, #tpu.memory_space<semaphore_mem>>)
    %scan3A_59 = arith.constant 0 : i32
    %scan3A_60 = arith.constant 0 : i32
    %scan3A_61 = arith.constant 128 : i32
    %scan3A_62 = arith.addi %scan3A_60, %scan3A_61 : i32
    %scan3A_63 = arith.constant 1 : i32
    scf.for %scan3A_298 = %scan3A_60 to %scan3A_62 step %scan3A_63  : i32 {
      %mul3A_299 = arith.constant 16 : i32
      %mul3A_300 = arith.muli %scan3A_298, %mul3A_299 : i32
      %get3A = arith.index_cast %mul3A_300 : i32 to index
      %get3A_301 = tpu.vector_load %arg27[%get3A] {strides = array<i32>} : memref<2048xi32, #tpu.memory_space<vmem>>, vector<16xi32>,
      %shift_right_arithmetic3A = arith.constant 7 : i32
      %shift_right_arithmetic3A_302 = vector.broadcast %shift_right_arithmetic3A : i32 to vector<16xi32>
      %shift_right_arithmetic3A_303 = arith.shrsi %get3A_301, %shift_right_arithmetic3A_302 : vector<16xi32>
      %shift_left3A = arith.constant 10 : i32
      %shift_left3A_304 = vector.broadcast %shift_left3A : i32 to vector<16xi32>
      %shift_left3A_305 = arith.shli %shift_right_arithmetic3A_303, %shift_left3A_304 : vector<16xi32>
      %and3A = arith.constant 127 : i32
      %and3A_306 = vector.broadcast %and3A : i32 to vector<16xi32>
      %and3A_307 = arith.andi %get3A_301, %and3A_306 : vector<16xi32>
      %or3A = arith.ori %shift_left3A_305, %and3A_307 : vector<16xi32>
      %mul3A_308 = arith.constant 16 : i32
      %mul3A_309 = arith.muli %scan3A_298, %mul3A_308 : i32
      %swap3A_310 = arith.index_cast %mul3A_309 : i32 to index
      %swap3A_311 = tpu.vector_load %arg18[%swap3A_310] {strides = array<i32>} : memref<2048xi32, #tpu.memory_space<vmem>>, vector<16xi32>,
      tpu.vector_store %arg18[%swap3A_310], %or3A {strides = array<i32>} : memref<2048xi32, #tpu.memory_space<vmem>>, vector<16xi32>,
    }
    %scan3A_64 = arith.constant 128 : i32
    %dma_start3A_65 = arith.constant 0 : i32
    %dma_start3A_66 = tpu.memref_slice %arg3[%dma_start3A_65] : memref<67108864xf32, #tpu.memory_space<hbm>> -> memref<67108864xf32, #tpu.memory_space<hbm>>
    %dma_start3A_67 = arith.constant 0 : i32
    %dma_start3A_68 = tpu.memref_slice %dma_start3A_66[%dma_start3A_67] : memref<67108864xf32, #tpu.memory_space<hbm>> -> memref<67108864xf32, #tpu.memory_space<hbm>>
    tpu.enqueue_indirect_dma source(%dma_start3A_68 : memref<67108864xf32, #tpu.memory_space<hbm>>) target(%arg19 : memref<2048xf32, #tpu.memory_space<vmem>>) offsets(%arg18 : memref<2048xi32, #tpu.memory_space<vmem>>) semaphore(%arg32 : memref<!tpu.dma_semaphore, #tpu.memory_space<semaphore_mem>>)
    %dma_start3A_69 = arith.constant 128 : i32
    %dma_start3A_70 = tpu.memref_slice %arg3[%dma_start3A_69] : memref<67108864xf32, #tpu.memory_space<hbm>> -> memref<67108736xf32, #tpu.memory_space<hbm>>
    %dma_start3A_71 = arith.constant 0 : i32
    %dma_start3A_72 = tpu.memref_slice %dma_start3A_70[%dma_start3A_71] : memref<67108736xf32, #tpu.memory_space<hbm>> -> memref<67108736xf32, #tpu.memory_space<hbm>>
    tpu.enqueue_indirect_dma source(%dma_start3A_72 : memref<67108736xf32, #tpu.memory_space<hbm>>) target(%arg20 : memref<2048xf32, #tpu.memory_space<vmem>>) offsets(%arg18 : memref<2048xi32, #tpu.memory_space<vmem>>) semaphore(%arg32 : memref<!tpu.dma_semaphore, #tpu.memory_space<semaphore_mem>>)
    %dma_start3A_73 = arith.constant 256 : i32
    %dma_start3A_74 = tpu.memref_slice %arg3[%dma_start3A_73] : memref<67108864xf32, #tpu.memory_space<hbm>> -> memref<67108608xf32, #tpu.memory_space<hbm>>
    %dma_start3A_75 = arith.constant 0 : i32
    %dma_start3A_76 = tpu.memref_slice %dma_start3A_74[%dma_start3A_75] : memref<67108608xf32, #tpu.memory_space<hbm>> -> memref<67108608xf32, #tpu.memory_space<hbm>>
    tpu.enqueue_indirect_dma source(%dma_start3A_76 : memref<67108608xf32, #tpu.memory_space<hbm>>) target(%arg21 : memref<2048xf32, #tpu.memory_space<vmem>>) offsets(%arg18 : memref<2048xi32, #tpu.memory_space<vmem>>) semaphore(%arg32 : memref<!tpu.dma_semaphore, #tpu.memory_space<semaphore_mem>>)
    %dma_start3A_77 = arith.constant 384 : i32
    %dma_start3A_78 = tpu.memref_slice %arg3[%dma_start3A_77] : memref<67108864xf32, #tpu.memory_space<hbm>> -> memref<67108480xf32, #tpu.memory_space<hbm>>
    %dma_start3A_79 = arith.constant 0 : i32
    %dma_start3A_80 = tpu.memref_slice %dma_start3A_78[%dma_start3A_79] : memref<67108480xf32, #tpu.memory_space<hbm>> -> memref<67108480xf32, #tpu.memory_space<hbm>>
    tpu.enqueue_indirect_dma source(%dma_start3A_80 : memref<67108480xf32, #tpu.memory_space<hbm>>) target(%arg22 : memref<2048xf32, #tpu.memory_space<vmem>>) offsets(%arg18 : memref<2048xi32, #tpu.memory_space<vmem>>) semaphore(%arg32 : memref<!tpu.dma_semaphore, #tpu.memory_space<semaphore_mem>>)
    %dma_start3A_81 = arith.constant 512 : i32
    %dma_start3A_82 = tpu.memref_slice %arg3[%dma_start3A_81] : memref<67108864xf32, #tpu.memory_space<hbm>> -> memref<67108352xf32, #tpu.memory_space<hbm>>
    %dma_start3A_83 = arith.constant 0 : i32
    %dma_start3A_84 = tpu.memref_slice %dma_start3A_82[%dma_start3A_83] : memref<67108352xf32, #tpu.memory_space<hbm>> -> memref<67108352xf32, #tpu.memory_space<hbm>>
    tpu.enqueue_indirect_dma source(%dma_start3A_84 : memref<67108352xf32, #tpu.memory_space<hbm>>) target(%arg23 : memref<2048xf32, #tpu.memory_space<vmem>>) offsets(%arg18 : memref<2048xi32, #tpu.memory_space<vmem>>) semaphore(%arg32 : memref<!tpu.dma_semaphore, #tpu.memory_space<semaphore_mem>>)
    %dma_start3A_85 = arith.constant 640 : i32
    %dma_start3A_86 = tpu.memref_slice %arg3[%dma_start3A_85] : memref<67108864xf32, #tpu.memory_space<hbm>> -> memref<67108224xf32, #tpu.memory_space<hbm>>
    %dma_start3A_87 = arith.constant 0 : i32
    %dma_start3A_88 = tpu.memref_slice %dma_start3A_86[%dma_start3A_87] : memref<67108224xf32, #tpu.memory_space<hbm>> -> memref<67108224xf32, #tpu.memory_space<hbm>>
    tpu.enqueue_indirect_dma source(%dma_start3A_88 : memref<67108224xf32, #tpu.memory_space<hbm>>) target(%arg24 : memref<2048xf32, #tpu.memory_space<vmem>>) offsets(%arg18 : memref<2048xi32, #tpu.memory_space<vmem>>) semaphore(%arg32 : memref<!tpu.dma_semaphore, #tpu.memory_space<semaphore_mem>>)
    %dma_start3A_89 = arith.constant 768 : i32
    %dma_start3A_90 = tpu.memref_slice %arg3[%dma_start3A_89] : memref<67108864xf32, #tpu.memory_space<hbm>> -> memref<67108096xf32, #tpu.memory_space<hbm>>
    %dma_start3A_91 = arith.constant 0 : i32
    %dma_start3A_92 = tpu.memref_slice %dma_start3A_90[%dma_start3A_91] : memref<67108096xf32, #tpu.memory_space<hbm>> -> memref<67108096xf32, #tpu.memory_space<hbm>>
    tpu.enqueue_indirect_dma source(%dma_start3A_92 : memref<67108096xf32, #tpu.memory_space<hbm>>) target(%arg25 : memref<2048xf32, #tpu.memory_space<vmem>>) offsets(%arg18 : memref<2048xi32, #tpu.memory_space<vmem>>) semaphore(%arg32 : memref<!tpu.dma_semaphore, #tpu.memory_space<semaphore_mem>>)
    %dma_start3A_93 = arith.constant 896 : i32
    %dma_start3A_94 = tpu.memref_slice %arg3[%dma_start3A_93] : memref<67108864xf32, #tpu.memory_space<hbm>> -> memref<67107968xf32, #tpu.memory_space<hbm>>
    %dma_start3A_95 = arith.constant 0 : i32
    %dma_start3A_96 = tpu.memref_slice %dma_start3A_94[%dma_start3A_95] : memref<67107968xf32, #tpu.memory_space<hbm>> -> memref<67107968xf32, #tpu.memory_space<hbm>>
    tpu.enqueue_indirect_dma source(%dma_start3A_96 : memref<67107968xf32, #tpu.memory_space<hbm>>) target(%arg26 : memref<2048xf32, #tpu.memory_space<vmem>>) offsets(%arg18 : memref<2048xi32, #tpu.memory_space<vmem>>) semaphore(%arg32 : memref<!tpu.dma_semaphore, #tpu.memory_space<semaphore_mem>>)
    %dma_wait3A = arith.constant 0 : i32
    %dma_wait3A_97 = tpu.memref_slice %arg3[%dma_wait3A] : memref<67108864xf32, #tpu.memory_space<hbm>> -> memref<67108864xf32, #tpu.memory_space<hbm>>
    %dma_wait3A_98 = arith.constant 0 : i32
    %dma_wait3A_99 = tpu.memref_slice %dma_wait3A_97[%dma_wait3A_98] : memref<67108864xf32, #tpu.memory_space<hbm>> -> memref<67108864xf32, #tpu.memory_space<hbm>>
    tpu.wait_indirect_dma semaphore(%arg31 : memref<!tpu.dma_semaphore, #tpu.memory_space<semaphore_mem>>) src(%dma_wait3A_99 : memref<67108864xf32, #tpu.memory_space<hbm>>) dst(%arg8 : memref<2048xf32, #tpu.memory_space<vmem>>)
    %dma_wait3A_100 = arith.constant 128 : i32
    %dma_wait3A_101 = tpu.memref_slice %arg3[%dma_wait3A_100] : memref<67108864xf32, #tpu.memory_space<hbm>> -> memref<67108736xf32, #tpu.memory_space<hbm>>
    %dma_wait3A_102 = arith.constant 0 : i32
    %dma_wait3A_103 = tpu.memref_slice %dma_wait3A_101[%dma_wait3A_102] : memref<67108736xf32, #tpu.memory_space<hbm>> -> memref<67108736xf32, #tpu.memory_space<hbm>>
    tpu.wait_indirect_dma semaphore(%arg31 : memref<!tpu.dma_semaphore, #tpu.memory_space<semaphore_mem>>) src(%dma_wait3A_103 : memref<67108736xf32, #tpu.memory_space<hbm>>) dst(%arg9 : memref<2048xf32, #tpu.memory_space<vmem>>)
    %dma_wait3A_104 = arith.constant 256 : i32
    %dma_wait3A_105 = tpu.memref_slice %arg3[%dma_wait3A_104] : memref<67108864xf32, #tpu.memory_space<hbm>> -> memref<67108608xf32, #tpu.memory_space<hbm>>
    %dma_wait3A_106 = arith.constant 0 : i32
    %dma_wait3A_107 = tpu.memref_slice %dma_wait3A_105[%dma_wait3A_106] : memref<67108608xf32, #tpu.memory_space<hbm>> -> memref<67108608xf32, #tpu.memory_space<hbm>>
    tpu.wait_indirect_dma semaphore(%arg31 : memref<!tpu.dma_semaphore, #tpu.memory_space<semaphore_mem>>) src(%dma_wait3A_107 : memref<67108608xf32, #tpu.memory_space<hbm>>) dst(%arg10 : memref<2048xf32, #tpu.memory_space<vmem>>)
    %dma_wait3A_108 = arith.constant 384 : i32
    %dma_wait3A_109 = tpu.memref_slice %arg3[%dma_wait3A_108] : memref<67108864xf32, #tpu.memory_space<hbm>> -> memref<67108480xf32, #tpu.memory_space<hbm>>
    %dma_wait3A_110 = arith.constant 0 : i32
    %dma_wait3A_111 = tpu.memref_slice %dma_wait3A_109[%dma_wait3A_110] : memref<67108480xf32, #tpu.memory_space<hbm>> -> memref<67108480xf32, #tpu.memory_space<hbm>>
    tpu.wait_indirect_dma semaphore(%arg31 : memref<!tpu.dma_semaphore, #tpu.memory_space<semaphore_mem>>) src(%dma_wait3A_111 : memref<67108480xf32, #tpu.memory_space<hbm>>) dst(%arg11 : memref<2048xf32, #tpu.memory_space<vmem>>)
    %dma_wait3A_112 = arith.constant 512 : i32
    %dma_wait3A_113 = tpu.memref_slice %arg3[%dma_wait3A_112] : memref<67108864xf32, #tpu.memory_space<hbm>> -> memref<67108352xf32, #tpu.memory_space<hbm>>
    %dma_wait3A_114 = arith.constant 0 : i32
    %dma_wait3A_115 = tpu.memref_slice %dma_wait3A_113[%dma_wait3A_114] : memref<67108352xf32, #tpu.memory_space<hbm>> -> memref<67108352xf32, #tpu.memory_space<hbm>>
    tpu.wait_indirect_dma semaphore(%arg31 : memref<!tpu.dma_semaphore, #tpu.memory_space<semaphore_mem>>) src(%dma_wait3A_115 : memref<67108352xf32, #tpu.memory_space<hbm>>) dst(%arg12 : memref<2048xf32, #tpu.memory_space<vmem>>)
    %dma_wait3A_116 = arith.constant 640 : i32
    %dma_wait3A_117 = tpu.memref_slice %arg3[%dma_wait3A_116] : memref<67108864xf32, #tpu.memory_space<hbm>> -> memref<67108224xf32, #tpu.memory_space<hbm>>
    %dma_wait3A_118 = arith.constant 0 : i32
    %dma_wait3A_119 = tpu.memref_slice %dma_wait3A_117[%dma_wait3A_118] : memref<67108224xf32, #tpu.memory_space<hbm>> -> memref<67108224xf32, #tpu.memory_space<hbm>>
    tpu.wait_indirect_dma semaphore(%arg31 : memref<!tpu.dma_semaphore, #tpu.memory_space<semaphore_mem>>) src(%dma_wait3A_119 : memref<67108224xf32, #tpu.memory_space<hbm>>) dst(%arg13 : memref<2048xf32, #tpu.memory_space<vmem>>)
    %dma_wait3A_120 = arith.constant 768 : i32
    %dma_wait3A_121 = tpu.memref_slice %arg3[%dma_wait3A_120] : memref<67108864xf32, #tpu.memory_space<hbm>> -> memref<67108096xf32, #tpu.memory_space<hbm>>
    %dma_wait3A_122 = arith.constant 0 : i32
    %dma_wait3A_123 = tpu.memref_slice %dma_wait3A_121[%dma_wait3A_122] : memref<67108096xf32, #tpu.memory_space<hbm>> -> memref<67108096xf32, #tpu.memory_space<hbm>>
    tpu.wait_indirect_dma semaphore(%arg31 : memref<!tpu.dma_semaphore, #tpu.memory_space<semaphore_mem>>) src(%dma_wait3A_123 : memref<67108096xf32, #tpu.memory_space<hbm>>) dst(%arg14 : memref<2048xf32, #tpu.memory_space<vmem>>)
    %dma_wait3A_124 = arith.constant 896 : i32
    %dma_wait3A_125 = tpu.memref_slice %arg3[%dma_wait3A_124] : memref<67108864xf32, #tpu.memory_space<hbm>> -> memref<67107968xf32, #tpu.memory_space<hbm>>
    %dma_wait3A_126 = arith.constant 0 : i32
    %dma_wait3A_127 = tpu.memref_slice %dma_wait3A_125[%dma_wait3A_126] : memref<67107968xf32, #tpu.memory_space<hbm>> -> memref<67107968xf32, #tpu.memory_space<hbm>>
    tpu.wait_indirect_dma semaphore(%arg31 : memref<!tpu.dma_semaphore, #tpu.memory_space<semaphore_mem>>) src(%dma_wait3A_127 : memref<67107968xf32, #tpu.memory_space<hbm>>) dst(%arg15 : memref<2048xf32, #tpu.memory_space<vmem>>)
    %dma_wait3A_128 = arith.constant 0 : i32
    %dma_wait3A_129 = tpu.memref_slice %arg4[%dma_wait3A_128] : memref<8388608xf32, #tpu.memory_space<hbm>> -> memref<8388608xf32, #tpu.memory_space<hbm>>
    tpu.wait_indirect_dma semaphore(%arg31 : memref<!tpu.dma_semaphore, #tpu.memory_space<semaphore_mem>>) src(%dma_wait3A_129 : memref<8388608xf32, #tpu.memory_space<hbm>>) dst(%arg17 : memref<2048xf32, #tpu.memory_space<vmem>>)
    %scan3A_130 = arith.constant 0 : i32
    %scan3A_131 = arith.constant 128 : i32
    %scan3A_132 = arith.addi %scan3A_130, %scan3A_131 : i32
    %scan3A_133 = arith.constant 1 : i32
    %scan3A_134:9 = scf.for %scan3A_298 = %scan3A_130 to %scan3A_132 step %scan3A_133 iter_args(%scan3A_299 = %broadcast_in_dim3A_1, %scan3A_300 = %broadcast_in_dim3A_1, %scan3A_301 = %broadcast_in_dim3A_1, %scan3A_302 = %broadcast_in_dim3A_1, %scan3A_303 = %broadcast_in_dim3A_1, %scan3A_304 = %broadcast_in_dim3A_1, %scan3A_305 = %broadcast_in_dim3A_1, %scan3A_306 = %broadcast_in_dim3A_1, %scan3A_307 = %broadcast_in_dim3A_1) -> (vector<16xf32>, vector<16xf32>, vector<16xf32>, vector<16xf32>, vector<16xf32>, vector<16xf32>, vector<16xf32>, vector<16xf32>, vector<16xf32>)  : i32 {
      %mul3A_308 = arith.constant 16 : i32
      %mul3A_309 = arith.muli %scan3A_298, %mul3A_308 : i32
      %get3A = arith.index_cast %mul3A_309 : i32 to index
      %get3A_310 = tpu.vector_load %arg8[%get3A] {strides = array<i32>} : memref<2048xf32, #tpu.memory_space<vmem>>, vector<16xf32>,
      %add3A_311 = arith.addf %scan3A_299, %get3A_310 : vector<16xf32>
      %mul3A_312 = arith.constant 16 : i32
      %mul3A_313 = arith.muli %scan3A_298, %mul3A_312 : i32
      %get3A_314 = arith.index_cast %mul3A_313 : i32 to index
      %get3A_315 = tpu.vector_load %arg9[%get3A_314] {strides = array<i32>} : memref<2048xf32, #tpu.memory_space<vmem>>, vector<16xf32>,
      %add3A_316 = arith.addf %scan3A_300, %get3A_315 : vector<16xf32>
      %mul3A_317 = arith.constant 16 : i32
      %mul3A_318 = arith.muli %scan3A_298, %mul3A_317 : i32
      %get3A_319 = arith.index_cast %mul3A_318 : i32 to index
      %get3A_320 = tpu.vector_load %arg10[%get3A_319] {strides = array<i32>} : memref<2048xf32, #tpu.memory_space<vmem>>, vector<16xf32>,
      %add3A_321 = arith.addf %scan3A_301, %get3A_320 : vector<16xf32>
      %mul3A_322 = arith.constant 16 : i32
      %mul3A_323 = arith.muli %scan3A_298, %mul3A_322 : i32
      %get3A_324 = arith.index_cast %mul3A_323 : i32 to index
      %get3A_325 = tpu.vector_load %arg11[%get3A_324] {strides = array<i32>} : memref<2048xf32, #tpu.memory_space<vmem>>, vector<16xf32>,
      %add3A_326 = arith.addf %scan3A_302, %get3A_325 : vector<16xf32>
      %mul3A_327 = arith.constant 16 : i32
      %mul3A_328 = arith.muli %scan3A_298, %mul3A_327 : i32
      %get3A_329 = arith.index_cast %mul3A_328 : i32 to index
      %get3A_330 = tpu.vector_load %arg12[%get3A_329] {strides = array<i32>} : memref<2048xf32, #tpu.memory_space<vmem>>, vector<16xf32>,
      %add3A_331 = arith.addf %scan3A_303, %get3A_330 : vector<16xf32>
      %mul3A_332 = arith.constant 16 : i32
      %mul3A_333 = arith.muli %scan3A_298, %mul3A_332 : i32
      %get3A_334 = arith.index_cast %mul3A_333 : i32 to index
      %get3A_335 = tpu.vector_load %arg13[%get3A_334] {strides = array<i32>} : memref<2048xf32, #tpu.memory_space<vmem>>, vector<16xf32>,
      %add3A_336 = arith.addf %scan3A_304, %get3A_335 : vector<16xf32>
      %mul3A_337 = arith.constant 16 : i32
      %mul3A_338 = arith.muli %scan3A_298, %mul3A_337 : i32
      %get3A_339 = arith.index_cast %mul3A_338 : i32 to index
      %get3A_340 = tpu.vector_load %arg14[%get3A_339] {strides = array<i32>} : memref<2048xf32, #tpu.memory_space<vmem>>, vector<16xf32>,
      %add3A_341 = arith.addf %scan3A_305, %get3A_340 : vector<16xf32>
      %mul3A_342 = arith.constant 16 : i32
      %mul3A_343 = arith.muli %scan3A_298, %mul3A_342 : i32
      %get3A_344 = arith.index_cast %mul3A_343 : i32 to index
      %get3A_345 = tpu.vector_load %arg15[%get3A_344] {strides = array<i32>} : memref<2048xf32, #tpu.memory_space<vmem>>, vector<16xf32>,
      %add3A_346 = arith.addf %scan3A_306, %get3A_345 : vector<16xf32>
      %mul3A_347 = arith.constant 16 : i32
      %mul3A_348 = arith.muli %scan3A_298, %mul3A_347 : i32
      %get3A_349 = arith.index_cast %mul3A_348 : i32 to index
      %get3A_350 = tpu.vector_load %arg17[%get3A_349] {strides = array<i32>} : memref<2048xf32, #tpu.memory_space<vmem>>, vector<16xf32>,
      %add3A_351 = arith.addf %scan3A_307, %get3A_350 : vector<16xf32>
      scf.yield %add3A_311, %add3A_316, %add3A_321, %add3A_326, %add3A_331, %add3A_336, %add3A_341, %add3A_346, %add3A_351 : vector<16xf32>, vector<16xf32>, vector<16xf32>, vector<16xf32>, vector<16xf32>, vector<16xf32>, vector<16xf32>, vector<16xf32>, vector<16xf32>
    }
    %scan3A_135 = arith.constant 128 : i32
    %mul3A_136 = arith.constant 8 : i32
    %mul3A_137 = vector.broadcast %mul3A_136 : i32 to vector<16xi32>
    %mul3A_138 = arith.muli %iota3A, %mul3A_137 : vector<16xi32>
    %add3A_139 = arith.constant 0 : i32
    %add3A_140 = vector.broadcast %add3A_139 : i32 to vector<16xi32>
    %add3A_141 = arith.addi %mul3A_138, %add3A_140 : vector<16xi32>
    tpu.vector_store_idx %arg29[%add3A_141], %scan3A_134#0 : memref<128xf32, #tpu.memory_space<vmem>>[vector<16xi32>], vector<16xf32>,
    %mul3A_142 = arith.constant 8 : i32
    %mul3A_143 = vector.broadcast %mul3A_142 : i32 to vector<16xi32>
    %mul3A_144 = arith.muli %iota3A, %mul3A_143 : vector<16xi32>
    %add3A_145 = arith.constant 1 : i32
    %add3A_146 = vector.broadcast %add3A_145 : i32 to vector<16xi32>
    %add3A_147 = arith.addi %mul3A_144, %add3A_146 : vector<16xi32>
    tpu.vector_store_idx %arg29[%add3A_147], %scan3A_134#1 : memref<128xf32, #tpu.memory_space<vmem>>[vector<16xi32>], vector<16xf32>,
    %mul3A_148 = arith.constant 8 : i32
    %mul3A_149 = vector.broadcast %mul3A_148 : i32 to vector<16xi32>
    %mul3A_150 = arith.muli %iota3A, %mul3A_149 : vector<16xi32>
    %add3A_151 = arith.constant 2 : i32
    %add3A_152 = vector.broadcast %add3A_151 : i32 to vector<16xi32>
    %add3A_153 = arith.addi %mul3A_150, %add3A_152 : vector<16xi32>
    tpu.vector_store_idx %arg29[%add3A_153], %scan3A_134#2 : memref<128xf32, #tpu.memory_space<vmem>>[vector<16xi32>], vector<16xf32>,
    %mul3A_154 = arith.constant 8 : i32
    %mul3A_155 = vector.broadcast %mul3A_154 : i32 to vector<16xi32>
    %mul3A_156 = arith.muli %iota3A, %mul3A_155 : vector<16xi32>
    %add3A_157 = arith.constant 3 : i32
    %add3A_158 = vector.broadcast %add3A_157 : i32 to vector<16xi32>
    %add3A_159 = arith.addi %mul3A_156, %add3A_158 : vector<16xi32>
    tpu.vector_store_idx %arg29[%add3A_159], %scan3A_134#3 : memref<128xf32, #tpu.memory_space<vmem>>[vector<16xi32>], vector<16xf32>,
    %mul3A_160 = arith.constant 8 : i32
    %mul3A_161 = vector.broadcast %mul3A_160 : i32 to vector<16xi32>
    %mul3A_162 = arith.muli %iota3A, %mul3A_161 : vector<16xi32>
    %add3A_163 = arith.constant 4 : i32
    %add3A_164 = vector.broadcast %add3A_163 : i32 to vector<16xi32>
    %add3A_165 = arith.addi %mul3A_162, %add3A_164 : vector<16xi32>
    tpu.vector_store_idx %arg29[%add3A_165], %scan3A_134#4 : memref<128xf32, #tpu.memory_space<vmem>>[vector<16xi32>], vector<16xf32>,
    %mul3A_166 = arith.constant 8 : i32
    %mul3A_167 = vector.broadcast %mul3A_166 : i32 to vector<16xi32>
    %mul3A_168 = arith.muli %iota3A, %mul3A_167 : vector<16xi32>
    %add3A_169 = arith.constant 5 : i32
    %add3A_170 = vector.broadcast %add3A_169 : i32 to vector<16xi32>
    %add3A_171 = arith.addi %mul3A_168, %add3A_170 : vector<16xi32>
    tpu.vector_store_idx %arg29[%add3A_171], %scan3A_134#5 : memref<128xf32, #tpu.memory_space<vmem>>[vector<16xi32>], vector<16xf32>,
    %mul3A_172 = arith.constant 8 : i32
    %mul3A_173 = vector.broadcast %mul3A_172 : i32 to vector<16xi32>
    %mul3A_174 = arith.muli %iota3A, %mul3A_173 : vector<16xi32>
    %add3A_175 = arith.constant 6 : i32
    %add3A_176 = vector.broadcast %add3A_175 : i32 to vector<16xi32>
    %add3A_177 = arith.addi %mul3A_174, %add3A_176 : vector<16xi32>
    tpu.vector_store_idx %arg29[%add3A_177], %scan3A_134#6 : memref<128xf32, #tpu.memory_space<vmem>>[vector<16xi32>], vector<16xf32>,
    %mul3A_178 = arith.constant 8 : i32
    %mul3A_179 = vector.broadcast %mul3A_178 : i32 to vector<16xi32>
    %mul3A_180 = arith.muli %iota3A, %mul3A_179 : vector<16xi32>
    %add3A_181 = arith.constant 7 : i32
    %add3A_182 = vector.broadcast %add3A_181 : i32 to vector<16xi32>
    %add3A_183 = arith.addi %mul3A_180, %add3A_182 : vector<16xi32>
    tpu.vector_store_idx %arg29[%add3A_183], %scan3A_134#7 : memref<128xf32, #tpu.memory_space<vmem>>[vector<16xi32>], vector<16xf32>,
    %swap3A = arith.constant 0 : index
    %swap3A_184 = tpu.vector_load %arg30[%swap3A] {strides = array<i32>} : memref<16xf32, #tpu.memory_space<vmem>>, vector<16xf32>,
    tpu.vector_store %arg30[%swap3A], %scan3A_134#8 {strides = array<i32>} : memref<16xf32, #tpu.memory_space<vmem>>, vector<16xf32>,
    %mul3A_185 = arith.constant 32 : i32
    %mul3A_186 = arith.muli %add3A, %mul3A_185 : i32
    %mul3A_187 = arith.constant 16 : i32
    %mul3A_188 = arith.muli %mul3A_49, %mul3A_187 : i32
    %add3A_189 = arith.addi %mul3A_186, %mul3A_188 : i32
    %mul3A_190 = arith.constant 8 : i32
    %mul3A_191 = arith.muli %add3A_189, %mul3A_190 : i32
    "tpu.region"() ({
      %run_scoped3A = tpu.sem_alloc : memref<!tpu.dma_semaphore, #tpu.memory_space<semaphore_mem>>
      %dma_start3A_298 = tpu.memref_slice %arg5[%mul3A_191] : memref<8192xf32, #tpu.memory_space<hbm>> -> memref<128xf32, #tpu.memory_space<hbm>>
      %dma_start3A_299 = tpu.memref_slice %arg5[%mul3A_191] : memref<8192xf32, #tpu.memory_space<hbm>> -> memref<128xf32, #tpu.memory_space<hbm>>
      tpu.enqueue_dma source(%arg29 : memref<128xf32, #tpu.memory_space<vmem>>) target(%dma_start3A_299 : memref<128xf32, #tpu.memory_space<hbm>>) target_semaphore(%run_scoped3A : memref<!tpu.dma_semaphore, #tpu.memory_space<semaphore_mem>>)
      %dma_wait3A_300 = tpu.memref_slice %arg5[%mul3A_191] : memref<8192xf32, #tpu.memory_space<hbm>> -> memref<128xf32, #tpu.memory_space<hbm>>
      %dma_wait3A_301 = tpu.memref_slice %arg5[%mul3A_191] : memref<8192xf32, #tpu.memory_space<hbm>> -> memref<128xf32, #tpu.memory_space<hbm>>
      tpu.wait_dma2 semaphore(%run_scoped3A : memref<!tpu.dma_semaphore, #tpu.memory_space<semaphore_mem>>) src(%arg29 : memref<128xf32, #tpu.memory_space<vmem>>) dst(%dma_wait3A_301 : memref<128xf32, #tpu.memory_space<hbm>>)
      tpu.yield
    }) : () -> ()
    "tpu.region"() ({
      %run_scoped3A = tpu.sem_alloc : memref<!tpu.dma_semaphore, #tpu.memory_space<semaphore_mem>>
      %dma_start3A_298 = tpu.memref_slice %arg6[%add3A_189] : memref<1024xf32, #tpu.memory_space<hbm>> -> memref<16xf32, #tpu.memory_space<hbm>>
      %dma_start3A_299 = tpu.memref_slice %arg6[%add3A_189] : memref<1024xf32, #tpu.memory_space<hbm>> -> memref<16xf32, #tpu.memory_space<hbm>>
      tpu.enqueue_dma source(%arg30 : memref<16xf32, #tpu.memory_space<vmem>>) target(%dma_start3A_299 : memref<16xf32, #tpu.memory_space<hbm>>) target_semaphore(%run_scoped3A : memref<!tpu.dma_semaphore, #tpu.memory_space<semaphore_mem>>)
      %dma_wait3A_300 = tpu.memref_slice %arg6[%add3A_189] : memref<1024xf32, #tpu.memory_space<hbm>> -> memref<16xf32, #tpu.memory_space<hbm>>
      %dma_wait3A_301 = tpu.memref_slice %arg6[%add3A_189] : memref<1024xf32, #tpu.memory_space<hbm>> -> memref<16xf32, #tpu.memory_space<hbm>>
      tpu.wait_dma2 semaphore(%run_scoped3A : memref<!tpu.dma_semaphore, #tpu.memory_space<semaphore_mem>>) src(%arg30 : memref<16xf32, #tpu.memory_space<vmem>>) dst(%dma_wait3A_301 : memref<16xf32, #tpu.memory_space<hbm>>)
      tpu.yield
    }) : () -> ()
    %mul3A_192 = arith.constant 2 : i32
    %mul3A_193 = arith.muli %scan3A_47, %mul3A_192 : i32
    %add3A_194 = arith.constant 2 : i32
    %add3A_195 = arith.addi %mul3A_193, %add3A_194 : i32
    %lt3A = arith.constant 2 : i32
    %lt3A_196 = arith.cmpi slt, %add3A_195, %lt3A : i32
    %convert_element_type3A = arith.extui %lt3A_196 : i1 to i32
    %cond3A = arith.constant 0 : i32
    %cond3A_197 = arith.cmpi ne, %convert_element_type3A, %cond3A : i32
    scf.if %cond3A_197 {
      %add3A_298 = arith.constant 2 : i32
      %add3A_299 = arith.addi %mul3A_49, %add3A_298 : i32
      %mul3A_300 = arith.constant 2 : i32
      %mul3A_301 = arith.muli %add3A, %mul3A_300 : i32
      %add3A_302 = arith.addi %mul3A_301, %add3A_299 : i32
      %mul3A_303 = arith.constant 2048 : i32
      %mul3A_304 = arith.muli %add3A_302, %mul3A_303 : i32
      "tpu.region"() ({
        %run_scoped3A = tpu.sem_alloc : memref<!tpu.dma_semaphore, #tpu.memory_space<semaphore_mem>>
        %dma_start3A_345 = tpu.memref_slice %arg2[%mul3A_304] : memref<131072xi32, #tpu.memory_space<hbm>> -> memref<2048xi32, #tpu.memory_space<hbm>>
        %dma_start3A_346 = tpu.memref_slice %arg2[%mul3A_304] : memref<131072xi32, #tpu.memory_space<hbm>> -> memref<2048xi32, #tpu.memory_space<hbm>>
        tpu.enqueue_dma source(%dma_start3A_346 : memref<2048xi32, #tpu.memory_space<hbm>>) target(%arg16 : memref<2048xi32, #tpu.memory_space<vmem>>) target_semaphore(%run_scoped3A : memref<!tpu.dma_semaphore, #tpu.memory_space<semaphore_mem>>)
        %dma_wait3A_347 = tpu.memref_slice %arg2[%mul3A_304] : memref<131072xi32, #tpu.memory_space<hbm>> -> memref<2048xi32, #tpu.memory_space<hbm>>
        %dma_wait3A_348 = tpu.memref_slice %arg2[%mul3A_304] : memref<131072xi32, #tpu.memory_space<hbm>> -> memref<2048xi32, #tpu.memory_space<hbm>>
        tpu.wait_dma2 semaphore(%run_scoped3A : memref<!tpu.dma_semaphore, #tpu.memory_space<semaphore_mem>>) src(%dma_wait3A_348 : memref<2048xi32, #tpu.memory_space<hbm>>) dst(%arg16 : memref<2048xi32, #tpu.memory_space<vmem>>)
        tpu.yield
      }) : () -> ()
      %dma_start3A_305 = arith.constant 0 : i32
      %dma_start3A_306 = tpu.memref_slice %arg4[%dma_start3A_305] : memref<8388608xf32, #tpu.memory_space<hbm>> -> memref<8388608xf32, #tpu.memory_space<hbm>>
      tpu.enqueue_indirect_dma source(%dma_start3A_306 : memref<8388608xf32, #tpu.memory_space<hbm>>) target(%arg17 : memref<2048xf32, #tpu.memory_space<vmem>>) offsets(%arg16 : memref<2048xi32, #tpu.memory_space<vmem>>) semaphore(%arg31 : memref<!tpu.dma_semaphore, #tpu.memory_space<semaphore_mem>>)
      %scan3A_307 = arith.constant 0 : i32
      %scan3A_308 = arith.constant 0 : i32
      %scan3A_309 = arith.constant 128 : i32
      %scan3A_310 = arith.addi %scan3A_308, %scan3A_309 : i32
      %scan3A_311 = arith.constant 1 : i32
      scf.for %scan3A_345 = %scan3A_308 to %scan3A_310 step %scan3A_311  : i32 {
        %mul3A_346 = arith.constant 16 : i32
        %mul3A_347 = arith.muli %scan3A_345, %mul3A_346 : i32
        %get3A = arith.index_cast %mul3A_347 : i32 to index
        %get3A_348 = tpu.vector_load %arg16[%get3A] {strides = array<i32>} : memref<2048xi32, #tpu.memory_space<vmem>>, vector<16xi32>,
        %shift_right_arithmetic3A = arith.constant 7 : i32
        %shift_right_arithmetic3A_349 = vector.broadcast %shift_right_arithmetic3A : i32 to vector<16xi32>
        %shift_right_arithmetic3A_350 = arith.shrsi %get3A_348, %shift_right_arithmetic3A_349 : vector<16xi32>
        %shift_left3A = arith.constant 10 : i32
        %shift_left3A_351 = vector.broadcast %shift_left3A : i32 to vector<16xi32>
        %shift_left3A_352 = arith.shli %shift_right_arithmetic3A_350, %shift_left3A_351 : vector<16xi32>
        %and3A = arith.constant 127 : i32
        %and3A_353 = vector.broadcast %and3A : i32 to vector<16xi32>
        %and3A_354 = arith.andi %get3A_348, %and3A_353 : vector<16xi32>
        %or3A = arith.ori %shift_left3A_352, %and3A_354 : vector<16xi32>
        %mul3A_355 = arith.constant 16 : i32
        %mul3A_356 = arith.muli %scan3A_345, %mul3A_355 : i32
        %swap3A_357 = arith.index_cast %mul3A_356 : i32 to index
        %swap3A_358 = tpu.vector_load %arg7[%swap3A_357] {strides = array<i32>} : memref<2048xi32, #tpu.memory_space<vmem>>, vector<16xi32>,
        tpu.vector_store %arg7[%swap3A_357], %or3A {strides = array<i32>} : memref<2048xi32, #tpu.memory_space<vmem>>, vector<16xi32>,
      }
      %scan3A_312 = arith.constant 128 : i32
      %dma_start3A_313 = arith.constant 0 : i32
      %dma_start3A_314 = tpu.memref_slice %arg3[%dma_start3A_313] : memref<67108864xf32, #tpu.memory_space<hbm>> -> memref<67108864xf32, #tpu.memory_space<hbm>>
      %dma_start3A_315 = arith.constant 0 : i32
      %dma_start3A_316 = tpu.memref_slice %dma_start3A_314[%dma_start3A_315] : memref<67108864xf32, #tpu.memory_space<hbm>> -> memref<67108864xf32, #tpu.memory_space<hbm>>
      tpu.enqueue_indirect_dma source(%dma_start3A_316 : memref<67108864xf32, #tpu.memory_space<hbm>>) target(%arg8 : memref<2048xf32, #tpu.memory_space<vmem>>) offsets(%arg7 : memref<2048xi32, #tpu.memory_space<vmem>>) semaphore(%arg31 : memref<!tpu.dma_semaphore, #tpu.memory_space<semaphore_mem>>)
      %dma_start3A_317 = arith.constant 128 : i32
      %dma_start3A_318 = tpu.memref_slice %arg3[%dma_start3A_317] : memref<67108864xf32, #tpu.memory_space<hbm>> -> memref<67108736xf32, #tpu.memory_space<hbm>>
      %dma_start3A_319 = arith.constant 0 : i32
      %dma_start3A_320 = tpu.memref_slice %dma_start3A_318[%dma_start3A_319] : memref<67108736xf32, #tpu.memory_space<hbm>> -> memref<67108736xf32, #tpu.memory_space<hbm>>
      tpu.enqueue_indirect_dma source(%dma_start3A_320 : memref<67108736xf32, #tpu.memory_space<hbm>>) target(%arg9 : memref<2048xf32, #tpu.memory_space<vmem>>) offsets(%arg7 : memref<2048xi32, #tpu.memory_space<vmem>>) semaphore(%arg31 : memref<!tpu.dma_semaphore, #tpu.memory_space<semaphore_mem>>)
      %dma_start3A_321 = arith.constant 256 : i32
      %dma_start3A_322 = tpu.memref_slice %arg3[%dma_start3A_321] : memref<67108864xf32, #tpu.memory_space<hbm>> -> memref<67108608xf32, #tpu.memory_space<hbm>>
      %dma_start3A_323 = arith.constant 0 : i32
      %dma_start3A_324 = tpu.memref_slice %dma_start3A_322[%dma_start3A_323] : memref<67108608xf32, #tpu.memory_space<hbm>> -> memref<67108608xf32, #tpu.memory_space<hbm>>
      tpu.enqueue_indirect_dma source(%dma_start3A_324 : memref<67108608xf32, #tpu.memory_space<hbm>>) target(%arg10 : memref<2048xf32, #tpu.memory_space<vmem>>) offsets(%arg7 : memref<2048xi32, #tpu.memory_space<vmem>>) semaphore(%arg31 : memref<!tpu.dma_semaphore, #tpu.memory_space<semaphore_mem>>)
      %dma_start3A_325 = arith.constant 384 : i32
      %dma_start3A_326 = tpu.memref_slice %arg3[%dma_start3A_325] : memref<67108864xf32, #tpu.memory_space<hbm>> -> memref<67108480xf32, #tpu.memory_space<hbm>>
      %dma_start3A_327 = arith.constant 0 : i32
      %dma_start3A_328 = tpu.memref_slice %dma_start3A_326[%dma_start3A_327] : memref<67108480xf32, #tpu.memory_space<hbm>> -> memref<67108480xf32, #tpu.memory_space<hbm>>
      tpu.enqueue_indirect_dma source(%dma_start3A_328 : memref<67108480xf32, #tpu.memory_space<hbm>>) target(%arg11 : memref<2048xf32, #tpu.memory_space<vmem>>) offsets(%arg7 : memref<2048xi32, #tpu.memory_space<vmem>>) semaphore(%arg31 : memref<!tpu.dma_semaphore, #tpu.memory_space<semaphore_mem>>)
      %dma_start3A_329 = arith.constant 512 : i32
      %dma_start3A_330 = tpu.memref_slice %arg3[%dma_start3A_329] : memref<67108864xf32, #tpu.memory_space<hbm>> -> memref<67108352xf32, #tpu.memory_space<hbm>>
      %dma_start3A_331 = arith.constant 0 : i32
      %dma_start3A_332 = tpu.memref_slice %dma_start3A_330[%dma_start3A_331] : memref<67108352xf32, #tpu.memory_space<hbm>> -> memref<67108352xf32, #tpu.memory_space<hbm>>
      tpu.enqueue_indirect_dma source(%dma_start3A_332 : memref<67108352xf32, #tpu.memory_space<hbm>>) target(%arg12 : memref<2048xf32, #tpu.memory_space<vmem>>) offsets(%arg7 : memref<2048xi32, #tpu.memory_space<vmem>>) semaphore(%arg31 : memref<!tpu.dma_semaphore, #tpu.memory_space<semaphore_mem>>)
      %dma_start3A_333 = arith.constant 640 : i32
      %dma_start3A_334 = tpu.memref_slice %arg3[%dma_start3A_333] : memref<67108864xf32, #tpu.memory_space<hbm>> -> memref<67108224xf32, #tpu.memory_space<hbm>>
      %dma_start3A_335 = arith.constant 0 : i32
      %dma_start3A_336 = tpu.memref_slice %dma_start3A_334[%dma_start3A_335] : memref<67108224xf32, #tpu.memory_space<hbm>> -> memref<67108224xf32, #tpu.memory_space<hbm>>
      tpu.enqueue_indirect_dma source(%dma_start3A_336 : memref<67108224xf32, #tpu.memory_space<hbm>>) target(%arg13 : memref<2048xf32, #tpu.memory_space<vmem>>) offsets(%arg7 : memref<2048xi32, #tpu.memory_space<vmem>>) semaphore(%arg31 : memref<!tpu.dma_semaphore, #tpu.memory_space<semaphore_mem>>)
      %dma_start3A_337 = arith.constant 768 : i32
      %dma_start3A_338 = tpu.memref_slice %arg3[%dma_start3A_337] : memref<67108864xf32, #tpu.memory_space<hbm>> -> memref<67108096xf32, #tpu.memory_space<hbm>>
      %dma_start3A_339 = arith.constant 0 : i32
      %dma_start3A_340 = tpu.memref_slice %dma_start3A_338[%dma_start3A_339] : memref<67108096xf32, #tpu.memory_space<hbm>> -> memref<67108096xf32, #tpu.memory_space<hbm>>
      tpu.enqueue_indirect_dma source(%dma_start3A_340 : memref<67108096xf32, #tpu.memory_space<hbm>>) target(%arg14 : memref<2048xf32, #tpu.memory_space<vmem>>) offsets(%arg7 : memref<2048xi32, #tpu.memory_space<vmem>>) semaphore(%arg31 : memref<!tpu.dma_semaphore, #tpu.memory_space<semaphore_mem>>)
      %dma_start3A_341 = arith.constant 896 : i32
      %dma_start3A_342 = tpu.memref_slice %arg3[%dma_start3A_341] : memref<67108864xf32, #tpu.memory_space<hbm>> -> memref<67107968xf32, #tpu.memory_space<hbm>>
      %dma_start3A_343 = arith.constant 0 : i32
      %dma_start3A_344 = tpu.memref_slice %dma_start3A_342[%dma_start3A_343] : memref<67107968xf32, #tpu.memory_space<hbm>> -> memref<67107968xf32, #tpu.memory_space<hbm>>
      tpu.enqueue_indirect_dma source(%dma_start3A_344 : memref<67107968xf32, #tpu.memory_space<hbm>>) target(%arg15 : memref<2048xf32, #tpu.memory_space<vmem>>) offsets(%arg7 : memref<2048xi32, #tpu.memory_space<vmem>>) semaphore(%arg31 : memref<!tpu.dma_semaphore, #tpu.memory_space<semaphore_mem>>)
    } else {
    }
    %add3A_198 = arith.constant 1 : i32
    %add3A_199 = arith.addi %mul3A_49, %add3A_198 : i32
    %dma_wait3A_200 = arith.constant 0 : i32
    %dma_wait3A_201 = tpu.memref_slice %arg3[%dma_wait3A_200] : memref<67108864xf32, #tpu.memory_space<hbm>> -> memref<67108864xf32, #tpu.memory_space<hbm>>
    %dma_wait3A_202 = arith.constant 0 : i32
    %dma_wait3A_203 = tpu.memref_slice %dma_wait3A_201[%dma_wait3A_202] : memref<67108864xf32, #tpu.memory_space<hbm>> -> memref<67108864xf32, #tpu.memory_space<hbm>>
    tpu.wait_indirect_dma semaphore(%arg32 : memref<!tpu.dma_semaphore, #tpu.memory_space<semaphore_mem>>) src(%dma_wait3A_203 : memref<67108864xf32, #tpu.memory_space<hbm>>) dst(%arg19 : memref<2048xf32, #tpu.memory_space<vmem>>)
    %dma_wait3A_204 = arith.constant 128 : i32
    %dma_wait3A_205 = tpu.memref_slice %arg3[%dma_wait3A_204] : memref<67108864xf32, #tpu.memory_space<hbm>> -> memref<67108736xf32, #tpu.memory_space<hbm>>
    %dma_wait3A_206 = arith.constant 0 : i32
    %dma_wait3A_207 = tpu.memref_slice %dma_wait3A_205[%dma_wait3A_206] : memref<67108736xf32, #tpu.memory_space<hbm>> -> memref<67108736xf32, #tpu.memory_space<hbm>>
    tpu.wait_indirect_dma semaphore(%arg32 : memref<!tpu.dma_semaphore, #tpu.memory_space<semaphore_mem>>) src(%dma_wait3A_207 : memref<67108736xf32, #tpu.memory_space<hbm>>) dst(%arg20 : memref<2048xf32, #tpu.memory_space<vmem>>)
    %dma_wait3A_208 = arith.constant 256 : i32
    %dma_wait3A_209 = tpu.memref_slice %arg3[%dma_wait3A_208] : memref<67108864xf32, #tpu.memory_space<hbm>> -> memref<67108608xf32, #tpu.memory_space<hbm>>
    %dma_wait3A_210 = arith.constant 0 : i32
    %dma_wait3A_211 = tpu.memref_slice %dma_wait3A_209[%dma_wait3A_210] : memref<67108608xf32, #tpu.memory_space<hbm>> -> memref<67108608xf32, #tpu.memory_space<hbm>>
    tpu.wait_indirect_dma semaphore(%arg32 : memref<!tpu.dma_semaphore, #tpu.memory_space<semaphore_mem>>) src(%dma_wait3A_211 : memref<67108608xf32, #tpu.memory_space<hbm>>) dst(%arg21 : memref<2048xf32, #tpu.memory_space<vmem>>)
    %dma_wait3A_212 = arith.constant 384 : i32
    %dma_wait3A_213 = tpu.memref_slice %arg3[%dma_wait3A_212] : memref<67108864xf32, #tpu.memory_space<hbm>> -> memref<67108480xf32, #tpu.memory_space<hbm>>
    %dma_wait3A_214 = arith.constant 0 : i32
    %dma_wait3A_215 = tpu.memref_slice %dma_wait3A_213[%dma_wait3A_214] : memref<67108480xf32, #tpu.memory_space<hbm>> -> memref<67108480xf32, #tpu.memory_space<hbm>>
    tpu.wait_indirect_dma semaphore(%arg32 : memref<!tpu.dma_semaphore, #tpu.memory_space<semaphore_mem>>) src(%dma_wait3A_215 : memref<67108480xf32, #tpu.memory_space<hbm>>) dst(%arg22 : memref<2048xf32, #tpu.memory_space<vmem>>)
    %dma_wait3A_216 = arith.constant 512 : i32
    %dma_wait3A_217 = tpu.memref_slice %arg3[%dma_wait3A_216] : memref<67108864xf32, #tpu.memory_space<hbm>> -> memref<67108352xf32, #tpu.memory_space<hbm>>
    %dma_wait3A_218 = arith.constant 0 : i32
    %dma_wait3A_219 = tpu.memref_slice %dma_wait3A_217[%dma_wait3A_218] : memref<67108352xf32, #tpu.memory_space<hbm>> -> memref<67108352xf32, #tpu.memory_space<hbm>>
    tpu.wait_indirect_dma semaphore(%arg32 : memref<!tpu.dma_semaphore, #tpu.memory_space<semaphore_mem>>) src(%dma_wait3A_219 : memref<67108352xf32, #tpu.memory_space<hbm>>) dst(%arg23 : memref<2048xf32, #tpu.memory_space<vmem>>)
    %dma_wait3A_220 = arith.constant 640 : i32
    %dma_wait3A_221 = tpu.memref_slice %arg3[%dma_wait3A_220] : memref<67108864xf32, #tpu.memory_space<hbm>> -> memref<67108224xf32, #tpu.memory_space<hbm>>
    %dma_wait3A_222 = arith.constant 0 : i32
    %dma_wait3A_223 = tpu.memref_slice %dma_wait3A_221[%dma_wait3A_222] : memref<67108224xf32, #tpu.memory_space<hbm>> -> memref<67108224xf32, #tpu.memory_space<hbm>>
    tpu.wait_indirect_dma semaphore(%arg32 : memref<!tpu.dma_semaphore, #tpu.memory_space<semaphore_mem>>) src(%dma_wait3A_223 : memref<67108224xf32, #tpu.memory_space<hbm>>) dst(%arg24 : memref<2048xf32, #tpu.memory_space<vmem>>)
    %dma_wait3A_224 = arith.constant 768 : i32
    %dma_wait3A_225 = tpu.memref_slice %arg3[%dma_wait3A_224] : memref<67108864xf32, #tpu.memory_space<hbm>> -> memref<67108096xf32, #tpu.memory_space<hbm>>
    %dma_wait3A_226 = arith.constant 0 : i32
    %dma_wait3A_227 = tpu.memref_slice %dma_wait3A_225[%dma_wait3A_226] : memref<67108096xf32, #tpu.memory_space<hbm>> -> memref<67108096xf32, #tpu.memory_space<hbm>>
    tpu.wait_indirect_dma semaphore(%arg32 : memref<!tpu.dma_semaphore, #tpu.memory_space<semaphore_mem>>) src(%dma_wait3A_227 : memref<67108096xf32, #tpu.memory_space<hbm>>) dst(%arg25 : memref<2048xf32, #tpu.memory_space<vmem>>)
    %dma_wait3A_228 = arith.constant 896 : i32
    %dma_wait3A_229 = tpu.memref_slice %arg3[%dma_wait3A_228] : memref<67108864xf32, #tpu.memory_space<hbm>> -> memref<67107968xf32, #tpu.memory_space<hbm>>
    %dma_wait3A_230 = arith.constant 0 : i32
    %dma_wait3A_231 = tpu.memref_slice %dma_wait3A_229[%dma_wait3A_230] : memref<67107968xf32, #tpu.memory_space<hbm>> -> memref<67107968xf32, #tpu.memory_space<hbm>>
    tpu.wait_indirect_dma semaphore(%arg32 : memref<!tpu.dma_semaphore, #tpu.memory_space<semaphore_mem>>) src(%dma_wait3A_231 : memref<67107968xf32, #tpu.memory_space<hbm>>) dst(%arg26 : memref<2048xf32, #tpu.memory_space<vmem>>)
    %dma_wait3A_232 = arith.constant 0 : i32
    %dma_wait3A_233 = tpu.memref_slice %arg4[%dma_wait3A_232] : memref<8388608xf32, #tpu.memory_space<hbm>> -> memref<8388608xf32, #tpu.memory_space<hbm>>
    tpu.wait_indirect_dma semaphore(%arg32 : memref<!tpu.dma_semaphore, #tpu.memory_space<semaphore_mem>>) src(%dma_wait3A_233 : memref<8388608xf32, #tpu.memory_space<hbm>>) dst(%arg28 : memref<2048xf32, #tpu.memory_space<vmem>>)
    %scan3A_234 = arith.constant 0 : i32
    %scan3A_235 = arith.constant 128 : i32
    %scan3A_236 = arith.addi %scan3A_234, %scan3A_235 : i32
    %scan3A_237 = arith.constant 1 : i32
    %scan3A_238:9 = scf.for %scan3A_298 = %scan3A_234 to %scan3A_236 step %scan3A_237 iter_args(%scan3A_299 = %broadcast_in_dim3A_1, %scan3A_300 = %broadcast_in_dim3A_1, %scan3A_301 = %broadcast_in_dim3A_1, %scan3A_302 = %broadcast_in_dim3A_1, %scan3A_303 = %broadcast_in_dim3A_1, %scan3A_304 = %broadcast_in_dim3A_1, %scan3A_305 = %broadcast_in_dim3A_1, %scan3A_306 = %broadcast_in_dim3A_1, %scan3A_307 = %broadcast_in_dim3A_1) -> (vector<16xf32>, vector<16xf32>, vector<16xf32>, vector<16xf32>, vector<16xf32>, vector<16xf32>, vector<16xf32>, vector<16xf32>, vector<16xf32>)  : i32 {
      %mul3A_308 = arith.constant 16 : i32
      %mul3A_309 = arith.muli %scan3A_298, %mul3A_308 : i32
      %get3A = arith.index_cast %mul3A_309 : i32 to index
      %get3A_310 = tpu.vector_load %arg19[%get3A] {strides = array<i32>} : memref<2048xf32, #tpu.memory_space<vmem>>, vector<16xf32>,
      %add3A_311 = arith.addf %scan3A_299, %get3A_310 : vector<16xf32>
      %mul3A_312 = arith.constant 16 : i32
      %mul3A_313 = arith.muli %scan3A_298, %mul3A_312 : i32
      %get3A_314 = arith.index_cast %mul3A_313 : i32 to index
      %get3A_315 = tpu.vector_load %arg20[%get3A_314] {strides = array<i32>} : memref<2048xf32, #tpu.memory_space<vmem>>, vector<16xf32>,
      %add3A_316 = arith.addf %scan3A_300, %get3A_315 : vector<16xf32>
      %mul3A_317 = arith.constant 16 : i32
      %mul3A_318 = arith.muli %scan3A_298, %mul3A_317 : i32
      %get3A_319 = arith.index_cast %mul3A_318 : i32 to index
      %get3A_320 = tpu.vector_load %arg21[%get3A_319] {strides = array<i32>} : memref<2048xf32, #tpu.memory_space<vmem>>, vector<16xf32>,
      %add3A_321 = arith.addf %scan3A_301, %get3A_320 : vector<16xf32>
      %mul3A_322 = arith.constant 16 : i32
      %mul3A_323 = arith.muli %scan3A_298, %mul3A_322 : i32
      %get3A_324 = arith.index_cast %mul3A_323 : i32 to index
      %get3A_325 = tpu.vector_load %arg22[%get3A_324] {strides = array<i32>} : memref<2048xf32, #tpu.memory_space<vmem>>, vector<16xf32>,
      %add3A_326 = arith.addf %scan3A_302, %get3A_325 : vector<16xf32>
      %mul3A_327 = arith.constant 16 : i32
      %mul3A_328 = arith.muli %scan3A_298, %mul3A_327 : i32
      %get3A_329 = arith.index_cast %mul3A_328 : i32 to index
      %get3A_330 = tpu.vector_load %arg23[%get3A_329] {strides = array<i32>} : memref<2048xf32, #tpu.memory_space<vmem>>, vector<16xf32>,
      %add3A_331 = arith.addf %scan3A_303, %get3A_330 : vector<16xf32>
      %mul3A_332 = arith.constant 16 : i32
      %mul3A_333 = arith.muli %scan3A_298, %mul3A_332 : i32
      %get3A_334 = arith.index_cast %mul3A_333 : i32 to index
      %get3A_335 = tpu.vector_load %arg24[%get3A_334] {strides = array<i32>} : memref<2048xf32, #tpu.memory_space<vmem>>, vector<16xf32>,
      %add3A_336 = arith.addf %scan3A_304, %get3A_335 : vector<16xf32>
      %mul3A_337 = arith.constant 16 : i32
      %mul3A_338 = arith.muli %scan3A_298, %mul3A_337 : i32
      %get3A_339 = arith.index_cast %mul3A_338 : i32 to index
      %get3A_340 = tpu.vector_load %arg25[%get3A_339] {strides = array<i32>} : memref<2048xf32, #tpu.memory_space<vmem>>, vector<16xf32>,
      %add3A_341 = arith.addf %scan3A_305, %get3A_340 : vector<16xf32>
      %mul3A_342 = arith.constant 16 : i32
      %mul3A_343 = arith.muli %scan3A_298, %mul3A_342 : i32
      %get3A_344 = arith.index_cast %mul3A_343 : i32 to index
      %get3A_345 = tpu.vector_load %arg26[%get3A_344] {strides = array<i32>} : memref<2048xf32, #tpu.memory_space<vmem>>, vector<16xf32>,
      %add3A_346 = arith.addf %scan3A_306, %get3A_345 : vector<16xf32>
      %mul3A_347 = arith.constant 16 : i32
      %mul3A_348 = arith.muli %scan3A_298, %mul3A_347 : i32
      %get3A_349 = arith.index_cast %mul3A_348 : i32 to index
      %get3A_350 = tpu.vector_load %arg28[%get3A_349] {strides = array<i32>} : memref<2048xf32, #tpu.memory_space<vmem>>, vector<16xf32>,
      %add3A_351 = arith.addf %scan3A_307, %get3A_350 : vector<16xf32>
      scf.yield %add3A_311, %add3A_316, %add3A_321, %add3A_326, %add3A_331, %add3A_336, %add3A_341, %add3A_346, %add3A_351 : vector<16xf32>, vector<16xf32>, vector<16xf32>, vector<16xf32>, vector<16xf32>, vector<16xf32>, vector<16xf32>, vector<16xf32>, vector<16xf32>
    }
    %scan3A_239 = arith.constant 128 : i32
    %mul3A_240 = arith.constant 8 : i32
    %mul3A_241 = vector.broadcast %mul3A_240 : i32 to vector<16xi32>
    %mul3A_242 = arith.muli %iota3A, %mul3A_241 : vector<16xi32>
    %add3A_243 = arith.constant 0 : i32
    %add3A_244 = vector.broadcast %add3A_243 : i32 to vector<16xi32>
    %add3A_245 = arith.addi %mul3A_242, %add3A_244 : vector<16xi32>
    tpu.vector_store_idx %arg29[%add3A_245], %scan3A_238#0 : memref<128xf32, #tpu.memory_space<vmem>>[vector<16xi32>], vector<16xf32>,
    %mul3A_246 = arith.constant 8 : i32
    %mul3A_247 = vector.broadcast %mul3A_246 : i32 to vector<16xi32>
    %mul3A_248 = arith.muli %iota3A, %mul3A_247 : vector<16xi32>
    %add3A_249 = arith.constant 1 : i32
    %add3A_250 = vector.broadcast %add3A_249 : i32 to vector<16xi32>
    %add3A_251 = arith.addi %mul3A_248, %add3A_250 : vector<16xi32>
    tpu.vector_store_idx %arg29[%add3A_251], %scan3A_238#1 : memref<128xf32, #tpu.memory_space<vmem>>[vector<16xi32>], vector<16xf32>,
    %mul3A_252 = arith.constant 8 : i32
    %mul3A_253 = vector.broadcast %mul3A_252 : i32 to vector<16xi32>
    %mul3A_254 = arith.muli %iota3A, %mul3A_253 : vector<16xi32>
    %add3A_255 = arith.constant 2 : i32
    %add3A_256 = vector.broadcast %add3A_255 : i32 to vector<16xi32>
    %add3A_257 = arith.addi %mul3A_254, %add3A_256 : vector<16xi32>
    tpu.vector_store_idx %arg29[%add3A_257], %scan3A_238#2 : memref<128xf32, #tpu.memory_space<vmem>>[vector<16xi32>], vector<16xf32>,
    %mul3A_258 = arith.constant 8 : i32
    %mul3A_259 = vector.broadcast %mul3A_258 : i32 to vector<16xi32>
    %mul3A_260 = arith.muli %iota3A, %mul3A_259 : vector<16xi32>
    %add3A_261 = arith.constant 3 : i32
    %add3A_262 = vector.broadcast %add3A_261 : i32 to vector<16xi32>
    %add3A_263 = arith.addi %mul3A_260, %add3A_262 : vector<16xi32>
    tpu.vector_store_idx %arg29[%add3A_263], %scan3A_238#3 : memref<128xf32, #tpu.memory_space<vmem>>[vector<16xi32>], vector<16xf32>,
    %mul3A_264 = arith.constant 8 : i32
    %mul3A_265 = vector.broadcast %mul3A_264 : i32 to vector<16xi32>
    %mul3A_266 = arith.muli %iota3A, %mul3A_265 : vector<16xi32>
    %add3A_267 = arith.constant 4 : i32
    %add3A_268 = vector.broadcast %add3A_267 : i32 to vector<16xi32>
    %add3A_269 = arith.addi %mul3A_266, %add3A_268 : vector<16xi32>
    tpu.vector_store_idx %arg29[%add3A_269], %scan3A_238#4 : memref<128xf32, #tpu.memory_space<vmem>>[vector<16xi32>], vector<16xf32>,
    %mul3A_270 = arith.constant 8 : i32
    %mul3A_271 = vector.broadcast %mul3A_270 : i32 to vector<16xi32>
    %mul3A_272 = arith.muli %iota3A, %mul3A_271 : vector<16xi32>
    %add3A_273 = arith.constant 5 : i32
    %add3A_274 = vector.broadcast %add3A_273 : i32 to vector<16xi32>
    %add3A_275 = arith.addi %mul3A_272, %add3A_274 : vector<16xi32>
    tpu.vector_store_idx %arg29[%add3A_275], %scan3A_238#5 : memref<128xf32, #tpu.memory_space<vmem>>[vector<16xi32>], vector<16xf32>,
    %mul3A_276 = arith.constant 8 : i32
    %mul3A_277 = vector.broadcast %mul3A_276 : i32 to vector<16xi32>
    %mul3A_278 = arith.muli %iota3A, %mul3A_277 : vector<16xi32>
    %add3A_279 = arith.constant 6 : i32
    %add3A_280 = vector.broadcast %add3A_279 : i32 to vector<16xi32>
    %add3A_281 = arith.addi %mul3A_278, %add3A_280 : vector<16xi32>
    tpu.vector_store_idx %arg29[%add3A_281], %scan3A_238#6 : memref<128xf32, #tpu.memory_space<vmem>>[vector<16xi32>], vector<16xf32>,
    %mul3A_282 = arith.constant 8 : i32
    %mul3A_283 = vector.broadcast %mul3A_282 : i32 to vector<16xi32>
    %mul3A_284 = arith.muli %iota3A, %mul3A_283 : vector<16xi32>
    %add3A_285 = arith.constant 7 : i32
    %add3A_286 = vector.broadcast %add3A_285 : i32 to vector<16xi32>
    %add3A_287 = arith.addi %mul3A_284, %add3A_286 : vector<16xi32>
    tpu.vector_store_idx %arg29[%add3A_287], %scan3A_238#7 : memref<128xf32, #tpu.memory_space<vmem>>[vector<16xi32>], vector<16xf32>,
    %swap3A_288 = arith.constant 0 : index
    %swap3A_289 = tpu.vector_load %arg30[%swap3A_288] {strides = array<i32>} : memref<16xf32, #tpu.memory_space<vmem>>, vector<16xf32>,
    tpu.vector_store %arg30[%swap3A_288], %scan3A_238#8 {strides = array<i32>} : memref<16xf32, #tpu.memory_space<vmem>>, vector<16xf32>,
    %mul3A_290 = arith.constant 32 : i32
    %mul3A_291 = arith.muli %add3A, %mul3A_290 : i32
    %mul3A_292 = arith.constant 16 : i32
    %mul3A_293 = arith.muli %add3A_199, %mul3A_292 : i32
    %add3A_294 = arith.addi %mul3A_291, %mul3A_293 : i32
    %mul3A_295 = arith.constant 8 : i32
    %mul3A_296 = arith.muli %add3A_294, %mul3A_295 : i32
    "tpu.region"() ({
      %run_scoped3A = tpu.sem_alloc : memref<!tpu.dma_semaphore, #tpu.memory_space<semaphore_mem>>
      %dma_start3A_298 = tpu.memref_slice %arg5[%mul3A_296] : memref<8192xf32, #tpu.memory_space<hbm>> -> memref<128xf32, #tpu.memory_space<hbm>>
      %dma_start3A_299 = tpu.memref_slice %arg5[%mul3A_296] : memref<8192xf32, #tpu.memory_space<hbm>> -> memref<128xf32, #tpu.memory_space<hbm>>
      tpu.enqueue_dma source(%arg29 : memref<128xf32, #tpu.memory_space<vmem>>) target(%dma_start3A_299 : memref<128xf32, #tpu.memory_space<hbm>>) target_semaphore(%run_scoped3A : memref<!tpu.dma_semaphore, #tpu.memory_space<semaphore_mem>>)
      %dma_wait3A_300 = tpu.memref_slice %arg5[%mul3A_296] : memref<8192xf32, #tpu.memory_space<hbm>> -> memref<128xf32, #tpu.memory_space<hbm>>
      %dma_wait3A_301 = tpu.memref_slice %arg5[%mul3A_296] : memref<8192xf32, #tpu.memory_space<hbm>> -> memref<128xf32, #tpu.memory_space<hbm>>
      tpu.wait_dma2 semaphore(%run_scoped3A : memref<!tpu.dma_semaphore, #tpu.memory_space<semaphore_mem>>) src(%arg29 : memref<128xf32, #tpu.memory_space<vmem>>) dst(%dma_wait3A_301 : memref<128xf32, #tpu.memory_space<hbm>>)
      tpu.yield
    }) : () -> ()
    "tpu.region"() ({
      %run_scoped3A = tpu.sem_alloc : memref<!tpu.dma_semaphore, #tpu.memory_space<semaphore_mem>>
      %dma_start3A_298 = tpu.memref_slice %arg6[%add3A_294] : memref<1024xf32, #tpu.memory_space<hbm>> -> memref<16xf32, #tpu.memory_space<hbm>>
      %dma_start3A_299 = tpu.memref_slice %arg6[%add3A_294] : memref<1024xf32, #tpu.memory_space<hbm>> -> memref<16xf32, #tpu.memory_space<hbm>>
      tpu.enqueue_dma source(%arg30 : memref<16xf32, #tpu.memory_space<vmem>>) target(%dma_start3A_299 : memref<16xf32, #tpu.memory_space<hbm>>) target_semaphore(%run_scoped3A : memref<!tpu.dma_semaphore, #tpu.memory_space<semaphore_mem>>)
      %dma_wait3A_300 = tpu.memref_slice %arg6[%add3A_294] : memref<1024xf32, #tpu.memory_space<hbm>> -> memref<16xf32, #tpu.memory_space<hbm>>
      %dma_wait3A_301 = tpu.memref_slice %arg6[%add3A_294] : memref<1024xf32, #tpu.memory_space<hbm>> -> memref<16xf32, #tpu.memory_space<hbm>>
      tpu.wait_dma2 semaphore(%run_scoped3A : memref<!tpu.dma_semaphore, #tpu.memory_space<semaphore_mem>>) src(%arg30 : memref<16xf32, #tpu.memory_space<vmem>>) dst(%dma_wait3A_301 : memref<16xf32, #tpu.memory_space<hbm>>)
      tpu.yield
    }) : () -> ()
    %scan3A_297 = arith.constant 1 : i32
    return
  }
}

#map = affine_map<(d0, d1) -> (0)>
module attributes {stable_mosaic.version = 14 : i64} {
  func.func @_bag_body(%arg0: i32, %arg1: i32, %arg2: memref<131072xi32, #tpu.memory_space<hbm>>, %arg3: memref<67108864xf32, #tpu.memory_space<hbm>>, %arg4: memref<8388608xf32, #tpu.memory_space<hbm>>, %arg5: memref<8192xf32, #tpu.memory_space<hbm>>, %arg6: memref<1024xf32, #tpu.memory_space<hbm>>, %arg7: memref<2048xi32, #tpu.memory_space<vmem>>, %arg8: memref<2048xf32, #tpu.memory_space<vmem>>, %arg9: memref<2048xf32, #tpu.memory_space<vmem>>, %arg10: memref<2048xf32, #tpu.memory_space<vmem>>, %arg11: memref<2048xf32, #tpu.memory_space<vmem>>, %arg12: memref<2048xf32, #tpu.memory_space<vmem>>, %arg13: memref<2048xf32, #tpu.memory_space<vmem>>, %arg14: memref<2048xf32, #tpu.memory_space<vmem>>, %arg15: memref<2048xf32, #tpu.memory_space<vmem>>, %arg16: memref<2048xi32, #tpu.memory_space<vmem>>, %arg17: memref<2048xf32, #tpu.memory_space<vmem>>, %arg18: memref<2048xi32, #tpu.memory_space<vmem>>, %arg19: memref<2048xf32, #tpu.memory_space<vmem>>, %arg20: memref<2048xf32, #tpu.memory_space<vmem>>, %arg21: memref<2048xf32, #tpu.memory_space<vmem>>, %arg22: memref<2048xf32, #tpu.memory_space<vmem>>, %arg23: memref<2048xf32, #tpu.memory_space<vmem>>, %arg24: memref<2048xf32, #tpu.memory_space<vmem>>, %arg25: memref<2048xf32, #tpu.memory_space<vmem>>, %arg26: memref<2048xf32, #tpu.memory_space<vmem>>, %arg27: memref<2048xi32, #tpu.memory_space<vmem>>, %arg28: memref<2048xf32, #tpu.memory_space<vmem>>, %arg29: memref<128xf32, #tpu.memory_space<vmem>>, %arg30: memref<16xf32, #tpu.memory_space<vmem>>, %arg31: memref<!tpu.dma_semaphore, #tpu.memory_space<semaphore_mem>>, %arg32: memref<!tpu.dma_semaphore, #tpu.memory_space<semaphore_mem>>) attributes {dimension_semantics = [#tpu.dimension_semantics<core_parallel>, #tpu.dimension_semantics<subcore_parallel>], iteration_bounds = array<i64: 2, 16>, scalar_prefetch = 0 : i64, scratch_operands = 26 : i64, tpu.core_type = #tpu.core_type<sc_vector_subcore>, window_params = [{transform_indices = #map}, {transform_indices = #map}, {transform_indices = #map}, {transform_indices = #map}, {transform_indices = #map}]} {
    %mul3A = arith.constant 2 : i32
    %mul3A_0 = arith.muli %arg1, %mul3A : i32
    %add3A = arith.addi %mul3A_0, %arg0 : i32
    %iota3A = tpu.iota {dimensions = array<i32: 0>} : vector<16xi32>
    %broadcast_in_dim3A = arith.constant 0.000000e+00 : f32
    %broadcast_in_dim3A_1 = vector.broadcast %broadcast_in_dim3A : f32 to vector<16xf32>
    %mul3A_2 = arith.constant 2 : i32
    %mul3A_3 = arith.muli %add3A, %mul3A_2 : i32
    %add3A_4 = arith.constant 0 : i32
    %add3A_5 = arith.addi %mul3A_3, %add3A_4 : i32
    %mul3A_6 = arith.constant 2048 : i32
    %mul3A_7 = arith.muli %add3A_5, %mul3A_6 : i32
    "tpu.region"() ({
      %run_scoped3A = tpu.sem_alloc : memref<!tpu.dma_semaphore, #tpu.memory_space<semaphore_mem>>
      %dma_start3A_298 = tpu.memref_slice %arg2[%mul3A_7] : memref<131072xi32, #tpu.memory_space<hbm>> -> memref<2048xi32, #tpu.memory_space<hbm>>
      %dma_start3A_299 = tpu.memref_slice %arg2[%mul3A_7] : memref<131072xi32, #tpu.memory_space<hbm>> -> memref<2048xi32, #tpu.memory_space<hbm>>
      tpu.enqueue_dma source(%dma_start3A_299 : memref<2048xi32, #tpu.memory_space<hbm>>) target(%arg16 : memref<2048xi32, #tpu.memory_space<vmem>>) target_semaphore(%run_scoped3A : memref<!tpu.dma_semaphore, #tpu.memory_space<semaphore_mem>>)
      %dma_wait3A_300 = tpu.memref_slice %arg2[%mul3A_7] : memref<131072xi32, #tpu.memory_space<hbm>> -> memref<2048xi32, #tpu.memory_space<hbm>>
      %dma_wait3A_301 = tpu.memref_slice %arg2[%mul3A_7] : memref<131072xi32, #tpu.memory_space<hbm>> -> memref<2048xi32, #tpu.memory_space<hbm>>
      tpu.wait_dma2 semaphore(%run_scoped3A : memref<!tpu.dma_semaphore, #tpu.memory_space<semaphore_mem>>) src(%dma_wait3A_301 : memref<2048xi32, #tpu.memory_space<hbm>>) dst(%arg16 : memref<2048xi32, #tpu.memory_space<vmem>>)
      tpu.yield
    }) : () -> ()
    %dma_start3A = arith.constant 0 : i32
    %dma_start3A_8 = tpu.memref_slice %arg4[%dma_start3A] : memref<8388608xf32, #tpu.memory_space<hbm>> -> memref<8388608xf32, #tpu.memory_space<hbm>>
    tpu.enqueue_indirect_dma source(%dma_start3A_8 : memref<8388608xf32, #tpu.memory_space<hbm>>) target(%arg17 : memref<2048xf32, #tpu.memory_space<vmem>>) offsets(%arg16 : memref<2048xi32, #tpu.memory_space<vmem>>) semaphore(%arg31 : memref<!tpu.dma_semaphore, #tpu.memory_space<semaphore_mem>>)
    %scan3A = arith.constant 0 : i32
    %scan3A_9 = arith.constant 0 : i32
    %scan3A_10 = arith.constant 128 : i32
    %scan3A_11 = arith.addi %scan3A_9, %scan3A_10 : i32
    %scan3A_12 = arith.constant 1 : i32
    scf.for %scan3A_298 = %scan3A_9 to %scan3A_11 step %scan3A_12  : i32 {
      %mul3A_299 = arith.constant 16 : i32
      %mul3A_300 = arith.muli %scan3A_298, %mul3A_299 : i32
      %get3A = arith.index_cast %mul3A_300 : i32 to index
      %get3A_301 = tpu.vector_load %arg16[%get3A] {strides = array<i32>} : memref<2048xi32, #tpu.memory_space<vmem>>, vector<16xi32>,
      %shift_right_arithmetic3A = arith.constant 7 : i32
      %shift_right_arithmetic3A_302 = vector.broadcast %shift_right_arithmetic3A : i32 to vector<16xi32>
      %shift_right_arithmetic3A_303 = arith.shrsi %get3A_301, %shift_right_arithmetic3A_302 : vector<16xi32>
      %shift_left3A = arith.constant 10 : i32
      %shift_left3A_304 = vector.broadcast %shift_left3A : i32 to vector<16xi32>
      %shift_left3A_305 = arith.shli %shift_right_arithmetic3A_303, %shift_left3A_304 : vector<16xi32>
      %and3A = arith.constant 127 : i32
      %and3A_306 = vector.broadcast %and3A : i32 to vector<16xi32>
      %and3A_307 = arith.andi %get3A_301, %and3A_306 : vector<16xi32>
      %or3A = arith.ori %shift_left3A_305, %and3A_307 : vector<16xi32>
      %mul3A_308 = arith.constant 16 : i32
      %mul3A_309 = arith.muli %scan3A_298, %mul3A_308 : i32
      %swap3A_310 = arith.index_cast %mul3A_309 : i32 to index
      %swap3A_311 = tpu.vector_load %arg7[%swap3A_310] {strides = array<i32>} : memref<2048xi32, #tpu.memory_space<vmem>>, vector<16xi32>,
      tpu.vector_store %arg7[%swap3A_310], %or3A {strides = array<i32>} : memref<2048xi32, #tpu.memory_space<vmem>>, vector<16xi32>,
    }
    %scan3A_13 = arith.constant 128 : i32
    %dma_start3A_14 = arith.constant 0 : i32
    %dma_start3A_15 = tpu.memref_slice %arg3[%dma_start3A_14] : memref<67108864xf32, #tpu.memory_space<hbm>> -> memref<67108864xf32, #tpu.memory_space<hbm>>
    %dma_start3A_16 = arith.constant 0 : i32
    %dma_start3A_17 = tpu.memref_slice %dma_start3A_15[%dma_start3A_16] : memref<67108864xf32, #tpu.memory_space<hbm>> -> memref<67108864xf32, #tpu.memory_space<hbm>>
    tpu.enqueue_indirect_dma source(%dma_start3A_17 : memref<67108864xf32, #tpu.memory_space<hbm>>) target(%arg8 : memref<2048xf32, #tpu.memory_space<vmem>>) offsets(%arg7 : memref<2048xi32, #tpu.memory_space<vmem>>) semaphore(%arg31 : memref<!tpu.dma_semaphore, #tpu.memory_space<semaphore_mem>>)
    %dma_start3A_18 = arith.constant 128 : i32
    %dma_start3A_19 = tpu.memref_slice %arg3[%dma_start3A_18] : memref<67108864xf32, #tpu.memory_space<hbm>> -> memref<67108736xf32, #tpu.memory_space<hbm>>
    %dma_start3A_20 = arith.constant 0 : i32
    %dma_start3A_21 = tpu.memref_slice %dma_start3A_19[%dma_start3A_20] : memref<67108736xf32, #tpu.memory_space<hbm>> -> memref<67108736xf32, #tpu.memory_space<hbm>>
    tpu.enqueue_indirect_dma source(%dma_start3A_21 : memref<67108736xf32, #tpu.memory_space<hbm>>) target(%arg9 : memref<2048xf32, #tpu.memory_space<vmem>>) offsets(%arg7 : memref<2048xi32, #tpu.memory_space<vmem>>) semaphore(%arg31 : memref<!tpu.dma_semaphore, #tpu.memory_space<semaphore_mem>>)
    %dma_start3A_22 = arith.constant 256 : i32
    %dma_start3A_23 = tpu.memref_slice %arg3[%dma_start3A_22] : memref<67108864xf32, #tpu.memory_space<hbm>> -> memref<67108608xf32, #tpu.memory_space<hbm>>
    %dma_start3A_24 = arith.constant 0 : i32
    %dma_start3A_25 = tpu.memref_slice %dma_start3A_23[%dma_start3A_24] : memref<67108608xf32, #tpu.memory_space<hbm>> -> memref<67108608xf32, #tpu.memory_space<hbm>>
    tpu.enqueue_indirect_dma source(%dma_start3A_25 : memref<67108608xf32, #tpu.memory_space<hbm>>) target(%arg10 : memref<2048xf32, #tpu.memory_space<vmem>>) offsets(%arg7 : memref<2048xi32, #tpu.memory_space<vmem>>) semaphore(%arg31 : memref<!tpu.dma_semaphore, #tpu.memory_space<semaphore_mem>>)
    %dma_start3A_26 = arith.constant 384 : i32
    %dma_start3A_27 = tpu.memref_slice %arg3[%dma_start3A_26] : memref<67108864xf32, #tpu.memory_space<hbm>> -> memref<67108480xf32, #tpu.memory_space<hbm>>
    %dma_start3A_28 = arith.constant 0 : i32
    %dma_start3A_29 = tpu.memref_slice %dma_start3A_27[%dma_start3A_28] : memref<67108480xf32, #tpu.memory_space<hbm>> -> memref<67108480xf32, #tpu.memory_space<hbm>>
    tpu.enqueue_indirect_dma source(%dma_start3A_29 : memref<67108480xf32, #tpu.memory_space<hbm>>) target(%arg11 : memref<2048xf32, #tpu.memory_space<vmem>>) offsets(%arg7 : memref<2048xi32, #tpu.memory_space<vmem>>) semaphore(%arg31 : memref<!tpu.dma_semaphore, #tpu.memory_space<semaphore_mem>>)
    %dma_start3A_30 = arith.constant 512 : i32
    %dma_start3A_31 = tpu.memref_slice %arg3[%dma_start3A_30] : memref<67108864xf32, #tpu.memory_space<hbm>> -> memref<67108352xf32, #tpu.memory_space<hbm>>
    %dma_start3A_32 = arith.constant 0 : i32
    %dma_start3A_33 = tpu.memref_slice %dma_start3A_31[%dma_start3A_32] : memref<67108352xf32, #tpu.memory_space<hbm>> -> memref<67108352xf32, #tpu.memory_space<hbm>>
    tpu.enqueue_indirect_dma source(%dma_start3A_33 : memref<67108352xf32, #tpu.memory_space<hbm>>) target(%arg12 : memref<2048xf32, #tpu.memory_space<vmem>>) offsets(%arg7 : memref<2048xi32, #tpu.memory_space<vmem>>) semaphore(%arg31 : memref<!tpu.dma_semaphore, #tpu.memory_space<semaphore_mem>>)
    %dma_start3A_34 = arith.constant 640 : i32
    %dma_start3A_35 = tpu.memref_slice %arg3[%dma_start3A_34] : memref<67108864xf32, #tpu.memory_space<hbm>> -> memref<67108224xf32, #tpu.memory_space<hbm>>
    %dma_start3A_36 = arith.constant 0 : i32
    %dma_start3A_37 = tpu.memref_slice %dma_start3A_35[%dma_start3A_36] : memref<67108224xf32, #tpu.memory_space<hbm>> -> memref<67108224xf32, #tpu.memory_space<hbm>>
    tpu.enqueue_indirect_dma source(%dma_start3A_37 : memref<67108224xf32, #tpu.memory_space<hbm>>) target(%arg13 : memref<2048xf32, #tpu.memory_space<vmem>>) offsets(%arg7 : memref<2048xi32, #tpu.memory_space<vmem>>) semaphore(%arg31 : memref<!tpu.dma_semaphore, #tpu.memory_space<semaphore_mem>>)
    %dma_start3A_38 = arith.constant 768 : i32
    %dma_start3A_39 = tpu.memref_slice %arg3[%dma_start3A_38] : memref<67108864xf32, #tpu.memory_space<hbm>> -> memref<67108096xf32, #tpu.memory_space<hbm>>
    %dma_start3A_40 = arith.constant 0 : i32
    %dma_start3A_41 = tpu.memref_slice %dma_start3A_39[%dma_start3A_40] : memref<67108096xf32, #tpu.memory_space<hbm>> -> memref<67108096xf32, #tpu.memory_space<hbm>>
    tpu.enqueue_indirect_dma source(%dma_start3A_41 : memref<67108096xf32, #tpu.memory_space<hbm>>) target(%arg14 : memref<2048xf32, #tpu.memory_space<vmem>>) offsets(%arg7 : memref<2048xi32, #tpu.memory_space<vmem>>) semaphore(%arg31 : memref<!tpu.dma_semaphore, #tpu.memory_space<semaphore_mem>>)
    %dma_start3A_42 = arith.constant 896 : i32
    %dma_start3A_43 = tpu.memref_slice %arg3[%dma_start3A_42] : memref<67108864xf32, #tpu.memory_space<hbm>> -> memref<67107968xf32, #tpu.memory_space<hbm>>
    %dma_start3A_44 = arith.constant 0 : i32
    %dma_start3A_45 = tpu.memref_slice %dma_start3A_43[%dma_start3A_44] : memref<67107968xf32, #tpu.memory_space<hbm>> -> memref<67107968xf32, #tpu.memory_space<hbm>>
    tpu.enqueue_indirect_dma source(%dma_start3A_45 : memref<67107968xf32, #tpu.memory_space<hbm>>) target(%arg15 : memref<2048xf32, #tpu.memory_space<vmem>>) offsets(%arg7 : memref<2048xi32, #tpu.memory_space<vmem>>) semaphore(%arg31 : memref<!tpu.dma_semaphore, #tpu.memory_space<semaphore_mem>>)
    %scan3A_46 = arith.constant 0 : i32
    %scan3A_47 = arith.constant 0 : i32
    %mul3A_48 = arith.constant 2 : i32
    %mul3A_49 = arith.muli %scan3A_47, %mul3A_48 : i32
    %add3A_50 = arith.constant 1 : i32
    %add3A_51 = arith.addi %mul3A_49, %add3A_50 : i32
    %mul3A_52 = arith.constant 2 : i32
    %mul3A_53 = arith.muli %add3A, %mul3A_52 : i32
    %add3A_54 = arith.addi %mul3A_53, %add3A_51 : i32
    %mul3A_55 = arith.constant 2048 : i32
    %mul3A_56 = arith.muli %add3A_54, %mul3A_55 : i32
    "tpu.region"() ({
      %run_scoped3A = tpu.sem_alloc : memref<!tpu.dma_semaphore, #tpu.memory_space<semaphore_mem>>
      %dma_start3A_298 = tpu.memref_slice %arg2[%mul3A_56] : memref<131072xi32, #tpu.memory_space<hbm>> -> memref<2048xi32, #tpu.memory_space<hbm>>
      %dma_start3A_299 = tpu.memref_slice %arg2[%mul3A_56] : memref<131072xi32, #tpu.memory_space<hbm>> -> memref<2048xi32, #tpu.memory_space<hbm>>
      tpu.enqueue_dma source(%dma_start3A_299 : memref<2048xi32, #tpu.memory_space<hbm>>) target(%arg27 : memref<2048xi32, #tpu.memory_space<vmem>>) target_semaphore(%run_scoped3A : memref<!tpu.dma_semaphore, #tpu.memory_space<semaphore_mem>>)
      %dma_wait3A_300 = tpu.memref_slice %arg2[%mul3A_56] : memref<131072xi32, #tpu.memory_space<hbm>> -> memref<2048xi32, #tpu.memory_space<hbm>>
      %dma_wait3A_301 = tpu.memref_slice %arg2[%mul3A_56] : memref<131072xi32, #tpu.memory_space<hbm>> -> memref<2048xi32, #tpu.memory_space<hbm>>
      tpu.wait_dma2 semaphore(%run_scoped3A : memref<!tpu.dma_semaphore, #tpu.memory_space<semaphore_mem>>) src(%dma_wait3A_301 : memref<2048xi32, #tpu.memory_space<hbm>>) dst(%arg27 : memref<2048xi32, #tpu.memory_space<vmem>>)
      tpu.yield
    }) : () -> ()
    %dma_start3A_57 = arith.constant 0 : i32
    %dma_start3A_58 = tpu.memref_slice %arg4[%dma_start3A_57] : memref<8388608xf32, #tpu.memory_space<hbm>> -> memref<8388608xf32, #tpu.memory_space<hbm>>
    tpu.enqueue_indirect_dma source(%dma_start3A_58 : memref<8388608xf32, #tpu.memory_space<hbm>>) target(%arg28 : memref<2048xf32, #tpu.memory_space<vmem>>) offsets(%arg27 : memref<2048xi32, #tpu.memory_space<vmem>>) semaphore(%arg32 : memref<!tpu.dma_semaphore, #tpu.memory_space<semaphore_mem>>)
    %scan3A_59 = arith.constant 0 : i32
    %scan3A_60 = arith.constant 0 : i32
    %scan3A_61 = arith.constant 128 : i32
    %scan3A_62 = arith.addi %scan3A_60, %scan3A_61 : i32
    %scan3A_63 = arith.constant 1 : i32
    scf.for %scan3A_298 = %scan3A_60 to %scan3A_62 step %scan3A_63  : i32 {
      %mul3A_299 = arith.constant 16 : i32
      %mul3A_300 = arith.muli %scan3A_298, %mul3A_299 : i32
      %get3A = arith.index_cast %mul3A_300 : i32 to index
      %get3A_301 = tpu.vector_load %arg27[%get3A] {strides = array<i32>} : memref<2048xi32, #tpu.memory_space<vmem>>, vector<16xi32>,
      %shift_right_arithmetic3A = arith.constant 7 : i32
      %shift_right_arithmetic3A_302 = vector.broadcast %shift_right_arithmetic3A : i32 to vector<16xi32>
      %shift_right_arithmetic3A_303 = arith.shrsi %get3A_301, %shift_right_arithmetic3A_302 : vector<16xi32>
      %shift_left3A = arith.constant 10 : i32
      %shift_left3A_304 = vector.broadcast %shift_left3A : i32 to vector<16xi32>
      %shift_left3A_305 = arith.shli %shift_right_arithmetic3A_303, %shift_left3A_304 : vector<16xi32>
      %and3A = arith.constant 127 : i32
      %and3A_306 = vector.broadcast %and3A : i32 to vector<16xi32>
      %and3A_307 = arith.andi %get3A_301, %and3A_306 : vector<16xi32>
      %or3A = arith.ori %shift_left3A_305, %and3A_307 : vector<16xi32>
      %mul3A_308 = arith.constant 16 : i32
      %mul3A_309 = arith.muli %scan3A_298, %mul3A_308 : i32
      %swap3A_310 = arith.index_cast %mul3A_309 : i32 to index
      %swap3A_311 = tpu.vector_load %arg18[%swap3A_310] {strides = array<i32>} : memref<2048xi32, #tpu.memory_space<vmem>>, vector<16xi32>,
      tpu.vector_store %arg18[%swap3A_310], %or3A {strides = array<i32>} : memref<2048xi32, #tpu.memory_space<vmem>>, vector<16xi32>,
    }
    %scan3A_64 = arith.constant 128 : i32
    %dma_start3A_65 = arith.constant 0 : i32
    %dma_start3A_66 = tpu.memref_slice %arg3[%dma_start3A_65] : memref<67108864xf32, #tpu.memory_space<hbm>> -> memref<67108864xf32, #tpu.memory_space<hbm>>
    %dma_start3A_67 = arith.constant 0 : i32
    %dma_start3A_68 = tpu.memref_slice %dma_start3A_66[%dma_start3A_67] : memref<67108864xf32, #tpu.memory_space<hbm>> -> memref<67108864xf32, #tpu.memory_space<hbm>>
    tpu.enqueue_indirect_dma source(%dma_start3A_68 : memref<67108864xf32, #tpu.memory_space<hbm>>) target(%arg19 : memref<2048xf32, #tpu.memory_space<vmem>>) offsets(%arg18 : memref<2048xi32, #tpu.memory_space<vmem>>) semaphore(%arg32 : memref<!tpu.dma_semaphore, #tpu.memory_space<semaphore_mem>>)
    %dma_start3A_69 = arith.constant 128 : i32
    %dma_start3A_70 = tpu.memref_slice %arg3[%dma_start3A_69] : memref<67108864xf32, #tpu.memory_space<hbm>> -> memref<67108736xf32, #tpu.memory_space<hbm>>
    %dma_start3A_71 = arith.constant 0 : i32
    %dma_start3A_72 = tpu.memref_slice %dma_start3A_70[%dma_start3A_71] : memref<67108736xf32, #tpu.memory_space<hbm>> -> memref<67108736xf32, #tpu.memory_space<hbm>>
    tpu.enqueue_indirect_dma source(%dma_start3A_72 : memref<67108736xf32, #tpu.memory_space<hbm>>) target(%arg20 : memref<2048xf32, #tpu.memory_space<vmem>>) offsets(%arg18 : memref<2048xi32, #tpu.memory_space<vmem>>) semaphore(%arg32 : memref<!tpu.dma_semaphore, #tpu.memory_space<semaphore_mem>>)
    %dma_start3A_73 = arith.constant 256 : i32
    %dma_start3A_74 = tpu.memref_slice %arg3[%dma_start3A_73] : memref<67108864xf32, #tpu.memory_space<hbm>> -> memref<67108608xf32, #tpu.memory_space<hbm>>
    %dma_start3A_75 = arith.constant 0 : i32
    %dma_start3A_76 = tpu.memref_slice %dma_start3A_74[%dma_start3A_75] : memref<67108608xf32, #tpu.memory_space<hbm>> -> memref<67108608xf32, #tpu.memory_space<hbm>>
    tpu.enqueue_indirect_dma source(%dma_start3A_76 : memref<67108608xf32, #tpu.memory_space<hbm>>) target(%arg21 : memref<2048xf32, #tpu.memory_space<vmem>>) offsets(%arg18 : memref<2048xi32, #tpu.memory_space<vmem>>) semaphore(%arg32 : memref<!tpu.dma_semaphore, #tpu.memory_space<semaphore_mem>>)
    %dma_start3A_77 = arith.constant 384 : i32
    %dma_start3A_78 = tpu.memref_slice %arg3[%dma_start3A_77] : memref<67108864xf32, #tpu.memory_space<hbm>> -> memref<67108480xf32, #tpu.memory_space<hbm>>
    %dma_start3A_79 = arith.constant 0 : i32
    %dma_start3A_80 = tpu.memref_slice %dma_start3A_78[%dma_start3A_79] : memref<67108480xf32, #tpu.memory_space<hbm>> -> memref<67108480xf32, #tpu.memory_space<hbm>>
    tpu.enqueue_indirect_dma source(%dma_start3A_80 : memref<67108480xf32, #tpu.memory_space<hbm>>) target(%arg22 : memref<2048xf32, #tpu.memory_space<vmem>>) offsets(%arg18 : memref<2048xi32, #tpu.memory_space<vmem>>) semaphore(%arg32 : memref<!tpu.dma_semaphore, #tpu.memory_space<semaphore_mem>>)
    %dma_start3A_81 = arith.constant 512 : i32
    %dma_start3A_82 = tpu.memref_slice %arg3[%dma_start3A_81] : memref<67108864xf32, #tpu.memory_space<hbm>> -> memref<67108352xf32, #tpu.memory_space<hbm>>
    %dma_start3A_83 = arith.constant 0 : i32
    %dma_start3A_84 = tpu.memref_slice %dma_start3A_82[%dma_start3A_83] : memref<67108352xf32, #tpu.memory_space<hbm>> -> memref<67108352xf32, #tpu.memory_space<hbm>>
    tpu.enqueue_indirect_dma source(%dma_start3A_84 : memref<67108352xf32, #tpu.memory_space<hbm>>) target(%arg23 : memref<2048xf32, #tpu.memory_space<vmem>>) offsets(%arg18 : memref<2048xi32, #tpu.memory_space<vmem>>) semaphore(%arg32 : memref<!tpu.dma_semaphore, #tpu.memory_space<semaphore_mem>>)
    %dma_start3A_85 = arith.constant 640 : i32
    %dma_start3A_86 = tpu.memref_slice %arg3[%dma_start3A_85] : memref<67108864xf32, #tpu.memory_space<hbm>> -> memref<67108224xf32, #tpu.memory_space<hbm>>
    %dma_start3A_87 = arith.constant 0 : i32
    %dma_start3A_88 = tpu.memref_slice %dma_start3A_86[%dma_start3A_87] : memref<67108224xf32, #tpu.memory_space<hbm>> -> memref<67108224xf32, #tpu.memory_space<hbm>>
    tpu.enqueue_indirect_dma source(%dma_start3A_88 : memref<67108224xf32, #tpu.memory_space<hbm>>) target(%arg24 : memref<2048xf32, #tpu.memory_space<vmem>>) offsets(%arg18 : memref<2048xi32, #tpu.memory_space<vmem>>) semaphore(%arg32 : memref<!tpu.dma_semaphore, #tpu.memory_space<semaphore_mem>>)
    %dma_start3A_89 = arith.constant 768 : i32
    %dma_start3A_90 = tpu.memref_slice %arg3[%dma_start3A_89] : memref<67108864xf32, #tpu.memory_space<hbm>> -> memref<67108096xf32, #tpu.memory_space<hbm>>
    %dma_start3A_91 = arith.constant 0 : i32
    %dma_start3A_92 = tpu.memref_slice %dma_start3A_90[%dma_start3A_91] : memref<67108096xf32, #tpu.memory_space<hbm>> -> memref<67108096xf32, #tpu.memory_space<hbm>>
    tpu.enqueue_indirect_dma source(%dma_start3A_92 : memref<67108096xf32, #tpu.memory_space<hbm>>) target(%arg25 : memref<2048xf32, #tpu.memory_space<vmem>>) offsets(%arg18 : memref<2048xi32, #tpu.memory_space<vmem>>) semaphore(%arg32 : memref<!tpu.dma_semaphore, #tpu.memory_space<semaphore_mem>>)
    %dma_start3A_93 = arith.constant 896 : i32
    %dma_start3A_94 = tpu.memref_slice %arg3[%dma_start3A_93] : memref<67108864xf32, #tpu.memory_space<hbm>> -> memref<67107968xf32, #tpu.memory_space<hbm>>
    %dma_start3A_95 = arith.constant 0 : i32
    %dma_start3A_96 = tpu.memref_slice %dma_start3A_94[%dma_start3A_95] : memref<67107968xf32, #tpu.memory_space<hbm>> -> memref<67107968xf32, #tpu.memory_space<hbm>>
    tpu.enqueue_indirect_dma source(%dma_start3A_96 : memref<67107968xf32, #tpu.memory_space<hbm>>) target(%arg26 : memref<2048xf32, #tpu.memory_space<vmem>>) offsets(%arg18 : memref<2048xi32, #tpu.memory_space<vmem>>) semaphore(%arg32 : memref<!tpu.dma_semaphore, #tpu.memory_space<semaphore_mem>>)
    %dma_wait3A = arith.constant 0 : i32
    %dma_wait3A_97 = tpu.memref_slice %arg3[%dma_wait3A] : memref<67108864xf32, #tpu.memory_space<hbm>> -> memref<67108864xf32, #tpu.memory_space<hbm>>
    %dma_wait3A_98 = arith.constant 0 : i32
    %dma_wait3A_99 = tpu.memref_slice %dma_wait3A_97[%dma_wait3A_98] : memref<67108864xf32, #tpu.memory_space<hbm>> -> memref<67108864xf32, #tpu.memory_space<hbm>>
    tpu.wait_indirect_dma semaphore(%arg31 : memref<!tpu.dma_semaphore, #tpu.memory_space<semaphore_mem>>) src(%dma_wait3A_99 : memref<67108864xf32, #tpu.memory_space<hbm>>) dst(%arg8 : memref<2048xf32, #tpu.memory_space<vmem>>)
    %dma_wait3A_100 = arith.constant 128 : i32
    %dma_wait3A_101 = tpu.memref_slice %arg3[%dma_wait3A_100] : memref<67108864xf32, #tpu.memory_space<hbm>> -> memref<67108736xf32, #tpu.memory_space<hbm>>
    %dma_wait3A_102 = arith.constant 0 : i32
    %dma_wait3A_103 = tpu.memref_slice %dma_wait3A_101[%dma_wait3A_102] : memref<67108736xf32, #tpu.memory_space<hbm>> -> memref<67108736xf32, #tpu.memory_space<hbm>>
    tpu.wait_indirect_dma semaphore(%arg31 : memref<!tpu.dma_semaphore, #tpu.memory_space<semaphore_mem>>) src(%dma_wait3A_103 : memref<67108736xf32, #tpu.memory_space<hbm>>) dst(%arg9 : memref<2048xf32, #tpu.memory_space<vmem>>)
    %dma_wait3A_104 = arith.constant 256 : i32
    %dma_wait3A_105 = tpu.memref_slice %arg3[%dma_wait3A_104] : memref<67108864xf32, #tpu.memory_space<hbm>> -> memref<67108608xf32, #tpu.memory_space<hbm>>
    %dma_wait3A_106 = arith.constant 0 : i32
    %dma_wait3A_107 = tpu.memref_slice %dma_wait3A_105[%dma_wait3A_106] : memref<67108608xf32, #tpu.memory_space<hbm>> -> memref<67108608xf32, #tpu.memory_space<hbm>>
    tpu.wait_indirect_dma semaphore(%arg31 : memref<!tpu.dma_semaphore, #tpu.memory_space<semaphore_mem>>) src(%dma_wait3A_107 : memref<67108608xf32, #tpu.memory_space<hbm>>) dst(%arg10 : memref<2048xf32, #tpu.memory_space<vmem>>)
    %dma_wait3A_108 = arith.constant 384 : i32
    %dma_wait3A_109 = tpu.memref_slice %arg3[%dma_wait3A_108] : memref<67108864xf32, #tpu.memory_space<hbm>> -> memref<67108480xf32, #tpu.memory_space<hbm>>
    %dma_wait3A_110 = arith.constant 0 : i32
    %dma_wait3A_111 = tpu.memref_slice %dma_wait3A_109[%dma_wait3A_110] : memref<67108480xf32, #tpu.memory_space<hbm>> -> memref<67108480xf32, #tpu.memory_space<hbm>>
    tpu.wait_indirect_dma semaphore(%arg31 : memref<!tpu.dma_semaphore, #tpu.memory_space<semaphore_mem>>) src(%dma_wait3A_111 : memref<67108480xf32, #tpu.memory_space<hbm>>) dst(%arg11 : memref<2048xf32, #tpu.memory_space<vmem>>)
    %dma_wait3A_112 = arith.constant 512 : i32
    %dma_wait3A_113 = tpu.memref_slice %arg3[%dma_wait3A_112] : memref<67108864xf32, #tpu.memory_space<hbm>> -> memref<67108352xf32, #tpu.memory_space<hbm>>
    %dma_wait3A_114 = arith.constant 0 : i32
    %dma_wait3A_115 = tpu.memref_slice %dma_wait3A_113[%dma_wait3A_114] : memref<67108352xf32, #tpu.memory_space<hbm>> -> memref<67108352xf32, #tpu.memory_space<hbm>>
    tpu.wait_indirect_dma semaphore(%arg31 : memref<!tpu.dma_semaphore, #tpu.memory_space<semaphore_mem>>) src(%dma_wait3A_115 : memref<67108352xf32, #tpu.memory_space<hbm>>) dst(%arg12 : memref<2048xf32, #tpu.memory_space<vmem>>)
    %dma_wait3A_116 = arith.constant 640 : i32
    %dma_wait3A_117 = tpu.memref_slice %arg3[%dma_wait3A_116] : memref<67108864xf32, #tpu.memory_space<hbm>> -> memref<67108224xf32, #tpu.memory_space<hbm>>
    %dma_wait3A_118 = arith.constant 0 : i32
    %dma_wait3A_119 = tpu.memref_slice %dma_wait3A_117[%dma_wait3A_118] : memref<67108224xf32, #tpu.memory_space<hbm>> -> memref<67108224xf32, #tpu.memory_space<hbm>>
    tpu.wait_indirect_dma semaphore(%arg31 : memref<!tpu.dma_semaphore, #tpu.memory_space<semaphore_mem>>) src(%dma_wait3A_119 : memref<67108224xf32, #tpu.memory_space<hbm>>) dst(%arg13 : memref<2048xf32, #tpu.memory_space<vmem>>)
    %dma_wait3A_120 = arith.constant 768 : i32
    %dma_wait3A_121 = tpu.memref_slice %arg3[%dma_wait3A_120] : memref<67108864xf32, #tpu.memory_space<hbm>> -> memref<67108096xf32, #tpu.memory_space<hbm>>
    %dma_wait3A_122 = arith.constant 0 : i32
    %dma_wait3A_123 = tpu.memref_slice %dma_wait3A_121[%dma_wait3A_122] : memref<67108096xf32, #tpu.memory_space<hbm>> -> memref<67108096xf32, #tpu.memory_space<hbm>>
    tpu.wait_indirect_dma semaphore(%arg31 : memref<!tpu.dma_semaphore, #tpu.memory_space<semaphore_mem>>) src(%dma_wait3A_123 : memref<67108096xf32, #tpu.memory_space<hbm>>) dst(%arg14 : memref<2048xf32, #tpu.memory_space<vmem>>)
    %dma_wait3A_124 = arith.constant 896 : i32
    %dma_wait3A_125 = tpu.memref_slice %arg3[%dma_wait3A_124] : memref<67108864xf32, #tpu.memory_space<hbm>> -> memref<67107968xf32, #tpu.memory_space<hbm>>
    %dma_wait3A_126 = arith.constant 0 : i32
    %dma_wait3A_127 = tpu.memref_slice %dma_wait3A_125[%dma_wait3A_126] : memref<67107968xf32, #tpu.memory_space<hbm>> -> memref<67107968xf32, #tpu.memory_space<hbm>>
    tpu.wait_indirect_dma semaphore(%arg31 : memref<!tpu.dma_semaphore, #tpu.memory_space<semaphore_mem>>) src(%dma_wait3A_127 : memref<67107968xf32, #tpu.memory_space<hbm>>) dst(%arg15 : memref<2048xf32, #tpu.memory_space<vmem>>)
    %dma_wait3A_128 = arith.constant 0 : i32
    %dma_wait3A_129 = tpu.memref_slice %arg4[%dma_wait3A_128] : memref<8388608xf32, #tpu.memory_space<hbm>> -> memref<8388608xf32, #tpu.memory_space<hbm>>
    tpu.wait_indirect_dma semaphore(%arg31 : memref<!tpu.dma_semaphore, #tpu.memory_space<semaphore_mem>>) src(%dma_wait3A_129 : memref<8388608xf32, #tpu.memory_space<hbm>>) dst(%arg17 : memref<2048xf32, #tpu.memory_space<vmem>>)
    %scan3A_130 = arith.constant 0 : i32
    %scan3A_131 = arith.constant 128 : i32
    %scan3A_132 = arith.addi %scan3A_130, %scan3A_131 : i32
    %scan3A_133 = arith.constant 1 : i32
    %scan3A_134:9 = scf.for %scan3A_298 = %scan3A_130 to %scan3A_132 step %scan3A_133 iter_args(%scan3A_299 = %broadcast_in_dim3A_1, %scan3A_300 = %broadcast_in_dim3A_1, %scan3A_301 = %broadcast_in_dim3A_1, %scan3A_302 = %broadcast_in_dim3A_1, %scan3A_303 = %broadcast_in_dim3A_1, %scan3A_304 = %broadcast_in_dim3A_1, %scan3A_305 = %broadcast_in_dim3A_1, %scan3A_306 = %broadcast_in_dim3A_1, %scan3A_307 = %broadcast_in_dim3A_1) -> (vector<16xf32>, vector<16xf32>, vector<16xf32>, vector<16xf32>, vector<16xf32>, vector<16xf32>, vector<16xf32>, vector<16xf32>, vector<16xf32>)  : i32 {
      %mul3A_308 = arith.constant 16 : i32
      %mul3A_309 = arith.muli %scan3A_298, %mul3A_308 : i32
      %get3A = arith.index_cast %mul3A_309 : i32 to index
      %get3A_310 = tpu.vector_load %arg8[%get3A] {strides = array<i32>} : memref<2048xf32, #tpu.memory_space<vmem>>, vector<16xf32>,
      %add3A_311 = arith.addf %scan3A_299, %get3A_310 : vector<16xf32>
      %mul3A_312 = arith.constant 16 : i32
      %mul3A_313 = arith.muli %scan3A_298, %mul3A_312 : i32
      %get3A_314 = arith.index_cast %mul3A_313 : i32 to index
      %get3A_315 = tpu.vector_load %arg9[%get3A_314] {strides = array<i32>} : memref<2048xf32, #tpu.memory_space<vmem>>, vector<16xf32>,
      %add3A_316 = arith.addf %scan3A_300, %get3A_315 : vector<16xf32>
      %mul3A_317 = arith.constant 16 : i32
      %mul3A_318 = arith.muli %scan3A_298, %mul3A_317 : i32
      %get3A_319 = arith.index_cast %mul3A_318 : i32 to index
      %get3A_320 = tpu.vector_load %arg10[%get3A_319] {strides = array<i32>} : memref<2048xf32, #tpu.memory_space<vmem>>, vector<16xf32>,
      %add3A_321 = arith.addf %scan3A_301, %get3A_320 : vector<16xf32>
      %mul3A_322 = arith.constant 16 : i32
      %mul3A_323 = arith.muli %scan3A_298, %mul3A_322 : i32
      %get3A_324 = arith.index_cast %mul3A_323 : i32 to index
      %get3A_325 = tpu.vector_load %arg11[%get3A_324] {strides = array<i32>} : memref<2048xf32, #tpu.memory_space<vmem>>, vector<16xf32>,
      %add3A_326 = arith.addf %scan3A_302, %get3A_325 : vector<16xf32>
      %mul3A_327 = arith.constant 16 : i32
      %mul3A_328 = arith.muli %scan3A_298, %mul3A_327 : i32
      %get3A_329 = arith.index_cast %mul3A_328 : i32 to index
      %get3A_330 = tpu.vector_load %arg12[%get3A_329] {strides = array<i32>} : memref<2048xf32, #tpu.memory_space<vmem>>, vector<16xf32>,
      %add3A_331 = arith.addf %scan3A_303, %get3A_330 : vector<16xf32>
      %mul3A_332 = arith.constant 16 : i32
      %mul3A_333 = arith.muli %scan3A_298, %mul3A_332 : i32
      %get3A_334 = arith.index_cast %mul3A_333 : i32 to index
      %get3A_335 = tpu.vector_load %arg13[%get3A_334] {strides = array<i32>} : memref<2048xf32, #tpu.memory_space<vmem>>, vector<16xf32>,
      %add3A_336 = arith.addf %scan3A_304, %get3A_335 : vector<16xf32>
      %mul3A_337 = arith.constant 16 : i32
      %mul3A_338 = arith.muli %scan3A_298, %mul3A_337 : i32
      %get3A_339 = arith.index_cast %mul3A_338 : i32 to index
      %get3A_340 = tpu.vector_load %arg14[%get3A_339] {strides = array<i32>} : memref<2048xf32, #tpu.memory_space<vmem>>, vector<16xf32>,
      %add3A_341 = arith.addf %scan3A_305, %get3A_340 : vector<16xf32>
      %mul3A_342 = arith.constant 16 : i32
      %mul3A_343 = arith.muli %scan3A_298, %mul3A_342 : i32
      %get3A_344 = arith.index_cast %mul3A_343 : i32 to index
      %get3A_345 = tpu.vector_load %arg15[%get3A_344] {strides = array<i32>} : memref<2048xf32, #tpu.memory_space<vmem>>, vector<16xf32>,
      %add3A_346 = arith.addf %scan3A_306, %get3A_345 : vector<16xf32>
      %mul3A_347 = arith.constant 16 : i32
      %mul3A_348 = arith.muli %scan3A_298, %mul3A_347 : i32
      %get3A_349 = arith.index_cast %mul3A_348 : i32 to index
      %get3A_350 = tpu.vector_load %arg17[%get3A_349] {strides = array<i32>} : memref<2048xf32, #tpu.memory_space<vmem>>, vector<16xf32>,
      %add3A_351 = arith.addf %scan3A_307, %get3A_350 : vector<16xf32>
      scf.yield %add3A_311, %add3A_316, %add3A_321, %add3A_326, %add3A_331, %add3A_336, %add3A_341, %add3A_346, %add3A_351 : vector<16xf32>, vector<16xf32>, vector<16xf32>, vector<16xf32>, vector<16xf32>, vector<16xf32>, vector<16xf32>, vector<16xf32>, vector<16xf32>
    }
    %scan3A_135 = arith.constant 128 : i32
    %mul3A_136 = arith.constant 8 : i32
    %mul3A_137 = vector.broadcast %mul3A_136 : i32 to vector<16xi32>
    %mul3A_138 = arith.muli %iota3A, %mul3A_137 : vector<16xi32>
    %add3A_139 = arith.constant 0 : i32
    %add3A_140 = vector.broadcast %add3A_139 : i32 to vector<16xi32>
    %add3A_141 = arith.addi %mul3A_138, %add3A_140 : vector<16xi32>
    tpu.vector_store_idx %arg29[%add3A_141], %scan3A_134#0 : memref<128xf32, #tpu.memory_space<vmem>>[vector<16xi32>], vector<16xf32>,
    %mul3A_142 = arith.constant 8 : i32
    %mul3A_143 = vector.broadcast %mul3A_142 : i32 to vector<16xi32>
    %mul3A_144 = arith.muli %iota3A, %mul3A_143 : vector<16xi32>
    %add3A_145 = arith.constant 1 : i32
    %add3A_146 = vector.broadcast %add3A_145 : i32 to vector<16xi32>
    %add3A_147 = arith.addi %mul3A_144, %add3A_146 : vector<16xi32>
    tpu.vector_store_idx %arg29[%add3A_147], %scan3A_134#1 : memref<128xf32, #tpu.memory_space<vmem>>[vector<16xi32>], vector<16xf32>,
    %mul3A_148 = arith.constant 8 : i32
    %mul3A_149 = vector.broadcast %mul3A_148 : i32 to vector<16xi32>
    %mul3A_150 = arith.muli %iota3A, %mul3A_149 : vector<16xi32>
    %add3A_151 = arith.constant 2 : i32
    %add3A_152 = vector.broadcast %add3A_151 : i32 to vector<16xi32>
    %add3A_153 = arith.addi %mul3A_150, %add3A_152 : vector<16xi32>
    tpu.vector_store_idx %arg29[%add3A_153], %scan3A_134#2 : memref<128xf32, #tpu.memory_space<vmem>>[vector<16xi32>], vector<16xf32>,
    %mul3A_154 = arith.constant 8 : i32
    %mul3A_155 = vector.broadcast %mul3A_154 : i32 to vector<16xi32>
    %mul3A_156 = arith.muli %iota3A, %mul3A_155 : vector<16xi32>
    %add3A_157 = arith.constant 3 : i32
    %add3A_158 = vector.broadcast %add3A_157 : i32 to vector<16xi32>
    %add3A_159 = arith.addi %mul3A_156, %add3A_158 : vector<16xi32>
    tpu.vector_store_idx %arg29[%add3A_159], %scan3A_134#3 : memref<128xf32, #tpu.memory_space<vmem>>[vector<16xi32>], vector<16xf32>,
    %mul3A_160 = arith.constant 8 : i32
    %mul3A_161 = vector.broadcast %mul3A_160 : i32 to vector<16xi32>
    %mul3A_162 = arith.muli %iota3A, %mul3A_161 : vector<16xi32>
    %add3A_163 = arith.constant 4 : i32
    %add3A_164 = vector.broadcast %add3A_163 : i32 to vector<16xi32>
    %add3A_165 = arith.addi %mul3A_162, %add3A_164 : vector<16xi32>
    tpu.vector_store_idx %arg29[%add3A_165], %scan3A_134#4 : memref<128xf32, #tpu.memory_space<vmem>>[vector<16xi32>], vector<16xf32>,
    %mul3A_166 = arith.constant 8 : i32
    %mul3A_167 = vector.broadcast %mul3A_166 : i32 to vector<16xi32>
    %mul3A_168 = arith.muli %iota3A, %mul3A_167 : vector<16xi32>
    %add3A_169 = arith.constant 5 : i32
    %add3A_170 = vector.broadcast %add3A_169 : i32 to vector<16xi32>
    %add3A_171 = arith.addi %mul3A_168, %add3A_170 : vector<16xi32>
    tpu.vector_store_idx %arg29[%add3A_171], %scan3A_134#5 : memref<128xf32, #tpu.memory_space<vmem>>[vector<16xi32>], vector<16xf32>,
    %mul3A_172 = arith.constant 8 : i32
    %mul3A_173 = vector.broadcast %mul3A_172 : i32 to vector<16xi32>
    %mul3A_174 = arith.muli %iota3A, %mul3A_173 : vector<16xi32>
    %add3A_175 = arith.constant 6 : i32
    %add3A_176 = vector.broadcast %add3A_175 : i32 to vector<16xi32>
    %add3A_177 = arith.addi %mul3A_174, %add3A_176 : vector<16xi32>
    tpu.vector_store_idx %arg29[%add3A_177], %scan3A_134#6 : memref<128xf32, #tpu.memory_space<vmem>>[vector<16xi32>], vector<16xf32>,
    %mul3A_178 = arith.constant 8 : i32
    %mul3A_179 = vector.broadcast %mul3A_178 : i32 to vector<16xi32>
    %mul3A_180 = arith.muli %iota3A, %mul3A_179 : vector<16xi32>
    %add3A_181 = arith.constant 7 : i32
    %add3A_182 = vector.broadcast %add3A_181 : i32 to vector<16xi32>
    %add3A_183 = arith.addi %mul3A_180, %add3A_182 : vector<16xi32>
    tpu.vector_store_idx %arg29[%add3A_183], %scan3A_134#7 : memref<128xf32, #tpu.memory_space<vmem>>[vector<16xi32>], vector<16xf32>,
    %swap3A = arith.constant 0 : index
    %swap3A_184 = tpu.vector_load %arg30[%swap3A] {strides = array<i32>} : memref<16xf32, #tpu.memory_space<vmem>>, vector<16xf32>,
    tpu.vector_store %arg30[%swap3A], %scan3A_134#8 {strides = array<i32>} : memref<16xf32, #tpu.memory_space<vmem>>, vector<16xf32>,
    %mul3A_185 = arith.constant 32 : i32
    %mul3A_186 = arith.muli %add3A, %mul3A_185 : i32
    %mul3A_187 = arith.constant 16 : i32
    %mul3A_188 = arith.muli %mul3A_49, %mul3A_187 : i32
    %add3A_189 = arith.addi %mul3A_186, %mul3A_188 : i32
    %mul3A_190 = arith.constant 8 : i32
    %mul3A_191 = arith.muli %add3A_189, %mul3A_190 : i32
    "tpu.region"() ({
      %run_scoped3A = tpu.sem_alloc : memref<!tpu.dma_semaphore, #tpu.memory_space<semaphore_mem>>
      %dma_start3A_298 = tpu.memref_slice %arg5[%mul3A_191] : memref<8192xf32, #tpu.memory_space<hbm>> -> memref<128xf32, #tpu.memory_space<hbm>>
      %dma_start3A_299 = tpu.memref_slice %arg5[%mul3A_191] : memref<8192xf32, #tpu.memory_space<hbm>> -> memref<128xf32, #tpu.memory_space<hbm>>
      tpu.enqueue_dma source(%arg29 : memref<128xf32, #tpu.memory_space<vmem>>) target(%dma_start3A_299 : memref<128xf32, #tpu.memory_space<hbm>>) target_semaphore(%run_scoped3A : memref<!tpu.dma_semaphore, #tpu.memory_space<semaphore_mem>>)
      %dma_wait3A_300 = tpu.memref_slice %arg5[%mul3A_191] : memref<8192xf32, #tpu.memory_space<hbm>> -> memref<128xf32, #tpu.memory_space<hbm>>
      %dma_wait3A_301 = tpu.memref_slice %arg5[%mul3A_191] : memref<8192xf32, #tpu.memory_space<hbm>> -> memref<128xf32, #tpu.memory_space<hbm>>
      tpu.wait_dma2 semaphore(%run_scoped3A : memref<!tpu.dma_semaphore, #tpu.memory_space<semaphore_mem>>) src(%arg29 : memref<128xf32, #tpu.memory_space<vmem>>) dst(%dma_wait3A_301 : memref<128xf32, #tpu.memory_space<hbm>>)
      tpu.yield
    }) : () -> ()
    "tpu.region"() ({
      %run_scoped3A = tpu.sem_alloc : memref<!tpu.dma_semaphore, #tpu.memory_space<semaphore_mem>>
      %dma_start3A_298 = tpu.memref_slice %arg6[%add3A_189] : memref<1024xf32, #tpu.memory_space<hbm>> -> memref<16xf32, #tpu.memory_space<hbm>>
      %dma_start3A_299 = tpu.memref_slice %arg6[%add3A_189] : memref<1024xf32, #tpu.memory_space<hbm>> -> memref<16xf32, #tpu.memory_space<hbm>>
      tpu.enqueue_dma source(%arg30 : memref<16xf32, #tpu.memory_space<vmem>>) target(%dma_start3A_299 : memref<16xf32, #tpu.memory_space<hbm>>) target_semaphore(%run_scoped3A : memref<!tpu.dma_semaphore, #tpu.memory_space<semaphore_mem>>)
      %dma_wait3A_300 = tpu.memref_slice %arg6[%add3A_189] : memref<1024xf32, #tpu.memory_space<hbm>> -> memref<16xf32, #tpu.memory_space<hbm>>
      %dma_wait3A_301 = tpu.memref_slice %arg6[%add3A_189] : memref<1024xf32, #tpu.memory_space<hbm>> -> memref<16xf32, #tpu.memory_space<hbm>>
      tpu.wait_dma2 semaphore(%run_scoped3A : memref<!tpu.dma_semaphore, #tpu.memory_space<semaphore_mem>>) src(%arg30 : memref<16xf32, #tpu.memory_space<vmem>>) dst(%dma_wait3A_301 : memref<16xf32, #tpu.memory_space<hbm>>)
      tpu.yield
    }) : () -> ()
    %mul3A_192 = arith.constant 2 : i32
    %mul3A_193 = arith.muli %scan3A_47, %mul3A_192 : i32
    %add3A_194 = arith.constant 2 : i32
    %add3A_195 = arith.addi %mul3A_193, %add3A_194 : i32
    %lt3A = arith.constant 2 : i32
    %lt3A_196 = arith.cmpi slt, %add3A_195, %lt3A : i32
    %convert_element_type3A = arith.extui %lt3A_196 : i1 to i32
    %cond3A = arith.constant 0 : i32
    %cond3A_197 = arith.cmpi ne, %convert_element_type3A, %cond3A : i32
    scf.if %cond3A_197 {
      %add3A_298 = arith.constant 2 : i32
      %add3A_299 = arith.addi %mul3A_49, %add3A_298 : i32
      %mul3A_300 = arith.constant 2 : i32
      %mul3A_301 = arith.muli %add3A, %mul3A_300 : i32
      %add3A_302 = arith.addi %mul3A_301, %add3A_299 : i32
      %mul3A_303 = arith.constant 2048 : i32
      %mul3A_304 = arith.muli %add3A_302, %mul3A_303 : i32
      "tpu.region"() ({
        %run_scoped3A = tpu.sem_alloc : memref<!tpu.dma_semaphore, #tpu.memory_space<semaphore_mem>>
        %dma_start3A_345 = tpu.memref_slice %arg2[%mul3A_304] : memref<131072xi32, #tpu.memory_space<hbm>> -> memref<2048xi32, #tpu.memory_space<hbm>>
        %dma_start3A_346 = tpu.memref_slice %arg2[%mul3A_304] : memref<131072xi32, #tpu.memory_space<hbm>> -> memref<2048xi32, #tpu.memory_space<hbm>>
        tpu.enqueue_dma source(%dma_start3A_346 : memref<2048xi32, #tpu.memory_space<hbm>>) target(%arg16 : memref<2048xi32, #tpu.memory_space<vmem>>) target_semaphore(%run_scoped3A : memref<!tpu.dma_semaphore, #tpu.memory_space<semaphore_mem>>)
        %dma_wait3A_347 = tpu.memref_slice %arg2[%mul3A_304] : memref<131072xi32, #tpu.memory_space<hbm>> -> memref<2048xi32, #tpu.memory_space<hbm>>
        %dma_wait3A_348 = tpu.memref_slice %arg2[%mul3A_304] : memref<131072xi32, #tpu.memory_space<hbm>> -> memref<2048xi32, #tpu.memory_space<hbm>>
        tpu.wait_dma2 semaphore(%run_scoped3A : memref<!tpu.dma_semaphore, #tpu.memory_space<semaphore_mem>>) src(%dma_wait3A_348 : memref<2048xi32, #tpu.memory_space<hbm>>) dst(%arg16 : memref<2048xi32, #tpu.memory_space<vmem>>)
        tpu.yield
      }) : () -> ()
      %dma_start3A_305 = arith.constant 0 : i32
      %dma_start3A_306 = tpu.memref_slice %arg4[%dma_start3A_305] : memref<8388608xf32, #tpu.memory_space<hbm>> -> memref<8388608xf32, #tpu.memory_space<hbm>>
      tpu.enqueue_indirect_dma source(%dma_start3A_306 : memref<8388608xf32, #tpu.memory_space<hbm>>) target(%arg17 : memref<2048xf32, #tpu.memory_space<vmem>>) offsets(%arg16 : memref<2048xi32, #tpu.memory_space<vmem>>) semaphore(%arg31 : memref<!tpu.dma_semaphore, #tpu.memory_space<semaphore_mem>>)
      %scan3A_307 = arith.constant 0 : i32
      %scan3A_308 = arith.constant 0 : i32
      %scan3A_309 = arith.constant 128 : i32
      %scan3A_310 = arith.addi %scan3A_308, %scan3A_309 : i32
      %scan3A_311 = arith.constant 1 : i32
      scf.for %scan3A_345 = %scan3A_308 to %scan3A_310 step %scan3A_311  : i32 {
        %mul3A_346 = arith.constant 16 : i32
        %mul3A_347 = arith.muli %scan3A_345, %mul3A_346 : i32
        %get3A = arith.index_cast %mul3A_347 : i32 to index
        %get3A_348 = tpu.vector_load %arg16[%get3A] {strides = array<i32>} : memref<2048xi32, #tpu.memory_space<vmem>>, vector<16xi32>,
        %shift_right_arithmetic3A = arith.constant 7 : i32
        %shift_right_arithmetic3A_349 = vector.broadcast %shift_right_arithmetic3A : i32 to vector<16xi32>
        %shift_right_arithmetic3A_350 = arith.shrsi %get3A_348, %shift_right_arithmetic3A_349 : vector<16xi32>
        %shift_left3A = arith.constant 10 : i32
        %shift_left3A_351 = vector.broadcast %shift_left3A : i32 to vector<16xi32>
        %shift_left3A_352 = arith.shli %shift_right_arithmetic3A_350, %shift_left3A_351 : vector<16xi32>
        %and3A = arith.constant 127 : i32
        %and3A_353 = vector.broadcast %and3A : i32 to vector<16xi32>
        %and3A_354 = arith.andi %get3A_348, %and3A_353 : vector<16xi32>
        %or3A = arith.ori %shift_left3A_352, %and3A_354 : vector<16xi32>
        %mul3A_355 = arith.constant 16 : i32
        %mul3A_356 = arith.muli %scan3A_345, %mul3A_355 : i32
        %swap3A_357 = arith.index_cast %mul3A_356 : i32 to index
        %swap3A_358 = tpu.vector_load %arg7[%swap3A_357] {strides = array<i32>} : memref<2048xi32, #tpu.memory_space<vmem>>, vector<16xi32>,
        tpu.vector_store %arg7[%swap3A_357], %or3A {strides = array<i32>} : memref<2048xi32, #tpu.memory_space<vmem>>, vector<16xi32>,
      }
      %scan3A_312 = arith.constant 128 : i32
      %dma_start3A_313 = arith.constant 0 : i32
      %dma_start3A_314 = tpu.memref_slice %arg3[%dma_start3A_313] : memref<67108864xf32, #tpu.memory_space<hbm>> -> memref<67108864xf32, #tpu.memory_space<hbm>>
      %dma_start3A_315 = arith.constant 0 : i32
      %dma_start3A_316 = tpu.memref_slice %dma_start3A_314[%dma_start3A_315] : memref<67108864xf32, #tpu.memory_space<hbm>> -> memref<67108864xf32, #tpu.memory_space<hbm>>
      tpu.enqueue_indirect_dma source(%dma_start3A_316 : memref<67108864xf32, #tpu.memory_space<hbm>>) target(%arg8 : memref<2048xf32, #tpu.memory_space<vmem>>) offsets(%arg7 : memref<2048xi32, #tpu.memory_space<vmem>>) semaphore(%arg31 : memref<!tpu.dma_semaphore, #tpu.memory_space<semaphore_mem>>)
      %dma_start3A_317 = arith.constant 128 : i32
      %dma_start3A_318 = tpu.memref_slice %arg3[%dma_start3A_317] : memref<67108864xf32, #tpu.memory_space<hbm>> -> memref<67108736xf32, #tpu.memory_space<hbm>>
      %dma_start3A_319 = arith.constant 0 : i32
      %dma_start3A_320 = tpu.memref_slice %dma_start3A_318[%dma_start3A_319] : memref<67108736xf32, #tpu.memory_space<hbm>> -> memref<67108736xf32, #tpu.memory_space<hbm>>
      tpu.enqueue_indirect_dma source(%dma_start3A_320 : memref<67108736xf32, #tpu.memory_space<hbm>>) target(%arg9 : memref<2048xf32, #tpu.memory_space<vmem>>) offsets(%arg7 : memref<2048xi32, #tpu.memory_space<vmem>>) semaphore(%arg31 : memref<!tpu.dma_semaphore, #tpu.memory_space<semaphore_mem>>)
      %dma_start3A_321 = arith.constant 256 : i32
      %dma_start3A_322 = tpu.memref_slice %arg3[%dma_start3A_321] : memref<67108864xf32, #tpu.memory_space<hbm>> -> memref<67108608xf32, #tpu.memory_space<hbm>>
      %dma_start3A_323 = arith.constant 0 : i32
      %dma_start3A_324 = tpu.memref_slice %dma_start3A_322[%dma_start3A_323] : memref<67108608xf32, #tpu.memory_space<hbm>> -> memref<67108608xf32, #tpu.memory_space<hbm>>
      tpu.enqueue_indirect_dma source(%dma_start3A_324 : memref<67108608xf32, #tpu.memory_space<hbm>>) target(%arg10 : memref<2048xf32, #tpu.memory_space<vmem>>) offsets(%arg7 : memref<2048xi32, #tpu.memory_space<vmem>>) semaphore(%arg31 : memref<!tpu.dma_semaphore, #tpu.memory_space<semaphore_mem>>)
      %dma_start3A_325 = arith.constant 384 : i32
      %dma_start3A_326 = tpu.memref_slice %arg3[%dma_start3A_325] : memref<67108864xf32, #tpu.memory_space<hbm>> -> memref<67108480xf32, #tpu.memory_space<hbm>>
      %dma_start3A_327 = arith.constant 0 : i32
      %dma_start3A_328 = tpu.memref_slice %dma_start3A_326[%dma_start3A_327] : memref<67108480xf32, #tpu.memory_space<hbm>> -> memref<67108480xf32, #tpu.memory_space<hbm>>
      tpu.enqueue_indirect_dma source(%dma_start3A_328 : memref<67108480xf32, #tpu.memory_space<hbm>>) target(%arg11 : memref<2048xf32, #tpu.memory_space<vmem>>) offsets(%arg7 : memref<2048xi32, #tpu.memory_space<vmem>>) semaphore(%arg31 : memref<!tpu.dma_semaphore, #tpu.memory_space<semaphore_mem>>)
      %dma_start3A_329 = arith.constant 512 : i32
      %dma_start3A_330 = tpu.memref_slice %arg3[%dma_start3A_329] : memref<67108864xf32, #tpu.memory_space<hbm>> -> memref<67108352xf32, #tpu.memory_space<hbm>>
      %dma_start3A_331 = arith.constant 0 : i32
      %dma_start3A_332 = tpu.memref_slice %dma_start3A_330[%dma_start3A_331] : memref<67108352xf32, #tpu.memory_space<hbm>> -> memref<67108352xf32, #tpu.memory_space<hbm>>
      tpu.enqueue_indirect_dma source(%dma_start3A_332 : memref<67108352xf32, #tpu.memory_space<hbm>>) target(%arg12 : memref<2048xf32, #tpu.memory_space<vmem>>) offsets(%arg7 : memref<2048xi32, #tpu.memory_space<vmem>>) semaphore(%arg31 : memref<!tpu.dma_semaphore, #tpu.memory_space<semaphore_mem>>)
      %dma_start3A_333 = arith.constant 640 : i32
      %dma_start3A_334 = tpu.memref_slice %arg3[%dma_start3A_333] : memref<67108864xf32, #tpu.memory_space<hbm>> -> memref<67108224xf32, #tpu.memory_space<hbm>>
      %dma_start3A_335 = arith.constant 0 : i32
      %dma_start3A_336 = tpu.memref_slice %dma_start3A_334[%dma_start3A_335] : memref<67108224xf32, #tpu.memory_space<hbm>> -> memref<67108224xf32, #tpu.memory_space<hbm>>
      tpu.enqueue_indirect_dma source(%dma_start3A_336 : memref<67108224xf32, #tpu.memory_space<hbm>>) target(%arg13 : memref<2048xf32, #tpu.memory_space<vmem>>) offsets(%arg7 : memref<2048xi32, #tpu.memory_space<vmem>>) semaphore(%arg31 : memref<!tpu.dma_semaphore, #tpu.memory_space<semaphore_mem>>)
      %dma_start3A_337 = arith.constant 768 : i32
      %dma_start3A_338 = tpu.memref_slice %arg3[%dma_start3A_337] : memref<67108864xf32, #tpu.memory_space<hbm>> -> memref<67108096xf32, #tpu.memory_space<hbm>>
      %dma_start3A_339 = arith.constant 0 : i32
      %dma_start3A_340 = tpu.memref_slice %dma_start3A_338[%dma_start3A_339] : memref<67108096xf32, #tpu.memory_space<hbm>> -> memref<67108096xf32, #tpu.memory_space<hbm>>
      tpu.enqueue_indirect_dma source(%dma_start3A_340 : memref<67108096xf32, #tpu.memory_space<hbm>>) target(%arg14 : memref<2048xf32, #tpu.memory_space<vmem>>) offsets(%arg7 : memref<2048xi32, #tpu.memory_space<vmem>>) semaphore(%arg31 : memref<!tpu.dma_semaphore, #tpu.memory_space<semaphore_mem>>)
      %dma_start3A_341 = arith.constant 896 : i32
      %dma_start3A_342 = tpu.memref_slice %arg3[%dma_start3A_341] : memref<67108864xf32, #tpu.memory_space<hbm>> -> memref<67107968xf32, #tpu.memory_space<hbm>>
      %dma_start3A_343 = arith.constant 0 : i32
      %dma_start3A_344 = tpu.memref_slice %dma_start3A_342[%dma_start3A_343] : memref<67107968xf32, #tpu.memory_space<hbm>> -> memref<67107968xf32, #tpu.memory_space<hbm>>
      tpu.enqueue_indirect_dma source(%dma_start3A_344 : memref<67107968xf32, #tpu.memory_space<hbm>>) target(%arg15 : memref<2048xf32, #tpu.memory_space<vmem>>) offsets(%arg7 : memref<2048xi32, #tpu.memory_space<vmem>>) semaphore(%arg31 : memref<!tpu.dma_semaphore, #tpu.memory_space<semaphore_mem>>)
    } else {
    }
    %add3A_198 = arith.constant 1 : i32
    %add3A_199 = arith.addi %mul3A_49, %add3A_198 : i32
    %dma_wait3A_200 = arith.constant 0 : i32
    %dma_wait3A_201 = tpu.memref_slice %arg3[%dma_wait3A_200] : memref<67108864xf32, #tpu.memory_space<hbm>> -> memref<67108864xf32, #tpu.memory_space<hbm>>
    %dma_wait3A_202 = arith.constant 0 : i32
    %dma_wait3A_203 = tpu.memref_slice %dma_wait3A_201[%dma_wait3A_202] : memref<67108864xf32, #tpu.memory_space<hbm>> -> memref<67108864xf32, #tpu.memory_space<hbm>>
    tpu.wait_indirect_dma semaphore(%arg32 : memref<!tpu.dma_semaphore, #tpu.memory_space<semaphore_mem>>) src(%dma_wait3A_203 : memref<67108864xf32, #tpu.memory_space<hbm>>) dst(%arg19 : memref<2048xf32, #tpu.memory_space<vmem>>)
    %dma_wait3A_204 = arith.constant 128 : i32
    %dma_wait3A_205 = tpu.memref_slice %arg3[%dma_wait3A_204] : memref<67108864xf32, #tpu.memory_space<hbm>> -> memref<67108736xf32, #tpu.memory_space<hbm>>
    %dma_wait3A_206 = arith.constant 0 : i32
    %dma_wait3A_207 = tpu.memref_slice %dma_wait3A_205[%dma_wait3A_206] : memref<67108736xf32, #tpu.memory_space<hbm>> -> memref<67108736xf32, #tpu.memory_space<hbm>>
    tpu.wait_indirect_dma semaphore(%arg32 : memref<!tpu.dma_semaphore, #tpu.memory_space<semaphore_mem>>) src(%dma_wait3A_207 : memref<67108736xf32, #tpu.memory_space<hbm>>) dst(%arg20 : memref<2048xf32, #tpu.memory_space<vmem>>)
    %dma_wait3A_208 = arith.constant 256 : i32
    %dma_wait3A_209 = tpu.memref_slice %arg3[%dma_wait3A_208] : memref<67108864xf32, #tpu.memory_space<hbm>> -> memref<67108608xf32, #tpu.memory_space<hbm>>
    %dma_wait3A_210 = arith.constant 0 : i32
    %dma_wait3A_211 = tpu.memref_slice %dma_wait3A_209[%dma_wait3A_210] : memref<67108608xf32, #tpu.memory_space<hbm>> -> memref<67108608xf32, #tpu.memory_space<hbm>>
    tpu.wait_indirect_dma semaphore(%arg32 : memref<!tpu.dma_semaphore, #tpu.memory_space<semaphore_mem>>) src(%dma_wait3A_211 : memref<67108608xf32, #tpu.memory_space<hbm>>) dst(%arg21 : memref<2048xf32, #tpu.memory_space<vmem>>)
    %dma_wait3A_212 = arith.constant 384 : i32
    %dma_wait3A_213 = tpu.memref_slice %arg3[%dma_wait3A_212] : memref<67108864xf32, #tpu.memory_space<hbm>> -> memref<67108480xf32, #tpu.memory_space<hbm>>
    %dma_wait3A_214 = arith.constant 0 : i32
    %dma_wait3A_215 = tpu.memref_slice %dma_wait3A_213[%dma_wait3A_214] : memref<67108480xf32, #tpu.memory_space<hbm>> -> memref<67108480xf32, #tpu.memory_space<hbm>>
    tpu.wait_indirect_dma semaphore(%arg32 : memref<!tpu.dma_semaphore, #tpu.memory_space<semaphore_mem>>) src(%dma_wait3A_215 : memref<67108480xf32, #tpu.memory_space<hbm>>) dst(%arg22 : memref<2048xf32, #tpu.memory_space<vmem>>)
    %dma_wait3A_216 = arith.constant 512 : i32
    %dma_wait3A_217 = tpu.memref_slice %arg3[%dma_wait3A_216] : memref<67108864xf32, #tpu.memory_space<hbm>> -> memref<67108352xf32, #tpu.memory_space<hbm>>
    %dma_wait3A_218 = arith.constant 0 : i32
    %dma_wait3A_219 = tpu.memref_slice %dma_wait3A_217[%dma_wait3A_218] : memref<67108352xf32, #tpu.memory_space<hbm>> -> memref<67108352xf32, #tpu.memory_space<hbm>>
    tpu.wait_indirect_dma semaphore(%arg32 : memref<!tpu.dma_semaphore, #tpu.memory_space<semaphore_mem>>) src(%dma_wait3A_219 : memref<67108352xf32, #tpu.memory_space<hbm>>) dst(%arg23 : memref<2048xf32, #tpu.memory_space<vmem>>)
    %dma_wait3A_220 = arith.constant 640 : i32
    %dma_wait3A_221 = tpu.memref_slice %arg3[%dma_wait3A_220] : memref<67108864xf32, #tpu.memory_space<hbm>> -> memref<67108224xf32, #tpu.memory_space<hbm>>
    %dma_wait3A_222 = arith.constant 0 : i32
    %dma_wait3A_223 = tpu.memref_slice %dma_wait3A_221[%dma_wait3A_222] : memref<67108224xf32, #tpu.memory_space<hbm>> -> memref<67108224xf32, #tpu.memory_space<hbm>>
    tpu.wait_indirect_dma semaphore(%arg32 : memref<!tpu.dma_semaphore, #tpu.memory_space<semaphore_mem>>) src(%dma_wait3A_223 : memref<67108224xf32, #tpu.memory_space<hbm>>) dst(%arg24 : memref<2048xf32, #tpu.memory_space<vmem>>)
    %dma_wait3A_224 = arith.constant 768 : i32
    %dma_wait3A_225 = tpu.memref_slice %arg3[%dma_wait3A_224] : memref<67108864xf32, #tpu.memory_space<hbm>> -> memref<67108096xf32, #tpu.memory_space<hbm>>
    %dma_wait3A_226 = arith.constant 0 : i32
    %dma_wait3A_227 = tpu.memref_slice %dma_wait3A_225[%dma_wait3A_226] : memref<67108096xf32, #tpu.memory_space<hbm>> -> memref<67108096xf32, #tpu.memory_space<hbm>>
    tpu.wait_indirect_dma semaphore(%arg32 : memref<!tpu.dma_semaphore, #tpu.memory_space<semaphore_mem>>) src(%dma_wait3A_227 : memref<67108096xf32, #tpu.memory_space<hbm>>) dst(%arg25 : memref<2048xf32, #tpu.memory_space<vmem>>)
    %dma_wait3A_228 = arith.constant 896 : i32
    %dma_wait3A_229 = tpu.memref_slice %arg3[%dma_wait3A_228] : memref<67108864xf32, #tpu.memory_space<hbm>> -> memref<67107968xf32, #tpu.memory_space<hbm>>
    %dma_wait3A_230 = arith.constant 0 : i32
    %dma_wait3A_231 = tpu.memref_slice %dma_wait3A_229[%dma_wait3A_230] : memref<67107968xf32, #tpu.memory_space<hbm>> -> memref<67107968xf32, #tpu.memory_space<hbm>>
    tpu.wait_indirect_dma semaphore(%arg32 : memref<!tpu.dma_semaphore, #tpu.memory_space<semaphore_mem>>) src(%dma_wait3A_231 : memref<67107968xf32, #tpu.memory_space<hbm>>) dst(%arg26 : memref<2048xf32, #tpu.memory_space<vmem>>)
    %dma_wait3A_232 = arith.constant 0 : i32
    %dma_wait3A_233 = tpu.memref_slice %arg4[%dma_wait3A_232] : memref<8388608xf32, #tpu.memory_space<hbm>> -> memref<8388608xf32, #tpu.memory_space<hbm>>
    tpu.wait_indirect_dma semaphore(%arg32 : memref<!tpu.dma_semaphore, #tpu.memory_space<semaphore_mem>>) src(%dma_wait3A_233 : memref<8388608xf32, #tpu.memory_space<hbm>>) dst(%arg28 : memref<2048xf32, #tpu.memory_space<vmem>>)
    %scan3A_234 = arith.constant 0 : i32
    %scan3A_235 = arith.constant 128 : i32
    %scan3A_236 = arith.addi %scan3A_234, %scan3A_235 : i32
    %scan3A_237 = arith.constant 1 : i32
    %scan3A_238:9 = scf.for %scan3A_298 = %scan3A_234 to %scan3A_236 step %scan3A_237 iter_args(%scan3A_299 = %broadcast_in_dim3A_1, %scan3A_300 = %broadcast_in_dim3A_1, %scan3A_301 = %broadcast_in_dim3A_1, %scan3A_302 = %broadcast_in_dim3A_1, %scan3A_303 = %broadcast_in_dim3A_1, %scan3A_304 = %broadcast_in_dim3A_1, %scan3A_305 = %broadcast_in_dim3A_1, %scan3A_306 = %broadcast_in_dim3A_1, %scan3A_307 = %broadcast_in_dim3A_1) -> (vector<16xf32>, vector<16xf32>, vector<16xf32>, vector<16xf32>, vector<16xf32>, vector<16xf32>, vector<16xf32>, vector<16xf32>, vector<16xf32>)  : i32 {
      %mul3A_308 = arith.constant 16 : i32
      %mul3A_309 = arith.muli %scan3A_298, %mul3A_308 : i32
      %get3A = arith.index_cast %mul3A_309 : i32 to index
      %get3A_310 = tpu.vector_load %arg19[%get3A] {strides = array<i32>} : memref<2048xf32, #tpu.memory_space<vmem>>, vector<16xf32>,
      %add3A_311 = arith.addf %scan3A_299, %get3A_310 : vector<16xf32>
      %mul3A_312 = arith.constant 16 : i32
      %mul3A_313 = arith.muli %scan3A_298, %mul3A_312 : i32
      %get3A_314 = arith.index_cast %mul3A_313 : i32 to index
      %get3A_315 = tpu.vector_load %arg20[%get3A_314] {strides = array<i32>} : memref<2048xf32, #tpu.memory_space<vmem>>, vector<16xf32>,
      %add3A_316 = arith.addf %scan3A_300, %get3A_315 : vector<16xf32>
      %mul3A_317 = arith.constant 16 : i32
      %mul3A_318 = arith.muli %scan3A_298, %mul3A_317 : i32
      %get3A_319 = arith.index_cast %mul3A_318 : i32 to index
      %get3A_320 = tpu.vector_load %arg21[%get3A_319] {strides = array<i32>} : memref<2048xf32, #tpu.memory_space<vmem>>, vector<16xf32>,
      %add3A_321 = arith.addf %scan3A_301, %get3A_320 : vector<16xf32>
      %mul3A_322 = arith.constant 16 : i32
      %mul3A_323 = arith.muli %scan3A_298, %mul3A_322 : i32
      %get3A_324 = arith.index_cast %mul3A_323 : i32 to index
      %get3A_325 = tpu.vector_load %arg22[%get3A_324] {strides = array<i32>} : memref<2048xf32, #tpu.memory_space<vmem>>, vector<16xf32>,
      %add3A_326 = arith.addf %scan3A_302, %get3A_325 : vector<16xf32>
      %mul3A_327 = arith.constant 16 : i32
      %mul3A_328 = arith.muli %scan3A_298, %mul3A_327 : i32
      %get3A_329 = arith.index_cast %mul3A_328 : i32 to index
      %get3A_330 = tpu.vector_load %arg23[%get3A_329] {strides = array<i32>} : memref<2048xf32, #tpu.memory_space<vmem>>, vector<16xf32>,
      %add3A_331 = arith.addf %scan3A_303, %get3A_330 : vector<16xf32>
      %mul3A_332 = arith.constant 16 : i32
      %mul3A_333 = arith.muli %scan3A_298, %mul3A_332 : i32
      %get3A_334 = arith.index_cast %mul3A_333 : i32 to index
      %get3A_335 = tpu.vector_load %arg24[%get3A_334] {strides = array<i32>} : memref<2048xf32, #tpu.memory_space<vmem>>, vector<16xf32>,
      %add3A_336 = arith.addf %scan3A_304, %get3A_335 : vector<16xf32>
      %mul3A_337 = arith.constant 16 : i32
      %mul3A_338 = arith.muli %scan3A_298, %mul3A_337 : i32
      %get3A_339 = arith.index_cast %mul3A_338 : i32 to index
      %get3A_340 = tpu.vector_load %arg25[%get3A_339] {strides = array<i32>} : memref<2048xf32, #tpu.memory_space<vmem>>, vector<16xf32>,
      %add3A_341 = arith.addf %scan3A_305, %get3A_340 : vector<16xf32>
      %mul3A_342 = arith.constant 16 : i32
      %mul3A_343 = arith.muli %scan3A_298, %mul3A_342 : i32
      %get3A_344 = arith.index_cast %mul3A_343 : i32 to index
      %get3A_345 = tpu.vector_load %arg26[%get3A_344] {strides = array<i32>} : memref<2048xf32, #tpu.memory_space<vmem>>, vector<16xf32>,
      %add3A_346 = arith.addf %scan3A_306, %get3A_345 : vector<16xf32>
      %mul3A_347 = arith.constant 16 : i32
      %mul3A_348 = arith.muli %scan3A_298, %mul3A_347 : i32
      %get3A_349 = arith.index_cast %mul3A_348 : i32 to index
      %get3A_350 = tpu.vector_load %arg28[%get3A_349] {strides = array<i32>} : memref<2048xf32, #tpu.memory_space<vmem>>, vector<16xf32>,
      %add3A_351 = arith.addf %scan3A_307, %get3A_350 : vector<16xf32>
      scf.yield %add3A_311, %add3A_316, %add3A_321, %add3A_326, %add3A_331, %add3A_336, %add3A_341, %add3A_346, %add3A_351 : vector<16xf32>, vector<16xf32>, vector<16xf32>, vector<16xf32>, vector<16xf32>, vector<16xf32>, vector<16xf32>, vector<16xf32>, vector<16xf32>
    }
    %scan3A_239 = arith.constant 128 : i32
    %mul3A_240 = arith.constant 8 : i32
    %mul3A_241 = vector.broadcast %mul3A_240 : i32 to vector<16xi32>
    %mul3A_242 = arith.muli %iota3A, %mul3A_241 : vector<16xi32>
    %add3A_243 = arith.constant 0 : i32
    %add3A_244 = vector.broadcast %add3A_243 : i32 to vector<16xi32>
    %add3A_245 = arith.addi %mul3A_242, %add3A_244 : vector<16xi32>
    tpu.vector_store_idx %arg29[%add3A_245], %scan3A_238#0 : memref<128xf32, #tpu.memory_space<vmem>>[vector<16xi32>], vector<16xf32>,
    %mul3A_246 = arith.constant 8 : i32
    %mul3A_247 = vector.broadcast %mul3A_246 : i32 to vector<16xi32>
    %mul3A_248 = arith.muli %iota3A, %mul3A_247 : vector<16xi32>
    %add3A_249 = arith.constant 1 : i32
    %add3A_250 = vector.broadcast %add3A_249 : i32 to vector<16xi32>
    %add3A_251 = arith.addi %mul3A_248, %add3A_250 : vector<16xi32>
    tpu.vector_store_idx %arg29[%add3A_251], %scan3A_238#1 : memref<128xf32, #tpu.memory_space<vmem>>[vector<16xi32>], vector<16xf32>,
    %mul3A_252 = arith.constant 8 : i32
    %mul3A_253 = vector.broadcast %mul3A_252 : i32 to vector<16xi32>
    %mul3A_254 = arith.muli %iota3A, %mul3A_253 : vector<16xi32>
    %add3A_255 = arith.constant 2 : i32
    %add3A_256 = vector.broadcast %add3A_255 : i32 to vector<16xi32>
    %add3A_257 = arith.addi %mul3A_254, %add3A_256 : vector<16xi32>
    tpu.vector_store_idx %arg29[%add3A_257], %scan3A_238#2 : memref<128xf32, #tpu.memory_space<vmem>>[vector<16xi32>], vector<16xf32>,
    %mul3A_258 = arith.constant 8 : i32
    %mul3A_259 = vector.broadcast %mul3A_258 : i32 to vector<16xi32>
    %mul3A_260 = arith.muli %iota3A, %mul3A_259 : vector<16xi32>
    %add3A_261 = arith.constant 3 : i32
    %add3A_262 = vector.broadcast %add3A_261 : i32 to vector<16xi32>
    %add3A_263 = arith.addi %mul3A_260, %add3A_262 : vector<16xi32>
    tpu.vector_store_idx %arg29[%add3A_263], %scan3A_238#3 : memref<128xf32, #tpu.memory_space<vmem>>[vector<16xi32>], vector<16xf32>,
    %mul3A_264 = arith.constant 8 : i32
    %mul3A_265 = vector.broadcast %mul3A_264 : i32 to vector<16xi32>
    %mul3A_266 = arith.muli %iota3A, %mul3A_265 : vector<16xi32>
    %add3A_267 = arith.constant 4 : i32
    %add3A_268 = vector.broadcast %add3A_267 : i32 to vector<16xi32>
    %add3A_269 = arith.addi %mul3A_266, %add3A_268 : vector<16xi32>
    tpu.vector_store_idx %arg29[%add3A_269], %scan3A_238#4 : memref<128xf32, #tpu.memory_space<vmem>>[vector<16xi32>], vector<16xf32>,
    %mul3A_270 = arith.constant 8 : i32
    %mul3A_271 = vector.broadcast %mul3A_270 : i32 to vector<16xi32>
    %mul3A_272 = arith.muli %iota3A, %mul3A_271 : vector<16xi32>
    %add3A_273 = arith.constant 5 : i32
    %add3A_274 = vector.broadcast %add3A_273 : i32 to vector<16xi32>
    %add3A_275 = arith.addi %mul3A_272, %add3A_274 : vector<16xi32>
    tpu.vector_store_idx %arg29[%add3A_275], %scan3A_238#5 : memref<128xf32, #tpu.memory_space<vmem>>[vector<16xi32>], vector<16xf32>,
    %mul3A_276 = arith.constant 8 : i32
    %mul3A_277 = vector.broadcast %mul3A_276 : i32 to vector<16xi32>
    %mul3A_278 = arith.muli %iota3A, %mul3A_277 : vector<16xi32>
    %add3A_279 = arith.constant 6 : i32
    %add3A_280 = vector.broadcast %add3A_279 : i32 to vector<16xi32>
    %add3A_281 = arith.addi %mul3A_278, %add3A_280 : vector<16xi32>
    tpu.vector_store_idx %arg29[%add3A_281], %scan3A_238#6 : memref<128xf32, #tpu.memory_space<vmem>>[vector<16xi32>], vector<16xf32>,
    %mul3A_282 = arith.constant 8 : i32
    %mul3A_283 = vector.broadcast %mul3A_282 : i32 to vector<16xi32>
    %mul3A_284 = arith.muli %iota3A, %mul3A_283 : vector<16xi32>
    %add3A_285 = arith.constant 7 : i32
    %add3A_286 = vector.broadcast %add3A_285 : i32 to vector<16xi32>
    %add3A_287 = arith.addi %mul3A_284, %add3A_286 : vector<16xi32>
    tpu.vector_store_idx %arg29[%add3A_287], %scan3A_238#7 : memref<128xf32, #tpu.memory_space<vmem>>[vector<16xi32>], vector<16xf32>,
    %swap3A_288 = arith.constant 0 : index
    %swap3A_289 = tpu.vector_load %arg30[%swap3A_288] {strides = array<i32>} : memref<16xf32, #tpu.memory_space<vmem>>, vector<16xf32>,
    tpu.vector_store %arg30[%swap3A_288], %scan3A_238#8 {strides = array<i32>} : memref<16xf32, #tpu.memory_space<vmem>>, vector<16xf32>,
    %mul3A_290 = arith.constant 32 : i32
    %mul3A_291 = arith.muli %add3A, %mul3A_290 : i32
    %mul3A_292 = arith.constant 16 : i32
    %mul3A_293 = arith.muli %add3A_199, %mul3A_292 : i32
    %add3A_294 = arith.addi %mul3A_291, %mul3A_293 : i32
    %mul3A_295 = arith.constant 8 : i32
    %mul3A_296 = arith.muli %add3A_294, %mul3A_295 : i32
    "tpu.region"() ({
      %run_scoped3A = tpu.sem_alloc : memref<!tpu.dma_semaphore, #tpu.memory_space<semaphore_mem>>
      %dma_start3A_298 = tpu.memref_slice %arg5[%mul3A_296] : memref<8192xf32, #tpu.memory_space<hbm>> -> memref<128xf32, #tpu.memory_space<hbm>>
      %dma_start3A_299 = tpu.memref_slice %arg5[%mul3A_296] : memref<8192xf32, #tpu.memory_space<hbm>> -> memref<128xf32, #tpu.memory_space<hbm>>
      tpu.enqueue_dma source(%arg29 : memref<128xf32, #tpu.memory_space<vmem>>) target(%dma_start3A_299 : memref<128xf32, #tpu.memory_space<hbm>>) target_semaphore(%run_scoped3A : memref<!tpu.dma_semaphore, #tpu.memory_space<semaphore_mem>>)
      %dma_wait3A_300 = tpu.memref_slice %arg5[%mul3A_296] : memref<8192xf32, #tpu.memory_space<hbm>> -> memref<128xf32, #tpu.memory_space<hbm>>
      %dma_wait3A_301 = tpu.memref_slice %arg5[%mul3A_296] : memref<8192xf32, #tpu.memory_space<hbm>> -> memref<128xf32, #tpu.memory_space<hbm>>
      tpu.wait_dma2 semaphore(%run_scoped3A : memref<!tpu.dma_semaphore, #tpu.memory_space<semaphore_mem>>) src(%arg29 : memref<128xf32, #tpu.memory_space<vmem>>) dst(%dma_wait3A_301 : memref<128xf32, #tpu.memory_space<hbm>>)
      tpu.yield
    }) : () -> ()
    "tpu.region"() ({
      %run_scoped3A = tpu.sem_alloc : memref<!tpu.dma_semaphore, #tpu.memory_space<semaphore_mem>>
      %dma_start3A_298 = tpu.memref_slice %arg6[%add3A_294] : memref<1024xf32, #tpu.memory_space<hbm>> -> memref<16xf32, #tpu.memory_space<hbm>>
      %dma_start3A_299 = tpu.memref_slice %arg6[%add3A_294] : memref<1024xf32, #tpu.memory_space<hbm>> -> memref<16xf32, #tpu.memory_space<hbm>>
      tpu.enqueue_dma source(%arg30 : memref<16xf32, #tpu.memory_space<vmem>>) target(%dma_start3A_299 : memref<16xf32, #tpu.memory_space<hbm>>) target_semaphore(%run_scoped3A : memref<!tpu.dma_semaphore, #tpu.memory_space<semaphore_mem>>)
      %dma_wait3A_300 = tpu.memref_slice %arg6[%add3A_294] : memref<1024xf32, #tpu.memory_space<hbm>> -> memref<16xf32, #tpu.memory_space<hbm>>
      %dma_wait3A_301 = tpu.memref_slice %arg6[%add3A_294] : memref<1024xf32, #tpu.memory_space<hbm>> -> memref<16xf32, #tpu.memory_space<hbm>>
      tpu.wait_dma2 semaphore(%run_scoped3A : memref<!tpu.dma_semaphore, #tpu.memory_space<semaphore_mem>>) src(%arg30 : memref<16xf32, #tpu.memory_space<vmem>>) dst(%dma_wait3A_301 : memref<16xf32, #tpu.memory_space<hbm>>)
      tpu.yield
    }) : () -> ()
    %scan3A_297 = arith.constant 1 : i32
    return
  }
}

module attributes {stable_mosaic.version = 14 : i64} {
  func.func @_keys_body(%arg0: i32, %arg1: memref<512x8xf32, #tpu.memory_space<vmem>>, %arg2: memref<8x2048xf32, #tpu.memory_space<vmem>>, %arg3: memref<1x2048xf32, #tpu.memory_space<vmem>>, %arg4: memref<1x2048xf32, #tpu.memory_space<vmem>>, %arg5: memref<512x128xi32, #tpu.memory_space<vmem>>) attributes {dimension_semantics = [#tpu.dimension_semantics<arbitrary>], iteration_bounds = array<i64: 2>, scalar_prefetch = 0 : i64, scratch_operands = 0 : i64, tpu.core_type = #tpu.core_type<tc>, window_params = [{transform_indices = @transform_0, window_bounds = array<i64: 512, 8>}, {pipeline_mode = #tpu.pipeline_mode<synchronous>, transform_indices = @transform_1, window_bounds = array<i64: 8, 2048>}, {pipeline_mode = #tpu.pipeline_mode<synchronous>, transform_indices = @transform_2, window_bounds = array<i64: 1, 2048>}, {pipeline_mode = #tpu.pipeline_mode<synchronous>, transform_indices = @transform_3, window_bounds = array<i64: 1, 2048>}, {transform_indices = @transform_4, window_bounds = array<i64: 512, 128>}]} {
    %get3A = arith.constant 0 : index
    %get3A_0 = arith.constant 0 : index
    %get3A_1 = vector.load %arg1[%get3A, %get3A_0] : memref<512x8xf32, #tpu.memory_space<vmem>>, vector<512x8xf32>
    %get3A_2 = arith.constant 0 : index
    %get3A_3 = arith.constant 0 : index
    %get3A_4 = vector.load %arg2[%get3A_2, %get3A_3] : memref<8x2048xf32, #tpu.memory_space<vmem>>, vector<8x2048xf32>
    %dot_general3A = arith.constant dense<0.000000e+00> : vector<512x2048xf32>
    %dot_general3A_5 = tpu.matmul %get3A_1, %get3A_4, %dot_general3A {dimension_numbers = #tpu.dot_dimension_numbers<[1], [0], [0], [1], [0, 0, 1, 1], [], []>, precision = #tpu.contract_precision<fp32>, transpose_lhs_hint = false} : vector<512x8xf32>, vector<8x2048xf32>, vector<512x2048xf32> -> vector<512x2048xf32>
    %get3A_6 = arith.constant 0 : index
    %get3A_7 = arith.constant 0 : index
    %get3A_8 = vector.load %arg3[%get3A_6, %get3A_7] : memref<1x2048xf32, #tpu.memory_space<vmem>>, vector<1x2048xf32>
    %gt3A = vector.broadcast %get3A_8 : vector<1x2048xf32> to vector<512x2048xf32>
    %gt3A_9 = arith.cmpf ogt, %dot_general3A_5, %gt3A : vector<512x2048xf32>
    %get3A_10 = arith.constant 0 : index
    %get3A_11 = arith.constant 0 : index
    %get3A_12 = vector.load %arg4[%get3A_10, %get3A_11] : memref<1x2048xf32, #tpu.memory_space<vmem>>, vector<1x2048xf32>
    %jit3A = arith.constant 0.000000e+00 : f32
    %broadcast_in_dim3A = vector.shape_cast %get3A_12 : vector<1x2048xf32> to vector<1x2048xf32>
    %broadcast_in_dim3A_13 = vector.broadcast %broadcast_in_dim3A : vector<1x2048xf32> to vector<512x2048xf32>
    %broadcast_in_dim3A_14 = vector.broadcast %jit3A : f32 to vector<512x2048xf32>
    %select_n3A = arith.select %gt3A_9, %broadcast_in_dim3A_13, %broadcast_in_dim3A_14 : vector<512x2048xi1>, vector<512x2048xf32>
    %slice3A = vector.extract_strided_slice %select_n3A {offsets = [0, 0], sizes = [512, 128], strides = [1, 1]} : vector<512x2048xf32> to vector<512x128xf32>
    %slice3A_15 = vector.extract_strided_slice %select_n3A {offsets = [0, 128], sizes = [512, 128], strides = [1, 1]} : vector<512x2048xf32> to vector<512x128xf32>
    %add3A = arith.addf %slice3A, %slice3A_15 : vector<512x128xf32>
    %slice3A_16 = vector.extract_strided_slice %select_n3A {offsets = [0, 256], sizes = [512, 128], strides = [1, 1]} : vector<512x2048xf32> to vector<512x128xf32>
    %add3A_17 = arith.addf %add3A, %slice3A_16 : vector<512x128xf32>
    %slice3A_18 = vector.extract_strided_slice %select_n3A {offsets = [0, 384], sizes = [512, 128], strides = [1, 1]} : vector<512x2048xf32> to vector<512x128xf32>
    %add3A_19 = arith.addf %add3A_17, %slice3A_18 : vector<512x128xf32>
    %slice3A_20 = vector.extract_strided_slice %select_n3A {offsets = [0, 512], sizes = [512, 128], strides = [1, 1]} : vector<512x2048xf32> to vector<512x128xf32>
    %add3A_21 = arith.addf %add3A_19, %slice3A_20 : vector<512x128xf32>
    %slice3A_22 = vector.extract_strided_slice %select_n3A {offsets = [0, 640], sizes = [512, 128], strides = [1, 1]} : vector<512x2048xf32> to vector<512x128xf32>
    %add3A_23 = arith.addf %add3A_21, %slice3A_22 : vector<512x128xf32>
    %slice3A_24 = vector.extract_strided_slice %select_n3A {offsets = [0, 768], sizes = [512, 128], strides = [1, 1]} : vector<512x2048xf32> to vector<512x128xf32>
    %add3A_25 = arith.addf %add3A_23, %slice3A_24 : vector<512x128xf32>
    %slice3A_26 = vector.extract_strided_slice %select_n3A {offsets = [0, 896], sizes = [512, 128], strides = [1, 1]} : vector<512x2048xf32> to vector<512x128xf32>
    %add3A_27 = arith.addf %add3A_25, %slice3A_26 : vector<512x128xf32>
    %slice3A_28 = vector.extract_strided_slice %select_n3A {offsets = [0, 1024], sizes = [512, 128], strides = [1, 1]} : vector<512x2048xf32> to vector<512x128xf32>
    %add3A_29 = arith.addf %add3A_27, %slice3A_28 : vector<512x128xf32>
    %slice3A_30 = vector.extract_strided_slice %select_n3A {offsets = [0, 1152], sizes = [512, 128], strides = [1, 1]} : vector<512x2048xf32> to vector<512x128xf32>
    %add3A_31 = arith.addf %add3A_29, %slice3A_30 : vector<512x128xf32>
    %slice3A_32 = vector.extract_strided_slice %select_n3A {offsets = [0, 1280], sizes = [512, 128], strides = [1, 1]} : vector<512x2048xf32> to vector<512x128xf32>
    %add3A_33 = arith.addf %add3A_31, %slice3A_32 : vector<512x128xf32>
    %slice3A_34 = vector.extract_strided_slice %select_n3A {offsets = [0, 1408], sizes = [512, 128], strides = [1, 1]} : vector<512x2048xf32> to vector<512x128xf32>
    %add3A_35 = arith.addf %add3A_33, %slice3A_34 : vector<512x128xf32>
    %slice3A_36 = vector.extract_strided_slice %select_n3A {offsets = [0, 1536], sizes = [512, 128], strides = [1, 1]} : vector<512x2048xf32> to vector<512x128xf32>
    %add3A_37 = arith.addf %add3A_35, %slice3A_36 : vector<512x128xf32>
    %slice3A_38 = vector.extract_strided_slice %select_n3A {offsets = [0, 1664], sizes = [512, 128], strides = [1, 1]} : vector<512x2048xf32> to vector<512x128xf32>
    %add3A_39 = arith.addf %add3A_37, %slice3A_38 : vector<512x128xf32>
    %slice3A_40 = vector.extract_strided_slice %select_n3A {offsets = [0, 1792], sizes = [512, 128], strides = [1, 1]} : vector<512x2048xf32> to vector<512x128xf32>
    %add3A_41 = arith.addf %add3A_39, %slice3A_40 : vector<512x128xf32>
    %slice3A_42 = vector.extract_strided_slice %select_n3A {offsets = [0, 1920], sizes = [512, 128], strides = [1, 1]} : vector<512x2048xf32> to vector<512x128xf32>
    %add3A_43 = arith.addf %add3A_41, %slice3A_42 : vector<512x128xf32>
    %iota3A = tpu.iota {dimensions = array<i32: 1>} : vector<512x128xi32>
    %mul3A = arith.constant 65536 : i32
    %mul3A_44 = vector.broadcast %mul3A : i32 to vector<512x128xi32>
    %mul3A_45 = arith.muli %iota3A, %mul3A_44 : vector<512x128xi32>
    %convert_element_type3A = arith.fptosi %add3A_43 : vector<512x128xf32> to vector<512x128xi32>
    %add3A_46 = arith.addi %convert_element_type3A, %mul3A_45 : vector<512x128xi32>
    %swap3A = arith.constant 0 : index
    %swap3A_47 = arith.constant 0 : index
    %swap3A_48 = vector.load %arg5[%swap3A, %swap3A_47] : memref<512x128xi32, #tpu.memory_space<vmem>>, vector<512x128xi32>
    tpu.vector_store %arg5[%swap3A, %swap3A_47], %add3A_46 {strides = array<i32>} : memref<512x128xi32, #tpu.memory_space<vmem>>, vector<512x128xi32>,
    return
  }
  func.func @transform_0(%arg0: i32) -> (i32, i32) {
    %add3A = arith.constant 2 : i32
    %add3A_0 = arith.addi %arg0, %add3A : i32
    %c0_i32 = arith.constant 0 : i32
    %c0_i32_1 = arith.constant 0 : i32
    return %add3A_0, %c0_i32 : i32, i32
  }
  func.func @transform_1(%arg0: i32) -> (i32, i32) {
    %c0_i32 = arith.constant 0 : i32
    %c0_i32_0 = arith.constant 0 : i32
    %c0_i32_1 = arith.constant 0 : i32
    return %c0_i32, %c0_i32_0 : i32, i32
  }
  func.func @transform_2(%arg0: i32) -> (i32, i32) {
    %c0_i32 = arith.constant 0 : i32
    %c0_i32_0 = arith.constant 0 : i32
    %c0_i32_1 = arith.constant 0 : i32
    return %c0_i32, %c0_i32_0 : i32, i32
  }
  func.func @transform_3(%arg0: i32) -> (i32, i32) {
    %c0_i32 = arith.constant 0 : i32
    %c0_i32_0 = arith.constant 0 : i32
    %c0_i32_1 = arith.constant 0 : i32
    return %c0_i32, %c0_i32_0 : i32, i32
  }
  func.func @transform_4(%arg0: i32) -> (i32, i32) {
    %c0_i32 = arith.constant 0 : i32
    %c0_i32_0 = arith.constant 0 : i32
    return %arg0, %c0_i32 : i32, i32
  }
}

module attributes {stable_mosaic.version = 14 : i64} {
  func.func @_keys_body(%arg0: i32, %arg1: memref<512x8xf32, #tpu.memory_space<vmem>>, %arg2: memref<8x2048xf32, #tpu.memory_space<vmem>>, %arg3: memref<1x2048xf32, #tpu.memory_space<vmem>>, %arg4: memref<1x2048xf32, #tpu.memory_space<vmem>>, %arg5: memref<512x128xi32, #tpu.memory_space<vmem>>) attributes {dimension_semantics = [#tpu.dimension_semantics<arbitrary>], iteration_bounds = array<i64: 2>, scalar_prefetch = 0 : i64, scratch_operands = 0 : i64, tpu.core_type = #tpu.core_type<tc>, window_params = [{transform_indices = @transform_0, window_bounds = array<i64: 512, 8>}, {pipeline_mode = #tpu.pipeline_mode<synchronous>, transform_indices = @transform_1, window_bounds = array<i64: 8, 2048>}, {pipeline_mode = #tpu.pipeline_mode<synchronous>, transform_indices = @transform_2, window_bounds = array<i64: 1, 2048>}, {pipeline_mode = #tpu.pipeline_mode<synchronous>, transform_indices = @transform_3, window_bounds = array<i64: 1, 2048>}, {transform_indices = @transform_4, window_bounds = array<i64: 512, 128>}]} {
    %get3A = arith.constant 0 : index
    %get3A_0 = arith.constant 0 : index
    %get3A_1 = vector.load %arg1[%get3A, %get3A_0] : memref<512x8xf32, #tpu.memory_space<vmem>>, vector<512x8xf32>
    %get3A_2 = arith.constant 0 : index
    %get3A_3 = arith.constant 0 : index
    %get3A_4 = vector.load %arg2[%get3A_2, %get3A_3] : memref<8x2048xf32, #tpu.memory_space<vmem>>, vector<8x2048xf32>
    %dot_general3A = arith.constant dense<0.000000e+00> : vector<512x2048xf32>
    %dot_general3A_5 = tpu.matmul %get3A_1, %get3A_4, %dot_general3A {dimension_numbers = #tpu.dot_dimension_numbers<[1], [0], [0], [1], [0, 0, 1, 1], [], []>, precision = #tpu.contract_precision<fp32>, transpose_lhs_hint = false} : vector<512x8xf32>, vector<8x2048xf32>, vector<512x2048xf32> -> vector<512x2048xf32>
    %get3A_6 = arith.constant 0 : index
    %get3A_7 = arith.constant 0 : index
    %get3A_8 = vector.load %arg3[%get3A_6, %get3A_7] : memref<1x2048xf32, #tpu.memory_space<vmem>>, vector<1x2048xf32>
    %gt3A = vector.broadcast %get3A_8 : vector<1x2048xf32> to vector<512x2048xf32>
    %gt3A_9 = arith.cmpf ogt, %dot_general3A_5, %gt3A : vector<512x2048xf32>
    %get3A_10 = arith.constant 0 : index
    %get3A_11 = arith.constant 0 : index
    %get3A_12 = vector.load %arg4[%get3A_10, %get3A_11] : memref<1x2048xf32, #tpu.memory_space<vmem>>, vector<1x2048xf32>
    %jit3A = arith.constant 0.000000e+00 : f32
    %broadcast_in_dim3A = vector.shape_cast %get3A_12 : vector<1x2048xf32> to vector<1x2048xf32>
    %broadcast_in_dim3A_13 = vector.broadcast %broadcast_in_dim3A : vector<1x2048xf32> to vector<512x2048xf32>
    %broadcast_in_dim3A_14 = vector.broadcast %jit3A : f32 to vector<512x2048xf32>
    %select_n3A = arith.select %gt3A_9, %broadcast_in_dim3A_13, %broadcast_in_dim3A_14 : vector<512x2048xi1>, vector<512x2048xf32>
    %slice3A = vector.extract_strided_slice %select_n3A {offsets = [0, 0], sizes = [512, 128], strides = [1, 1]} : vector<512x2048xf32> to vector<512x128xf32>
    %slice3A_15 = vector.extract_strided_slice %select_n3A {offsets = [0, 128], sizes = [512, 128], strides = [1, 1]} : vector<512x2048xf32> to vector<512x128xf32>
    %add3A = arith.addf %slice3A, %slice3A_15 : vector<512x128xf32>
    %slice3A_16 = vector.extract_strided_slice %select_n3A {offsets = [0, 256], sizes = [512, 128], strides = [1, 1]} : vector<512x2048xf32> to vector<512x128xf32>
    %add3A_17 = arith.addf %add3A, %slice3A_16 : vector<512x128xf32>
    %slice3A_18 = vector.extract_strided_slice %select_n3A {offsets = [0, 384], sizes = [512, 128], strides = [1, 1]} : vector<512x2048xf32> to vector<512x128xf32>
    %add3A_19 = arith.addf %add3A_17, %slice3A_18 : vector<512x128xf32>
    %slice3A_20 = vector.extract_strided_slice %select_n3A {offsets = [0, 512], sizes = [512, 128], strides = [1, 1]} : vector<512x2048xf32> to vector<512x128xf32>
    %add3A_21 = arith.addf %add3A_19, %slice3A_20 : vector<512x128xf32>
    %slice3A_22 = vector.extract_strided_slice %select_n3A {offsets = [0, 640], sizes = [512, 128], strides = [1, 1]} : vector<512x2048xf32> to vector<512x128xf32>
    %add3A_23 = arith.addf %add3A_21, %slice3A_22 : vector<512x128xf32>
    %slice3A_24 = vector.extract_strided_slice %select_n3A {offsets = [0, 768], sizes = [512, 128], strides = [1, 1]} : vector<512x2048xf32> to vector<512x128xf32>
    %add3A_25 = arith.addf %add3A_23, %slice3A_24 : vector<512x128xf32>
    %slice3A_26 = vector.extract_strided_slice %select_n3A {offsets = [0, 896], sizes = [512, 128], strides = [1, 1]} : vector<512x2048xf32> to vector<512x128xf32>
    %add3A_27 = arith.addf %add3A_25, %slice3A_26 : vector<512x128xf32>
    %slice3A_28 = vector.extract_strided_slice %select_n3A {offsets = [0, 1024], sizes = [512, 128], strides = [1, 1]} : vector<512x2048xf32> to vector<512x128xf32>
    %add3A_29 = arith.addf %add3A_27, %slice3A_28 : vector<512x128xf32>
    %slice3A_30 = vector.extract_strided_slice %select_n3A {offsets = [0, 1152], sizes = [512, 128], strides = [1, 1]} : vector<512x2048xf32> to vector<512x128xf32>
    %add3A_31 = arith.addf %add3A_29, %slice3A_30 : vector<512x128xf32>
    %slice3A_32 = vector.extract_strided_slice %select_n3A {offsets = [0, 1280], sizes = [512, 128], strides = [1, 1]} : vector<512x2048xf32> to vector<512x128xf32>
    %add3A_33 = arith.addf %add3A_31, %slice3A_32 : vector<512x128xf32>
    %slice3A_34 = vector.extract_strided_slice %select_n3A {offsets = [0, 1408], sizes = [512, 128], strides = [1, 1]} : vector<512x2048xf32> to vector<512x128xf32>
    %add3A_35 = arith.addf %add3A_33, %slice3A_34 : vector<512x128xf32>
    %slice3A_36 = vector.extract_strided_slice %select_n3A {offsets = [0, 1536], sizes = [512, 128], strides = [1, 1]} : vector<512x2048xf32> to vector<512x128xf32>
    %add3A_37 = arith.addf %add3A_35, %slice3A_36 : vector<512x128xf32>
    %slice3A_38 = vector.extract_strided_slice %select_n3A {offsets = [0, 1664], sizes = [512, 128], strides = [1, 1]} : vector<512x2048xf32> to vector<512x128xf32>
    %add3A_39 = arith.addf %add3A_37, %slice3A_38 : vector<512x128xf32>
    %slice3A_40 = vector.extract_strided_slice %select_n3A {offsets = [0, 1792], sizes = [512, 128], strides = [1, 1]} : vector<512x2048xf32> to vector<512x128xf32>
    %add3A_41 = arith.addf %add3A_39, %slice3A_40 : vector<512x128xf32>
    %slice3A_42 = vector.extract_strided_slice %select_n3A {offsets = [0, 1920], sizes = [512, 128], strides = [1, 1]} : vector<512x2048xf32> to vector<512x128xf32>
    %add3A_43 = arith.addf %add3A_41, %slice3A_42 : vector<512x128xf32>
    %iota3A = tpu.iota {dimensions = array<i32: 1>} : vector<512x128xi32>
    %mul3A = arith.constant 65536 : i32
    %mul3A_44 = vector.broadcast %mul3A : i32 to vector<512x128xi32>
    %mul3A_45 = arith.muli %iota3A, %mul3A_44 : vector<512x128xi32>
    %convert_element_type3A = arith.fptosi %add3A_43 : vector<512x128xf32> to vector<512x128xi32>
    %add3A_46 = arith.addi %convert_element_type3A, %mul3A_45 : vector<512x128xi32>
    %swap3A = arith.constant 0 : index
    %swap3A_47 = arith.constant 0 : index
    %swap3A_48 = vector.load %arg5[%swap3A, %swap3A_47] : memref<512x128xi32, #tpu.memory_space<vmem>>, vector<512x128xi32>
    tpu.vector_store %arg5[%swap3A, %swap3A_47], %add3A_46 {strides = array<i32>} : memref<512x128xi32, #tpu.memory_space<vmem>>, vector<512x128xi32>,
    return
  }
  func.func @transform_0(%arg0: i32) -> (i32, i32) {
    %add3A = arith.constant 0 : i32
    %add3A_0 = arith.addi %arg0, %add3A : i32
    %c0_i32 = arith.constant 0 : i32
    %c0_i32_1 = arith.constant 0 : i32
    return %add3A_0, %c0_i32 : i32, i32
  }
  func.func @transform_1(%arg0: i32) -> (i32, i32) {
    %c0_i32 = arith.constant 0 : i32
    %c0_i32_0 = arith.constant 0 : i32
    %c0_i32_1 = arith.constant 0 : i32
    return %c0_i32, %c0_i32_0 : i32, i32
  }
  func.func @transform_2(%arg0: i32) -> (i32, i32) {
    %c0_i32 = arith.constant 0 : i32
    %c0_i32_0 = arith.constant 0 : i32
    %c0_i32_1 = arith.constant 0 : i32
    return %c0_i32, %c0_i32_0 : i32, i32
  }
  func.func @transform_3(%arg0: i32) -> (i32, i32) {
    %c0_i32 = arith.constant 0 : i32
    %c0_i32_0 = arith.constant 0 : i32
    %c0_i32_1 = arith.constant 0 : i32
    return %c0_i32, %c0_i32_0 : i32, i32
  }
  func.func @transform_4(%arg0: i32) -> (i32, i32) {
    %c0_i32 = arith.constant 0 : i32
    %c0_i32_0 = arith.constant 0 : i32
    return %arg0, %c0_i32 : i32, i32
  }
}

module attributes {stable_mosaic.version = 14 : i64} {
  func.func @_keys_body(%arg0: i32, %arg1: memref<512x8xf32, #tpu.memory_space<vmem>>, %arg2: memref<8x2048xf32, #tpu.memory_space<vmem>>, %arg3: memref<1x2048xf32, #tpu.memory_space<vmem>>, %arg4: memref<1x2048xf32, #tpu.memory_space<vmem>>, %arg5: memref<512x128xi32, #tpu.memory_space<vmem>>) attributes {dimension_semantics = [#tpu.dimension_semantics<arbitrary>], iteration_bounds = array<i64: 2>, scalar_prefetch = 0 : i64, scratch_operands = 0 : i64, tpu.core_type = #tpu.core_type<tc>, window_params = [{transform_indices = @transform_0, window_bounds = array<i64: 512, 8>}, {pipeline_mode = #tpu.pipeline_mode<synchronous>, transform_indices = @transform_1, window_bounds = array<i64: 8, 2048>}, {pipeline_mode = #tpu.pipeline_mode<synchronous>, transform_indices = @transform_2, window_bounds = array<i64: 1, 2048>}, {pipeline_mode = #tpu.pipeline_mode<synchronous>, transform_indices = @transform_3, window_bounds = array<i64: 1, 2048>}, {transform_indices = @transform_4, window_bounds = array<i64: 512, 128>}]} {
    %get3A = arith.constant 0 : index
    %get3A_0 = arith.constant 0 : index
    %get3A_1 = vector.load %arg1[%get3A, %get3A_0] : memref<512x8xf32, #tpu.memory_space<vmem>>, vector<512x8xf32>
    %get3A_2 = arith.constant 0 : index
    %get3A_3 = arith.constant 0 : index
    %get3A_4 = vector.load %arg2[%get3A_2, %get3A_3] : memref<8x2048xf32, #tpu.memory_space<vmem>>, vector<8x2048xf32>
    %dot_general3A = arith.constant dense<0.000000e+00> : vector<512x2048xf32>
    %dot_general3A_5 = tpu.matmul %get3A_1, %get3A_4, %dot_general3A {dimension_numbers = #tpu.dot_dimension_numbers<[1], [0], [0], [1], [0, 0, 1, 1], [], []>, precision = #tpu.contract_precision<fp32>, transpose_lhs_hint = false} : vector<512x8xf32>, vector<8x2048xf32>, vector<512x2048xf32> -> vector<512x2048xf32>
    %get3A_6 = arith.constant 0 : index
    %get3A_7 = arith.constant 0 : index
    %get3A_8 = vector.load %arg3[%get3A_6, %get3A_7] : memref<1x2048xf32, #tpu.memory_space<vmem>>, vector<1x2048xf32>
    %gt3A = vector.broadcast %get3A_8 : vector<1x2048xf32> to vector<512x2048xf32>
    %gt3A_9 = arith.cmpf ogt, %dot_general3A_5, %gt3A : vector<512x2048xf32>
    %get3A_10 = arith.constant 0 : index
    %get3A_11 = arith.constant 0 : index
    %get3A_12 = vector.load %arg4[%get3A_10, %get3A_11] : memref<1x2048xf32, #tpu.memory_space<vmem>>, vector<1x2048xf32>
    %jit3A = arith.constant 0.000000e+00 : f32
    %broadcast_in_dim3A = vector.shape_cast %get3A_12 : vector<1x2048xf32> to vector<1x2048xf32>
    %broadcast_in_dim3A_13 = vector.broadcast %broadcast_in_dim3A : vector<1x2048xf32> to vector<512x2048xf32>
    %broadcast_in_dim3A_14 = vector.broadcast %jit3A : f32 to vector<512x2048xf32>
    %select_n3A = arith.select %gt3A_9, %broadcast_in_dim3A_13, %broadcast_in_dim3A_14 : vector<512x2048xi1>, vector<512x2048xf32>
    %slice3A = vector.extract_strided_slice %select_n3A {offsets = [0, 0], sizes = [512, 128], strides = [1, 1]} : vector<512x2048xf32> to vector<512x128xf32>
    %slice3A_15 = vector.extract_strided_slice %select_n3A {offsets = [0, 128], sizes = [512, 128], strides = [1, 1]} : vector<512x2048xf32> to vector<512x128xf32>
    %add3A = arith.addf %slice3A, %slice3A_15 : vector<512x128xf32>
    %slice3A_16 = vector.extract_strided_slice %select_n3A {offsets = [0, 256], sizes = [512, 128], strides = [1, 1]} : vector<512x2048xf32> to vector<512x128xf32>
    %add3A_17 = arith.addf %add3A, %slice3A_16 : vector<512x128xf32>
    %slice3A_18 = vector.extract_strided_slice %select_n3A {offsets = [0, 384], sizes = [512, 128], strides = [1, 1]} : vector<512x2048xf32> to vector<512x128xf32>
    %add3A_19 = arith.addf %add3A_17, %slice3A_18 : vector<512x128xf32>
    %slice3A_20 = vector.extract_strided_slice %select_n3A {offsets = [0, 512], sizes = [512, 128], strides = [1, 1]} : vector<512x2048xf32> to vector<512x128xf32>
    %add3A_21 = arith.addf %add3A_19, %slice3A_20 : vector<512x128xf32>
    %slice3A_22 = vector.extract_strided_slice %select_n3A {offsets = [0, 640], sizes = [512, 128], strides = [1, 1]} : vector<512x2048xf32> to vector<512x128xf32>
    %add3A_23 = arith.addf %add3A_21, %slice3A_22 : vector<512x128xf32>
    %slice3A_24 = vector.extract_strided_slice %select_n3A {offsets = [0, 768], sizes = [512, 128], strides = [1, 1]} : vector<512x2048xf32> to vector<512x128xf32>
    %add3A_25 = arith.addf %add3A_23, %slice3A_24 : vector<512x128xf32>
    %slice3A_26 = vector.extract_strided_slice %select_n3A {offsets = [0, 896], sizes = [512, 128], strides = [1, 1]} : vector<512x2048xf32> to vector<512x128xf32>
    %add3A_27 = arith.addf %add3A_25, %slice3A_26 : vector<512x128xf32>
    %slice3A_28 = vector.extract_strided_slice %select_n3A {offsets = [0, 1024], sizes = [512, 128], strides = [1, 1]} : vector<512x2048xf32> to vector<512x128xf32>
    %add3A_29 = arith.addf %add3A_27, %slice3A_28 : vector<512x128xf32>
    %slice3A_30 = vector.extract_strided_slice %select_n3A {offsets = [0, 1152], sizes = [512, 128], strides = [1, 1]} : vector<512x2048xf32> to vector<512x128xf32>
    %add3A_31 = arith.addf %add3A_29, %slice3A_30 : vector<512x128xf32>
    %slice3A_32 = vector.extract_strided_slice %select_n3A {offsets = [0, 1280], sizes = [512, 128], strides = [1, 1]} : vector<512x2048xf32> to vector<512x128xf32>
    %add3A_33 = arith.addf %add3A_31, %slice3A_32 : vector<512x128xf32>
    %slice3A_34 = vector.extract_strided_slice %select_n3A {offsets = [0, 1408], sizes = [512, 128], strides = [1, 1]} : vector<512x2048xf32> to vector<512x128xf32>
    %add3A_35 = arith.addf %add3A_33, %slice3A_34 : vector<512x128xf32>
    %slice3A_36 = vector.extract_strided_slice %select_n3A {offsets = [0, 1536], sizes = [512, 128], strides = [1, 1]} : vector<512x2048xf32> to vector<512x128xf32>
    %add3A_37 = arith.addf %add3A_35, %slice3A_36 : vector<512x128xf32>
    %slice3A_38 = vector.extract_strided_slice %select_n3A {offsets = [0, 1664], sizes = [512, 128], strides = [1, 1]} : vector<512x2048xf32> to vector<512x128xf32>
    %add3A_39 = arith.addf %add3A_37, %slice3A_38 : vector<512x128xf32>
    %slice3A_40 = vector.extract_strided_slice %select_n3A {offsets = [0, 1792], sizes = [512, 128], strides = [1, 1]} : vector<512x2048xf32> to vector<512x128xf32>
    %add3A_41 = arith.addf %add3A_39, %slice3A_40 : vector<512x128xf32>
    %slice3A_42 = vector.extract_strided_slice %select_n3A {offsets = [0, 1920], sizes = [512, 128], strides = [1, 1]} : vector<512x2048xf32> to vector<512x128xf32>
    %add3A_43 = arith.addf %add3A_41, %slice3A_42 : vector<512x128xf32>
    %iota3A = tpu.iota {dimensions = array<i32: 1>} : vector<512x128xi32>
    %mul3A = arith.constant 65536 : i32
    %mul3A_44 = vector.broadcast %mul3A : i32 to vector<512x128xi32>
    %mul3A_45 = arith.muli %iota3A, %mul3A_44 : vector<512x128xi32>
    %convert_element_type3A = arith.fptosi %add3A_43 : vector<512x128xf32> to vector<512x128xi32>
    %add3A_46 = arith.addi %convert_element_type3A, %mul3A_45 : vector<512x128xi32>
    %swap3A = arith.constant 0 : index
    %swap3A_47 = arith.constant 0 : index
    %swap3A_48 = vector.load %arg5[%swap3A, %swap3A_47] : memref<512x128xi32, #tpu.memory_space<vmem>>, vector<512x128xi32>
    tpu.vector_store %arg5[%swap3A, %swap3A_47], %add3A_46 {strides = array<i32>} : memref<512x128xi32, #tpu.memory_space<vmem>>, vector<512x128xi32>,
    return
  }
  func.func @transform_0(%arg0: i32) -> (i32, i32) {
    %add3A = arith.constant 4 : i32
    %add3A_0 = arith.addi %arg0, %add3A : i32
    %c0_i32 = arith.constant 0 : i32
    %c0_i32_1 = arith.constant 0 : i32
    return %add3A_0, %c0_i32 : i32, i32
  }
  func.func @transform_1(%arg0: i32) -> (i32, i32) {
    %c0_i32 = arith.constant 0 : i32
    %c0_i32_0 = arith.constant 0 : i32
    %c0_i32_1 = arith.constant 0 : i32
    return %c0_i32, %c0_i32_0 : i32, i32
  }
  func.func @transform_2(%arg0: i32) -> (i32, i32) {
    %c0_i32 = arith.constant 0 : i32
    %c0_i32_0 = arith.constant 0 : i32
    %c0_i32_1 = arith.constant 0 : i32
    return %c0_i32, %c0_i32_0 : i32, i32
  }
  func.func @transform_3(%arg0: i32) -> (i32, i32) {
    %c0_i32 = arith.constant 0 : i32
    %c0_i32_0 = arith.constant 0 : i32
    %c0_i32_1 = arith.constant 0 : i32
    return %c0_i32, %c0_i32_0 : i32, i32
  }
  func.func @transform_4(%arg0: i32) -> (i32, i32) {
    %c0_i32 = arith.constant 0 : i32
    %c0_i32_0 = arith.constant 0 : i32
    return %arg0, %c0_i32 : i32, i32
  }
}

module attributes {stable_mosaic.version = 14 : i64} {
  func.func @_keys_body(%arg0: i32, %arg1: memref<512x8xf32, #tpu.memory_space<vmem>>, %arg2: memref<8x2048xf32, #tpu.memory_space<vmem>>, %arg3: memref<1x2048xf32, #tpu.memory_space<vmem>>, %arg4: memref<1x2048xf32, #tpu.memory_space<vmem>>, %arg5: memref<512x128xi32, #tpu.memory_space<vmem>>) attributes {dimension_semantics = [#tpu.dimension_semantics<arbitrary>], iteration_bounds = array<i64: 2>, scalar_prefetch = 0 : i64, scratch_operands = 0 : i64, tpu.core_type = #tpu.core_type<tc>, window_params = [{transform_indices = @transform_0, window_bounds = array<i64: 512, 8>}, {pipeline_mode = #tpu.pipeline_mode<synchronous>, transform_indices = @transform_1, window_bounds = array<i64: 8, 2048>}, {pipeline_mode = #tpu.pipeline_mode<synchronous>, transform_indices = @transform_2, window_bounds = array<i64: 1, 2048>}, {pipeline_mode = #tpu.pipeline_mode<synchronous>, transform_indices = @transform_3, window_bounds = array<i64: 1, 2048>}, {transform_indices = @transform_4, window_bounds = array<i64: 512, 128>}]} {
    %get3A = arith.constant 0 : index
    %get3A_0 = arith.constant 0 : index
    %get3A_1 = vector.load %arg1[%get3A, %get3A_0] : memref<512x8xf32, #tpu.memory_space<vmem>>, vector<512x8xf32>
    %get3A_2 = arith.constant 0 : index
    %get3A_3 = arith.constant 0 : index
    %get3A_4 = vector.load %arg2[%get3A_2, %get3A_3] : memref<8x2048xf32, #tpu.memory_space<vmem>>, vector<8x2048xf32>
    %dot_general3A = arith.constant dense<0.000000e+00> : vector<512x2048xf32>
    %dot_general3A_5 = tpu.matmul %get3A_1, %get3A_4, %dot_general3A {dimension_numbers = #tpu.dot_dimension_numbers<[1], [0], [0], [1], [0, 0, 1, 1], [], []>, precision = #tpu.contract_precision<fp32>, transpose_lhs_hint = false} : vector<512x8xf32>, vector<8x2048xf32>, vector<512x2048xf32> -> vector<512x2048xf32>
    %get3A_6 = arith.constant 0 : index
    %get3A_7 = arith.constant 0 : index
    %get3A_8 = vector.load %arg3[%get3A_6, %get3A_7] : memref<1x2048xf32, #tpu.memory_space<vmem>>, vector<1x2048xf32>
    %gt3A = vector.broadcast %get3A_8 : vector<1x2048xf32> to vector<512x2048xf32>
    %gt3A_9 = arith.cmpf ogt, %dot_general3A_5, %gt3A : vector<512x2048xf32>
    %get3A_10 = arith.constant 0 : index
    %get3A_11 = arith.constant 0 : index
    %get3A_12 = vector.load %arg4[%get3A_10, %get3A_11] : memref<1x2048xf32, #tpu.memory_space<vmem>>, vector<1x2048xf32>
    %jit3A = arith.constant 0.000000e+00 : f32
    %broadcast_in_dim3A = vector.shape_cast %get3A_12 : vector<1x2048xf32> to vector<1x2048xf32>
    %broadcast_in_dim3A_13 = vector.broadcast %broadcast_in_dim3A : vector<1x2048xf32> to vector<512x2048xf32>
    %broadcast_in_dim3A_14 = vector.broadcast %jit3A : f32 to vector<512x2048xf32>
    %select_n3A = arith.select %gt3A_9, %broadcast_in_dim3A_13, %broadcast_in_dim3A_14 : vector<512x2048xi1>, vector<512x2048xf32>
    %slice3A = vector.extract_strided_slice %select_n3A {offsets = [0, 0], sizes = [512, 128], strides = [1, 1]} : vector<512x2048xf32> to vector<512x128xf32>
    %slice3A_15 = vector.extract_strided_slice %select_n3A {offsets = [0, 128], sizes = [512, 128], strides = [1, 1]} : vector<512x2048xf32> to vector<512x128xf32>
    %add3A = arith.addf %slice3A, %slice3A_15 : vector<512x128xf32>
    %slice3A_16 = vector.extract_strided_slice %select_n3A {offsets = [0, 256], sizes = [512, 128], strides = [1, 1]} : vector<512x2048xf32> to vector<512x128xf32>
    %add3A_17 = arith.addf %add3A, %slice3A_16 : vector<512x128xf32>
    %slice3A_18 = vector.extract_strided_slice %select_n3A {offsets = [0, 384], sizes = [512, 128], strides = [1, 1]} : vector<512x2048xf32> to vector<512x128xf32>
    %add3A_19 = arith.addf %add3A_17, %slice3A_18 : vector<512x128xf32>
    %slice3A_20 = vector.extract_strided_slice %select_n3A {offsets = [0, 512], sizes = [512, 128], strides = [1, 1]} : vector<512x2048xf32> to vector<512x128xf32>
    %add3A_21 = arith.addf %add3A_19, %slice3A_20 : vector<512x128xf32>
    %slice3A_22 = vector.extract_strided_slice %select_n3A {offsets = [0, 640], sizes = [512, 128], strides = [1, 1]} : vector<512x2048xf32> to vector<512x128xf32>
    %add3A_23 = arith.addf %add3A_21, %slice3A_22 : vector<512x128xf32>
    %slice3A_24 = vector.extract_strided_slice %select_n3A {offsets = [0, 768], sizes = [512, 128], strides = [1, 1]} : vector<512x2048xf32> to vector<512x128xf32>
    %add3A_25 = arith.addf %add3A_23, %slice3A_24 : vector<512x128xf32>
    %slice3A_26 = vector.extract_strided_slice %select_n3A {offsets = [0, 896], sizes = [512, 128], strides = [1, 1]} : vector<512x2048xf32> to vector<512x128xf32>
    %add3A_27 = arith.addf %add3A_25, %slice3A_26 : vector<512x128xf32>
    %slice3A_28 = vector.extract_strided_slice %select_n3A {offsets = [0, 1024], sizes = [512, 128], strides = [1, 1]} : vector<512x2048xf32> to vector<512x128xf32>
    %add3A_29 = arith.addf %add3A_27, %slice3A_28 : vector<512x128xf32>
    %slice3A_30 = vector.extract_strided_slice %select_n3A {offsets = [0, 1152], sizes = [512, 128], strides = [1, 1]} : vector<512x2048xf32> to vector<512x128xf32>
    %add3A_31 = arith.addf %add3A_29, %slice3A_30 : vector<512x128xf32>
    %slice3A_32 = vector.extract_strided_slice %select_n3A {offsets = [0, 1280], sizes = [512, 128], strides = [1, 1]} : vector<512x2048xf32> to vector<512x128xf32>
    %add3A_33 = arith.addf %add3A_31, %slice3A_32 : vector<512x128xf32>
    %slice3A_34 = vector.extract_strided_slice %select_n3A {offsets = [0, 1408], sizes = [512, 128], strides = [1, 1]} : vector<512x2048xf32> to vector<512x128xf32>
    %add3A_35 = arith.addf %add3A_33, %slice3A_34 : vector<512x128xf32>
    %slice3A_36 = vector.extract_strided_slice %select_n3A {offsets = [0, 1536], sizes = [512, 128], strides = [1, 1]} : vector<512x2048xf32> to vector<512x128xf32>
    %add3A_37 = arith.addf %add3A_35, %slice3A_36 : vector<512x128xf32>
    %slice3A_38 = vector.extract_strided_slice %select_n3A {offsets = [0, 1664], sizes = [512, 128], strides = [1, 1]} : vector<512x2048xf32> to vector<512x128xf32>
    %add3A_39 = arith.addf %add3A_37, %slice3A_38 : vector<512x128xf32>
    %slice3A_40 = vector.extract_strided_slice %select_n3A {offsets = [0, 1792], sizes = [512, 128], strides = [1, 1]} : vector<512x2048xf32> to vector<512x128xf32>
    %add3A_41 = arith.addf %add3A_39, %slice3A_40 : vector<512x128xf32>
    %slice3A_42 = vector.extract_strided_slice %select_n3A {offsets = [0, 1920], sizes = [512, 128], strides = [1, 1]} : vector<512x2048xf32> to vector<512x128xf32>
    %add3A_43 = arith.addf %add3A_41, %slice3A_42 : vector<512x128xf32>
    %iota3A = tpu.iota {dimensions = array<i32: 1>} : vector<512x128xi32>
    %mul3A = arith.constant 65536 : i32
    %mul3A_44 = vector.broadcast %mul3A : i32 to vector<512x128xi32>
    %mul3A_45 = arith.muli %iota3A, %mul3A_44 : vector<512x128xi32>
    %convert_element_type3A = arith.fptosi %add3A_43 : vector<512x128xf32> to vector<512x128xi32>
    %add3A_46 = arith.addi %convert_element_type3A, %mul3A_45 : vector<512x128xi32>
    %swap3A = arith.constant 0 : index
    %swap3A_47 = arith.constant 0 : index
    %swap3A_48 = vector.load %arg5[%swap3A, %swap3A_47] : memref<512x128xi32, #tpu.memory_space<vmem>>, vector<512x128xi32>
    tpu.vector_store %arg5[%swap3A, %swap3A_47], %add3A_46 {strides = array<i32>} : memref<512x128xi32, #tpu.memory_space<vmem>>, vector<512x128xi32>,
    return
  }
  func.func @transform_0(%arg0: i32) -> (i32, i32) {
    %add3A = arith.constant 6 : i32
    %add3A_0 = arith.addi %arg0, %add3A : i32
    %c0_i32 = arith.constant 0 : i32
    %c0_i32_1 = arith.constant 0 : i32
    return %add3A_0, %c0_i32 : i32, i32
  }
  func.func @transform_1(%arg0: i32) -> (i32, i32) {
    %c0_i32 = arith.constant 0 : i32
    %c0_i32_0 = arith.constant 0 : i32
    %c0_i32_1 = arith.constant 0 : i32
    return %c0_i32, %c0_i32_0 : i32, i32
  }
  func.func @transform_2(%arg0: i32) -> (i32, i32) {
    %c0_i32 = arith.constant 0 : i32
    %c0_i32_0 = arith.constant 0 : i32
    %c0_i32_1 = arith.constant 0 : i32
    return %c0_i32, %c0_i32_0 : i32, i32
  }
  func.func @transform_3(%arg0: i32) -> (i32, i32) {
    %c0_i32 = arith.constant 0 : i32
    %c0_i32_0 = arith.constant 0 : i32
    %c0_i32_1 = arith.constant 0 : i32
    return %c0_i32, %c0_i32_0 : i32, i32
  }
  func.func @transform_4(%arg0: i32) -> (i32, i32) {
    %c0_i32 = arith.constant 0 : i32
    %c0_i32_0 = arith.constant 0 : i32
    return %arg0, %c0_i32 : i32, i32
  }
}

</mosaic_0001>

<sc_bundles>
// kernel: kernel.10.cloned.1.call-start
scs
__scs_entry_jumppad:
0x0: {  	(pc) =	sbr.rel $0x88, $3  }
0x1: {  	(tag) =	ssettag $0x0;
	lr =	simm.s32 $0x1  }
0x2: {  	[smem:$0x3F9D] =	sst lr;
	_ =	strace $0xD0000000  }
0x3: {  	_ = 	snop  }
0x4: {  	_ = 	snop  }
0x5: {  	_ = 	snop  }
0x6: {  	_ = 	snop  }
0x7: {  	_ = 	snop  }
__scs_overlays_trampoline_lowered:
0x8: {  	[smem:$0x3FAC] =	sst s0  }
0x9: {  	[smem:$0x3FAD] =	sst s1  }
0xa: {  	[smem:$0x3FAE] =	sst s2  }
0xb: {  	[smem:$0x3FAF] =	sst s3  }
0xc: {  	[smem:$0x3FB0] =	sst s4  }
0xd: {  	[smem:$0x3FB1] =	sst s5  }
0xe: {  	[smem:$0x3FB2] =	sst s6  }
0xf: {  	[smem:$0x3FB3] =	sst s7  }
0x10: {  	[smem:$0x3FB4] =	sst s8  }
0x11: {  	[smem:$0x3FB5] =	sst s9;
	s0 =	simm.s32 @!p0 $0x0  }
0x12: {  	s1 =	sld [smem:$0x3F9B];
	s0 =	simm.s32 @p0 $0x1  }
0x13: {  	[smem:$0x3FB6] =	sst s0;
	s0 =	simm.s32 @!p1 $0x0  }
0x14: {  	s2 =	sld [smem:$0x3F9A];
	s0 =	simm.s32 @p1 $0x1  }
0x15: {  	[smem:$0x3FB7] =	sst s0;
	s0 =	simm.s32 @!p2 $0x0  }
0x16: {  	s3 =	sld [smem:$0x3FDB];
	s0 =	simm.s32 @p2 $0x1  }
0x17: {  	s4 =	simm.s32 $0x1BF5;
	[smem:$0x3FB9] =	sst s0  }
0x18: {  	s0 =	sld [smem:$0x3F9C];
	_ =	swait.ge [sflag:s4], $0x0  }
0x19: {  	s7 =	sld [smem:$0x3F9D]  }
0x1a: {  	s8 =	sadd.s32 $0xFFFFE003, lr  }
0x1b: {  	s9 =	sadd.s32 $0xFFFFFEF7, lr;
	s5 =	simm.s32 $0xFFFFFFFF;
	p2 =	slt.u32 s8, $0xFFFFF086  }
0x1c: {  	p1 =	slt.u32 s9, $0xF7A;
	s5 =	simm.s32 @!p2 $0x0  }
0x1d: {  	s5 =	simm.s32 @p1 $0x1;
	p0 =	seq.s32 s7, s2  }
0x1e: {  	s7 =	smul.u32 @!p0 $0xF7A, s2;
	p2 =	seq.s32 @!p0 s5, $0x0  }
0x1f: {  	s9 =	smul.u32 $0xF7A, s1;
	s8 =	simm.s32 @!p0 $0x1BF5;
	p2 =	por !p2, p0  }
0x20: {  	[sflag:s8] =	ssyncset.s32 @!p0 $0xFFFFF086;
	s6 =	sadd.s32 @!p0 s3, s7;
	s7 =	simm.s32 @!p0 $0x108  }
0x21: {  	s3 =	sadd.s32 s3, s9;
	s6 =	sadd.s32 @!p0 $0x88, s6;
	s7 =	simm.s32 @p2 $0x1082  }
0x22: {  	[simem:s7], [sflag:s8] =	dma.local @!p0 [hbm:s6], $0xF7A  }
0x23: {  	s9 =	sor.u32 $0xD0000000, s2;
	s6 =	simm.s32 $0x108;
	_ =	swait.ge @!p0 [sflag:s8], $0x0  }
0x24: {  	s3 =	sadd.s32 $0x88, s3;
	s6 =	simm.s32 @!p1 $0x1082;
	[sflag:s4] =	ssyncset.s32 $0xFFFFF086  }
0x25: {  	[simem:s6], [sflag:s4] =	dma.local [hbm:s3], $0xF7A  }
0x26: {  	[smem:$0x3F9D] =	sst s1;
	(tag) =	ssettag s2;
	_ =	strace s9  }
0x27: {  	s1 =	sld [smem:$0x3FAD]  }
0x28: {  	s2 =	sld [smem:$0x3FAE]  }
0x29: {  	s4 =	sld [smem:$0x3FB0]  }
0x2a: {  	p0 =	seq.s32 s5, $0x0;
	s5 =	sld [smem:$0x3FB1]  }
0x2b: {  	s6 =	sld [smem:$0x3FB2]  }
0x2c: {  	s7 =	sld [smem:$0x3FB3]  }
0x2d: {  	s3 =	simm.s32 $0x108;
	s8 =	sld [smem:$0x3FB4]  }
0x2e: {  	s3 =	simm.s32 @!p0 $0x1082;
	s9 =	sld [smem:$0x3FB5]  }
0x2f: {  	lr =	sadd.s32 s0, s3;
	s0 =	sld [smem:$0x3FAC]  }
0x30: {  	s3 =	sld [smem:$0x3FAF]  }
0x31: {  	[smem:$0x3FB8] =	sst s10  }
0x32: {  	s10 =	sld [smem:$0x3FB6];
	_ =	sdelay $0x3  }
0x33: {  	p0 =	seq.s32 s10, $0x1;
	s10 =	sld [smem:$0x3FB8];
	_ =	sdelay $0x3  }
0x34: {  	[smem:$0x3FB8] =	sst s10  }
0x35: {  	s10 =	sld [smem:$0x3FB7];
	_ =	sdelay $0x3  }
0x36: {  	p1 =	seq.s32 s10, $0x1;
	s10 =	sld [smem:$0x3FB8];
	_ =	sdelay $0x3  }
0x37: {  	[smem:$0x3FB8] =	sst s10  }
0x38: {  	s10 =	sld [smem:$0x3FB9]  }
0x39: {  	_ = 	snop;
	(pc) =	sbr.ind lr, $3  }
0x3a: {  	_ = 	snop  }
0x3b: {  	_ = 	snop  }
0x3c: {  	p2 =	seq.s32 s10, $0x1;
	s10 =	sld [smem:$0x3FB8]  }
0x3d: {  	_ =	shalt  }
0x3e: {  	_ =	shalt  }
0x3f: {  	_ =	shalt  }
0x40: {  	_ =	shalt  }
0x41: {  	_ =	shalt  }
0x42: {  	_ =	shalt  }
0x43: {  	_ =	shalt  }
0x44: {  	_ =	shalt  }
0x45: {  	_ =	shalt  }
0x46: {  	_ =	shalt  }
0x47: {  	_ =	shalt  }
0x48: {  	_ =	shalt  }
0x49: {  	_ =	shalt  }
0x4a: {  	_ =	shalt  }
0x4b: {  	_ =	shalt  }
0x4c: {  	_ =	shalt  }
0x4d: {  	_ =	shalt  }
0x4e: {  	_ =	shalt  }
0x4f: {  	_ =	shalt  }
0x50: {  	_ =	shalt  }
0x51: {  	_ =	shalt  }
0x52: {  	_ =	shalt  }
0x53: {  	_ =	shalt  }
0x54: {  	_ =	shalt  }
0x55: {  	_ =	shalt  }
0x56: {  	_ =	shalt  }
0x57: {  	_ =	shalt  }
0x58: {  	_ =	shalt  }
0x59: {  	_ =	shalt  }
0x5a: {  	_ =	shalt  }
0x5b: {  	_ =	shalt  }
0x5c: {  	_ =	shalt  }
0x5d: {  	_ =	shalt  }
0x5e: {  	_ =	shalt  }
0x5f: {  	_ =	shalt  }
0x60: {  	_ =	shalt  }
0x61: {  	_ =	shalt  }
0x62: {  	_ =	shalt  }
0x63: {  	_ =	shalt  }
0x64: {  	_ =	shalt  }
0x65: {  	_ =	shalt  }
0x66: {  	_ =	shalt  }
0x67: {  	_ =	shalt  }
0x68: {  	_ =	shalt  }
0x69: {  	_ =	shalt  }
0x6a: {  	_ =	shalt  }
0x6b: {  	_ =	shalt  }
0x6c: {  	_ =	shalt  }
0x6d: {  	_ =	shalt  }
0x6e: {  	_ =	shalt  }
0x6f: {  	_ =	shalt  }
0x70: {  	_ =	shalt  }
0x71: {  	_ =	shalt  }
0x72: {  	_ =	shalt  }
0x73: {  	_ =	shalt  }
0x74: {  	_ =	shalt  }
0x75: {  	_ =	shalt  }
0x76: {  	_ =	shalt  }
0x77: {  	_ =	shalt  }
0x78: {  	_ =	shalt  }
0x79: {  	_ =	shalt  }
0x7a: {  	_ =	shalt  }
0x7b: {  	_ =	shalt  }
0x7c: {  	_ =	shalt  }
0x7d: {  	_ =	shalt  }
0x7e: {  	_ =	shalt  }
0x7f: {  	_ =	shalt  }
0x80: {  	_ =	shalt  }
0x81: {  	_ =	shalt  }
0x82: {  	_ =	shalt  }
0x83: {  	_ =	shalt  }
0x84: {  	_ =	shalt  }
0x85: {  	_ =	shalt  }
0x86: {  	_ =	shalt  }
0x87: {  	_ =	shalt  }
.Lfunc_end0:
.L_simem_size_0:
called_computation_lowered:
.L_overlay_start_0:
0x88: {  	s2 =	sld [smem:$0x3FD9]  }
0x89: {  	s3 =	sld [smem:$0x3FFE];
	_ =	sdelay $0x1  }
0x8a: {  	s1 =	srdreg.scid  }
0x8b: {  	s0 =	sand.u32 $0x1, s1  }
0x8c: {  	s17 =	sshll.u32 s0, $0xA;
	s2 =	sadd.s32 s3, s2  }
0x8d: {  	s2 =	sadd.s32 s2, s17  }
0x8e: {  	[smem:$0x3FC4] =	sst s2  }
0x8f: {  	_ = 	snop  }
0x90: {  	s18 =	sld [smem:$0x3FC8]  }
0x91: {  	s4 =	sld [smem:$0x3FC7];
	(tm) =	ssettm $0x1  }
0x92: {  	s19 =	sld [smem:$0x3FFB];
	_ =	sdelay $0x3  }
0x93: {  	_ =	strace s19  }
0x94: {  	s2 =	sld [smem:$0x3FFC];
	_ =	sdelay $0x3  }
0x95: {  	_ =	strace s2  }
0x96: {  	s2 =	sld [smem:$0x3FFD];
	_ =	sdelay $0x3  }
0x97: {  	_ =	strace s2  }
0x98: {  	_ =	strace $0x8FFFFFFF  }
0x99: {  	s20 =	sld [smem:$0x3FDB];
	_ =	sdelay $0x1  }
0x9a: {  	s5 =	simm.s32 $_scs_section_size  }
0x9b: {  	s6 =	simm.s32 $_size__tile_overlayer_lowered;
	s7 =	simm.s32 $_tile_overlayer_lowered  }
0x9c: {  	s8 =	simm.s32 $0x1BFF;
	s21 =	sshll.u32 s7, $0x1;
	s5 =	sadd.s32 s5, s20  }
0x9d: {  	s22 =	simm.s32 $0x0;
	s6 =	sshll.u32 s6, $0x1;
	s7 =	sadd.s32 s21, s5  }
0x9e: {  	[timem:s22], [sflag:s8] =	dma.local [hbm:s7], s6  }
0x9f: {  	_ =	swait.ge [sflag:s8], s6  }
0xa0: {  	s6 =	ssub.s32 $0x0, s6;
	[sflag:s8] =	ssyncset.done $0x0  }
0xa1: {  	[sflag:s8] =	ssyncadd.s32 s6;
	_ =	sdelay $0x1  }
0xa2: {  	s23 =	simm.s32 $0x1B8B  }
0xa3: {  	_ =	swait.ge [sflag:s23], $0x1  }
0xa4: {  	[sflag:s23] =	ssyncset.done $0x0  }
0xa5: {  	[sflag:s23] =	ssyncadd.s32 $0xFFFFFFFF  }
0xa6: {  	s6 =	sld [smem:$0x0]  }
0xa7: {  	s7 =	sand.u32 $0xFFFFFFFE, s1  }
0xa8: {  	p0 =	sne.s32 s1, s7  }
0xa9: {  	s7 =	sshll.u32 @p0 s7, $0xE  }
0xaa: {  	s7 =	sadd.s32 @p0 $0x11B8D, s7;
	s8 =	sshll.u32 @p0 s6, $0x11  }
0xab: {  	s7 =	sor.u32 @p0 s8, s7  }
0xac: {  	[sflag:s7] =	ssyncadd.remote.s32 @p0 $0x1;
	_ =	sdelay $0x1  }
0xad: {  	s7 =	simm.s32 @p0 $0x1B8D  }
0xae: {  	_ =	swait.eq @p0 [sflag:s7], $0x1  }
0xaf: {  	[sflag:s7] =	ssyncadd.s32 @p0 $0xFFFFFFFF  }
0xb0: {  	s8 =	sshll.u32 @!p0 s1, $0xE  }
0xb1: {  	s8 =	sor.u32 @!p0 $0x4000, s8;
	s7 =	simm.s32 @!p0 $0x1B8D  }
0xb2: {  	s6 =	sshll.u32 @!p0 s6, $0x11;
	s8 =	sadd.s32 @!p0 $0x11B8D, s8;
	_ =	swait.eq @!p0 [sflag:s7], $0x1  }
0xb3: {  	s6 =	sor.u32 @!p0 s6, s8;
	[sflag:s7] =	ssyncadd.s32 @!p0 $0xFFFFFFFF  }
0xb4: {  	s25 =	simm.s32 $0x1B8E;
	s24 =	sld [smem:$0x3FFE];
	[sflag:s6] =	ssyncadd.remote.s32 @!p0 $0x1  }
0xb5: {  	s26 =	simm.s32 $execute0_lowered;
	[smem:$0x3FD2] =	sst s25  }
0xb6: {  	s7 =	sshll.u32 s26, $0x1;
	_ =	strace $0x80000049;
	[dreg:$0x1] =	wrdreg $0xFFFFFFFF  }
0xb7: {  	s28 =	simm.s32 $_size_execute0_lowered;
	s5 =	sadd.s32 s5, s7;
	[dreg:$0x0] =	wrdreg $0x0  }
0xb8: {  	s7 =	sshll.u32 s28, $0x1;
	[dreg:$0x2] =	wrdreg s5  }
0xb9: {  	[dreg:$0x3] =	wrdreg s7  }
0xba: {  	[dreg:$0x4] =	wrdreg $0xC0  }
0xbb: {  	_ =	task [dreg:s22], $0x5FFFF  }
0xbc: {  	[dreg:$0x1] =	wrdreg $0xFFFFFFFF  }
0xbd: {  	[dreg:$0x0] =	wrdreg $0x60  }
0xbe: {  	[dreg:$0x2] =	wrdreg s24  }
0xbf: {  	[dreg:$0x3] =	wrdreg s18  }
0xc0: {  	[dreg:$0x4] =	wrdreg s4  }
0xc1: {  	[dreg:$0x5] =	wrdreg $0x9  }
0xc2: {  	_ =	task.clear_ibuf [dreg:s22], $0x6FFFF;
	_ =	strace $0x90000049  }
0xc3: {  	s29 =	simm.s32 $0x9;
	_ =	strace $0x8000004B  }
0xc4: {  	_ =	swait.ge [sflag:s29], $0x1  }
0xc5: {  	[sflag:s29] =	ssyncadd.s32 $0xFFFFFFFF  }
0xc6: {  	_ =	strace $0x9000004B  }
0xc7: {  	_ =	sfence  }
0xc8: {  	s30 =	sld [smem:$0x0];
	_ =	sdelay $0x2  }
0xc9: {  	s31 =	sshll.u32 s1, $0xD;
	s1 =	sshrl.u32 s1, $0x2  }
0xca: {  	s4 =	sand.u32 $0x4000, s31;
	s1 =	sadd.s32 s1, s30  }
0xcb: {  	s0 =	sor.u32 s4, s0;
	s1 =	sshll.u32 s1, $0x11  }
0xcc: {  	s0 =	sor.u32 s1, s0  }
0xcd: {  	s0 =	sadd.s32 $0x8F2B, s0  }
0xce: {  	[sflag:s0] =	ssyncadd.remote.s32 $0x1  }
0xcf: {  	_ =	sfence.sel $0xFFFF  }
0xd0: {  	[dreg:$0x0] =	wrdreg $0xFFFFFFFF;
	(pc) =	sbr.abs _section_cstart, $3  }
0xd1: {  	[dreg:$0x1] =	wrdreg $0xFFFFFFFF  }
0xd2: {  	_ =	task.clear_ibuf [dreg:s22], $0x2FFFF;
	_ =	strace $0x9FFFFFFF  }
0xd3: {  	(tm) =	ssettm $0x7FFFFFFF  }
tec
execute0_lowered:
.L_overlay_start_1:
0x0: {  	(tag) =	ssettag $0x1  }
0x1: {  	s0 =	rddreg [dreg:$0x0]  }
0x2: {  	s2 =	rddreg [dreg:$0x1];
	s1 =	srdreg.scid  }
0x3: {  	s4 =	stileid.u32;
	s3 =	rddreg [dreg:$0x2]  }
0x4: {  	s19 =	simm.s32 $0x4800;
	s20 =	simm.s32 $0x3;
	s21 =	simm.s32 $0x800  }
0x5: {  	s31 =	simm.s32 $0xA000;
	s30 =	simm.s32 $0x9800;
	s22 =	simm.s32 $0xB000  }
0x6: {  	s23 =	simm.s32 $0xB080;
	s24 =	simm.s32 $0x2;
	s25 =	simm.s32 $0x0  }
0x7: {  	s1 =	sand.u32 $0x1, s1;
	s5 =	sshll.u32 s4, $0x1;
	s4 =	simm.s32 $0x0  }
0x8: {  	s16 =	sadd.s32 $0x1C800, s0;
	s6 =	sadd.s32 $0x10, s2;
	s7 =	sadd.s32 $0x20, s2  }
0x9: {  	s8 =	sadd.s32 $0x30, s2;
	s9 =	sadd.s32 $0x40, s2;
	s10 =	sadd.s32 $0x50, s2  }
0xa: {  	s11 =	sadd.s32 $0x60, s2;
	s12 =	sadd.s32 $0x70, s2;
	s14 =	sor.u32 s1, s5  }
0xb: {  	[smem:$0x7FF] =	sst s4;
	s1 =	ssub.s32 $0x2, s1;
	s5 =	sshll.u32 s14, $0x9  }
0xc: {  	v0 =	vlaneseq.u32;
	_ =	strace $0x8000004A;
	s28 =	sshrl.u32 s1, $0x1;
	s15 =	sshll.u32 s14, $0x5  }
0xd: {  	v0 =	vmul.u32 $0x8, v0;
	s17 =	sshll.u32 s14, $0x2;
	s13 =	sadd.s32 s5, s0;
	s0 =	sadd.s32 $0x1CC00, s0  }
0xe: {  	s1 =	ssub.s32 s1, s28;
	s18 =	sor.u32 $0x10, s15;
	s14 =	sadd.s32 s16, s15  }
0xf: {  	v1 =	vor.u32 $0x1, v0;
	s5 =	sadd.s32 $0x18800, s13;
	s13 =	sadd.s32 $0x18900, s13;
	s15 =	sadd.s32 s0, s17  }
0x10: {  	v2 =	vor.u32 $0x2, v0;
	v3 =	vor.u32 $0x3, v0;
	v4 =	vor.u32 $0x4, v0;
	s29 =	sshrl.u32 s18, $0x3;
	s16 =	sadd.s32 s16, s18;
	s18 =	smax.u32 s1, $0x1  }
0x11: {  	v5 =	vor.u32 $0x5, v0;
	v6 =	vor.u32 $0x6, v0;
	v7 =	vor.u32 $0x7, v0;
	s1 =	simm.s32 $0x1;
	s17 =	sadd.s32 s0, s29;
	s0 =	simm.s32 $0x5800  }
.LBB2_1:
0x12: {  	[tilespmem:s19], [sflag:$0x3] =	stream.linear.gather [hbm4b:s5+s4], $0x800, $0x38;
	[tilespmem:$0xB100] =	vst v63  }
0x13: {  	_ =	swait.ge [sflag:s20], $0x800  }
0x14: {  	[sflag:s20] =	ssyncset.done $0x0  }
0x15: {  	s26 =	simm.s32 $0x5000;
	[sflag:s20] =	ssyncadd.s32 $0xFFFFF800  }
0x16: {  	[tilespmem:s26], [sflag:$0x1] =	stream.indirect.gather [hbm4b:s3+s21], $0x1, s19, s21, $0xb8;
	[tilespmem:$0xB100] =	vst v63  }
0x17: {  	s26 =	simm.s32 $0x0  }
0x18: {  	s28 =	simm.s32 $0x40;
	v8 =	vld [tilespmem:s26+$0x4800]  }
.LBB2_2:
0x19: {  	_ =	sdelay $0x1  }
0x1a: {  	p0 =	sne.s32 s28, $0x1FC0  }
.Ltmp0:
0x1b: {  	_ = 	snop;
	(pc) =	sbr.rel @p0 .LBB2_2-.Ltmp0, $4  }
0x1c: {  	v9 =	vshll.u32 v8, $0x3  }
0x1d: {  	v10 =	vand.u32 $0x7F, v8;
	v9 =	vand.u32 $0xFFFFFC00, v9  }
0x1e: {  	s29 =	sshra.s32 s28, $0x2;
	v9 =	vor.u32 v10, v9  }
0x1f: {  	s28 =	sadd.s32 $0x40, s28;
	v8 =	vld [tilespmem:s29+$0x4800];
	[tilespmem:s26+$0x0] =	vst v9;
	s26 =	smov.u32 s29  }
0x20: {  	_ =	sdelay $0x3  }
0x21: {  	v9 =	vshll.u32 v8, $0x3  }
0x22: {  	v8 =	vand.u32 $0x7F, v8;
	v9 =	vand.u32 $0xFFFFFC00, v9  }
0x23: {  	v8 =	vor.u32 v8, v9  }
0x24: {  	s29 =	simm.s32 $0x0;
	[tilespmem:s26+$0x0] =	vst v8  }
0x25: {  	[tilespmem:s21], [sflag:$0x1] =	stream.indirect.gather [hbm4b:s2+s21], $0x1, s29, s21, $0xb8;
	[tilespmem:$0xB100] =	vst v63  }
0x26: {  	s28 =	simm.s32 $0x1000  }
0x27: {  	[tilespmem:s28], [sflag:$0x1] =	stream.indirect.gather [hbm4b:s6+s21], $0x1, s29, s21, $0xb8;
	[tilespmem:$0xB100] =	vst v63  }
0x28: {  	s28 =	simm.s32 $0x1800  }
0x29: {  	[tilespmem:s28], [sflag:$0x1] =	stream.indirect.gather [hbm4b:s7+s21], $0x1, s29, s21, $0xb8;
	[tilespmem:$0xB100] =	vst v63  }
0x2a: {  	s28 =	simm.s32 $0x2000  }
0x2b: {  	[tilespmem:s28], [sflag:$0x1] =	stream.indirect.gather [hbm4b:s8+s21], $0x1, s29, s21, $0xb8;
	[tilespmem:$0xB100] =	vst v63  }
0x2c: {  	s28 =	simm.s32 $0x2800  }
0x2d: {  	[tilespmem:s28], [sflag:$0x1] =	stream.indirect.gather [hbm4b:s9+s21], $0x1, s29, s21, $0xb8;
	[tilespmem:$0xB100] =	vst v63  }
0x2e: {  	s28 =	simm.s32 $0x3000  }
0x2f: {  	[tilespmem:s28], [sflag:$0x1] =	stream.indirect.gather [hbm4b:s10+s21], $0x1, s29, s21, $0xb8;
	[tilespmem:$0xB100] =	vst v63  }
0x30: {  	s28 =	simm.s32 $0x3800  }
0x31: {  	[tilespmem:s28], [sflag:$0x1] =	stream.indirect.gather [hbm4b:s11+s21], $0x1, s29, s21, $0xb8;
	[tilespmem:$0xB100] =	vst v63  }
0x32: {  	s28 =	simm.s32 $0x4000  }
0x33: {  	[tilespmem:s28], [sflag:$0x1] =	stream.indirect.gather [hbm4b:s12+s21], $0x1, s29, s21, $0xb8;
	[tilespmem:$0xB100] =	vst v63  }
0x34: {  	_ = 	snop  }
0x35: {  	[tilespmem:s31], [sflag:$0x3] =	stream.linear.gather [hbm4b:s13+s29], $0x800, $0x38;
	[tilespmem:$0xB100] =	vst v63  }
0x36: {  	_ =	swait.ge [sflag:s20], $0x800  }
0x37: {  	[sflag:s20] =	ssyncset.done $0x0  }
0x38: {  	s26 =	simm.s32 $0x0;
	s29 =	simm.s32 $0xA800;
	[sflag:s20] =	ssyncadd.s32 $0xFFFFF800  }
0x39: {  	[tilespmem:s29], [sflag:$0x2] =	stream.indirect.gather [hbm4b:s3+s21], $0x1, s31, s21, $0xb8;
	[tilespmem:$0xB100] =	vst v63  }
0x3a: {  	s28 =	simm.s32 $0x40;
	v8 =	vld [tilespmem:s26+$0xA000]  }
.LBB2_4:
0x3b: {  	_ =	sdelay $0x1  }
0x3c: {  	p0 =	sne.s32 s28, $0x1FC0  }
.Ltmp1:
0x3d: {  	_ = 	snop;
	(pc) =	sbr.rel @p0 .LBB2_4-.Ltmp1, $4  }
0x3e: {  	v9 =	vshll.u32 v8, $0x3  }
0x3f: {  	v10 =	vand.u32 $0x7F, v8;
	v9 =	vand.u32 $0xFFFFFC00, v9  }
0x40: {  	s29 =	sshra.s32 s28, $0x2;
	v9 =	vor.u32 v10, v9  }
0x41: {  	s28 =	sadd.s32 $0x40, s28;
	v8 =	vld [tilespmem:s29+$0xA000];
	[tilespmem:s26+$0x5800] =	vst v9;
	s26 =	smov.u32 s29  }
0x42: {  	_ =	sdelay $0x3  }
0x43: {  	v9 =	vshll.u32 v8, $0x3  }
0x44: {  	v8 =	vand.u32 $0x7F, v8;
	v9 =	vand.u32 $0xFFFFFC00, v9  }
0x45: {  	v8 =	vor.u32 v8, v9  }
0x46: {  	s29 =	simm.s32 $0x6000;
	[tilespmem:s26+$0x5800] =	vst v8  }
0x47: {  	[tilespmem:s29], [sflag:$0x2] =	stream.indirect.gather [hbm4b:s2+s21], $0x1, s0, s21, $0xb8;
	[tilespmem:$0xB100] =	vst v63  }
0x48: {  	s29 =	simm.s32 $0x6800  }
0x49: {  	[tilespmem:s29], [sflag:$0x2] =	stream.indirect.gather [hbm4b:s6+s21], $0x1, s0, s21, $0xb8;
	[tilespmem:$0xB100] =	vst v63  }
0x4a: {  	s29 =	simm.s32 $0x7000  }
0x4b: {  	[tilespmem:s29], [sflag:$0x2] =	stream.indirect.gather [hbm4b:s7+s21], $0x1, s0, s21, $0xb8;
	[tilespmem:$0xB100] =	vst v63  }
0x4c: {  	s29 =	simm.s32 $0x7800  }
0x4d: {  	[tilespmem:s29], [sflag:$0x2] =	stream.indirect.gather [hbm4b:s8+s21], $0x1, s0, s21, $0xb8;
	[tilespmem:$0xB100] =	vst v63  }
0x4e: {  	s29 =	simm.s32 $0x8000  }
0x4f: {  	[tilespmem:s29], [sflag:$0x2] =	stream.indirect.gather [hbm4b:s9+s21], $0x1, s0, s21, $0xb8;
	[tilespmem:$0xB100] =	vst v63  }
0x50: {  	s29 =	simm.s32 $0x8800  }
0x51: {  	[tilespmem:s29], [sflag:$0x2] =	stream.indirect.gather [hbm4b:s10+s21], $0x1, s0, s21, $0xb8;
	[tilespmem:$0xB100] =	vst v63  }
0x52: {  	s29 =	simm.s32 $0x9000  }
0x53: {  	[tilespmem:s29], [sflag:$0x2] =	stream.indirect.gather [hbm4b:s11+s21], $0x1, s0, s21, $0xb8;
	[tilespmem:$0xB100] =	vst v63  }
0x54: {  	_ = 	snop  }
0x55: {  	[tilespmem:s30], [sflag:$0x2] =	stream.indirect.gather [hbm4b:s12+s21], $0x1, s0, s21, $0xb8;
	[tilespmem:$0xB100] =	vst v63  }
0x56: {  	_ =	swait.ge [sflag:s1], $0x800  }
0x57: {  	[sflag:s1] =	ssyncset.done $0x0  }
0x58: {  	[sflag:s1] =	ssyncadd.s32 $0xFFFFF800  }
0x59: {  	_ =	swait.ge [sflag:s1], $0x800  }
0x5a: {  	[sflag:s1] =	ssyncset.done $0x0  }
0x5b: {  	[sflag:s1] =	ssyncadd.s32 $0xFFFFF800  }
0x5c: {  	_ =	swait.ge [sflag:s1], $0x800  }
0x5d: {  	[sflag:s1] =	ssyncset.done $0x0  }
0x5e: {  	[sflag:s1] =	ssyncadd.s32 $0xFFFFF800  }
0x5f: {  	_ =	swait.ge [sflag:s1], $0x800  }
0x60: {  	[sflag:s1] =	ssyncset.done $0x0  }
0x61: {  	[sflag:s1] =	ssyncadd.s32 $0xFFFFF800  }
0x62: {  	_ =	swait.ge [sflag:s1], $0x800  }
0x63: {  	[sflag:s1] =	ssyncset.done $0x0  }
0x64: {  	[sflag:s1] =	ssyncadd.s32 $0xFFFFF800  }
0x65: {  	_ =	swait.ge [sflag:s1], $0x800  }
0x66: {  	[sflag:s1] =	ssyncset.done $0x0  }
0x67: {  	[sflag:s1] =	ssyncadd.s32 $0xFFFFF800  }
0x68: {  	_ =	swait.ge [sflag:s1], $0x800  }
0x69: {  	[sflag:s1] =	ssyncset.done $0x0  }
0x6a: {  	[sflag:s1] =	ssyncadd.s32 $0xFFFFF800  }
0x6b: {  	_ =	swait.ge [sflag:s1], $0x800  }
0x6c: {  	[sflag:s1] =	ssyncset.done $0x0  }
0x6d: {  	[sflag:s1] =	ssyncadd.s32 $0xFFFFF800  }
0x6e: {  	_ =	swait.ge [sflag:s1], $0x800  }
0x6f: {  	[sflag:s1] =	ssyncset.done $0x0  }
0x70: {  	s29 =	simm.s32 $0x0;
	[sflag:s1] =	ssyncadd.s32 $0xFFFFF800  }
0x71: {  	v8 =	vld [tilespmem:s29+$0x5000]  }
0x72: {  	v10 =	vld [tilespmem:s29+$0x800]  }
0x73: {  	v11 =	vld [tilespmem:s29+$0x1000]  }
0x74: {  	v12 =	vld [tilespmem:s29+$0x1800]  }
0x75: {  	v19 =	vld [tilespmem:s29+$0x2000]  }
0x76: {  	v9 =	vimm.f32 $0.0e+00;
	v17 =	vld [tilespmem:s29+$0x2800]  }
0x77: {  	v14 =	vimm.f32 $0.0e+00;
	v20 =	vld [tilespmem:s29+$0x3000];
	v8 =	vadd.f32 v8, v9  }
0x78: {  	v16 =	vimm.f32 $0.0e+00;
	v18 =	vld [tilespmem:s29+$0x3800];
	v15 =	vadd.f32 v10, v9;
	v13 =	vadd.f32 v11, v9  }
0x79: {  	s28 =	simm.s32 $0x80;
	s26 =	simm.s32 $0x10;
	v21 =	vld [tilespmem:s29+$0x4000];
	v11 =	vadd.f32 v12, v9;
	v12 =	vimm.f32 $0.0e+00;
	v10 =	vimm.f32 $0.0e+00  }
.LBB2_6:
0x7a: {  	p0 =	sne.s32 s28, $0x1FC0;
	v22 =	vld [tilespmem:s26+$0x5000];
	v9 =	vadd.f32 v19, v9  }
0x7b: {  	v23 =	vld [tilespmem:s26+$0x800];
	v14 =	vadd.f32 v17, v14  }
0x7c: {  	v24 =	vld [tilespmem:s26+$0x1000];
	v16 =	vadd.f32 v20, v16  }
0x7d: {  	v25 =	vld [tilespmem:s26+$0x1800];
	v12 =	vadd.f32 v18, v12  }
.Ltmp2:
0x7e: {  	v19 =	vld [tilespmem:s26+$0x2000];
	v10 =	vadd.f32 v21, v10;
	(pc) =	sbr.rel @p0 .LBB2_6-.Ltmp2, $4  }
0x7f: {  	v17 =	vld [tilespmem:s26+$0x2800];
	v8 =	vadd.f32 v22, v8  }
0x80: {  	v15 =	vadd.f32 v23, v15;
	v20 =	vld [tilespmem:s26+$0x3000]  }
0x81: {  	v13 =	vadd.f32 v24, v13;
	v18 =	vld [tilespmem:s26+$0x3800]  }
0x82: {  	v11 =	vadd.f32 v25, v11;
	v21 =	vld [tilespmem:s26+$0x4000];
	s26 =	sshra.s32 s28, $0x2;
	s28 =	sadd.s32 $0x40, s28  }
0x83: {  	v22 =	vld [tilespmem:s26+$0x5000]  }
0x84: {  	v23 =	vld [tilespmem:s26+$0x800]  }
0x85: {  	v24 =	vld [tilespmem:s26+$0x1000]  }
0x86: {  	v25 =	vld [tilespmem:s26+$0x1800]  }
0x87: {  	v26 =	vld [tilespmem:s26+$0x2000]  }
0x88: {  	v27 =	vld [tilespmem:s26+$0x2800]  }
0x89: {  	v28 =	vld [tilespmem:s26+$0x3000];
	v15 =	vadd.f32 v23, v15  }
0x8a: {  	v9 =	vadd.f32 v19, v9;
	v23 =	vld [tilespmem:s26+$0x3800];
	v13 =	vadd.f32 v24, v13  }
0x8b: {  	v19 =	vld [tilespmem:s26+$0x4000];
	v14 =	vadd.f32 v17, v14;
	v11 =	vadd.f32 v25, v11;
	[tilespmem:v0+s22+$0x0] =	vst.idx.msk $0xffff, v15  }
0x8c: {  	v9 =	vadd.f32 v26, v9;
	v15 =	vadd.f32 v20, v16;
	[tilespmem:v1+s22+$0x0] =	vst.idx.msk $0xffff, v13  }
0x8d: {  	v12 =	vadd.f32 v18, v12;
	v13 =	vadd.f32 v27, v14;
	[tilespmem:v2+s22+$0x0] =	vst.idx.msk $0xffff, v11  }
0x8e: {  	v10 =	vadd.f32 v21, v10;
	v11 =	vadd.f32 v28, v15;
	[tilespmem:v3+s22+$0x0] =	vst.idx.msk $0xffff, v9  }
0x8f: {  	v9 =	vadd.f32 v23, v12;
	[tilespmem:v4+s22+$0x0] =	vst.idx.msk $0xffff, v13  }
0x90: {  	v10 =	vadd.f32 v19, v10;
	[tilespmem:v5+s22+$0x0] =	vst.idx.msk $0xffff, v11  }
0x91: {  	v8 =	vadd.f32 v22, v8;
	[tilespmem:v6+s22+$0x0] =	vst.idx.msk $0xffff, v9  }
0x92: {  	[tilespmem:v7+s22+$0x0] =	vst.idx.msk $0xffff, v10  }
0x93: {  	s29 =	simm.s32 $0x0;
	[tilespmem:$0xB080] =	vst v8  }
0x94: {  	[hbm4b:s14+s29] =	stream.linear.scatter [tilespmem:s22], [sflag:$0x3], $0x80, $0x38;
	[tilespmem:$0xB100] =	vst v63  }
0x95: {  	_ =	swait.ge [sflag:s20], $0x80  }
0x96: {  	[sflag:s20] =	ssyncset.done $0x0  }
0x97: {  	[sflag:s20] =	ssyncadd.s32 $0xFFFFFF80  }
0x98: {  	[hbm4b:s15+s29] =	stream.linear.scatter [tilespmem:s23], [sflag:$0x3], $0x10, $0x38;
	[tilespmem:$0xB100] =	vst v63  }
0x99: {  	_ =	swait.ge [sflag:s20], $0x10  }
0x9a: {  	[sflag:s20] =	ssyncset.done $0x0  }
0x9b: {  	[sflag:s20] =	ssyncadd.s32 $0xFFFFFFF0  }
0x9c: {  	_ =	swait.ge [sflag:s24], $0x800  }
0x9d: {  	[sflag:s24] =	ssyncset.done $0x0  }
0x9e: {  	[sflag:s24] =	ssyncadd.s32 $0xFFFFF800  }
0x9f: {  	_ =	swait.ge [sflag:s24], $0x800  }
0xa0: {  	[sflag:s24] =	ssyncset.done $0x0  }
0xa1: {  	[sflag:s24] =	ssyncadd.s32 $0xFFFFF800  }
0xa2: {  	_ =	swait.ge [sflag:s24], $0x800  }
0xa3: {  	[sflag:s24] =	ssyncset.done $0x0  }
0xa4: {  	[sflag:s24] =	ssyncadd.s32 $0xFFFFF800  }
0xa5: {  	_ =	swait.ge [sflag:s24], $0x800  }
0xa6: {  	[sflag:s24] =	ssyncset.done $0x0  }
0xa7: {  	[sflag:s24] =	ssyncadd.s32 $0xFFFFF800  }
0xa8: {  	_ =	swait.ge [sflag:s24], $0x800  }
0xa9: {  	[sflag:s24] =	ssyncset.done $0x0  }
0xaa: {  	[sflag:s24] =	ssyncadd.s32 $0xFFFFF800  }
0xab: {  	_ =	swait.ge [sflag:s24], $0x800  }
0xac: {  	[sflag:s24] =	ssyncset.done $0x0  }
0xad: {  	[sflag:s24] =	ssyncadd.s32 $0xFFFFF800  }
0xae: {  	_ =	swait.ge [sflag:s24], $0x800  }
0xaf: {  	[sflag:s24] =	ssyncset.done $0x0  }
0xb0: {  	[sflag:s24] =	ssyncadd.s32 $0xFFFFF800  }
0xb1: {  	_ =	swait.ge [sflag:s24], $0x800  }
0xb2: {  	[sflag:s24] =	ssyncset.done $0x0  }
0xb3: {  	[sflag:s24] =	ssyncadd.s32 $0xFFFFF800  }
0xb4: {  	_ =	swait.ge [sflag:s24], $0x800  }
0xb5: {  	[sflag:s24] =	ssyncset.done $0x0  }
0xb6: {  	s29 =	simm.s32 $0x0;
	[sflag:s24] =	ssyncadd.s32 $0xFFFFF800  }
0xb7: {  	v8 =	vld [tilespmem:s29+$0xA800]  }
0xb8: {  	v10 =	vld [tilespmem:s29+$0x6000]  }
0xb9: {  	v11 =	vld [tilespmem:s29+$0x6800]  }
0xba: {  	v12 =	vld [tilespmem:s29+$0x7000]  }
0xbb: {  	v19 =	vld [tilespmem:s29+$0x7800]  }
0xbc: {  	v9 =	vimm.f32 $0.0e+00;
	v17 =	vld [tilespmem:s29+$0x8000]  }
0xbd: {  	v16 =	vimm.f32 $0.0e+00;
	v20 =	vld [tilespmem:s29+$0x8800];
	v8 =	vadd.f32 v8, v9  }
0xbe: {  	v14 =	vimm.f32 $0.0e+00;
	v18 =	vld [tilespmem:s29+$0x9000];
	v15 =	vadd.f32 v10, v9;
	v13 =	vadd.f32 v11, v9  }
0xbf: {  	s28 =	simm.s32 $0x80;
	s26 =	simm.s32 $0x10;
	v21 =	vld [tilespmem:s29+$0x9800];
	v11 =	vadd.f32 v12, v9;
	v12 =	vimm.f32 $0.0e+00;
	v10 =	vimm.f32 $0.0e+00  }
.LBB2_8:
0xc0: {  	p0 =	sne.s32 s28, $0x1FC0;
	v22 =	vld [tilespmem:s26+$0xA800];
	v9 =	vadd.f32 v19, v9  }
0xc1: {  	v23 =	vld [tilespmem:s26+$0x6000];
	v14 =	vadd.f32 v17, v14  }
0xc2: {  	v24 =	vld [tilespmem:s26+$0x6800];
	v16 =	vadd.f32 v20, v16  }
0xc3: {  	v25 =	vld [tilespmem:s26+$0x7000];
	v12 =	vadd.f32 v18, v12  }
.Ltmp3:
0xc4: {  	v19 =	vld [tilespmem:s26+$0x7800];
	v10 =	vadd.f32 v21, v10;
	(pc) =	sbr.rel @p0 .LBB2_8-.Ltmp3, $4  }
0xc5: {  	v17 =	vld [tilespmem:s26+$0x8000];
	v8 =	vadd.f32 v22, v8  }
0xc6: {  	v15 =	vadd.f32 v23, v15;
	v20 =	vld [tilespmem:s26+$0x8800]  }
0xc7: {  	v13 =	vadd.f32 v24, v13;
	v18 =	vld [tilespmem:s26+$0x9000]  }
0xc8: {  	v11 =	vadd.f32 v25, v11;
	v21 =	vld [tilespmem:s26+$0x9800];
	s26 =	sshra.s32 s28, $0x2;
	s28 =	sadd.s32 $0x40, s28  }
0xc9: {  	v22 =	vld [tilespmem:s26+$0xA800]  }
0xca: {  	v23 =	vld [tilespmem:s26+$0x6000]  }
0xcb: {  	v24 =	vld [tilespmem:s26+$0x6800]  }
0xcc: {  	v25 =	vld [tilespmem:s26+$0x7000]  }
0xcd: {  	v26 =	vld [tilespmem:s26+$0x7800]  }
0xce: {  	v27 =	vld [tilespmem:s26+$0x8000]  }
0xcf: {  	v28 =	vld [tilespmem:s26+$0x8800];
	v15 =	vadd.f32 v23, v15  }
0xd0: {  	v58 =	vld [tilespmem:s26+$0x9000];
	v9 =	vadd.f32 v19, v9;
	v13 =	vadd.f32 v24, v13  }
0xd1: {  	v59 =	vld [tilespmem:s26+$0x9800];
	v14 =	vadd.f32 v17, v14;
	v11 =	vadd.f32 v25, v11;
	[tilespmem:v0+s22+$0x0] =	vst.idx.msk $0xffff, v15  }
0xd2: {  	v60 =	vadd.f32 v20, v16;
	v9 =	vadd.f32 v26, v9;
	[tilespmem:v1+s22+$0x0] =	vst.idx.msk $0xffff, v13  }
0xd3: {  	v12 =	vadd.f32 v18, v12;
	v61 =	vadd.f32 v27, v14;
	[tilespmem:v2+s22+$0x0] =	vst.idx.msk $0xffff, v11  }
0xd4: {  	v10 =	vadd.f32 v21, v10;
	v62 =	vadd.f32 v28, v60;
	[tilespmem:v3+s22+$0x0] =	vst.idx.msk $0xffff, v9  }
0xd5: {  	v63 =	vadd.f32 v58, v12;
	[tilespmem:v4+s22+$0x0] =	vst.idx.msk $0xffff, v61  }
0xd6: {  	v10 =	vadd.f32 v59, v10;
	[tilespmem:v5+s22+$0x0] =	vst.idx.msk $0xffff, v62  }
0xd7: {  	v8 =	vadd.f32 v22, v8;
	[tilespmem:v6+s22+$0x0] =	vst.idx.msk $0xffff, v63  }
0xd8: {  	[tilespmem:v7+s22+$0x0] =	vst.idx.msk $0xffff, v10  }
0xd9: {  	[tilespmem:$0xB080] =	vst v8  }
0xda: {  	[hbm4b:s16+s4] =	stream.linear.scatter [tilespmem:s22], [sflag:$0x3], $0x80, $0x38;
	[tilespmem:$0xB100] =	vst v63  }
0xdb: {  	s25 =	sadd.s32 $0x1, s25;
	_ =	swait.ge [sflag:s20], $0x80  }
0xdc: {  	p0 =	sne.s32 s25, s18;
	[sflag:s20] =	ssyncset.done $0x0  }
.Ltmp4:
0xdd: {  	[sflag:s20] =	ssyncadd.s32 $0xFFFFFF80;
	(pc) =	sbr.rel @p0 .LBB2_1-.Ltmp4, $4  }
0xde: {  	[hbm4b:s17+s4] =	stream.linear.scatter [tilespmem:s23], [sflag:$0x3], $0x10, $0x38;
	[tilespmem:$0xB100] =	vst v63  }
0xdf: {  	_ =	swait.ge [sflag:s20], $0x10  }
0xe0: {  	[sflag:s20] =	ssyncset.done $0x0  }
0xe1: {  	[sflag:s20] =	ssyncadd.s32 $0xFFFFFFF0  }
0xe2: {  	_ =	sfence.sel $0x180000  }
0xe3: {  	[bflag:$0x0] =	sbarrier.arrive $0xFFFF  }
0xe4: {  	_ =	strace $0x9000004A  }
0xe5: {  	s0 =	stileid.u32;
	[bflag:$0x2] =	sbarrier.arrive $0xFFFF  }
0xe6: {  	p0 =	sne.s32 s0, $0x0;
	s0 =	rddreg [dreg:$0x3]  }
0xe7: {  	s0 =	sadd.s32 @!p0 $0x100000, s0  }
0xe8: {  	[sflag:s0] =	ssyncadd.tile.s32 @!p0 $0x1;
	_ =	shalt  }
.Lfunc_end2:
_tile_overlayer_lowered:
.L_overlay_start_2:
0xe9: {  	(tag) =	ssettag $0x2  }
0xea: {  	s0 =	rddreg [dreg:$0x0];
	s2 =	stileid.u32  }
0xeb: {  	s1 =	rddreg [dreg:$0x1];
	p0 =	sne.s32 s2, $0x0  }
0xec: {  	s3 =	rddreg [dreg:$0x2];
	[bflag:$0x3] =	sbarrier.arrive $0xFFFF;
	s2 =	simm.s32 @!p0 $0x1C03  }
0xed: {  	[timem:s3], [sflag:s2] =	dma.local @!p0 [hbm:s0], s1  }
0xee: {  	s0 =	simm.s32 @!p0 $0x3  }
0xef: {  	_ =	swait.ge @!p0 [sflag:s0], s1  }
0xf0: {  	s1 =	ssub.s32 @!p0 $0x0, s1;
	[sflag:s0] =	ssyncset.done @!p0 $0x0  }
0xf1: {  	[sflag:s0] =	ssyncadd.s32 @!p0 s1  }
0xf2: {  	[bflag:$0x3] =	sbarrier.arrive $0xFFFF  }
0xf3: {  	_ =	shalt  }

// kernel: kernel.13.cloned.1.call-start
scs
__scs_entry_jumppad:
0x0: {  	(pc) =	sbr.rel $0x88, $3  }
0x1: {  	(tag) =	ssettag $0x0;
	lr =	simm.s32 $0x1  }
0x2: {  	[smem:$0x3F9D] =	sst lr;
	_ =	strace $0xD0000000  }
0x3: {  	_ = 	snop  }
0x4: {  	_ = 	snop  }
0x5: {  	_ = 	snop  }
0x6: {  	_ = 	snop  }
0x7: {  	_ = 	snop  }
__scs_overlays_trampoline_lowered:
0x8: {  	[smem:$0x3FAC] =	sst s0  }
0x9: {  	[smem:$0x3FAD] =	sst s1  }
0xa: {  	[smem:$0x3FAE] =	sst s2  }
0xb: {  	[smem:$0x3FAF] =	sst s3  }
0xc: {  	[smem:$0x3FB0] =	sst s4  }
0xd: {  	[smem:$0x3FB1] =	sst s5  }
0xe: {  	[smem:$0x3FB2] =	sst s6  }
0xf: {  	[smem:$0x3FB3] =	sst s7  }
0x10: {  	[smem:$0x3FB4] =	sst s8  }
0x11: {  	[smem:$0x3FB5] =	sst s9;
	s0 =	simm.s32 @!p0 $0x0  }
0x12: {  	s1 =	sld [smem:$0x3F9B];
	s0 =	simm.s32 @p0 $0x1  }
0x13: {  	[smem:$0x3FB6] =	sst s0;
	s0 =	simm.s32 @!p1 $0x0  }
0x14: {  	s2 =	sld [smem:$0x3F9A];
	s0 =	simm.s32 @p1 $0x1  }
0x15: {  	[smem:$0x3FB7] =	sst s0;
	s0 =	simm.s32 @!p2 $0x0  }
0x16: {  	s3 =	sld [smem:$0x3FDB];
	s0 =	simm.s32 @p2 $0x1  }
0x17: {  	s4 =	simm.s32 $0x1BF5;
	[smem:$0x3FB9] =	sst s0  }
0x18: {  	s0 =	sld [smem:$0x3F9C];
	_ =	swait.ge [sflag:s4], $0x0  }
0x19: {  	s7 =	sld [smem:$0x3F9D]  }
0x1a: {  	s8 =	sadd.s32 $0xFFFFE003, lr  }
0x1b: {  	s9 =	sadd.s32 $0xFFFFFEF7, lr;
	s5 =	simm.s32 $0xFFFFFFFF;
	p2 =	slt.u32 s8, $0xFFFFF086  }
0x1c: {  	p1 =	slt.u32 s9, $0xF7A;
	s5 =	simm.s32 @!p2 $0x0  }
0x1d: {  	s5 =	simm.s32 @p1 $0x1;
	p0 =	seq.s32 s7, s2  }
0x1e: {  	s7 =	smul.u32 @!p0 $0xF7A, s2;
	p2 =	seq.s32 @!p0 s5, $0x0  }
0x1f: {  	s9 =	smul.u32 $0xF7A, s1;
	s8 =	simm.s32 @!p0 $0x1BF5;
	p2 =	por !p2, p0  }
0x20: {  	[sflag:s8] =	ssyncset.s32 @!p0 $0xFFFFF086;
	s6 =	sadd.s32 @!p0 s3, s7;
	s7 =	simm.s32 @!p0 $0x108  }
0x21: {  	s3 =	sadd.s32 s3, s9;
	s6 =	sadd.s32 @!p0 $0x88, s6;
	s7 =	simm.s32 @p2 $0x1082  }
0x22: {  	[simem:s7], [sflag:s8] =	dma.local @!p0 [hbm:s6], $0xF7A  }
0x23: {  	s9 =	sor.u32 $0xD0000000, s2;
	s6 =	simm.s32 $0x108;
	_ =	swait.ge @!p0 [sflag:s8], $0x0  }
0x24: {  	s3 =	sadd.s32 $0x88, s3;
	s6 =	simm.s32 @!p1 $0x1082;
	[sflag:s4] =	ssyncset.s32 $0xFFFFF086  }
0x25: {  	[simem:s6], [sflag:s4] =	dma.local [hbm:s3], $0xF7A  }
0x26: {  	[smem:$0x3F9D] =	sst s1;
	(tag) =	ssettag s2;
	_ =	strace s9  }
0x27: {  	s1 =	sld [smem:$0x3FAD]  }
0x28: {  	s2 =	sld [smem:$0x3FAE]  }
0x29: {  	s4 =	sld [smem:$0x3FB0]  }
0x2a: {  	p0 =	seq.s32 s5, $0x0;
	s5 =	sld [smem:$0x3FB1]  }
0x2b: {  	s6 =	sld [smem:$0x3FB2]  }
0x2c: {  	s7 =	sld [smem:$0x3FB3]  }
0x2d: {  	s3 =	simm.s32 $0x108;
	s8 =	sld [smem:$0x3FB4]  }
0x2e: {  	s3 =	simm.s32 @!p0 $0x1082;
	s9 =	sld [smem:$0x3FB5]  }
0x2f: {  	lr =	sadd.s32 s0, s3;
	s0 =	sld [smem:$0x3FAC]  }
0x30: {  	s3 =	sld [smem:$0x3FAF]  }
0x31: {  	[smem:$0x3FB8] =	sst s10  }
0x32: {  	s10 =	sld [smem:$0x3FB6];
	_ =	sdelay $0x3  }
0x33: {  	p0 =	seq.s32 s10, $0x1;
	s10 =	sld [smem:$0x3FB8];
	_ =	sdelay $0x3  }
0x34: {  	[smem:$0x3FB8] =	sst s10  }
0x35: {  	s10 =	sld [smem:$0x3FB7];
	_ =	sdelay $0x3  }
0x36: {  	p1 =	seq.s32 s10, $0x1;
	s10 =	sld [smem:$0x3FB8];
	_ =	sdelay $0x3  }
0x37: {  	[smem:$0x3FB8] =	sst s10  }
0x38: {  	s10 =	sld [smem:$0x3FB9]  }
0x39: {  	_ = 	snop;
	(pc) =	sbr.ind lr, $3  }
0x3a: {  	_ = 	snop  }
0x3b: {  	_ = 	snop  }
0x3c: {  	p2 =	seq.s32 s10, $0x1;
	s10 =	sld [smem:$0x3FB8]  }
0x3d: {  	_ =	shalt  }
0x3e: {  	_ =	shalt  }
0x3f: {  	_ =	shalt  }
0x40: {  	_ =	shalt  }
0x41: {  	_ =	shalt  }
0x42: {  	_ =	shalt  }
0x43: {  	_ =	shalt  }
0x44: {  	_ =	shalt  }
0x45: {  	_ =	shalt  }
0x46: {  	_ =	shalt  }
0x47: {  	_ =	shalt  }
0x48: {  	_ =	shalt  }
0x49: {  	_ =	shalt  }
0x4a: {  	_ =	shalt  }
0x4b: {  	_ =	shalt  }
0x4c: {  	_ =	shalt  }
0x4d: {  	_ =	shalt  }
0x4e: {  	_ =	shalt  }
0x4f: {  	_ =	shalt  }
0x50: {  	_ =	shalt  }
0x51: {  	_ =	shalt  }
0x52: {  	_ =	shalt  }
0x53: {  	_ =	shalt  }
0x54: {  	_ =	shalt  }
0x55: {  	_ =	shalt  }
0x56: {  	_ =	shalt  }
0x57: {  	_ =	shalt  }
0x58: {  	_ =	shalt  }
0x59: {  	_ =	shalt  }
0x5a: {  	_ =	shalt  }
0x5b: {  	_ =	shalt  }
0x5c: {  	_ =	shalt  }
0x5d: {  	_ =	shalt  }
0x5e: {  	_ =	shalt  }
0x5f: {  	_ =	shalt  }
0x60: {  	_ =	shalt  }
0x61: {  	_ =	shalt  }
0x62: {  	_ =	shalt  }
0x63: {  	_ =	shalt  }
0x64: {  	_ =	shalt  }
0x65: {  	_ =	shalt  }
0x66: {  	_ =	shalt  }
0x67: {  	_ =	shalt  }
0x68: {  	_ =	shalt  }
0x69: {  	_ =	shalt  }
0x6a: {  	_ =	shalt  }
0x6b: {  	_ =	shalt  }
0x6c: {  	_ =	shalt  }
0x6d: {  	_ =	shalt  }
0x6e: {  	_ =	shalt  }
0x6f: {  	_ =	shalt  }
0x70: {  	_ =	shalt  }
0x71: {  	_ =	shalt  }
0x72: {  	_ =	shalt  }
0x73: {  	_ =	shalt  }
0x74: {  	_ =	shalt  }
0x75: {  	_ =	shalt  }
0x76: {  	_ =	shalt  }
0x77: {  	_ =	shalt  }
0x78: {  	_ =	shalt  }
0x79: {  	_ =	shalt  }
0x7a: {  	_ =	shalt  }
0x7b: {  	_ =	shalt  }
0x7c: {  	_ =	shalt  }
0x7d: {  	_ =	shalt  }
0x7e: {  	_ =	shalt  }
0x7f: {  	_ =	shalt  }
0x80: {  	_ =	shalt  }
0x81: {  	_ =	shalt  }
0x82: {  	_ =	shalt  }
0x83: {  	_ =	shalt  }
0x84: {  	_ =	shalt  }
0x85: {  	_ =	shalt  }
0x86: {  	_ =	shalt  }
0x87: {  	_ =	shalt  }
.Lfunc_end0:
.L_simem_size_0:
called_computation.1_lowered:
.L_overlay_start_0:
0x88: {  	s2 =	sld [smem:$0x3FD9]  }
0x89: {  	s3 =	sld [smem:$0x3FFE];
	_ =	sdelay $0x1  }
0x8a: {  	s1 =	srdreg.scid  }
0x8b: {  	s0 =	sand.u32 $0x1, s1  }
0x8c: {  	s17 =	sshll.u32 s0, $0xA;
	s2 =	sadd.s32 s3, s2  }
0x8d: {  	s2 =	sadd.s32 s2, s17  }
0x8e: {  	[smem:$0x3FC4] =	sst s2  }
0x8f: {  	_ = 	snop  }
0x90: {  	s2 =	sld [smem:$0x3FC8]  }
0x91: {  	s18 =	sld [smem:$0x3FC7];
	(tm) =	ssettm $0x1  }
0x92: {  	s4 =	sld [smem:$0x3FFB];
	_ =	sdelay $0x3  }
0x93: {  	_ =	strace s4  }
0x94: {  	s4 =	sld [smem:$0x3FFC];
	_ =	sdelay $0x3  }
0x95: {  	_ =	strace s4  }
0x96: {  	s4 =	sld [smem:$0x3FFD];
	_ =	sdelay $0x3  }
0x97: {  	_ =	strace s4  }
0x98: {  	_ =	strace $0x8FFFFFFF  }
0x99: {  	s19 =	sld [smem:$0x3FDB];
	_ =	sdelay $0x1  }
0x9a: {  	s5 =	simm.s32 $_scs_section_size  }
0x9b: {  	s6 =	simm.s32 $_size__tile_overlayer_lowered;
	s7 =	simm.s32 $_tile_overlayer_lowered  }
0x9c: {  	s22 =	simm.s32 $0x1BFF;
	s21 =	sshll.u32 s7, $0x1;
	s4 =	sadd.s32 s5, s19  }
0x9d: {  	s8 =	simm.s32 $0x0;
	s20 =	sshll.u32 s6, $0x1;
	s6 =	sadd.s32 s21, s4  }
0x9e: {  	[timem:s8], [sflag:s22] =	dma.local [hbm:s6], s20  }
0x9f: {  	_ =	swait.ge [sflag:s22], s20  }
0xa0: {  	s5 =	ssub.s32 $0x0, s20;
	[sflag:s22] =	ssyncset.done $0x0  }
0xa1: {  	[sflag:s22] =	ssyncadd.s32 s5;
	_ =	sdelay $0x1  }
0xa2: {  	s23 =	simm.s32 $0x1B8B  }
0xa3: {  	_ =	swait.ge [sflag:s23], $0x1  }
0xa4: {  	[sflag:s23] =	ssyncset.done $0x0  }
0xa5: {  	s25 =	simm.s32 $0x1B8E;
	s24 =	sld [smem:$0x3FFE];
	[sflag:s23] =	ssyncadd.s32 $0xFFFFFFFF  }
0xa6: {  	s26 =	simm.s32 $execute0_lowered;
	[smem:$0x3FD2] =	sst s25  }
0xa7: {  	s6 =	sshll.u32 s26, $0x1;
	_ =	strace $0x80000046;
	[dreg:$0x1] =	wrdreg $0xFFFFFFFF  }
0xa8: {  	s28 =	simm.s32 $_size_execute0_lowered;
	s4 =	sadd.s32 s4, s6;
	[dreg:$0x0] =	wrdreg $0x0  }
0xa9: {  	s6 =	sshll.u32 s28, $0x1;
	[dreg:$0x2] =	wrdreg s4  }
0xaa: {  	[dreg:$0x3] =	wrdreg s6  }
0xab: {  	[dreg:$0x4] =	wrdreg $0xC0  }
0xac: {  	_ =	task [dreg:s8], $0x5FFFF  }
0xad: {  	[dreg:$0x1] =	wrdreg $0xFFFFFFFF  }
0xae: {  	[dreg:$0x0] =	wrdreg $0x60  }
0xaf: {  	[dreg:$0x2] =	wrdreg s24  }
0xb0: {  	[dreg:$0x3] =	wrdreg s2  }
0xb1: {  	[dreg:$0x4] =	wrdreg s18  }
0xb2: {  	[dreg:$0x5] =	wrdreg $0xA  }
0xb3: {  	_ =	task.clear_ibuf [dreg:s8], $0x6FFFF;
	_ =	strace $0x90000046  }
0xb4: {  	s29 =	simm.s32 $0xA;
	_ =	strace $0x80000048  }
0xb5: {  	_ =	swait.ge [sflag:s29], $0x1  }
0xb6: {  	[sflag:s29] =	ssyncadd.s32 $0xFFFFFFFF  }
0xb7: {  	_ =	strace $0x90000048  }
0xb8: {  	_ =	sfence  }
0xb9: {  	s30 =	sld [smem:$0x0];
	_ =	sdelay $0x2  }
0xba: {  	s31 =	sshll.u32 s1, $0xD;
	s1 =	sshrl.u32 s1, $0x2  }
0xbb: {  	s3 =	sand.u32 $0x4000, s31;
	s1 =	sadd.s32 s1, s30  }
0xbc: {  	s0 =	sor.u32 s3, s0;
	s1 =	sshll.u32 s1, $0x11  }
0xbd: {  	s0 =	sor.u32 s1, s0  }
0xbe: {  	s0 =	sadd.s32 $0x8F2B, s0  }
0xbf: {  	[sflag:s0] =	ssyncadd.remote.s32 $0x1  }
0xc0: {  	_ =	sfence.sel $0xFFFF  }
0xc1: {  	[dreg:$0x0] =	wrdreg $0xFFFFFFFF;
	(pc) =	sbr.abs _section_cstart, $3  }
0xc2: {  	[dreg:$0x1] =	wrdreg $0xFFFFFFFF  }
0xc3: {  	_ =	task.clear_ibuf [dreg:s8], $0x2FFFF;
	_ =	strace $0x9FFFFFFF  }
0xc4: {  	(tm) =	ssettm $0x7FFFFFFF  }
0xc5: {  	_ =	shalt  }
tec
execute0_lowered:
.L_overlay_start_1:
0x0: {  	(tag) =	ssettag $0x1  }
0x1: {  	s0 =	rddreg [dreg:$0x0]  }
0x2: {  	s2 =	rddreg [dreg:$0x1];
	s1 =	srdreg.scid  }
0x3: {  	s4 =	stileid.u32;
	s3 =	rddreg [dreg:$0x2]  }
0x4: {  	s19 =	simm.s32 $0x4800;
	s20 =	simm.s32 $0x3;
	s21 =	simm.s32 $0x800  }
0x5: {  	s31 =	simm.s32 $0xA000;
	s30 =	simm.s32 $0x9800;
	s22 =	simm.s32 $0xB000  }
0x6: {  	s23 =	simm.s32 $0xB080;
	s24 =	simm.s32 $0x2;
	s25 =	simm.s32 $0x0  }
0x7: {  	s1 =	sand.u32 $0x1, s1;
	s5 =	sshll.u32 s4, $0x1;
	s4 =	simm.s32 $0x0  }
0x8: {  	s16 =	sadd.s32 $0x18200, s0;
	s6 =	sadd.s32 $0x10, s2;
	s7 =	sadd.s32 $0x20, s2  }
0x9: {  	s8 =	sadd.s32 $0x30, s2;
	s9 =	sadd.s32 $0x40, s2;
	s10 =	sadd.s32 $0x50, s2  }
0xa: {  	s11 =	sadd.s32 $0x60, s2;
	s12 =	sadd.s32 $0x70, s2;
	s14 =	sor.u32 s1, s5  }
0xb: {  	[smem:$0x7FF] =	sst s4;
	s1 =	ssub.s32 $0x2, s1;
	s5 =	sshll.u32 s14, $0x9  }
0xc: {  	v0 =	vlaneseq.u32;
	_ =	strace $0x80000047;
	s28 =	sshrl.u32 s1, $0x1;
	s15 =	sshll.u32 s14, $0x5  }
0xd: {  	v0 =	vmul.u32 $0x8, v0;
	s17 =	sshll.u32 s14, $0x2;
	s13 =	sadd.s32 s5, s0;
	s0 =	sadd.s32 $0x18600, s0  }
0xe: {  	s1 =	ssub.s32 s1, s28;
	s18 =	sor.u32 $0x10, s15;
	s14 =	sadd.s32 s16, s15  }
0xf: {  	v1 =	vor.u32 $0x1, v0;
	s5 =	sadd.s32 $0x14200, s13;
	s13 =	sadd.s32 $0x14300, s13;
	s15 =	sadd.s32 s0, s17  }
0x10: {  	v2 =	vor.u32 $0x2, v0;
	v3 =	vor.u32 $0x3, v0;
	v4 =	vor.u32 $0x4, v0;
	s29 =	sshrl.u32 s18, $0x3;
	s16 =	sadd.s32 s16, s18;
	s18 =	smax.u32 s1, $0x1  }
0x11: {  	v5 =	vor.u32 $0x5, v0;
	v6 =	vor.u32 $0x6, v0;
	v7 =	vor.u32 $0x7, v0;
	s1 =	simm.s32 $0x1;
	s17 =	sadd.s32 s0, s29;
	s0 =	simm.s32 $0x5800  }
.LBB2_1:
0x12: {  	[tilespmem:s19], [sflag:$0x3] =	stream.linear.gather [hbm4b:s5+s4], $0x800, $0x38;
	[tilespmem:$0xB100] =	vst v63  }
0x13: {  	_ =	swait.ge [sflag:s20], $0x800  }
0x14: {  	[sflag:s20] =	ssyncset.done $0x0  }
0x15: {  	s26 =	simm.s32 $0x5000;
	[sflag:s20] =	ssyncadd.s32 $0xFFFFF800  }
0x16: {  	[tilespmem:s26], [sflag:$0x1] =	stream.indirect.gather [hbm4b:s3+s21], $0x1, s19, s21, $0xb8;
	[tilespmem:$0xB100] =	vst v63  }
0x17: {  	s26 =	simm.s32 $0x0  }
0x18: {  	s28 =	simm.s32 $0x40;
	v8 =	vld [tilespmem:s26+$0x4800]  }
.LBB2_2:
0x19: {  	_ =	sdelay $0x1  }
0x1a: {  	p0 =	sne.s32 s28, $0x1FC0  }
.Ltmp0:
0x1b: {  	_ = 	snop;
	(pc) =	sbr.rel @p0 .LBB2_2-.Ltmp0, $4  }
0x1c: {  	v9 =	vshll.u32 v8, $0x3  }
0x1d: {  	v10 =	vand.u32 $0x7F, v8;
	v9 =	vand.u32 $0xFFFFFC00, v9  }
0x1e: {  	s29 =	sshra.s32 s28, $0x2;
	v9 =	vor.u32 v10, v9  }
0x1f: {  	s28 =	sadd.s32 $0x40, s28;
	v8 =	vld [tilespmem:s29+$0x4800];
	[tilespmem:s26+$0x0] =	vst v9;
	s26 =	smov.u32 s29  }
0x20: {  	_ =	sdelay $0x3  }
0x21: {  	v9 =	vshll.u32 v8, $0x3  }
0x22: {  	v8 =	vand.u32 $0x7F, v8;
	v9 =	vand.u32 $0xFFFFFC00, v9  }
0x23: {  	v8 =	vor.u32 v8, v9  }
0x24: {  	s29 =	simm.s32 $0x0;
	[tilespmem:s26+$0x0] =	vst v8  }
0x25: {  	[tilespmem:s21], [sflag:$0x1] =	stream.indirect.gather [hbm4b:s2+s21], $0x1, s29, s21, $0xb8;
	[tilespmem:$0xB100] =	vst v63  }
0x26: {  	s28 =	simm.s32 $0x1000  }
0x27: {  	[tilespmem:s28], [sflag:$0x1] =	stream.indirect.gather [hbm4b:s6+s21], $0x1, s29, s21, $0xb8;
	[tilespmem:$0xB100] =	vst v63  }
0x28: {  	s28 =	simm.s32 $0x1800  }
0x29: {  	[tilespmem:s28], [sflag:$0x1] =	stream.indirect.gather [hbm4b:s7+s21], $0x1, s29, s21, $0xb8;
	[tilespmem:$0xB100] =	vst v63  }
0x2a: {  	s28 =	simm.s32 $0x2000  }
0x2b: {  	[tilespmem:s28], [sflag:$0x1] =	stream.indirect.gather [hbm4b:s8+s21], $0x1, s29, s21, $0xb8;
	[tilespmem:$0xB100] =	vst v63  }
0x2c: {  	s28 =	simm.s32 $0x2800  }
0x2d: {  	[tilespmem:s28], [sflag:$0x1] =	stream.indirect.gather [hbm4b:s9+s21], $0x1, s29, s21, $0xb8;
	[tilespmem:$0xB100] =	vst v63  }
0x2e: {  	s28 =	simm.s32 $0x3000  }
0x2f: {  	[tilespmem:s28], [sflag:$0x1] =	stream.indirect.gather [hbm4b:s10+s21], $0x1, s29, s21, $0xb8;
	[tilespmem:$0xB100] =	vst v63  }
0x30: {  	s28 =	simm.s32 $0x3800  }
0x31: {  	[tilespmem:s28], [sflag:$0x1] =	stream.indirect.gather [hbm4b:s11+s21], $0x1, s29, s21, $0xb8;
	[tilespmem:$0xB100] =	vst v63  }
0x32: {  	s28 =	simm.s32 $0x4000  }
0x33: {  	[tilespmem:s28], [sflag:$0x1] =	stream.indirect.gather [hbm4b:s12+s21], $0x1, s29, s21, $0xb8;
	[tilespmem:$0xB100] =	vst v63  }
0x34: {  	_ = 	snop  }
0x35: {  	[tilespmem:s31], [sflag:$0x3] =	stream.linear.gather [hbm4b:s13+s29], $0x800, $0x38;
	[tilespmem:$0xB100] =	vst v63  }
0x36: {  	_ =	swait.ge [sflag:s20], $0x800  }
0x37: {  	[sflag:s20] =	ssyncset.done $0x0  }
0x38: {  	s26 =	simm.s32 $0x0;
	s29 =	simm.s32 $0xA800;
	[sflag:s20] =	ssyncadd.s32 $0xFFFFF800  }
0x39: {  	[tilespmem:s29], [sflag:$0x2] =	stream.indirect.gather [hbm4b:s3+s21], $0x1, s31, s21, $0xb8;
	[tilespmem:$0xB100] =	vst v63  }
0x3a: {  	s28 =	simm.s32 $0x40;
	v8 =	vld [tilespmem:s26+$0xA000]  }
.LBB2_4:
0x3b: {  	_ =	sdelay $0x1  }
0x3c: {  	p0 =	sne.s32 s28, $0x1FC0  }
.Ltmp1:
0x3d: {  	_ = 	snop;
	(pc) =	sbr.rel @p0 .LBB2_4-.Ltmp1, $4  }
0x3e: {  	v9 =	vshll.u32 v8, $0x3  }
0x3f: {  	v10 =	vand.u32 $0x7F, v8;
	v9 =	vand.u32 $0xFFFFFC00, v9  }
0x40: {  	s29 =	sshra.s32 s28, $0x2;
	v9 =	vor.u32 v10, v9  }
0x41: {  	s28 =	sadd.s32 $0x40, s28;
	v8 =	vld [tilespmem:s29+$0xA000];
	[tilespmem:s26+$0x5800] =	vst v9;
	s26 =	smov.u32 s29  }
0x42: {  	_ =	sdelay $0x3  }
0x43: {  	v9 =	vshll.u32 v8, $0x3  }
0x44: {  	v8 =	vand.u32 $0x7F, v8;
	v9 =	vand.u32 $0xFFFFFC00, v9  }
0x45: {  	v8 =	vor.u32 v8, v9  }
0x46: {  	s29 =	simm.s32 $0x6000;
	[tilespmem:s26+$0x5800] =	vst v8  }
0x47: {  	[tilespmem:s29], [sflag:$0x2] =	stream.indirect.gather [hbm4b:s2+s21], $0x1, s0, s21, $0xb8;
	[tilespmem:$0xB100] =	vst v63  }
0x48: {  	s29 =	simm.s32 $0x6800  }
0x49: {  	[tilespmem:s29], [sflag:$0x2] =	stream.indirect.gather [hbm4b:s6+s21], $0x1, s0, s21, $0xb8;
	[tilespmem:$0xB100] =	vst v63  }
0x4a: {  	s29 =	simm.s32 $0x7000  }
0x4b: {  	[tilespmem:s29], [sflag:$0x2] =	stream.indirect.gather [hbm4b:s7+s21], $0x1, s0, s21, $0xb8;
	[tilespmem:$0xB100] =	vst v63  }
0x4c: {  	s29 =	simm.s32 $0x7800  }
0x4d: {  	[tilespmem:s29], [sflag:$0x2] =	stream.indirect.gather [hbm4b:s8+s21], $0x1, s0, s21, $0xb8;
	[tilespmem:$0xB100] =	vst v63  }
0x4e: {  	s29 =	simm.s32 $0x8000  }
0x4f: {  	[tilespmem:s29], [sflag:$0x2] =	stream.indirect.gather [hbm4b:s9+s21], $0x1, s0, s21, $0xb8;
	[tilespmem:$0xB100] =	vst v63  }
0x50: {  	s29 =	simm.s32 $0x8800  }
0x51: {  	[tilespmem:s29], [sflag:$0x2] =	stream.indirect.gather [hbm4b:s10+s21], $0x1, s0, s21, $0xb8;
	[tilespmem:$0xB100] =	vst v63  }
0x52: {  	s29 =	simm.s32 $0x9000  }
0x53: {  	[tilespmem:s29], [sflag:$0x2] =	stream.indirect.gather [hbm4b:s11+s21], $0x1, s0, s21, $0xb8;
	[tilespmem:$0xB100] =	vst v63  }
0x54: {  	_ = 	snop  }
0x55: {  	[tilespmem:s30], [sflag:$0x2] =	stream.indirect.gather [hbm4b:s12+s21], $0x1, s0, s21, $0xb8;
	[tilespmem:$0xB100] =	vst v63  }
0x56: {  	_ =	swait.ge [sflag:s1], $0x800  }
0x57: {  	[sflag:s1] =	ssyncset.done $0x0  }
0x58: {  	[sflag:s1] =	ssyncadd.s32 $0xFFFFF800  }
0x59: {  	_ =	swait.ge [sflag:s1], $0x800  }
0x5a: {  	[sflag:s1] =	ssyncset.done $0x0  }
0x5b: {  	[sflag:s1] =	ssyncadd.s32 $0xFFFFF800  }
0x5c: {  	_ =	swait.ge [sflag:s1], $0x800  }
0x5d: {  	[sflag:s1] =	ssyncset.done $0x0  }
0x5e: {  	[sflag:s1] =	ssyncadd.s32 $0xFFFFF800  }
0x5f: {  	_ =	swait.ge [sflag:s1], $0x800  }
0x60: {  	[sflag:s1] =	ssyncset.done $0x0  }
0x61: {  	[sflag:s1] =	ssyncadd.s32 $0xFFFFF800  }
0x62: {  	_ =	swait.ge [sflag:s1], $0x800  }
0x63: {  	[sflag:s1] =	ssyncset.done $0x0  }
0x64: {  	[sflag:s1] =	ssyncadd.s32 $0xFFFFF800  }
0x65: {  	_ =	swait.ge [sflag:s1], $0x800  }
0x66: {  	[sflag:s1] =	ssyncset.done $0x0  }
0x67: {  	[sflag:s1] =	ssyncadd.s32 $0xFFFFF800  }
0x68: {  	_ =	swait.ge [sflag:s1], $0x800  }
0x69: {  	[sflag:s1] =	ssyncset.done $0x0  }
0x6a: {  	[sflag:s1] =	ssyncadd.s32 $0xFFFFF800  }
0x6b: {  	_ =	swait.ge [sflag:s1], $0x800  }
0x6c: {  	[sflag:s1] =	ssyncset.done $0x0  }
0x6d: {  	[sflag:s1] =	ssyncadd.s32 $0xFFFFF800  }
0x6e: {  	_ =	swait.ge [sflag:s1], $0x800  }
0x6f: {  	[sflag:s1] =	ssyncset.done $0x0  }
0x70: {  	s29 =	simm.s32 $0x0;
	[sflag:s1] =	ssyncadd.s32 $0xFFFFF800  }
0x71: {  	v8 =	vld [tilespmem:s29+$0x5000]  }
0x72: {  	v10 =	vld [tilespmem:s29+$0x800]  }
0x73: {  	v11 =	vld [tilespmem:s29+$0x1000]  }
0x74: {  	v12 =	vld [tilespmem:s29+$0x1800]  }
0x75: {  	v19 =	vld [tilespmem:s29+$0x2000]  }
0x76: {  	v9 =	vimm.f32 $0.0e+00;
	v17 =	vld [tilespmem:s29+$0x2800]  }
0x77: {  	v14 =	vimm.f32 $0.0e+00;
	v20 =	vld [tilespmem:s29+$0x3000];
	v8 =	vadd.f32 v8, v9  }
0x78: {  	v16 =	vimm.f32 $0.0e+00;
	v18 =	vld [tilespmem:s29+$0x3800];
	v15 =	vadd.f32 v10, v9;
	v13 =	vadd.f32 v11, v9  }
0x79: {  	s28 =	simm.s32 $0x80;
	s26 =	simm.s32 $0x10;
	v21 =	vld [tilespmem:s29+$0x4000];
	v11 =	vadd.f32 v12, v9;
	v12 =	vimm.f32 $0.0e+00;
	v10 =	vimm.f32 $0.0e+00  }
.LBB2_6:
0x7a: {  	p0 =	sne.s32 s28, $0x1FC0;
	v22 =	vld [tilespmem:s26+$0x5000];
	v9 =	vadd.f32 v19, v9  }
0x7b: {  	v23 =	vld [tilespmem:s26+$0x800];
	v14 =	vadd.f32 v17, v14  }
0x7c: {  	v24 =	vld [tilespmem:s26+$0x1000];
	v16 =	vadd.f32 v20, v16  }
0x7d: {  	v25 =	vld [tilespmem:s26+$0x1800];
	v12 =	vadd.f32 v18, v12  }
.Ltmp2:
0x7e: {  	v19 =	vld [tilespmem:s26+$0x2000];
	v10 =	vadd.f32 v21, v10;
	(pc) =	sbr.rel @p0 .LBB2_6-.Ltmp2, $4  }
0x7f: {  	v17 =	vld [tilespmem:s26+$0x2800];
	v8 =	vadd.f32 v22, v8  }
0x80: {  	v15 =	vadd.f32 v23, v15;
	v20 =	vld [tilespmem:s26+$0x3000]  }
0x81: {  	v13 =	vadd.f32 v24, v13;
	v18 =	vld [tilespmem:s26+$0x3800]  }
0x82: {  	v11 =	vadd.f32 v25, v11;
	v21 =	vld [tilespmem:s26+$0x4000];
	s26 =	sshra.s32 s28, $0x2;
	s28 =	sadd.s32 $0x40, s28  }
0x83: {  	v22 =	vld [tilespmem:s26+$0x5000]  }
0x84: {  	v23 =	vld [tilespmem:s26+$0x800]  }
0x85: {  	v24 =	vld [tilespmem:s26+$0x1000]  }
0x86: {  	v25 =	vld [tilespmem:s26+$0x1800]  }
0x87: {  	v26 =	vld [tilespmem:s26+$0x2000]  }
0x88: {  	v27 =	vld [tilespmem:s26+$0x2800]  }
0x89: {  	v28 =	vld [tilespmem:s26+$0x3000];
	v15 =	vadd.f32 v23, v15  }
0x8a: {  	v9 =	vadd.f32 v19, v9;
	v23 =	vld [tilespmem:s26+$0x3800];
	v13 =	vadd.f32 v24, v13  }
0x8b: {  	v19 =	vld [tilespmem:s26+$0x4000];
	v14 =	vadd.f32 v17, v14;
	v11 =	vadd.f32 v25, v11;
	[tilespmem:v0+s22+$0x0] =	vst.idx.msk $0xffff, v15  }
0x8c: {  	v9 =	vadd.f32 v26, v9;
	v15 =	vadd.f32 v20, v16;
	[tilespmem:v1+s22+$0x0] =	vst.idx.msk $0xffff, v13  }
0x8d: {  	v12 =	vadd.f32 v18, v12;
	v13 =	vadd.f32 v27, v14;
	[tilespmem:v2+s22+$0x0] =	vst.idx.msk $0xffff, v11  }
0x8e: {  	v10 =	vadd.f32 v21, v10;
	v11 =	vadd.f32 v28, v15;
	[tilespmem:v3+s22+$0x0] =	vst.idx.msk $0xffff, v9  }
0x8f: {  	v9 =	vadd.f32 v23, v12;
	[tilespmem:v4+s22+$0x0] =	vst.idx.msk $0xffff, v13  }
0x90: {  	v10 =	vadd.f32 v19, v10;
	[tilespmem:v5+s22+$0x0] =	vst.idx.msk $0xffff, v11  }
0x91: {  	v8 =	vadd.f32 v22, v8;
	[tilespmem:v6+s22+$0x0] =	vst.idx.msk $0xffff, v9  }
0x92: {  	[tilespmem:v7+s22+$0x0] =	vst.idx.msk $0xffff, v10  }
0x93: {  	s29 =	simm.s32 $0x0;
	[tilespmem:$0xB080] =	vst v8  }
0x94: {  	[hbm4b:s14+s29] =	stream.linear.scatter [tilespmem:s22], [sflag:$0x3], $0x80, $0x38;
	[tilespmem:$0xB100] =	vst v63  }
0x95: {  	_ =	swait.ge [sflag:s20], $0x80  }
0x96: {  	[sflag:s20] =	ssyncset.done $0x0  }
0x97: {  	[sflag:s20] =	ssyncadd.s32 $0xFFFFFF80  }
0x98: {  	[hbm4b:s15+s29] =	stream.linear.scatter [tilespmem:s23], [sflag:$0x3], $0x10, $0x38;
	[tilespmem:$0xB100] =	vst v63  }
0x99: {  	_ =	swait.ge [sflag:s20], $0x10  }
0x9a: {  	[sflag:s20] =	ssyncset.done $0x0  }
0x9b: {  	[sflag:s20] =	ssyncadd.s32 $0xFFFFFFF0  }
0x9c: {  	_ =	swait.ge [sflag:s24], $0x800  }
0x9d: {  	[sflag:s24] =	ssyncset.done $0x0  }
0x9e: {  	[sflag:s24] =	ssyncadd.s32 $0xFFFFF800  }
0x9f: {  	_ =	swait.ge [sflag:s24], $0x800  }
0xa0: {  	[sflag:s24] =	ssyncset.done $0x0  }
0xa1: {  	[sflag:s24] =	ssyncadd.s32 $0xFFFFF800  }
0xa2: {  	_ =	swait.ge [sflag:s24], $0x800  }
0xa3: {  	[sflag:s24] =	ssyncset.done $0x0  }
0xa4: {  	[sflag:s24] =	ssyncadd.s32 $0xFFFFF800  }
0xa5: {  	_ =	swait.ge [sflag:s24], $0x800  }
0xa6: {  	[sflag:s24] =	ssyncset.done $0x0  }
0xa7: {  	[sflag:s24] =	ssyncadd.s32 $0xFFFFF800  }
0xa8: {  	_ =	swait.ge [sflag:s24], $0x800  }
0xa9: {  	[sflag:s24] =	ssyncset.done $0x0  }
0xaa: {  	[sflag:s24] =	ssyncadd.s32 $0xFFFFF800  }
0xab: {  	_ =	swait.ge [sflag:s24], $0x800  }
0xac: {  	[sflag:s24] =	ssyncset.done $0x0  }
0xad: {  	[sflag:s24] =	ssyncadd.s32 $0xFFFFF800  }
0xae: {  	_ =	swait.ge [sflag:s24], $0x800  }
0xaf: {  	[sflag:s24] =	ssyncset.done $0x0  }
0xb0: {  	[sflag:s24] =	ssyncadd.s32 $0xFFFFF800  }
0xb1: {  	_ =	swait.ge [sflag:s24], $0x800  }
0xb2: {  	[sflag:s24] =	ssyncset.done $0x0  }
0xb3: {  	[sflag:s24] =	ssyncadd.s32 $0xFFFFF800  }
0xb4: {  	_ =	swait.ge [sflag:s24], $0x800  }
0xb5: {  	[sflag:s24] =	ssyncset.done $0x0  }
0xb6: {  	s29 =	simm.s32 $0x0;
	[sflag:s24] =	ssyncadd.s32 $0xFFFFF800  }
0xb7: {  	v8 =	vld [tilespmem:s29+$0xA800]  }
0xb8: {  	v10 =	vld [tilespmem:s29+$0x6000]  }
0xb9: {  	v11 =	vld [tilespmem:s29+$0x6800]  }
0xba: {  	v12 =	vld [tilespmem:s29+$0x7000]  }
0xbb: {  	v19 =	vld [tilespmem:s29+$0x7800]  }
0xbc: {  	v9 =	vimm.f32 $0.0e+00;
	v17 =	vld [tilespmem:s29+$0x8000]  }
0xbd: {  	v16 =	vimm.f32 $0.0e+00;
	v20 =	vld [tilespmem:s29+$0x8800];
	v8 =	vadd.f32 v8, v9  }
0xbe: {  	v14 =	vimm.f32 $0.0e+00;
	v18 =	vld [tilespmem:s29+$0x9000];
	v15 =	vadd.f32 v10, v9;
	v13 =	vadd.f32 v11, v9  }
0xbf: {  	s28 =	simm.s32 $0x80;
	s26 =	simm.s32 $0x10;
	v21 =	vld [tilespmem:s29+$0x9800];
	v11 =	vadd.f32 v12, v9;
	v12 =	vimm.f32 $0.0e+00;
	v10 =	vimm.f32 $0.0e+00  }
.LBB2_8:
0xc0: {  	p0 =	sne.s32 s28, $0x1FC0;
	v22 =	vld [tilespmem:s26+$0xA800];
	v9 =	vadd.f32 v19, v9  }
0xc1: {  	v23 =	vld [tilespmem:s26+$0x6000];
	v14 =	vadd.f32 v17, v14  }
0xc2: {  	v24 =	vld [tilespmem:s26+$0x6800];
	v16 =	vadd.f32 v20, v16  }
0xc3: {  	v25 =	vld [tilespmem:s26+$0x7000];
	v12 =	vadd.f32 v18, v12  }
.Ltmp3:
0xc4: {  	v19 =	vld [tilespmem:s26+$0x7800];
	v10 =	vadd.f32 v21, v10;
	(pc) =	sbr.rel @p0 .LBB2_8-.Ltmp3, $4  }
0xc5: {  	v17 =	vld [tilespmem:s26+$0x8000];
	v8 =	vadd.f32 v22, v8  }
0xc6: {  	v15 =	vadd.f32 v23, v15;
	v20 =	vld [tilespmem:s26+$0x8800]  }
0xc7: {  	v13 =	vadd.f32 v24, v13;
	v18 =	vld [tilespmem:s26+$0x9000]  }
0xc8: {  	v11 =	vadd.f32 v25, v11;
	v21 =	vld [tilespmem:s26+$0x9800];
	s26 =	sshra.s32 s28, $0x2;
	s28 =	sadd.s32 $0x40, s28  }
0xc9: {  	v22 =	vld [tilespmem:s26+$0xA800]  }
0xca: {  	v23 =	vld [tilespmem:s26+$0x6000]  }
0xcb: {  	v24 =	vld [tilespmem:s26+$0x6800]  }
0xcc: {  	v25 =	vld [tilespmem:s26+$0x7000]  }
0xcd: {  	v26 =	vld [tilespmem:s26+$0x7800]  }
0xce: {  	v27 =	vld [tilespmem:s26+$0x8000]  }
0xcf: {  	v28 =	vld [tilespmem:s26+$0x8800];
	v15 =	vadd.f32 v23, v15  }
0xd0: {  	v58 =	vld [tilespmem:s26+$0x9000];
	v9 =	vadd.f32 v19, v9;
	v13 =	vadd.f32 v24, v13  }
0xd1: {  	v59 =	vld [tilespmem:s26+$0x9800];
	v14 =	vadd.f32 v17, v14;
	v11 =	vadd.f32 v25, v11;
	[tilespmem:v0+s22+$0x0] =	vst.idx.msk $0xffff, v15  }
0xd2: {  	v60 =	vadd.f32 v20, v16;
	v9 =	vadd.f32 v26, v9;
	[tilespmem:v1+s22+$0x0] =	vst.idx.msk $0xffff, v13  }
0xd3: {  	v12 =	vadd.f32 v18, v12;
	v61 =	vadd.f32 v27, v14;
	[tilespmem:v2+s22+$0x0] =	vst.idx.msk $0xffff, v11  }
0xd4: {  	v10 =	vadd.f32 v21, v10;
	v62 =	vadd.f32 v28, v60;
	[tilespmem:v3+s22+$0x0] =	vst.idx.msk $0xffff, v9  }
0xd5: {  	v63 =	vadd.f32 v58, v12;
	[tilespmem:v4+s22+$0x0] =	vst.idx.msk $0xffff, v61  }
0xd6: {  	v10 =	vadd.f32 v59, v10;
	[tilespmem:v5+s22+$0x0] =	vst.idx.msk $0xffff, v62  }
0xd7: {  	v8 =	vadd.f32 v22, v8;
	[tilespmem:v6+s22+$0x0] =	vst.idx.msk $0xffff, v63  }
0xd8: {  	[tilespmem:v7+s22+$0x0] =	vst.idx.msk $0xffff, v10  }
0xd9: {  	[tilespmem:$0xB080] =	vst v8  }
0xda: {  	[hbm4b:s16+s4] =	stream.linear.scatter [tilespmem:s22], [sflag:$0x3], $0x80, $0x38;
	[tilespmem:$0xB100] =	vst v63  }
0xdb: {  	s25 =	sadd.s32 $0x1, s25;
	_ =	swait.ge [sflag:s20], $0x80  }
0xdc: {  	p0 =	sne.s32 s25, s18;
	[sflag:s20] =	ssyncset.done $0x0  }
.Ltmp4:
0xdd: {  	[sflag:s20] =	ssyncadd.s32 $0xFFFFFF80;
	(pc) =	sbr.rel @p0 .LBB2_1-.Ltmp4, $4  }
0xde: {  	[hbm4b:s17+s4] =	stream.linear.scatter [tilespmem:s23], [sflag:$0x3], $0x10, $0x38;
	[tilespmem:$0xB100] =	vst v63  }
0xdf: {  	_ =	swait.ge [sflag:s20], $0x10  }
0xe0: {  	[sflag:s20] =	ssyncset.done $0x0  }
0xe1: {  	[sflag:s20] =	ssyncadd.s32 $0xFFFFFFF0  }
0xe2: {  	_ =	sfence.sel $0x180000  }
0xe3: {  	[bflag:$0x0] =	sbarrier.arrive $0xFFFF  }
0xe4: {  	_ =	strace $0x90000047  }
0xe5: {  	s0 =	stileid.u32;
	[bflag:$0x2] =	sbarrier.arrive $0xFFFF  }
0xe6: {  	p0 =	sne.s32 s0, $0x0;
	s0 =	rddreg [dreg:$0x3]  }
0xe7: {  	s0 =	sadd.s32 @!p0 $0x100000, s0  }
0xe8: {  	[sflag:s0] =	ssyncadd.tile.s32 @!p0 $0x1;
	_ =	shalt  }
.Lfunc_end2:
_tile_overlayer_lowered:
.L_overlay_start_2:
0xe9: {  	(tag) =	ssettag $0x2  }
0xea: {  	s0 =	rddreg [dreg:$0x0];
	s2 =	stileid.u32  }
0xeb: {  	s1 =	rddreg [dreg:$0x1];
	p0 =	sne.s32 s2, $0x0  }
0xec: {  	s3 =	rddreg [dreg:$0x2];
	[bflag:$0x3] =	sbarrier.arrive $0xFFFF;
	s2 =	simm.s32 @!p0 $0x1C03  }
0xed: {  	[timem:s3], [sflag:s2] =	dma.local @!p0 [hbm:s0], s1  }
0xee: {  	s0 =	simm.s32 @!p0 $0x3  }
0xef: {  	_ =	swait.ge @!p0 [sflag:s0], s1  }
0xf0: {  	s1 =	ssub.s32 @!p0 $0x0, s1;
	[sflag:s0] =	ssyncset.done @!p0 $0x0  }
0xf1: {  	[sflag:s0] =	ssyncadd.s32 @!p0 s1  }
0xf2: {  	[bflag:$0x3] =	sbarrier.arrive $0xFFFF  }
0xf3: {  	_ =	shalt  }

// kernel: kernel.16.cloned.1.call-start
scs
__scs_entry_jumppad:
0x0: {  	(pc) =	sbr.rel $0x88, $3  }
0x1: {  	(tag) =	ssettag $0x0;
	lr =	simm.s32 $0x1  }
0x2: {  	[smem:$0x3F9D] =	sst lr;
	_ =	strace $0xD0000000  }
0x3: {  	_ = 	snop  }
0x4: {  	_ = 	snop  }
0x5: {  	_ = 	snop  }
0x6: {  	_ = 	snop  }
0x7: {  	_ = 	snop  }
__scs_overlays_trampoline_lowered:
0x8: {  	[smem:$0x3FAC] =	sst s0  }
0x9: {  	[smem:$0x3FAD] =	sst s1  }
0xa: {  	[smem:$0x3FAE] =	sst s2  }
0xb: {  	[smem:$0x3FAF] =	sst s3  }
0xc: {  	[smem:$0x3FB0] =	sst s4  }
0xd: {  	[smem:$0x3FB1] =	sst s5  }
0xe: {  	[smem:$0x3FB2] =	sst s6  }
0xf: {  	[smem:$0x3FB3] =	sst s7  }
0x10: {  	[smem:$0x3FB4] =	sst s8  }
0x11: {  	[smem:$0x3FB5] =	sst s9;
	s0 =	simm.s32 @!p0 $0x0  }
0x12: {  	s1 =	sld [smem:$0x3F9B];
	s0 =	simm.s32 @p0 $0x1  }
0x13: {  	[smem:$0x3FB6] =	sst s0;
	s0 =	simm.s32 @!p1 $0x0  }
0x14: {  	s2 =	sld [smem:$0x3F9A];
	s0 =	simm.s32 @p1 $0x1  }
0x15: {  	[smem:$0x3FB7] =	sst s0;
	s0 =	simm.s32 @!p2 $0x0  }
0x16: {  	s3 =	sld [smem:$0x3FDB];
	s0 =	simm.s32 @p2 $0x1  }
0x17: {  	s4 =	simm.s32 $0x1BF5;
	[smem:$0x3FB9] =	sst s0  }
0x18: {  	s0 =	sld [smem:$0x3F9C];
	_ =	swait.ge [sflag:s4], $0x0  }
0x19: {  	s7 =	sld [smem:$0x3F9D]  }
0x1a: {  	s8 =	sadd.s32 $0xFFFFE003, lr  }
0x1b: {  	s9 =	sadd.s32 $0xFFFFFEF7, lr;
	s5 =	simm.s32 $0xFFFFFFFF;
	p2 =	slt.u32 s8, $0xFFFFF086  }
0x1c: {  	p1 =	slt.u32 s9, $0xF7A;
	s5 =	simm.s32 @!p2 $0x0  }
0x1d: {  	s5 =	simm.s32 @p1 $0x1;
	p0 =	seq.s32 s7, s2  }
0x1e: {  	s7 =	smul.u32 @!p0 $0xF7A, s2;
	p2 =	seq.s32 @!p0 s5, $0x0  }
0x1f: {  	s9 =	smul.u32 $0xF7A, s1;
	s8 =	simm.s32 @!p0 $0x1BF5;
	p2 =	por !p2, p0  }
0x20: {  	[sflag:s8] =	ssyncset.s32 @!p0 $0xFFFFF086;
	s6 =	sadd.s32 @!p0 s3, s7;
	s7 =	simm.s32 @!p0 $0x108  }
0x21: {  	s3 =	sadd.s32 s3, s9;
	s6 =	sadd.s32 @!p0 $0x88, s6;
	s7 =	simm.s32 @p2 $0x1082  }
0x22: {  	[simem:s7], [sflag:s8] =	dma.local @!p0 [hbm:s6], $0xF7A  }
0x23: {  	s9 =	sor.u32 $0xD0000000, s2;
	s6 =	simm.s32 $0x108;
	_ =	swait.ge @!p0 [sflag:s8], $0x0  }
0x24: {  	s3 =	sadd.s32 $0x88, s3;
	s6 =	simm.s32 @!p1 $0x1082;
	[sflag:s4] =	ssyncset.s32 $0xFFFFF086  }
0x25: {  	[simem:s6], [sflag:s4] =	dma.local [hbm:s3], $0xF7A  }
0x26: {  	[smem:$0x3F9D] =	sst s1;
	(tag) =	ssettag s2;
	_ =	strace s9  }
0x27: {  	s1 =	sld [smem:$0x3FAD]  }
0x28: {  	s2 =	sld [smem:$0x3FAE]  }
0x29: {  	s4 =	sld [smem:$0x3FB0]  }
0x2a: {  	p0 =	seq.s32 s5, $0x0;
	s5 =	sld [smem:$0x3FB1]  }
0x2b: {  	s6 =	sld [smem:$0x3FB2]  }
0x2c: {  	s7 =	sld [smem:$0x3FB3]  }
0x2d: {  	s3 =	simm.s32 $0x108;
	s8 =	sld [smem:$0x3FB4]  }
0x2e: {  	s3 =	simm.s32 @!p0 $0x1082;
	s9 =	sld [smem:$0x3FB5]  }
0x2f: {  	lr =	sadd.s32 s0, s3;
	s0 =	sld [smem:$0x3FAC]  }
0x30: {  	s3 =	sld [smem:$0x3FAF]  }
0x31: {  	[smem:$0x3FB8] =	sst s10  }
0x32: {  	s10 =	sld [smem:$0x3FB6];
	_ =	sdelay $0x3  }
0x33: {  	p0 =	seq.s32 s10, $0x1;
	s10 =	sld [smem:$0x3FB8];
	_ =	sdelay $0x3  }
0x34: {  	[smem:$0x3FB8] =	sst s10  }
0x35: {  	s10 =	sld [smem:$0x3FB7];
	_ =	sdelay $0x3  }
0x36: {  	p1 =	seq.s32 s10, $0x1;
	s10 =	sld [smem:$0x3FB8];
	_ =	sdelay $0x3  }
0x37: {  	[smem:$0x3FB8] =	sst s10  }
0x38: {  	s10 =	sld [smem:$0x3FB9]  }
0x39: {  	_ = 	snop;
	(pc) =	sbr.ind lr, $3  }
0x3a: {  	_ = 	snop  }
0x3b: {  	_ = 	snop  }
0x3c: {  	p2 =	seq.s32 s10, $0x1;
	s10 =	sld [smem:$0x3FB8]  }
0x3d: {  	_ =	shalt  }
0x3e: {  	_ =	shalt  }
0x3f: {  	_ =	shalt  }
0x40: {  	_ =	shalt  }
0x41: {  	_ =	shalt  }
0x42: {  	_ =	shalt  }
0x43: {  	_ =	shalt  }
0x44: {  	_ =	shalt  }
0x45: {  	_ =	shalt  }
0x46: {  	_ =	shalt  }
0x47: {  	_ =	shalt  }
0x48: {  	_ =	shalt  }
0x49: {  	_ =	shalt  }
0x4a: {  	_ =	shalt  }
0x4b: {  	_ =	shalt  }
0x4c: {  	_ =	shalt  }
0x4d: {  	_ =	shalt  }
0x4e: {  	_ =	shalt  }
0x4f: {  	_ =	shalt  }
0x50: {  	_ =	shalt  }
0x51: {  	_ =	shalt  }
0x52: {  	_ =	shalt  }
0x53: {  	_ =	shalt  }
0x54: {  	_ =	shalt  }
0x55: {  	_ =	shalt  }
0x56: {  	_ =	shalt  }
0x57: {  	_ =	shalt  }
0x58: {  	_ =	shalt  }
0x59: {  	_ =	shalt  }
0x5a: {  	_ =	shalt  }
0x5b: {  	_ =	shalt  }
0x5c: {  	_ =	shalt  }
0x5d: {  	_ =	shalt  }
0x5e: {  	_ =	shalt  }
0x5f: {  	_ =	shalt  }
0x60: {  	_ =	shalt  }
0x61: {  	_ =	shalt  }
0x62: {  	_ =	shalt  }
0x63: {  	_ =	shalt  }
0x64: {  	_ =	shalt  }
0x65: {  	_ =	shalt  }
0x66: {  	_ =	shalt  }
0x67: {  	_ =	shalt  }
0x68: {  	_ =	shalt  }
0x69: {  	_ =	shalt  }
0x6a: {  	_ =	shalt  }
0x6b: {  	_ =	shalt  }
0x6c: {  	_ =	shalt  }
0x6d: {  	_ =	shalt  }
0x6e: {  	_ =	shalt  }
0x6f: {  	_ =	shalt  }
0x70: {  	_ =	shalt  }
0x71: {  	_ =	shalt  }
0x72: {  	_ =	shalt  }
0x73: {  	_ =	shalt  }
0x74: {  	_ =	shalt  }
0x75: {  	_ =	shalt  }
0x76: {  	_ =	shalt  }
0x77: {  	_ =	shalt  }
0x78: {  	_ =	shalt  }
0x79: {  	_ =	shalt  }
0x7a: {  	_ =	shalt  }
0x7b: {  	_ =	shalt  }
0x7c: {  	_ =	shalt  }
0x7d: {  	_ =	shalt  }
0x7e: {  	_ =	shalt  }
0x7f: {  	_ =	shalt  }
0x80: {  	_ =	shalt  }
0x81: {  	_ =	shalt  }
0x82: {  	_ =	shalt  }
0x83: {  	_ =	shalt  }
0x84: {  	_ =	shalt  }
0x85: {  	_ =	shalt  }
0x86: {  	_ =	shalt  }
0x87: {  	_ =	shalt  }
.Lfunc_end0:
.L_simem_size_0:
called_computation.2_lowered:
.L_overlay_start_0:
0x88: {  	s2 =	sld [smem:$0x3FD9]  }
0x89: {  	s3 =	sld [smem:$0x3FFE];
	_ =	sdelay $0x1  }
0x8a: {  	s1 =	srdreg.scid  }
0x8b: {  	s0 =	sand.u32 $0x1, s1  }
0x8c: {  	s17 =	sshll.u32 s0, $0xA;
	s2 =	sadd.s32 s3, s2  }
0x8d: {  	s2 =	sadd.s32 s2, s17  }
0x8e: {  	[smem:$0x3FC4] =	sst s2  }
0x8f: {  	_ = 	snop  }
0x90: {  	s18 =	sld [smem:$0x3FC8]  }
0x91: {  	s4 =	sld [smem:$0x3FC7];
	(tm) =	ssettm $0x1  }
0x92: {  	s19 =	sld [smem:$0x3FFB];
	_ =	sdelay $0x3  }
0x93: {  	_ =	strace s19  }
0x94: {  	s2 =	sld [smem:$0x3FFC];
	_ =	sdelay $0x3  }
0x95: {  	_ =	strace s2  }
0x96: {  	s2 =	sld [smem:$0x3FFD];
	_ =	sdelay $0x3  }
0x97: {  	_ =	strace s2  }
0x98: {  	_ =	strace $0x8FFFFFFF  }
0x99: {  	s20 =	sld [smem:$0x3FDB];
	_ =	sdelay $0x1  }
0x9a: {  	s5 =	simm.s32 $_scs_section_size  }
0x9b: {  	s6 =	simm.s32 $_size__tile_overlayer_lowered;
	s7 =	simm.s32 $_tile_overlayer_lowered  }
0x9c: {  	s8 =	simm.s32 $0x1BFF;
	s21 =	sshll.u32 s7, $0x1;
	s5 =	sadd.s32 s5, s20  }
0x9d: {  	s22 =	simm.s32 $0x0;
	s6 =	sshll.u32 s6, $0x1;
	s7 =	sadd.s32 s21, s5  }
0x9e: {  	[timem:s22], [sflag:s8] =	dma.local [hbm:s7], s6  }
0x9f: {  	_ =	swait.ge [sflag:s8], s6  }
0xa0: {  	s6 =	ssub.s32 $0x0, s6;
	[sflag:s8] =	ssyncset.done $0x0  }
0xa1: {  	[sflag:s8] =	ssyncadd.s32 s6;
	_ =	sdelay $0x1  }
0xa2: {  	s23 =	simm.s32 $0x1B8B  }
0xa3: {  	_ =	swait.ge [sflag:s23], $0x1  }
0xa4: {  	[sflag:s23] =	ssyncset.done $0x0  }
0xa5: {  	[sflag:s23] =	ssyncadd.s32 $0xFFFFFFFF  }
0xa6: {  	s6 =	sld [smem:$0x0]  }
0xa7: {  	s7 =	sand.u32 $0xFFFFFFFE, s1  }
0xa8: {  	p0 =	sne.s32 s1, s7  }
0xa9: {  	s7 =	sshll.u32 @p0 s7, $0xE  }
0xaa: {  	s7 =	sadd.s32 @p0 $0x11B8D, s7;
	s8 =	sshll.u32 @p0 s6, $0x11  }
0xab: {  	s7 =	sor.u32 @p0 s8, s7  }
0xac: {  	[sflag:s7] =	ssyncadd.remote.s32 @p0 $0x1;
	_ =	sdelay $0x1  }
0xad: {  	s7 =	simm.s32 @p0 $0x1B8D  }
0xae: {  	_ =	swait.eq @p0 [sflag:s7], $0x1  }
0xaf: {  	[sflag:s7] =	ssyncadd.s32 @p0 $0xFFFFFFFF  }
0xb0: {  	s8 =	sshll.u32 @!p0 s1, $0xE  }
0xb1: {  	s8 =	sor.u32 @!p0 $0x4000, s8;
	s7 =	simm.s32 @!p0 $0x1B8D  }
0xb2: {  	s6 =	sshll.u32 @!p0 s6, $0x11;
	s8 =	sadd.s32 @!p0 $0x11B8D, s8;
	_ =	swait.eq @!p0 [sflag:s7], $0x1  }
0xb3: {  	s6 =	sor.u32 @!p0 s6, s8;
	[sflag:s7] =	ssyncadd.s32 @!p0 $0xFFFFFFFF  }
0xb4: {  	s25 =	simm.s32 $0x1B8E;
	s24 =	sld [smem:$0x3FFE];
	[sflag:s6] =	ssyncadd.remote.s32 @!p0 $0x1  }
0xb5: {  	s26 =	simm.s32 $execute0_lowered;
	[smem:$0x3FD2] =	sst s25  }
0xb6: {  	s7 =	sshll.u32 s26, $0x1;
	_ =	strace $0x8000004C;
	[dreg:$0x1] =	wrdreg $0xFFFFFFFF  }
0xb7: {  	s28 =	simm.s32 $_size_execute0_lowered;
	s5 =	sadd.s32 s5, s7;
	[dreg:$0x0] =	wrdreg $0x0  }
0xb8: {  	s7 =	sshll.u32 s28, $0x1;
	[dreg:$0x2] =	wrdreg s5  }
0xb9: {  	[dreg:$0x3] =	wrdreg s7  }
0xba: {  	[dreg:$0x4] =	wrdreg $0xC0  }
0xbb: {  	_ =	task [dreg:s22], $0x5FFFF  }
0xbc: {  	[dreg:$0x1] =	wrdreg $0xFFFFFFFF  }
0xbd: {  	[dreg:$0x0] =	wrdreg $0x60  }
0xbe: {  	[dreg:$0x2] =	wrdreg s24  }
0xbf: {  	[dreg:$0x3] =	wrdreg s18  }
0xc0: {  	[dreg:$0x4] =	wrdreg s4  }
0xc1: {  	[dreg:$0x5] =	wrdreg $0xB  }
0xc2: {  	_ =	task.clear_ibuf [dreg:s22], $0x6FFFF;
	_ =	strace $0x9000004C  }
0xc3: {  	s29 =	simm.s32 $0xB;
	_ =	strace $0x8000004E  }
0xc4: {  	_ =	swait.ge [sflag:s29], $0x1  }
0xc5: {  	[sflag:s29] =	ssyncadd.s32 $0xFFFFFFFF  }
0xc6: {  	_ =	strace $0x9000004E  }
0xc7: {  	_ =	sfence  }
0xc8: {  	s30 =	sld [smem:$0x0];
	_ =	sdelay $0x2  }
0xc9: {  	s31 =	sshll.u32 s1, $0xD;
	s1 =	sshrl.u32 s1, $0x2  }
0xca: {  	s4 =	sand.u32 $0x4000, s31;
	s1 =	sadd.s32 s1, s30  }
0xcb: {  	s0 =	sor.u32 s4, s0;
	s1 =	sshll.u32 s1, $0x11  }
0xcc: {  	s0 =	sor.u32 s1, s0  }
0xcd: {  	s0 =	sadd.s32 $0x8F2B, s0  }
0xce: {  	[sflag:s0] =	ssyncadd.remote.s32 $0x1  }
0xcf: {  	_ =	sfence.sel $0xFFFF  }
0xd0: {  	[dreg:$0x0] =	wrdreg $0xFFFFFFFF;
	(pc) =	sbr.abs _section_cstart, $3  }
0xd1: {  	[dreg:$0x1] =	wrdreg $0xFFFFFFFF  }
0xd2: {  	_ =	task.clear_ibuf [dreg:s22], $0x2FFFF;
	_ =	strace $0x9FFFFFFF  }
0xd3: {  	(tm) =	ssettm $0x7FFFFFFF  }
tec
execute0_lowered:
.L_overlay_start_1:
0x0: {  	(tag) =	ssettag $0x1  }
0x1: {  	s0 =	rddreg [dreg:$0x0]  }
0x2: {  	s2 =	rddreg [dreg:$0x1];
	s1 =	srdreg.scid  }
0x3: {  	s4 =	stileid.u32;
	s3 =	rddreg [dreg:$0x2]  }
0x4: {  	s19 =	simm.s32 $0x4800;
	s20 =	simm.s32 $0x3;
	s21 =	simm.s32 $0x800  }
0x5: {  	s31 =	simm.s32 $0xA000;
	s30 =	simm.s32 $0x9800;
	s22 =	simm.s32 $0xB000  }
0x6: {  	s23 =	simm.s32 $0xB080;
	s24 =	simm.s32 $0x2;
	s25 =	simm.s32 $0x0  }
0x7: {  	s1 =	sand.u32 $0x1, s1;
	s5 =	sshll.u32 s4, $0x1;
	s4 =	simm.s32 $0x0  }
0x8: {  	s16 =	sadd.s32 $0x20E00, s0;
	s6 =	sadd.s32 $0x10, s2;
	s7 =	sadd.s32 $0x20, s2  }
0x9: {  	s8 =	sadd.s32 $0x30, s2;
	s9 =	sadd.s32 $0x40, s2;
	s10 =	sadd.s32 $0x50, s2  }
0xa: {  	s11 =	sadd.s32 $0x60, s2;
	s12 =	sadd.s32 $0x70, s2;
	s14 =	sor.u32 s1, s5  }
0xb: {  	[smem:$0x7FF] =	sst s4;
	s1 =	ssub.s32 $0x2, s1;
	s5 =	sshll.u32 s14, $0x9  }
0xc: {  	v0 =	vlaneseq.u32;
	_ =	strace $0x8000004D;
	s28 =	sshrl.u32 s1, $0x1;
	s15 =	sshll.u32 s14, $0x5  }
0xd: {  	v0 =	vmul.u32 $0x8, v0;
	s17 =	sshll.u32 s14, $0x2;
	s13 =	sadd.s32 s5, s0;
	s0 =	sadd.s32 $0x21200, s0  }
0xe: {  	s1 =	ssub.s32 s1, s28;
	s18 =	sor.u32 $0x10, s15;
	s14 =	sadd.s32 s16, s15  }
0xf: {  	v1 =	vor.u32 $0x1, v0;
	s5 =	sadd.s32 $0x1CE00, s13;
	s13 =	sadd.s32 $0x1CF00, s13;
	s15 =	sadd.s32 s0, s17  }
0x10: {  	v2 =	vor.u32 $0x2, v0;
	v3 =	vor.u32 $0x3, v0;
	v4 =	vor.u32 $0x4, v0;
	s29 =	sshrl.u32 s18, $0x3;
	s16 =	sadd.s32 s16, s18;
	s18 =	smax.u32 s1, $0x1  }
0x11: {  	v5 =	vor.u32 $0x5, v0;
	v6 =	vor.u32 $0x6, v0;
	v7 =	vor.u32 $0x7, v0;
	s1 =	simm.s32 $0x1;
	s17 =	sadd.s32 s0, s29;
	s0 =	simm.s32 $0x5800  }
.LBB2_1:
0x12: {  	[tilespmem:s19], [sflag:$0x3] =	stream.linear.gather [hbm4b:s5+s4], $0x800, $0x38;
	[tilespmem:$0xB100] =	vst v63  }
0x13: {  	_ =	swait.ge [sflag:s20], $0x800  }
0x14: {  	[sflag:s20] =	ssyncset.done $0x0  }
0x15: {  	s26 =	simm.s32 $0x5000;
	[sflag:s20] =	ssyncadd.s32 $0xFFFFF800  }
0x16: {  	[tilespmem:s26], [sflag:$0x1] =	stream.indirect.gather [hbm4b:s3+s21], $0x1, s19, s21, $0xb8;
	[tilespmem:$0xB100] =	vst v63  }
0x17: {  	s26 =	simm.s32 $0x0  }
0x18: {  	s28 =	simm.s32 $0x40;
	v8 =	vld [tilespmem:s26+$0x4800]  }
.LBB2_2:
0x19: {  	_ =	sdelay $0x1  }
0x1a: {  	p0 =	sne.s32 s28, $0x1FC0  }
.Ltmp0:
0x1b: {  	_ = 	snop;
	(pc) =	sbr.rel @p0 .LBB2_2-.Ltmp0, $4  }
0x1c: {  	v9 =	vshll.u32 v8, $0x3  }
0x1d: {  	v10 =	vand.u32 $0x7F, v8;
	v9 =	vand.u32 $0xFFFFFC00, v9  }
0x1e: {  	s29 =	sshra.s32 s28, $0x2;
	v9 =	vor.u32 v10, v9  }
0x1f: {  	s28 =	sadd.s32 $0x40, s28;
	v8 =	vld [tilespmem:s29+$0x4800];
	[tilespmem:s26+$0x0] =	vst v9;
	s26 =	smov.u32 s29  }
0x20: {  	_ =	sdelay $0x3  }
0x21: {  	v9 =	vshll.u32 v8, $0x3  }
0x22: {  	v8 =	vand.u32 $0x7F, v8;
	v9 =	vand.u32 $0xFFFFFC00, v9  }
0x23: {  	v8 =	vor.u32 v8, v9  }
0x24: {  	s29 =	simm.s32 $0x0;
	[tilespmem:s26+$0x0] =	vst v8  }
0x25: {  	[tilespmem:s21], [sflag:$0x1] =	stream.indirect.gather [hbm4b:s2+s21], $0x1, s29, s21, $0xb8;
	[tilespmem:$0xB100] =	vst v63  }
0x26: {  	s28 =	simm.s32 $0x1000  }
0x27: {  	[tilespmem:s28], [sflag:$0x1] =	stream.indirect.gather [hbm4b:s6+s21], $0x1, s29, s21, $0xb8;
	[tilespmem:$0xB100] =	vst v63  }
0x28: {  	s28 =	simm.s32 $0x1800  }
0x29: {  	[tilespmem:s28], [sflag:$0x1] =	stream.indirect.gather [hbm4b:s7+s21], $0x1, s29, s21, $0xb8;
	[tilespmem:$0xB100] =	vst v63  }
0x2a: {  	s28 =	simm.s32 $0x2000  }
0x2b: {  	[tilespmem:s28], [sflag:$0x1] =	stream.indirect.gather [hbm4b:s8+s21], $0x1, s29, s21, $0xb8;
	[tilespmem:$0xB100] =	vst v63  }
0x2c: {  	s28 =	simm.s32 $0x2800  }
0x2d: {  	[tilespmem:s28], [sflag:$0x1] =	stream.indirect.gather [hbm4b:s9+s21], $0x1, s29, s21, $0xb8;
	[tilespmem:$0xB100] =	vst v63  }
0x2e: {  	s28 =	simm.s32 $0x3000  }
0x2f: {  	[tilespmem:s28], [sflag:$0x1] =	stream.indirect.gather [hbm4b:s10+s21], $0x1, s29, s21, $0xb8;
	[tilespmem:$0xB100] =	vst v63  }
0x30: {  	s28 =	simm.s32 $0x3800  }
0x31: {  	[tilespmem:s28], [sflag:$0x1] =	stream.indirect.gather [hbm4b:s11+s21], $0x1, s29, s21, $0xb8;
	[tilespmem:$0xB100] =	vst v63  }
0x32: {  	s28 =	simm.s32 $0x4000  }
0x33: {  	[tilespmem:s28], [sflag:$0x1] =	stream.indirect.gather [hbm4b:s12+s21], $0x1, s29, s21, $0xb8;
	[tilespmem:$0xB100] =	vst v63  }
0x34: {  	_ = 	snop  }
0x35: {  	[tilespmem:s31], [sflag:$0x3] =	stream.linear.gather [hbm4b:s13+s29], $0x800, $0x38;
	[tilespmem:$0xB100] =	vst v63  }
0x36: {  	_ =	swait.ge [sflag:s20], $0x800  }
0x37: {  	[sflag:s20] =	ssyncset.done $0x0  }
0x38: {  	s26 =	simm.s32 $0x0;
	s29 =	simm.s32 $0xA800;
	[sflag:s20] =	ssyncadd.s32 $0xFFFFF800  }
0x39: {  	[tilespmem:s29], [sflag:$0x2] =	stream.indirect.gather [hbm4b:s3+s21], $0x1, s31, s21, $0xb8;
	[tilespmem:$0xB100] =	vst v63  }
0x3a: {  	s28 =	simm.s32 $0x40;
	v8 =	vld [tilespmem:s26+$0xA000]  }
.LBB2_4:
0x3b: {  	_ =	sdelay $0x1  }
0x3c: {  	p0 =	sne.s32 s28, $0x1FC0  }
.Ltmp1:
0x3d: {  	_ = 	snop;
	(pc) =	sbr.rel @p0 .LBB2_4-.Ltmp1, $4  }
0x3e: {  	v9 =	vshll.u32 v8, $0x3  }
0x3f: {  	v10 =	vand.u32 $0x7F, v8;
	v9 =	vand.u32 $0xFFFFFC00, v9  }
0x40: {  	s29 =	sshra.s32 s28, $0x2;
	v9 =	vor.u32 v10, v9  }
0x41: {  	s28 =	sadd.s32 $0x40, s28;
	v8 =	vld [tilespmem:s29+$0xA000];
	[tilespmem:s26+$0x5800] =	vst v9;
	s26 =	smov.u32 s29  }
0x42: {  	_ =	sdelay $0x3  }
0x43: {  	v9 =	vshll.u32 v8, $0x3  }
0x44: {  	v8 =	vand.u32 $0x7F, v8;
	v9 =	vand.u32 $0xFFFFFC00, v9  }
0x45: {  	v8 =	vor.u32 v8, v9  }
0x46: {  	s29 =	simm.s32 $0x6000;
	[tilespmem:s26+$0x5800] =	vst v8  }
0x47: {  	[tilespmem:s29], [sflag:$0x2] =	stream.indirect.gather [hbm4b:s2+s21], $0x1, s0, s21, $0xb8;
	[tilespmem:$0xB100] =	vst v63  }
0x48: {  	s29 =	simm.s32 $0x6800  }
0x49: {  	[tilespmem:s29], [sflag:$0x2] =	stream.indirect.gather [hbm4b:s6+s21], $0x1, s0, s21, $0xb8;
	[tilespmem:$0xB100] =	vst v63  }
0x4a: {  	s29 =	simm.s32 $0x7000  }
0x4b: {  	[tilespmem:s29], [sflag:$0x2] =	stream.indirect.gather [hbm4b:s7+s21], $0x1, s0, s21, $0xb8;
	[tilespmem:$0xB100] =	vst v63  }
0x4c: {  	s29 =	simm.s32 $0x7800  }
0x4d: {  	[tilespmem:s29], [sflag:$0x2] =	stream.indirect.gather [hbm4b:s8+s21], $0x1, s0, s21, $0xb8;
	[tilespmem:$0xB100] =	vst v63  }
0x4e: {  	s29 =	simm.s32 $0x8000  }
0x4f: {  	[tilespmem:s29], [sflag:$0x2] =	stream.indirect.gather [hbm4b:s9+s21], $0x1, s0, s21, $0xb8;
	[tilespmem:$0xB100] =	vst v63  }
0x50: {  	s29 =	simm.s32 $0x8800  }
0x51: {  	[tilespmem:s29], [sflag:$0x2] =	stream.indirect.gather [hbm4b:s10+s21], $0x1, s0, s21, $0xb8;
	[tilespmem:$0xB100] =	vst v63  }
0x52: {  	s29 =	simm.s32 $0x9000  }
0x53: {  	[tilespmem:s29], [sflag:$0x2] =	stream.indirect.gather [hbm4b:s11+s21], $0x1, s0, s21, $0xb8;
	[tilespmem:$0xB100] =	vst v63  }
0x54: {  	_ = 	snop  }
0x55: {  	[tilespmem:s30], [sflag:$0x2] =	stream.indirect.gather [hbm4b:s12+s21], $0x1, s0, s21, $0xb8;
	[tilespmem:$0xB100] =	vst v63  }
0x56: {  	_ =	swait.ge [sflag:s1], $0x800  }
0x57: {  	[sflag:s1] =	ssyncset.done $0x0  }
0x58: {  	[sflag:s1] =	ssyncadd.s32 $0xFFFFF800  }
0x59: {  	_ =	swait.ge [sflag:s1], $0x800  }
0x5a: {  	[sflag:s1] =	ssyncset.done $0x0  }
0x5b: {  	[sflag:s1] =	ssyncadd.s32 $0xFFFFF800  }
0x5c: {  	_ =	swait.ge [sflag:s1], $0x800  }
0x5d: {  	[sflag:s1] =	ssyncset.done $0x0  }
0x5e: {  	[sflag:s1] =	ssyncadd.s32 $0xFFFFF800  }
0x5f: {  	_ =	swait.ge [sflag:s1], $0x800  }
0x60: {  	[sflag:s1] =	ssyncset.done $0x0  }
0x61: {  	[sflag:s1] =	ssyncadd.s32 $0xFFFFF800  }
0x62: {  	_ =	swait.ge [sflag:s1], $0x800  }
0x63: {  	[sflag:s1] =	ssyncset.done $0x0  }
0x64: {  	[sflag:s1] =	ssyncadd.s32 $0xFFFFF800  }
0x65: {  	_ =	swait.ge [sflag:s1], $0x800  }
0x66: {  	[sflag:s1] =	ssyncset.done $0x0  }
0x67: {  	[sflag:s1] =	ssyncadd.s32 $0xFFFFF800  }
0x68: {  	_ =	swait.ge [sflag:s1], $0x800  }
0x69: {  	[sflag:s1] =	ssyncset.done $0x0  }
0x6a: {  	[sflag:s1] =	ssyncadd.s32 $0xFFFFF800  }
0x6b: {  	_ =	swait.ge [sflag:s1], $0x800  }
0x6c: {  	[sflag:s1] =	ssyncset.done $0x0  }
0x6d: {  	[sflag:s1] =	ssyncadd.s32 $0xFFFFF800  }
0x6e: {  	_ =	swait.ge [sflag:s1], $0x800  }
0x6f: {  	[sflag:s1] =	ssyncset.done $0x0  }
0x70: {  	s29 =	simm.s32 $0x0;
	[sflag:s1] =	ssyncadd.s32 $0xFFFFF800  }
0x71: {  	v8 =	vld [tilespmem:s29+$0x5000]  }
0x72: {  	v10 =	vld [tilespmem:s29+$0x800]  }
0x73: {  	v11 =	vld [tilespmem:s29+$0x1000]  }
0x74: {  	v12 =	vld [tilespmem:s29+$0x1800]  }
0x75: {  	v19 =	vld [tilespmem:s29+$0x2000]  }
0x76: {  	v9 =	vimm.f32 $0.0e+00;
	v17 =	vld [tilespmem:s29+$0x2800]  }
0x77: {  	v14 =	vimm.f32 $0.0e+00;
	v20 =	vld [tilespmem:s29+$0x3000];
	v8 =	vadd.f32 v8, v9  }
0x78: {  	v16 =	vimm.f32 $0.0e+00;
	v18 =	vld [tilespmem:s29+$0x3800];
	v15 =	vadd.f32 v10, v9;
	v13 =	vadd.f32 v11, v9  }
0x79: {  	s28 =	simm.s32 $0x80;
	s26 =	simm.s32 $0x10;
	v21 =	vld [tilespmem:s29+$0x4000];
	v11 =	vadd.f32 v12, v9;
	v12 =	vimm.f32 $0.0e+00;
	v10 =	vimm.f32 $0.0e+00  }
.LBB2_6:
0x7a: {  	p0 =	sne.s32 s28, $0x1FC0;
	v22 =	vld [tilespmem:s26+$0x5000];
	v9 =	vadd.f32 v19, v9  }
0x7b: {  	v23 =	vld [tilespmem:s26+$0x800];
	v14 =	vadd.f32 v17, v14  }
0x7c: {  	v24 =	vld [tilespmem:s26+$0x1000];
	v16 =	vadd.f32 v20, v16  }
0x7d: {  	v25 =	vld [tilespmem:s26+$0x1800];
	v12 =	vadd.f32 v18, v12  }
.Ltmp2:
0x7e: {  	v19 =	vld [tilespmem:s26+$0x2000];
	v10 =	vadd.f32 v21, v10;
	(pc) =	sbr.rel @p0 .LBB2_6-.Ltmp2, $4  }
0x7f: {  	v17 =	vld [tilespmem:s26+$0x2800];
	v8 =	vadd.f32 v22, v8  }
0x80: {  	v15 =	vadd.f32 v23, v15;
	v20 =	vld [tilespmem:s26+$0x3000]  }
0x81: {  	v13 =	vadd.f32 v24, v13;
	v18 =	vld [tilespmem:s26+$0x3800]  }
0x82: {  	v11 =	vadd.f32 v25, v11;
	v21 =	vld [tilespmem:s26+$0x4000];
	s26 =	sshra.s32 s28, $0x2;
	s28 =	sadd.s32 $0x40, s28  }
0x83: {  	v22 =	vld [tilespmem:s26+$0x5000]  }
0x84: {  	v23 =	vld [tilespmem:s26+$0x800]  }
0x85: {  	v24 =	vld [tilespmem:s26+$0x1000]  }
0x86: {  	v25 =	vld [tilespmem:s26+$0x1800]  }
0x87: {  	v26 =	vld [tilespmem:s26+$0x2000]  }
0x88: {  	v27 =	vld [tilespmem:s26+$0x2800]  }
0x89: {  	v28 =	vld [tilespmem:s26+$0x3000];
	v15 =	vadd.f32 v23, v15  }
0x8a: {  	v9 =	vadd.f32 v19, v9;
	v23 =	vld [tilespmem:s26+$0x3800];
	v13 =	vadd.f32 v24, v13  }
0x8b: {  	v19 =	vld [tilespmem:s26+$0x4000];
	v14 =	vadd.f32 v17, v14;
	v11 =	vadd.f32 v25, v11;
	[tilespmem:v0+s22+$0x0] =	vst.idx.msk $0xffff, v15  }
0x8c: {  	v9 =	vadd.f32 v26, v9;
	v15 =	vadd.f32 v20, v16;
	[tilespmem:v1+s22+$0x0] =	vst.idx.msk $0xffff, v13  }
0x8d: {  	v12 =	vadd.f32 v18, v12;
	v13 =	vadd.f32 v27, v14;
	[tilespmem:v2+s22+$0x0] =	vst.idx.msk $0xffff, v11  }
0x8e: {  	v10 =	vadd.f32 v21, v10;
	v11 =	vadd.f32 v28, v15;
	[tilespmem:v3+s22+$0x0] =	vst.idx.msk $0xffff, v9  }
0x8f: {  	v9 =	vadd.f32 v23, v12;
	[tilespmem:v4+s22+$0x0] =	vst.idx.msk $0xffff, v13  }
0x90: {  	v10 =	vadd.f32 v19, v10;
	[tilespmem:v5+s22+$0x0] =	vst.idx.msk $0xffff, v11  }
0x91: {  	v8 =	vadd.f32 v22, v8;
	[tilespmem:v6+s22+$0x0] =	vst.idx.msk $0xffff, v9  }
0x92: {  	[tilespmem:v7+s22+$0x0] =	vst.idx.msk $0xffff, v10  }
0x93: {  	s29 =	simm.s32 $0x0;
	[tilespmem:$0xB080] =	vst v8  }
0x94: {  	[hbm4b:s14+s29] =	stream.linear.scatter [tilespmem:s22], [sflag:$0x3], $0x80, $0x38;
	[tilespmem:$0xB100] =	vst v63  }
0x95: {  	_ =	swait.ge [sflag:s20], $0x80  }
0x96: {  	[sflag:s20] =	ssyncset.done $0x0  }
0x97: {  	[sflag:s20] =	ssyncadd.s32 $0xFFFFFF80  }
0x98: {  	[hbm4b:s15+s29] =	stream.linear.scatter [tilespmem:s23], [sflag:$0x3], $0x10, $0x38;
	[tilespmem:$0xB100] =	vst v63  }
0x99: {  	_ =	swait.ge [sflag:s20], $0x10  }
0x9a: {  	[sflag:s20] =	ssyncset.done $0x0  }
0x9b: {  	[sflag:s20] =	ssyncadd.s32 $0xFFFFFFF0  }
0x9c: {  	_ =	swait.ge [sflag:s24], $0x800  }
0x9d: {  	[sflag:s24] =	ssyncset.done $0x0  }
0x9e: {  	[sflag:s24] =	ssyncadd.s32 $0xFFFFF800  }
0x9f: {  	_ =	swait.ge [sflag:s24], $0x800  }
0xa0: {  	[sflag:s24] =	ssyncset.done $0x0  }
0xa1: {  	[sflag:s24] =	ssyncadd.s32 $0xFFFFF800  }
0xa2: {  	_ =	swait.ge [sflag:s24], $0x800  }
0xa3: {  	[sflag:s24] =	ssyncset.done $0x0  }
0xa4: {  	[sflag:s24] =	ssyncadd.s32 $0xFFFFF800  }
0xa5: {  	_ =	swait.ge [sflag:s24], $0x800  }
0xa6: {  	[sflag:s24] =	ssyncset.done $0x0  }
0xa7: {  	[sflag:s24] =	ssyncadd.s32 $0xFFFFF800  }
0xa8: {  	_ =	swait.ge [sflag:s24], $0x800  }
0xa9: {  	[sflag:s24] =	ssyncset.done $0x0  }
0xaa: {  	[sflag:s24] =	ssyncadd.s32 $0xFFFFF800  }
0xab: {  	_ =	swait.ge [sflag:s24], $0x800  }
0xac: {  	[sflag:s24] =	ssyncset.done $0x0  }
0xad: {  	[sflag:s24] =	ssyncadd.s32 $0xFFFFF800  }
0xae: {  	_ =	swait.ge [sflag:s24], $0x800  }
0xaf: {  	[sflag:s24] =	ssyncset.done $0x0  }
0xb0: {  	[sflag:s24] =	ssyncadd.s32 $0xFFFFF800  }
0xb1: {  	_ =	swait.ge [sflag:s24], $0x800  }
0xb2: {  	[sflag:s24] =	ssyncset.done $0x0  }
0xb3: {  	[sflag:s24] =	ssyncadd.s32 $0xFFFFF800  }
0xb4: {  	_ =	swait.ge [sflag:s24], $0x800  }
0xb5: {  	[sflag:s24] =	ssyncset.done $0x0  }
0xb6: {  	s29 =	simm.s32 $0x0;
	[sflag:s24] =	ssyncadd.s32 $0xFFFFF800  }
0xb7: {  	v8 =	vld [tilespmem:s29+$0xA800]  }
0xb8: {  	v10 =	vld [tilespmem:s29+$0x6000]  }
0xb9: {  	v11 =	vld [tilespmem:s29+$0x6800]  }
0xba: {  	v12 =	vld [tilespmem:s29+$0x7000]  }
0xbb: {  	v19 =	vld [tilespmem:s29+$0x7800]  }
0xbc: {  	v9 =	vimm.f32 $0.0e+00;
	v17 =	vld [tilespmem:s29+$0x8000]  }
0xbd: {  	v16 =	vimm.f32 $0.0e+00;
	v20 =	vld [tilespmem:s29+$0x8800];
	v8 =	vadd.f32 v8, v9  }
0xbe: {  	v14 =	vimm.f32 $0.0e+00;
	v18 =	vld [tilespmem:s29+$0x9000];
	v15 =	vadd.f32 v10, v9;
	v13 =	vadd.f32 v11, v9  }
0xbf: {  	s28 =	simm.s32 $0x80;
	s26 =	simm.s32 $0x10;
	v21 =	vld [tilespmem:s29+$0x9800];
	v11 =	vadd.f32 v12, v9;
	v12 =	vimm.f32 $0.0e+00;
	v10 =	vimm.f32 $0.0e+00  }
.LBB2_8:
0xc0: {  	p0 =	sne.s32 s28, $0x1FC0;
	v22 =	vld [tilespmem:s26+$0xA800];
	v9 =	vadd.f32 v19, v9  }
0xc1: {  	v23 =	vld [tilespmem:s26+$0x6000];
	v14 =	vadd.f32 v17, v14  }
0xc2: {  	v24 =	vld [tilespmem:s26+$0x6800];
	v16 =	vadd.f32 v20, v16  }
0xc3: {  	v25 =	vld [tilespmem:s26+$0x7000];
	v12 =	vadd.f32 v18, v12  }
.Ltmp3:
0xc4: {  	v19 =	vld [tilespmem:s26+$0x7800];
	v10 =	vadd.f32 v21, v10;
	(pc) =	sbr.rel @p0 .LBB2_8-.Ltmp3, $4  }
0xc5: {  	v17 =	vld [tilespmem:s26+$0x8000];
	v8 =	vadd.f32 v22, v8  }
0xc6: {  	v15 =	vadd.f32 v23, v15;
	v20 =	vld [tilespmem:s26+$0x8800]  }
0xc7: {  	v13 =	vadd.f32 v24, v13;
	v18 =	vld [tilespmem:s26+$0x9000]  }
0xc8: {  	v11 =	vadd.f32 v25, v11;
	v21 =	vld [tilespmem:s26+$0x9800];
	s26 =	sshra.s32 s28, $0x2;
	s28 =	sadd.s32 $0x40, s28  }
0xc9: {  	v22 =	vld [tilespmem:s26+$0xA800]  }
0xca: {  	v23 =	vld [tilespmem:s26+$0x6000]  }
0xcb: {  	v24 =	vld [tilespmem:s26+$0x6800]  }
0xcc: {  	v25 =	vld [tilespmem:s26+$0x7000]  }
0xcd: {  	v26 =	vld [tilespmem:s26+$0x7800]  }
0xce: {  	v27 =	vld [tilespmem:s26+$0x8000]  }
0xcf: {  	v28 =	vld [tilespmem:s26+$0x8800];
	v15 =	vadd.f32 v23, v15  }
0xd0: {  	v58 =	vld [tilespmem:s26+$0x9000];
	v9 =	vadd.f32 v19, v9;
	v13 =	vadd.f32 v24, v13  }
0xd1: {  	v59 =	vld [tilespmem:s26+$0x9800];
	v14 =	vadd.f32 v17, v14;
	v11 =	vadd.f32 v25, v11;
	[tilespmem:v0+s22+$0x0] =	vst.idx.msk $0xffff, v15  }
0xd2: {  	v60 =	vadd.f32 v20, v16;
	v9 =	vadd.f32 v26, v9;
	[tilespmem:v1+s22+$0x0] =	vst.idx.msk $0xffff, v13  }
0xd3: {  	v12 =	vadd.f32 v18, v12;
	v61 =	vadd.f32 v27, v14;
	[tilespmem:v2+s22+$0x0] =	vst.idx.msk $0xffff, v11  }
0xd4: {  	v10 =	vadd.f32 v21, v10;
	v62 =	vadd.f32 v28, v60;
	[tilespmem:v3+s22+$0x0] =	vst.idx.msk $0xffff, v9  }
0xd5: {  	v63 =	vadd.f32 v58, v12;
	[tilespmem:v4+s22+$0x0] =	vst.idx.msk $0xffff, v61  }
0xd6: {  	v10 =	vadd.f32 v59, v10;
	[tilespmem:v5+s22+$0x0] =	vst.idx.msk $0xffff, v62  }
0xd7: {  	v8 =	vadd.f32 v22, v8;
	[tilespmem:v6+s22+$0x0] =	vst.idx.msk $0xffff, v63  }
0xd8: {  	[tilespmem:v7+s22+$0x0] =	vst.idx.msk $0xffff, v10  }
0xd9: {  	[tilespmem:$0xB080] =	vst v8  }
0xda: {  	[hbm4b:s16+s4] =	stream.linear.scatter [tilespmem:s22], [sflag:$0x3], $0x80, $0x38;
	[tilespmem:$0xB100] =	vst v63  }
0xdb: {  	s25 =	sadd.s32 $0x1, s25;
	_ =	swait.ge [sflag:s20], $0x80  }
0xdc: {  	p0 =	sne.s32 s25, s18;
	[sflag:s20] =	ssyncset.done $0x0  }
.Ltmp4:
0xdd: {  	[sflag:s20] =	ssyncadd.s32 $0xFFFFFF80;
	(pc) =	sbr.rel @p0 .LBB2_1-.Ltmp4, $4  }
0xde: {  	[hbm4b:s17+s4] =	stream.linear.scatter [tilespmem:s23], [sflag:$0x3], $0x10, $0x38;
	[tilespmem:$0xB100] =	vst v63  }
0xdf: {  	_ =	swait.ge [sflag:s20], $0x10  }
0xe0: {  	[sflag:s20] =	ssyncset.done $0x0  }
0xe1: {  	[sflag:s20] =	ssyncadd.s32 $0xFFFFFFF0  }
0xe2: {  	_ =	sfence.sel $0x180000  }
0xe3: {  	[bflag:$0x0] =	sbarrier.arrive $0xFFFF  }
0xe4: {  	_ =	strace $0x9000004D  }
0xe5: {  	s0 =	stileid.u32;
	[bflag:$0x2] =	sbarrier.arrive $0xFFFF  }
0xe6: {  	p0 =	sne.s32 s0, $0x0;
	s0 =	rddreg [dreg:$0x3]  }
0xe7: {  	s0 =	sadd.s32 @!p0 $0x100000, s0  }
0xe8: {  	[sflag:s0] =	ssyncadd.tile.s32 @!p0 $0x1;
	_ =	shalt  }
.Lfunc_end2:
_tile_overlayer_lowered:
.L_overlay_start_2:
0xe9: {  	(tag) =	ssettag $0x2  }
0xea: {  	s0 =	rddreg [dreg:$0x0];
	s2 =	stileid.u32  }
0xeb: {  	s1 =	rddreg [dreg:$0x1];
	p0 =	sne.s32 s2, $0x0  }
0xec: {  	s3 =	rddreg [dreg:$0x2];
	[bflag:$0x3] =	sbarrier.arrive $0xFFFF;
	s2 =	simm.s32 @!p0 $0x1C03  }
0xed: {  	[timem:s3], [sflag:s2] =	dma.local @!p0 [hbm:s0], s1  }
0xee: {  	s0 =	simm.s32 @!p0 $0x3  }
0xef: {  	_ =	swait.ge @!p0 [sflag:s0], s1  }
0xf0: {  	s1 =	ssub.s32 @!p0 $0x0, s1;
	[sflag:s0] =	ssyncset.done @!p0 $0x0  }
0xf1: {  	[sflag:s0] =	ssyncadd.s32 @!p0 s1  }
0xf2: {  	[bflag:$0x3] =	sbarrier.arrive $0xFFFF  }
0xf3: {  	_ =	shalt  }

// kernel: kernel.19.cloned.1.call-start
scs
__scs_entry_jumppad:
0x0: {  	(pc) =	sbr.rel $0x88, $3  }
0x1: {  	(tag) =	ssettag $0x0;
	lr =	simm.s32 $0x1  }
0x2: {  	[smem:$0x3F9D] =	sst lr;
	_ =	strace $0xD0000000  }
0x3: {  	_ = 	snop  }
0x4: {  	_ = 	snop  }
0x5: {  	_ = 	snop  }
0x6: {  	_ = 	snop  }
0x7: {  	_ = 	snop  }
__scs_overlays_trampoline_lowered:
0x8: {  	[smem:$0x3FAC] =	sst s0  }
0x9: {  	[smem:$0x3FAD] =	sst s1  }
0xa: {  	[smem:$0x3FAE] =	sst s2  }
0xb: {  	[smem:$0x3FAF] =	sst s3  }
0xc: {  	[smem:$0x3FB0] =	sst s4  }
0xd: {  	[smem:$0x3FB1] =	sst s5  }
0xe: {  	[smem:$0x3FB2] =	sst s6  }
0xf: {  	[smem:$0x3FB3] =	sst s7  }
0x10: {  	[smem:$0x3FB4] =	sst s8  }
0x11: {  	[smem:$0x3FB5] =	sst s9;
	s0 =	simm.s32 @!p0 $0x0  }
0x12: {  	s1 =	sld [smem:$0x3F9B];
	s0 =	simm.s32 @p0 $0x1  }
0x13: {  	[smem:$0x3FB6] =	sst s0;
	s0 =	simm.s32 @!p1 $0x0  }
0x14: {  	s2 =	sld [smem:$0x3F9A];
	s0 =	simm.s32 @p1 $0x1  }
0x15: {  	[smem:$0x3FB7] =	sst s0;
	s0 =	simm.s32 @!p2 $0x0  }
0x16: {  	s3 =	sld [smem:$0x3FDB];
	s0 =	simm.s32 @p2 $0x1  }
0x17: {  	s4 =	simm.s32 $0x1BF5;
	[smem:$0x3FB9] =	sst s0  }
0x18: {  	s0 =	sld [smem:$0x3F9C];
	_ =	swait.ge [sflag:s4], $0x0  }
0x19: {  	s7 =	sld [smem:$0x3F9D]  }
0x1a: {  	s8 =	sadd.s32 $0xFFFFE003, lr  }
0x1b: {  	s9 =	sadd.s32 $0xFFFFFEF7, lr;
	s5 =	simm.s32 $0xFFFFFFFF;
	p2 =	slt.u32 s8, $0xFFFFF086  }
0x1c: {  	p1 =	slt.u32 s9, $0xF7A;
	s5 =	simm.s32 @!p2 $0x0  }
0x1d: {  	s5 =	simm.s32 @p1 $0x1;
	p0 =	seq.s32 s7, s2  }
0x1e: {  	s7 =	smul.u32 @!p0 $0xF7A, s2;
	p2 =	seq.s32 @!p0 s5, $0x0  }
0x1f: {  	s9 =	smul.u32 $0xF7A, s1;
	s8 =	simm.s32 @!p0 $0x1BF5;
	p2 =	por !p2, p0  }
0x20: {  	[sflag:s8] =	ssyncset.s32 @!p0 $0xFFFFF086;
	s6 =	sadd.s32 @!p0 s3, s7;
	s7 =	simm.s32 @!p0 $0x108  }
0x21: {  	s3 =	sadd.s32 s3, s9;
	s6 =	sadd.s32 @!p0 $0x88, s6;
	s7 =	simm.s32 @p2 $0x1082  }
0x22: {  	[simem:s7], [sflag:s8] =	dma.local @!p0 [hbm:s6], $0xF7A  }
0x23: {  	s9 =	sor.u32 $0xD0000000, s2;
	s6 =	simm.s32 $0x108;
	_ =	swait.ge @!p0 [sflag:s8], $0x0  }
0x24: {  	s3 =	sadd.s32 $0x88, s3;
	s6 =	simm.s32 @!p1 $0x1082;
	[sflag:s4] =	ssyncset.s32 $0xFFFFF086  }
0x25: {  	[simem:s6], [sflag:s4] =	dma.local [hbm:s3], $0xF7A  }
0x26: {  	[smem:$0x3F9D] =	sst s1;
	(tag) =	ssettag s2;
	_ =	strace s9  }
0x27: {  	s1 =	sld [smem:$0x3FAD]  }
0x28: {  	s2 =	sld [smem:$0x3FAE]  }
0x29: {  	s4 =	sld [smem:$0x3FB0]  }
0x2a: {  	p0 =	seq.s32 s5, $0x0;
	s5 =	sld [smem:$0x3FB1]  }
0x2b: {  	s6 =	sld [smem:$0x3FB2]  }
0x2c: {  	s7 =	sld [smem:$0x3FB3]  }
0x2d: {  	s3 =	simm.s32 $0x108;
	s8 =	sld [smem:$0x3FB4]  }
0x2e: {  	s3 =	simm.s32 @!p0 $0x1082;
	s9 =	sld [smem:$0x3FB5]  }
0x2f: {  	lr =	sadd.s32 s0, s3;
	s0 =	sld [smem:$0x3FAC]  }
0x30: {  	s3 =	sld [smem:$0x3FAF]  }
0x31: {  	[smem:$0x3FB8] =	sst s10  }
0x32: {  	s10 =	sld [smem:$0x3FB6];
	_ =	sdelay $0x3  }
0x33: {  	p0 =	seq.s32 s10, $0x1;
	s10 =	sld [smem:$0x3FB8];
	_ =	sdelay $0x3  }
0x34: {  	[smem:$0x3FB8] =	sst s10  }
0x35: {  	s10 =	sld [smem:$0x3FB7];
	_ =	sdelay $0x3  }
0x36: {  	p1 =	seq.s32 s10, $0x1;
	s10 =	sld [smem:$0x3FB8];
	_ =	sdelay $0x3  }
0x37: {  	[smem:$0x3FB8] =	sst s10  }
0x38: {  	s10 =	sld [smem:$0x3FB9]  }
0x39: {  	_ = 	snop;
	(pc) =	sbr.ind lr, $3  }
0x3a: {  	_ = 	snop  }
0x3b: {  	_ = 	snop  }
0x3c: {  	p2 =	seq.s32 s10, $0x1;
	s10 =	sld [smem:$0x3FB8]  }
0x3d: {  	_ =	shalt  }
0x3e: {  	_ =	shalt  }
0x3f: {  	_ =	shalt  }
0x40: {  	_ =	shalt  }
0x41: {  	_ =	shalt  }
0x42: {  	_ =	shalt  }
0x43: {  	_ =	shalt  }
0x44: {  	_ =	shalt  }
0x45: {  	_ =	shalt  }
0x46: {  	_ =	shalt  }
0x47: {  	_ =	shalt  }
0x48: {  	_ =	shalt  }
0x49: {  	_ =	shalt  }
0x4a: {  	_ =	shalt  }
0x4b: {  	_ =	shalt  }
0x4c: {  	_ =	shalt  }
0x4d: {  	_ =	shalt  }
0x4e: {  	_ =	shalt  }
0x4f: {  	_ =	shalt  }
0x50: {  	_ =	shalt  }
0x51: {  	_ =	shalt  }
0x52: {  	_ =	shalt  }
0x53: {  	_ =	shalt  }
0x54: {  	_ =	shalt  }
0x55: {  	_ =	shalt  }
0x56: {  	_ =	shalt  }
0x57: {  	_ =	shalt  }
0x58: {  	_ =	shalt  }
0x59: {  	_ =	shalt  }
0x5a: {  	_ =	shalt  }
0x5b: {  	_ =	shalt  }
0x5c: {  	_ =	shalt  }
0x5d: {  	_ =	shalt  }
0x5e: {  	_ =	shalt  }
0x5f: {  	_ =	shalt  }
0x60: {  	_ =	shalt  }
0x61: {  	_ =	shalt  }
0x62: {  	_ =	shalt  }
0x63: {  	_ =	shalt  }
0x64: {  	_ =	shalt  }
0x65: {  	_ =	shalt  }
0x66: {  	_ =	shalt  }
0x67: {  	_ =	shalt  }
0x68: {  	_ =	shalt  }
0x69: {  	_ =	shalt  }
0x6a: {  	_ =	shalt  }
0x6b: {  	_ =	shalt  }
0x6c: {  	_ =	shalt  }
0x6d: {  	_ =	shalt  }
0x6e: {  	_ =	shalt  }
0x6f: {  	_ =	shalt  }
0x70: {  	_ =	shalt  }
0x71: {  	_ =	shalt  }
0x72: {  	_ =	shalt  }
0x73: {  	_ =	shalt  }
0x74: {  	_ =	shalt  }
0x75: {  	_ =	shalt  }
0x76: {  	_ =	shalt  }
0x77: {  	_ =	shalt  }
0x78: {  	_ =	shalt  }
0x79: {  	_ =	shalt  }
0x7a: {  	_ =	shalt  }
0x7b: {  	_ =	shalt  }
0x7c: {  	_ =	shalt  }
0x7d: {  	_ =	shalt  }
0x7e: {  	_ =	shalt  }
0x7f: {  	_ =	shalt  }
0x80: {  	_ =	shalt  }
0x81: {  	_ =	shalt  }
0x82: {  	_ =	shalt  }
0x83: {  	_ =	shalt  }
0x84: {  	_ =	shalt  }
0x85: {  	_ =	shalt  }
0x86: {  	_ =	shalt  }
0x87: {  	_ =	shalt  }
.Lfunc_end0:
.L_simem_size_0:
called_computation.3_lowered:
.L_overlay_start_0:
0x88: {  	s2 =	sld [smem:$0x3FD9]  }
0x89: {  	s3 =	sld [smem:$0x3FFE];
	_ =	sdelay $0x1  }
0x8a: {  	s1 =	srdreg.scid  }
0x8b: {  	s0 =	sand.u32 $0x1, s1  }
0x8c: {  	s15 =	sshll.u32 s0, $0xA;
	s2 =	sadd.s32 s3, s2  }
0x8d: {  	s2 =	sadd.s32 s2, s15  }
0x8e: {  	[smem:$0x3FC4] =	sst s2  }
0x8f: {  	_ = 	snop  }
0x90: {  	s4 =	sld [smem:$0x3FD0];
	_ =	sdelay $0x1  }
0x91: {  	s2 =	sld [smem:$0x3FC8]  }
0x92: {  	s5 =	simm.s32 $0xD;
	s6 =	simm.s32 $0x10;
	s16 =	sld [smem:$0x3FC7]  }
0x93: {  	[smem:s6], [sflag:s5] =	dma.local [hbm:s4], $0x1  }
0x94: {  	_ =	swait.eq [sflag:s5], $0x1  }
0x95: {  	[sflag:s5] =	ssyncset.done $0x0  }
0x96: {  	[sflag:s5] =	ssyncadd.s32 $0xFFFFFFFF  }
0x97: {  	s17 =	sld [smem:$0x10];
	(tm) =	ssettm $0x1  }
0x98: {  	s18 =	sld [smem:$0x3FFB];
	_ =	sdelay $0x3  }
0x99: {  	_ =	strace s18  }
0x9a: {  	s4 =	sld [smem:$0x3FFC];
	_ =	sdelay $0x3  }
0x9b: {  	_ =	strace s4  }
0x9c: {  	s4 =	sld [smem:$0x3FFD];
	_ =	sdelay $0x3  }
0x9d: {  	_ =	strace s4  }
0x9e: {  	_ =	strace $0x8FFFFFFF  }
0x9f: {  	s19 =	sld [smem:$0x3FDB];
	_ =	sdelay $0x1  }
0xa0: {  	s20 =	simm.s32 $_scs_section_size  }
0xa1: {  	s7 =	simm.s32 $_size__tile_overlayer_lowered;
	s8 =	simm.s32 $_tile_overlayer_lowered  }
0xa2: {  	s9 =	simm.s32 $0x1BFF;
	s21 =	sshll.u32 s8, $0x1;
	s6 =	sadd.s32 s20, s19  }
0xa3: {  	s22 =	simm.s32 $0x0;
	s7 =	sshll.u32 s7, $0x1;
	s8 =	sadd.s32 s21, s6  }
0xa4: {  	[timem:s22], [sflag:s9] =	dma.local [hbm:s8], s7  }
0xa5: {  	_ =	swait.ge [sflag:s9], s7  }
0xa6: {  	s7 =	ssub.s32 $0x0, s7;
	[sflag:s9] =	ssyncset.done $0x0  }
0xa7: {  	[sflag:s9] =	ssyncadd.s32 s7;
	_ =	sdelay $0x1  }
0xa8: {  	s23 =	simm.s32 $0x1B8B  }
0xa9: {  	_ =	swait.ge [sflag:s23], $0x1  }
0xaa: {  	[sflag:s23] =	ssyncset.done $0x0  }
0xab: {  	[sflag:s23] =	ssyncadd.s32 $0xFFFFFFFF  }
0xac: {  	s7 =	sld [smem:$0x0]  }
0xad: {  	s8 =	sand.u32 $0xFFFFFFFE, s1  }
0xae: {  	p0 =	sne.s32 s1, s8  }
0xaf: {  	s8 =	sshll.u32 @p0 s8, $0xE  }
0xb0: {  	s8 =	sadd.s32 @p0 $0x11B8D, s8;
	s9 =	sshll.u32 @p0 s7, $0x11  }
0xb1: {  	s8 =	sor.u32 @p0 s9, s8  }
0xb2: {  	[sflag:s8] =	ssyncadd.remote.s32 @p0 $0x1;
	_ =	sdelay $0x1  }
0xb3: {  	s8 =	simm.s32 @p0 $0x1B8D  }
0xb4: {  	_ =	swait.eq @p0 [sflag:s8], $0x1  }
0xb5: {  	[sflag:s8] =	ssyncadd.s32 @p0 $0xFFFFFFFF  }
0xb6: {  	s9 =	sshll.u32 @!p0 s1, $0xE  }
0xb7: {  	s9 =	sor.u32 @!p0 $0x4000, s9;
	s8 =	simm.s32 @!p0 $0x1B8D  }
0xb8: {  	s7 =	sshll.u32 @!p0 s7, $0x11;
	s9 =	sadd.s32 @!p0 $0x11B8D, s9;
	_ =	swait.eq @!p0 [sflag:s8], $0x1  }
0xb9: {  	s7 =	sor.u32 @!p0 s7, s9;
	[sflag:s8] =	ssyncadd.s32 @!p0 $0xFFFFFFFF  }
0xba: {  	s25 =	simm.s32 $0x1B8E;
	s24 =	sld [smem:$0x3FFE];
	[sflag:s7] =	ssyncadd.remote.s32 @!p0 $0x1  }
0xbb: {  	s26 =	simm.s32 $execute0_lowered;
	[smem:$0x3FD2] =	sst s25  }
0xbc: {  	s8 =	sshll.u32 s26, $0x1;
	_ =	strace $0x8000004F;
	[dreg:$0x1] =	wrdreg $0xFFFFFFFF  }
0xbd: {  	s28 =	simm.s32 $_size_execute0_lowered;
	s6 =	sadd.s32 s6, s8;
	[dreg:$0x0] =	wrdreg $0x0  }
0xbe: {  	s8 =	sshll.u32 s28, $0x1;
	[dreg:$0x2] =	wrdreg s6  }
0xbf: {  	[dreg:$0x3] =	wrdreg s8  }
0xc0: {  	[dreg:$0x4] =	wrdreg $0xC0  }
0xc1: {  	_ =	task [dreg:s22], $0x5FFFF  }
0xc2: {  	[dreg:$0x1] =	wrdreg $0xFFFFFFFF  }
0xc3: {  	[dreg:$0x0] =	wrdreg $0x60  }
0xc4: {  	[dreg:$0x2] =	wrdreg s24  }
0xc5: {  	[dreg:$0x3] =	wrdreg s2  }
0xc6: {  	[dreg:$0x4] =	wrdreg s16  }
0xc7: {  	[dreg:$0x5] =	wrdreg s17  }
0xc8: {  	[dreg:$0x6] =	wrdreg $0xC  }
0xc9: {  	_ =	task.clear_ibuf [dreg:s22], $0x7FFFF;
	_ =	strace $0x9000004F  }
0xca: {  	s29 =	simm.s32 $0xC;
	_ =	strace $0x80000051  }
0xcb: {  	_ =	swait.ge [sflag:s29], $0x1  }
0xcc: {  	[sflag:s29] =	ssyncadd.s32 $0xFFFFFFFF  }
0xcd: {  	_ =	strace $0x90000051  }
0xce: {  	_ =	sfence  }
0xcf: {  	s30 =	sld [smem:$0x0];
	_ =	sdelay $0x2  }
0xd0: {  	s31 =	sshll.u32 s1, $0xD;
	s1 =	sshrl.u32 s1, $0x2  }
0xd1: {  	s3 =	sand.u32 $0x4000, s31;
	s1 =	sadd.s32 s1, s30  }
0xd2: {  	s0 =	sor.u32 s3, s0;
	s1 =	sshll.u32 s1, $0x11  }
0xd3: {  	s0 =	sor.u32 s1, s0  }
0xd4: {  	s0 =	sadd.s32 $0x8F2B, s0  }
0xd5: {  	[sflag:s0] =	ssyncadd.remote.s32 $0x1  }
0xd6: {  	_ =	sfence.sel $0xFFFF  }
0xd7: {  	[dreg:$0x0] =	wrdreg $0xFFFFFFFF;
	(pc) =	sbr.abs _section_cstart, $3  }
0xd8: {  	[dreg:$0x1] =	wrdreg $0xFFFFFFFF  }
0xd9: {  	_ =	task.clear_ibuf [dreg:s22], $0x2FFFF;
	_ =	strace $0x9FFFFFFF  }
0xda: {  	(tm) =	ssettm $0x7FFFFFFF  }
0xdb: {  	_ =	shalt  }
tec
execute0_lowered:
.L_overlay_start_1:
0x0: {  	(tag) =	ssettag $0x1  }
0x1: {  	s0 =	rddreg [dreg:$0x0]  }
0x2: {  	s1 =	rddreg [dreg:$0x1]  }
0x3: {  	s3 =	rddreg [dreg:$0x2]  }
0x4: {  	s2 =	rddreg [dreg:$0x3];
	s5 =	srdreg.scid  }
0x5: {  	s6 =	stileid.u32;
	s4 =	simm.s32 $0x0;
	s20 =	simm.s32 $0x3  }
0x6: {  	s21 =	simm.s32 $0x800;
	s31 =	simm.s32 $0xA000;
	s30 =	simm.s32 $0x9800  }
0x7: {  	s22 =	simm.s32 $0xB000;
	s23 =	simm.s32 $0xB080;
	s24 =	simm.s32 $0x2  }
0x8: {  	s25 =	simm.s32 $0x0;
	s5 =	sand.u32 $0x1, s5;
	s6 =	sshll.u32 s6, $0x1  }
0x9: {  	[smem:$0x7FF] =	sst s4;
	s8 =	sadd.s32 $0x30, s1;
	s9 =	sadd.s32 $0x40, s1  }
0xa: {  	s10 =	sadd.s32 $0x50, s1;
	s11 =	sadd.s32 $0x60, s1;
	s12 =	sadd.s32 $0x70, s1  }
0xb: {  	s14 =	sor.u32 s5, s6;
	s5 =	ssub.s32 $0x2, s5;
	_ =	strace $0x80000050  }
0xc: {  	s6 =	sshll.u32 s14, $0x9;
	s7 =	sshrl.u32 s5, $0x1;
	s15 =	sshll.u32 s14, $0x5  }
0xd: {  	v0 =	vlaneseq.u32;
	s16 =	sshll.u32 s14, $0x2;
	s13 =	sadd.s32 s6, s0;
	s0 =	sadd.s32 $0x8200, s0  }
0xe: {  	v0 =	vmul.u32 $0x8, v0;
	s18 =	ssub.s32 s5, s7;
	s6 =	sadd.s32 $0x10, s1;
	s7 =	sadd.s32 $0x20, s1  }
0xf: {  	s17 =	sor.u32 $0x10, s15;
	s14 =	sadd.s32 s2, s15;
	s5 =	sadd.s32 $0x4200, s13  }
0x10: {  	v1 =	vor.u32 $0x1, v0;
	s13 =	sadd.s32 $0x4300, s13;
	s15 =	sadd.s32 s0, s16;
	s19 =	sshrl.u32 s17, $0x3  }
0x11: {  	v2 =	vor.u32 $0x2, v0;
	v3 =	vor.u32 $0x3, v0;
	v4 =	vor.u32 $0x4, v0;
	s16 =	sadd.s32 s2, s17;
	s18 =	smax.u32 s18, $0x1;
	s2 =	simm.s32 $0x5800  }
0x12: {  	v5 =	vor.u32 $0x5, v0;
	v6 =	vor.u32 $0x6, v0;
	v7 =	vor.u32 $0x7, v0;
	s17 =	sadd.s32 s0, s19;
	s19 =	simm.s32 $0x4800;
	s0 =	simm.s32 $0x1  }
.LBB2_1:
0x13: {  	[tilespmem:s19], [sflag:$0x3] =	stream.linear.gather [hbm4b:s5+s4], $0x800, $0x38;
	[tilespmem:$0xB100] =	vst v63  }
0x14: {  	_ =	swait.ge [sflag:s20], $0x800  }
0x15: {  	[sflag:s20] =	ssyncset.done $0x0  }
0x16: {  	s26 =	simm.s32 $0x5000;
	[sflag:s20] =	ssyncadd.s32 $0xFFFFF800  }
0x17: {  	[tilespmem:s26], [sflag:$0x1] =	stream.indirect.gather [hbm4b:s3+s21], $0x1, s19, s21, $0xb8;
	[tilespmem:$0xB100] =	vst v63  }
0x18: {  	s26 =	simm.s32 $0x0  }
0x19: {  	s28 =	simm.s32 $0x40;
	v8 =	vld [tilespmem:s26+$0x4800]  }
.LBB2_2:
0x1a: {  	_ =	sdelay $0x1  }
0x1b: {  	p0 =	sne.s32 s28, $0x1FC0  }
.Ltmp0:
0x1c: {  	_ = 	snop;
	(pc) =	sbr.rel @p0 .LBB2_2-.Ltmp0, $4  }
0x1d: {  	v9 =	vshll.u32 v8, $0x3  }
0x1e: {  	v10 =	vand.u32 $0x7F, v8;
	v9 =	vand.u32 $0xFFFFFC00, v9  }
0x1f: {  	s29 =	sshra.s32 s28, $0x2;
	v9 =	vor.u32 v10, v9  }
0x20: {  	s28 =	sadd.s32 $0x40, s28;
	v8 =	vld [tilespmem:s29+$0x4800];
	[tilespmem:s26+$0x0] =	vst v9;
	s26 =	smov.u32 s29  }
0x21: {  	_ =	sdelay $0x3  }
0x22: {  	v9 =	vshll.u32 v8, $0x3  }
0x23: {  	v8 =	vand.u32 $0x7F, v8;
	v9 =	vand.u32 $0xFFFFFC00, v9  }
0x24: {  	v8 =	vor.u32 v8, v9  }
0x25: {  	s29 =	simm.s32 $0x0;
	[tilespmem:s26+$0x0] =	vst v8  }
0x26: {  	[tilespmem:s21], [sflag:$0x1] =	stream.indirect.gather [hbm4b:s1+s21], $0x1, s29, s21, $0xb8;
	[tilespmem:$0xB100] =	vst v63  }
0x27: {  	s28 =	simm.s32 $0x1000  }
0x28: {  	[tilespmem:s28], [sflag:$0x1] =	stream.indirect.gather [hbm4b:s6+s21], $0x1, s29, s21, $0xb8;
	[tilespmem:$0xB100] =	vst v63  }
0x29: {  	s28 =	simm.s32 $0x1800  }
0x2a: {  	[tilespmem:s28], [sflag:$0x1] =	stream.indirect.gather [hbm4b:s7+s21], $0x1, s29, s21, $0xb8;
	[tilespmem:$0xB100] =	vst v63  }
0x2b: {  	s28 =	simm.s32 $0x2000  }
0x2c: {  	[tilespmem:s28], [sflag:$0x1] =	stream.indirect.gather [hbm4b:s8+s21], $0x1, s29, s21, $0xb8;
	[tilespmem:$0xB100] =	vst v63  }
0x2d: {  	s28 =	simm.s32 $0x2800  }
0x2e: {  	[tilespmem:s28], [sflag:$0x1] =	stream.indirect.gather [hbm4b:s9+s21], $0x1, s29, s21, $0xb8;
	[tilespmem:$0xB100] =	vst v63  }
0x2f: {  	s28 =	simm.s32 $0x3000  }
0x30: {  	[tilespmem:s28], [sflag:$0x1] =	stream.indirect.gather [hbm4b:s10+s21], $0x1, s29, s21, $0xb8;
	[tilespmem:$0xB100] =	vst v63  }
0x31: {  	s28 =	simm.s32 $0x3800  }
0x32: {  	[tilespmem:s28], [sflag:$0x1] =	stream.indirect.gather [hbm4b:s11+s21], $0x1, s29, s21, $0xb8;
	[tilespmem:$0xB100] =	vst v63  }
0x33: {  	s28 =	simm.s32 $0x4000  }
0x34: {  	[tilespmem:s28], [sflag:$0x1] =	stream.indirect.gather [hbm4b:s12+s21], $0x1, s29, s21, $0xb8;
	[tilespmem:$0xB100] =	vst v63  }
0x35: {  	_ = 	snop  }
0x36: {  	[tilespmem:s31], [sflag:$0x3] =	stream.linear.gather [hbm4b:s13+s29], $0x800, $0x38;
	[tilespmem:$0xB100] =	vst v63  }
0x37: {  	_ =	swait.ge [sflag:s20], $0x800  }
0x38: {  	[sflag:s20] =	ssyncset.done $0x0  }
0x39: {  	s26 =	simm.s32 $0x0;
	s29 =	simm.s32 $0xA800;
	[sflag:s20] =	ssyncadd.s32 $0xFFFFF800  }
0x3a: {  	[tilespmem:s29], [sflag:$0x2] =	stream.indirect.gather [hbm4b:s3+s21], $0x1, s31, s21, $0xb8;
	[tilespmem:$0xB100] =	vst v63  }
0x3b: {  	s28 =	simm.s32 $0x40;
	v8 =	vld [tilespmem:s26+$0xA000]  }
.LBB2_4:
0x3c: {  	_ =	sdelay $0x1  }
0x3d: {  	p0 =	sne.s32 s28, $0x1FC0  }
.Ltmp1:
0x3e: {  	_ = 	snop;
	(pc) =	sbr.rel @p0 .LBB2_4-.Ltmp1, $4  }
0x3f: {  	v9 =	vshll.u32 v8, $0x3  }
0x40: {  	v10 =	vand.u32 $0x7F, v8;
	v9 =	vand.u32 $0xFFFFFC00, v9  }
0x41: {  	s29 =	sshra.s32 s28, $0x2;
	v9 =	vor.u32 v10, v9  }
0x42: {  	s28 =	sadd.s32 $0x40, s28;
	v8 =	vld [tilespmem:s29+$0xA000];
	[tilespmem:s26+$0x5800] =	vst v9;
	s26 =	smov.u32 s29  }
0x43: {  	_ =	sdelay $0x3  }
0x44: {  	v9 =	vshll.u32 v8, $0x3  }
0x45: {  	v8 =	vand.u32 $0x7F, v8;
	v9 =	vand.u32 $0xFFFFFC00, v9  }
0x46: {  	v8 =	vor.u32 v8, v9  }
0x47: {  	s29 =	simm.s32 $0x6000;
	[tilespmem:s26+$0x5800] =	vst v8  }
0x48: {  	[tilespmem:s29], [sflag:$0x2] =	stream.indirect.gather [hbm4b:s1+s21], $0x1, s2, s21, $0xb8;
	[tilespmem:$0xB100] =	vst v63  }
0x49: {  	s29 =	simm.s32 $0x6800  }
0x4a: {  	[tilespmem:s29], [sflag:$0x2] =	stream.indirect.gather [hbm4b:s6+s21], $0x1, s2, s21, $0xb8;
	[tilespmem:$0xB100] =	vst v63  }
0x4b: {  	s29 =	simm.s32 $0x7000  }
0x4c: {  	[tilespmem:s29], [sflag:$0x2] =	stream.indirect.gather [hbm4b:s7+s21], $0x1, s2, s21, $0xb8;
	[tilespmem:$0xB100] =	vst v63  }
0x4d: {  	s29 =	simm.s32 $0x7800  }
0x4e: {  	[tilespmem:s29], [sflag:$0x2] =	stream.indirect.gather [hbm4b:s8+s21], $0x1, s2, s21, $0xb8;
	[tilespmem:$0xB100] =	vst v63  }
0x4f: {  	s29 =	simm.s32 $0x8000  }
0x50: {  	[tilespmem:s29], [sflag:$0x2] =	stream.indirect.gather [hbm4b:s9+s21], $0x1, s2, s21, $0xb8;
	[tilespmem:$0xB100] =	vst v63  }
0x51: {  	s29 =	simm.s32 $0x8800  }
0x52: {  	[tilespmem:s29], [sflag:$0x2] =	stream.indirect.gather [hbm4b:s10+s21], $0x1, s2, s21, $0xb8;
	[tilespmem:$0xB100] =	vst v63  }
0x53: {  	s29 =	simm.s32 $0x9000  }
0x54: {  	[tilespmem:s29], [sflag:$0x2] =	stream.indirect.gather [hbm4b:s11+s21], $0x1, s2, s21, $0xb8;
	[tilespmem:$0xB100] =	vst v63  }
0x55: {  	_ = 	snop  }
0x56: {  	[tilespmem:s30], [sflag:$0x2] =	stream.indirect.gather [hbm4b:s12+s21], $0x1, s2, s21, $0xb8;
	[tilespmem:$0xB100] =	vst v63  }
0x57: {  	_ =	swait.ge [sflag:s0], $0x800  }
0x58: {  	[sflag:s0] =	ssyncset.done $0x0  }
0x59: {  	[sflag:s0] =	ssyncadd.s32 $0xFFFFF800  }
0x5a: {  	_ =	swait.ge [sflag:s0], $0x800  }
0x5b: {  	[sflag:s0] =	ssyncset.done $0x0  }
0x5c: {  	[sflag:s0] =	ssyncadd.s32 $0xFFFFF800  }
0x5d: {  	_ =	swait.ge [sflag:s0], $0x800  }
0x5e: {  	[sflag:s0] =	ssyncset.done $0x0  }
0x5f: {  	[sflag:s0] =	ssyncadd.s32 $0xFFFFF800  }
0x60: {  	_ =	swait.ge [sflag:s0], $0x800  }
0x61: {  	[sflag:s0] =	ssyncset.done $0x0  }
0x62: {  	[sflag:s0] =	ssyncadd.s32 $0xFFFFF800  }
0x63: {  	_ =	swait.ge [sflag:s0], $0x800  }
0x64: {  	[sflag:s0] =	ssyncset.done $0x0  }
0x65: {  	[sflag:s0] =	ssyncadd.s32 $0xFFFFF800  }
0x66: {  	_ =	swait.ge [sflag:s0], $0x800  }
0x67: {  	[sflag:s0] =	ssyncset.done $0x0  }
0x68: {  	[sflag:s0] =	ssyncadd.s32 $0xFFFFF800  }
0x69: {  	_ =	swait.ge [sflag:s0], $0x800  }
0x6a: {  	[sflag:s0] =	ssyncset.done $0x0  }
0x6b: {  	[sflag:s0] =	ssyncadd.s32 $0xFFFFF800  }
0x6c: {  	_ =	swait.ge [sflag:s0], $0x800  }
0x6d: {  	[sflag:s0] =	ssyncset.done $0x0  }
0x6e: {  	[sflag:s0] =	ssyncadd.s32 $0xFFFFF800  }
0x6f: {  	_ =	swait.ge [sflag:s0], $0x800  }
0x70: {  	[sflag:s0] =	ssyncset.done $0x0  }
0x71: {  	s29 =	simm.s32 $0x0;
	[sflag:s0] =	ssyncadd.s32 $0xFFFFF800  }
0x72: {  	v8 =	vld [tilespmem:s29+$0x5000]  }
0x73: {  	v10 =	vld [tilespmem:s29+$0x800]  }
0x74: {  	v11 =	vld [tilespmem:s29+$0x1000]  }
0x75: {  	v12 =	vld [tilespmem:s29+$0x1800]  }
0x76: {  	v19 =	vld [tilespmem:s29+$0x2000]  }
0x77: {  	v9 =	vimm.f32 $0.0e+00;
	v17 =	vld [tilespmem:s29+$0x2800]  }
0x78: {  	v14 =	vimm.f32 $0.0e+00;
	v20 =	vld [tilespmem:s29+$0x3000];
	v8 =	vadd.f32 v8, v9  }
0x79: {  	v16 =	vimm.f32 $0.0e+00;
	v18 =	vld [tilespmem:s29+$0x3800];
	v15 =	vadd.f32 v10, v9;
	v13 =	vadd.f32 v11, v9  }
0x7a: {  	s28 =	simm.s32 $0x80;
	s26 =	simm.s32 $0x10;
	v21 =	vld [tilespmem:s29+$0x4000];
	v11 =	vadd.f32 v12, v9;
	v12 =	vimm.f32 $0.0e+00;
	v10 =	vimm.f32 $0.0e+00  }
.LBB2_6:
0x7b: {  	p0 =	sne.s32 s28, $0x1FC0;
	v22 =	vld [tilespmem:s26+$0x5000];
	v9 =	vadd.f32 v19, v9  }
0x7c: {  	v23 =	vld [tilespmem:s26+$0x800];
	v14 =	vadd.f32 v17, v14  }
0x7d: {  	v24 =	vld [tilespmem:s26+$0x1000];
	v16 =	vadd.f32 v20, v16  }
0x7e: {  	v25 =	vld [tilespmem:s26+$0x1800];
	v12 =	vadd.f32 v18, v12  }
.Ltmp2:
0x7f: {  	v19 =	vld [tilespmem:s26+$0x2000];
	v10 =	vadd.f32 v21, v10;
	(pc) =	sbr.rel @p0 .LBB2_6-.Ltmp2, $4  }
0x80: {  	v17 =	vld [tilespmem:s26+$0x2800];
	v8 =	vadd.f32 v22, v8  }
0x81: {  	v15 =	vadd.f32 v23, v15;
	v20 =	vld [tilespmem:s26+$0x3000]  }
0x82: {  	v13 =	vadd.f32 v24, v13;
	v18 =	vld [tilespmem:s26+$0x3800]  }
0x83: {  	v11 =	vadd.f32 v25, v11;
	v21 =	vld [tilespmem:s26+$0x4000];
	s26 =	sshra.s32 s28, $0x2;
	s28 =	sadd.s32 $0x40, s28  }
0x84: {  	v22 =	vld [tilespmem:s26+$0x5000]  }
0x85: {  	v23 =	vld [tilespmem:s26+$0x800]  }
0x86: {  	v24 =	vld [tilespmem:s26+$0x1000]  }
0x87: {  	v25 =	vld [tilespmem:s26+$0x1800]  }
0x88: {  	v26 =	vld [tilespmem:s26+$0x2000]  }
0x89: {  	v27 =	vld [tilespmem:s26+$0x2800]  }
0x8a: {  	v28 =	vld [tilespmem:s26+$0x3000];
	v15 =	vadd.f32 v23, v15  }
0x8b: {  	v9 =	vadd.f32 v19, v9;
	v23 =	vld [tilespmem:s26+$0x3800];
	v13 =	vadd.f32 v24, v13  }
0x8c: {  	v19 =	vld [tilespmem:s26+$0x4000];
	v14 =	vadd.f32 v17, v14;
	v11 =	vadd.f32 v25, v11;
	[tilespmem:v0+s22+$0x0] =	vst.idx.msk $0xffff, v15  }
0x8d: {  	v9 =	vadd.f32 v26, v9;
	v15 =	vadd.f32 v20, v16;
	[tilespmem:v1+s22+$0x0] =	vst.idx.msk $0xffff, v13  }
0x8e: {  	v12 =	vadd.f32 v18, v12;
	v13 =	vadd.f32 v27, v14;
	[tilespmem:v2+s22+$0x0] =	vst.idx.msk $0xffff, v11  }
0x8f: {  	v10 =	vadd.f32 v21, v10;
	v11 =	vadd.f32 v28, v15;
	[tilespmem:v3+s22+$0x0] =	vst.idx.msk $0xffff, v9  }
0x90: {  	v9 =	vadd.f32 v23, v12;
	[tilespmem:v4+s22+$0x0] =	vst.idx.msk $0xffff, v13  }
0x91: {  	v10 =	vadd.f32 v19, v10;
	[tilespmem:v5+s22+$0x0] =	vst.idx.msk $0xffff, v11  }
0x92: {  	v8 =	vadd.f32 v22, v8;
	[tilespmem:v6+s22+$0x0] =	vst.idx.msk $0xffff, v9  }
0x93: {  	[tilespmem:v7+s22+$0x0] =	vst.idx.msk $0xffff, v10  }
0x94: {  	s29 =	simm.s32 $0x0;
	[tilespmem:$0xB080] =	vst v8  }
0x95: {  	[hbm4b:s14+s29] =	stream.linear.scatter [tilespmem:s22], [sflag:$0x3], $0x80, $0x38;
	[tilespmem:$0xB100] =	vst v63  }
0x96: {  	_ =	swait.ge [sflag:s20], $0x80  }
0x97: {  	[sflag:s20] =	ssyncset.done $0x0  }
0x98: {  	[sflag:s20] =	ssyncadd.s32 $0xFFFFFF80  }
0x99: {  	[hbm4b:s15+s29] =	stream.linear.scatter [tilespmem:s23], [sflag:$0x3], $0x10, $0x38;
	[tilespmem:$0xB100] =	vst v63  }
0x9a: {  	_ =	swait.ge [sflag:s20], $0x10  }
0x9b: {  	[sflag:s20] =	ssyncset.done $0x0  }
0x9c: {  	[sflag:s20] =	ssyncadd.s32 $0xFFFFFFF0  }
0x9d: {  	_ =	swait.ge [sflag:s24], $0x800  }
0x9e: {  	[sflag:s24] =	ssyncset.done $0x0  }
0x9f: {  	[sflag:s24] =	ssyncadd.s32 $0xFFFFF800  }
0xa0: {  	_ =	swait.ge [sflag:s24], $0x800  }
0xa1: {  	[sflag:s24] =	ssyncset.done $0x0  }
0xa2: {  	[sflag:s24] =	ssyncadd.s32 $0xFFFFF800  }
0xa3: {  	_ =	swait.ge [sflag:s24], $0x800  }
0xa4: {  	[sflag:s24] =	ssyncset.done $0x0  }
0xa5: {  	[sflag:s24] =	ssyncadd.s32 $0xFFFFF800  }
0xa6: {  	_ =	swait.ge [sflag:s24], $0x800  }
0xa7: {  	[sflag:s24] =	ssyncset.done $0x0  }
0xa8: {  	[sflag:s24] =	ssyncadd.s32 $0xFFFFF800  }
0xa9: {  	_ =	swait.ge [sflag:s24], $0x800  }
0xaa: {  	[sflag:s24] =	ssyncset.done $0x0  }
0xab: {  	[sflag:s24] =	ssyncadd.s32 $0xFFFFF800  }
0xac: {  	_ =	swait.ge [sflag:s24], $0x800  }
0xad: {  	[sflag:s24] =	ssyncset.done $0x0  }
0xae: {  	[sflag:s24] =	ssyncadd.s32 $0xFFFFF800  }
0xaf: {  	_ =	swait.ge [sflag:s24], $0x800  }
0xb0: {  	[sflag:s24] =	ssyncset.done $0x0  }
0xb1: {  	[sflag:s24] =	ssyncadd.s32 $0xFFFFF800  }
0xb2: {  	_ =	swait.ge [sflag:s24], $0x800  }
0xb3: {  	[sflag:s24] =	ssyncset.done $0x0  }
0xb4: {  	[sflag:s24] =	ssyncadd.s32 $0xFFFFF800  }
0xb5: {  	_ =	swait.ge [sflag:s24], $0x800  }
0xb6: {  	[sflag:s24] =	ssyncset.done $0x0  }
0xb7: {  	s29 =	simm.s32 $0x0;
	[sflag:s24] =	ssyncadd.s32 $0xFFFFF800  }
0xb8: {  	v8 =	vld [tilespmem:s29+$0xA800]  }
0xb9: {  	v10 =	vld [tilespmem:s29+$0x6000]  }
0xba: {  	v11 =	vld [tilespmem:s29+$0x6800]  }
0xbb: {  	v12 =	vld [tilespmem:s29+$0x7000]  }
0xbc: {  	v19 =	vld [tilespmem:s29+$0x7800]  }
0xbd: {  	v9 =	vimm.f32 $0.0e+00;
	v17 =	vld [tilespmem:s29+$0x8000]  }
0xbe: {  	v16 =	vimm.f32 $0.0e+00;
	v20 =	vld [tilespmem:s29+$0x8800];
	v8 =	vadd.f32 v8, v9  }
0xbf: {  	v14 =	vimm.f32 $0.0e+00;
	v18 =	vld [tilespmem:s29+$0x9000];
	v15 =	vadd.f32 v10, v9;
	v13 =	vadd.f32 v11, v9  }
0xc0: {  	s28 =	simm.s32 $0x80;
	s26 =	simm.s32 $0x10;
	v21 =	vld [tilespmem:s29+$0x9800];
	v11 =	vadd.f32 v12, v9;
	v12 =	vimm.f32 $0.0e+00;
	v10 =	vimm.f32 $0.0e+00  }
.LBB2_8:
0xc1: {  	p0 =	sne.s32 s28, $0x1FC0;
	v22 =	vld [tilespmem:s26+$0xA800];
	v9 =	vadd.f32 v19, v9  }
0xc2: {  	v23 =	vld [tilespmem:s26+$0x6000];
	v14 =	vadd.f32 v17, v14  }
0xc3: {  	v24 =	vld [tilespmem:s26+$0x6800];
	v16 =	vadd.f32 v20, v16  }
0xc4: {  	v25 =	vld [tilespmem:s26+$0x7000];
	v12 =	vadd.f32 v18, v12  }
.Ltmp3:
0xc5: {  	v19 =	vld [tilespmem:s26+$0x7800];
	v10 =	vadd.f32 v21, v10;
	(pc) =	sbr.rel @p0 .LBB2_8-.Ltmp3, $4  }
0xc6: {  	v17 =	vld [tilespmem:s26+$0x8000];
	v8 =	vadd.f32 v22, v8  }
0xc7: {  	v15 =	vadd.f32 v23, v15;
	v20 =	vld [tilespmem:s26+$0x8800]  }
0xc8: {  	v13 =	vadd.f32 v24, v13;
	v18 =	vld [tilespmem:s26+$0x9000]  }
0xc9: {  	v11 =	vadd.f32 v25, v11;
	v21 =	vld [tilespmem:s26+$0x9800];
	s26 =	sshra.s32 s28, $0x2;
	s28 =	sadd.s32 $0x40, s28  }
0xca: {  	v22 =	vld [tilespmem:s26+$0xA800]  }
0xcb: {  	v23 =	vld [tilespmem:s26+$0x6000]  }
0xcc: {  	v24 =	vld [tilespmem:s26+$0x6800]  }
0xcd: {  	v25 =	vld [tilespmem:s26+$0x7000]  }
0xce: {  	v26 =	vld [tilespmem:s26+$0x7800]  }
0xcf: {  	v27 =	vld [tilespmem:s26+$0x8000]  }
0xd0: {  	v28 =	vld [tilespmem:s26+$0x8800];
	v15 =	vadd.f32 v23, v15  }
0xd1: {  	v58 =	vld [tilespmem:s26+$0x9000];
	v9 =	vadd.f32 v19, v9;
	v13 =	vadd.f32 v24, v13  }
0xd2: {  	v59 =	vld [tilespmem:s26+$0x9800];
	v14 =	vadd.f32 v17, v14;
	v11 =	vadd.f32 v25, v11;
	[tilespmem:v0+s22+$0x0] =	vst.idx.msk $0xffff, v15  }
0xd3: {  	v60 =	vadd.f32 v20, v16;
	v9 =	vadd.f32 v26, v9;
	[tilespmem:v1+s22+$0x0] =	vst.idx.msk $0xffff, v13  }
0xd4: {  	v12 =	vadd.f32 v18, v12;
	v61 =	vadd.f32 v27, v14;
	[tilespmem:v2+s22+$0x0] =	vst.idx.msk $0xffff, v11  }
0xd5: {  	v10 =	vadd.f32 v21, v10;
	v62 =	vadd.f32 v28, v60;
	[tilespmem:v3+s22+$0x0] =	vst.idx.msk $0xffff, v9  }
0xd6: {  	v63 =	vadd.f32 v58, v12;
	[tilespmem:v4+s22+$0x0] =	vst.idx.msk $0xffff, v61  }
0xd7: {  	v10 =	vadd.f32 v59, v10;
	[tilespmem:v5+s22+$0x0] =	vst.idx.msk $0xffff, v62  }
0xd8: {  	v8 =	vadd.f32 v22, v8;
	[tilespmem:v6+s22+$0x0] =	vst.idx.msk $0xffff, v63  }
0xd9: {  	[tilespmem:v7+s22+$0x0] =	vst.idx.msk $0xffff, v10  }
0xda: {  	[tilespmem:$0xB080] =	vst v8  }
0xdb: {  	[hbm4b:s16+s4] =	stream.linear.scatter [tilespmem:s22], [sflag:$0x3], $0x80, $0x38;
	[tilespmem:$0xB100] =	vst v63  }
0xdc: {  	s25 =	sadd.s32 $0x1, s25;
	_ =	swait.ge [sflag:s20], $0x80  }
0xdd: {  	p0 =	sne.s32 s25, s18;
	[sflag:s20] =	ssyncset.done $0x0  }
.Ltmp4:
0xde: {  	[sflag:s20] =	ssyncadd.s32 $0xFFFFFF80;
	(pc) =	sbr.rel @p0 .LBB2_1-.Ltmp4, $4  }
0xdf: {  	[hbm4b:s17+s4] =	stream.linear.scatter [tilespmem:s23], [sflag:$0x3], $0x10, $0x38;
	[tilespmem:$0xB100] =	vst v63  }
0xe0: {  	_ =	swait.ge [sflag:s20], $0x10  }
0xe1: {  	[sflag:s20] =	ssyncset.done $0x0  }
0xe2: {  	[sflag:s20] =	ssyncadd.s32 $0xFFFFFFF0  }
0xe3: {  	_ =	sfence.sel $0x180000  }
0xe4: {  	[bflag:$0x0] =	sbarrier.arrive $0xFFFF  }
0xe5: {  	_ =	strace $0x90000050  }
0xe6: {  	s0 =	stileid.u32;
	[bflag:$0x2] =	sbarrier.arrive $0xFFFF  }
0xe7: {  	p0 =	sne.s32 s0, $0x0;
	s0 =	rddreg [dreg:$0x4]  }
0xe8: {  	s0 =	sadd.s32 @!p0 $0x100000, s0  }
0xe9: {  	[sflag:s0] =	ssyncadd.tile.s32 @!p0 $0x1;
	_ =	shalt  }
.Lfunc_end2:
_tile_overlayer_lowered:
.L_overlay_start_2:
0xea: {  	(tag) =	ssettag $0x2  }
0xeb: {  	s0 =	rddreg [dreg:$0x0];
	s2 =	stileid.u32  }
0xec: {  	s1 =	rddreg [dreg:$0x1];
	p0 =	sne.s32 s2, $0x0  }
0xed: {  	s3 =	rddreg [dreg:$0x2];
	[bflag:$0x3] =	sbarrier.arrive $0xFFFF;
	s2 =	simm.s32 @!p0 $0x1C03  }
0xee: {  	[timem:s3], [sflag:s2] =	dma.local @!p0 [hbm:s0], s1  }
0xef: {  	s0 =	simm.s32 @!p0 $0x3  }
0xf0: {  	_ =	swait.ge @!p0 [sflag:s0], s1  }
0xf1: {  	s1 =	ssub.s32 @!p0 $0x0, s1;
	[sflag:s0] =	ssyncset.done @!p0 $0x0  }
0xf2: {  	[sflag:s0] =	ssyncadd.s32 @!p0 s1  }
0xf3: {  	[bflag:$0x3] =	sbarrier.arrive $0xFFFF  }
0xf4: {  	_ =	shalt  }

</sc_bundles>
